<compile_context>
chip_gen: v7x
topology: tpu7x:2x2x1
jax: 0.10.2.dev20260603
libtpu: 0.0.44.dev20260713+nightly
codegen_flags: <defaults>
</compile_context>

<pallas_src>
import functools

import jax
import jax.numpy as jnp
from jax import lax
from jax.experimental import pallas as pl
from jax.experimental.pallas import tpu as pltpu
from jax.experimental.pallas import tpu_sc as plsc

_N, _E, _NF, _FE, _D = 10000, 320000, 2000, 20000, 128
_NW = 32
_NCH = 79
_HALF = 5120
_ACCR = 5248
_ZRZ = 328
_ZRD = 320
_NACC = 10240
_NACCF = 2048
_ZRF = 128
_ACH = 3
_FCH = 5


def _sc_mesh():
  return plsc.VectorSubcoreMesh(
      core_axis_name="c", subcore_axis_name="s", num_cores=2, num_subcores=16)


def _atom_scatter(y, srcI, tgtI2, zeros):
  @functools.partial(
      pl.kernel,
      mesh=_sc_mesh(),
      out_type=jax.ShapeDtypeStruct((_NACC, _D), jnp.float32),
      scratch_types=[
          pltpu.VMEM((_NCH, 128), jnp.int32),
          pltpu.VMEM((_NCH, 128), jnp.int32),
          pltpu.VMEM((128, _D), jnp.float32),
          pltpu.VMEM((_ZRZ, _D), jnp.float32),
          pltpu.VMEM_SHARED((_ACCR, _D), jnp.float32),
      ],
  )
  def k(y_hbm, srcI_hbm, tgtI2_hbm, zero_hbm, out_hbm,
        src_v, tgt_v, gbuf, dbuf, acc_sh):
    c = lax.axis_index("c")
    s = lax.axis_index("s")
    pltpu.sync_copy(zero_hbm, dbuf)
    pltpu.sync_copy(dbuf, acc_sh.at[pl.ds(s * _ZRZ, _ZRZ)])
    plsc.subcore_barrier()

    for half in range(2):
      blk = half * 16 + s
      pltpu.sync_copy(srcI_hbm.at[blk], src_v)
      pltpu.sync_copy(tgtI2_hbm.at[c].at[blk], tgt_v)

      @pl.loop(0, _NCH)
      def step(j):
        pltpu.sync_copy(y_hbm.at[src_v.at[j]], gbuf)
        pltpu.sync_copy(gbuf, acc_sh.at[tgt_v.at[j]], add=True)

    plsc.subcore_barrier()
    pltpu.sync_copy(acc_sh.at[pl.ds(s * _ZRD, _ZRD)], dbuf.at[pl.ds(0, _ZRD)])
    pltpu.sync_copy(dbuf.at[pl.ds(0, _ZRD)],
                    out_hbm.at[pl.ds(c * _HALF + s * _ZRD, _ZRD)])

  return k(y, srcI, tgtI2, zeros)


def _frag_scatter(table, srcI, tgtI, zeros, *, n_ch):
  @functools.partial(
      pl.kernel,
      mesh=_sc_mesh(),
      out_type=jax.ShapeDtypeStruct((2, _NACCF, _D), jnp.float32),
      scratch_types=[
          pltpu.VMEM((n_ch, 128), jnp.int32),
          pltpu.VMEM((n_ch, 128), jnp.int32),
          pltpu.VMEM((128, _D), jnp.float32),
          pltpu.VMEM((_ZRF, _D), jnp.float32),
          pltpu.VMEM_SHARED((_NACCF, _D), jnp.float32),
      ],
  )
  def k(table_hbm, srcI_hbm, tgtI_hbm, zero_hbm, out_hbm,
        src_v, tgt_v, gbuf, dbuf, acc_sh):
    c = lax.axis_index("c")
    s = lax.axis_index("s")
    wid = c * 16 + s
    pltpu.sync_copy(srcI_hbm.at[wid], src_v)
    pltpu.sync_copy(tgtI_hbm.at[wid], tgt_v)
    pltpu.sync_copy(zero_hbm, dbuf)
    pltpu.sync_copy(dbuf, acc_sh.at[pl.ds(s * _ZRF, _ZRF)])
    plsc.subcore_barrier()

    @pl.loop(0, n_ch)
    def step(j):
      pltpu.sync_copy(table_hbm.at[src_v.at[j]], gbuf)
      pltpu.sync_copy(gbuf, acc_sh.at[tgt_v.at[j]], add=True)

    plsc.subcore_barrier()
    pltpu.sync_copy(acc_sh.at[pl.ds(s * _ZRF, _ZRF)], dbuf)
    pltpu.sync_copy(dbuf, out_hbm.at[c].at[pl.ds(s * _ZRF, _ZRF)])

  return k(table, srcI, tgtI, zeros)


def _degree(degI2, ones, zeros):
  @functools.partial(
      pl.kernel,
      mesh=_sc_mesh(),
      out_type=jax.ShapeDtypeStruct((_NACC, _D), jnp.float32),
      scratch_types=[
          pltpu.VMEM((_NCH, 128), jnp.int32),
          pltpu.VMEM((128, _D), jnp.float32),
          pltpu.VMEM((_ZRZ, _D), jnp.float32),
          pltpu.VMEM_SHARED((_ACCR, _D), jnp.float32),
      ],
  )
  def k(degI2_hbm, ones_hbm, zero_hbm, out_hbm, idx_v, vbuf, dbuf, acc_sh):
    c = lax.axis_index("c")
    s = lax.axis_index("s")
    pltpu.sync_copy(ones_hbm, vbuf)
    pltpu.sync_copy(zero_hbm, dbuf)
    pltpu.sync_copy(dbuf, acc_sh.at[pl.ds(s * _ZRZ, _ZRZ)])
    plsc.subcore_barrier()

    for half in range(2):
      blk = half * 16 + s
      pltpu.sync_copy(degI2_hbm.at[c].at[blk], idx_v)

      @pl.loop(0, _NCH)
      def step(j):
        pltpu.sync_copy(vbuf, acc_sh.at[idx_v.at[j]], add=True)

    plsc.subcore_barrier()
    pltpu.sync_copy(acc_sh.at[pl.ds(s * _ZRD, _ZRD)], dbuf.at[pl.ds(0, _ZRD)])
    pltpu.sync_copy(dbuf.at[pl.ds(0, _ZRD)],
                    out_hbm.at[pl.ds(c * _HALF + s * _ZRD, _ZRD)])

  return k(degI2, ones, zeros)


_BLK = 1000


def _prep_dinv(degp):
  def body(dp_ref, out_ref):
    out_ref[...] = lax.rsqrt(dp_ref[:, 0:1] + 1.0)

  blk = _NACC // 8
  out = pl.pallas_call(
      body,
      grid=(8,),
      in_specs=[pl.BlockSpec((blk, _D), lambda i: (i, 0))],
      out_specs=pl.BlockSpec((blk, 1), lambda i: (i, 0)),
      out_shape=jax.ShapeDtypeStruct((_NACC, 1), jnp.float32),
  )(degp)
  return out[:_N]


def _mm_first(x, dinv, W, b):
  def body(x_ref, dinv_ref, W_ref, b_ref, out_ref):
    acc = jnp.dot(x_ref[...], W_ref[...], preferred_element_type=jnp.float32)
    out_ref[...] = dinv_ref[...] * (acc + b_ref[...])

  return pl.pallas_call(
      body,
      grid=(_N // _BLK,),
      in_specs=[
          pl.BlockSpec((_BLK, _D), lambda i: (i, 0)),
          pl.BlockSpec((_BLK, 1), lambda i: (i, 0)),
          pl.BlockSpec((_D, _D), lambda i: (0, 0)),
          pl.BlockSpec((1, _D), lambda i: (0, 0)),
      ],
      out_specs=pl.BlockSpec((_BLK, _D), lambda i: (i, 0)),
      out_shape=jax.ShapeDtypeStruct((_N, _D), jnp.float32),
  )(x, dinv, W, b)


def _mm_mid(z, y, dinv, W, b):
  def body(z_ref, y_ref, dinv_ref, W_ref, b_ref, out_ref):
    pre = dinv_ref[...] * (z_ref[...] + y_ref[...])
    x = jnp.maximum(pre, 0.0)
    acc = jnp.dot(x, W_ref[...], preferred_element_type=jnp.float32)
    out_ref[...] = dinv_ref[...] * (acc + b_ref[...])

  return pl.pallas_call(
      body,
      grid=(_N // _BLK,),
      in_specs=[
          pl.BlockSpec((_BLK, _D), lambda i: (i, 0)),
          pl.BlockSpec((_BLK, _D), lambda i: (i, 0)),
          pl.BlockSpec((_BLK, 1), lambda i: (i, 0)),
          pl.BlockSpec((_D, _D), lambda i: (0, 0)),
          pl.BlockSpec((1, _D), lambda i: (0, 0)),
      ],
      out_specs=pl.BlockSpec((_BLK, _D), lambda i: (i, 0)),
      out_shape=jax.ShapeDtypeStruct((_N, _D), jnp.float32),
  )(z, y, dinv, W, b)


def _final_atoms(z, y, dinv):
  def body(z_ref, y_ref, dinv_ref, pre_ref, out_ref):
    pre = dinv_ref[...] * (z_ref[...] + y_ref[...])
    pre_ref[...] = pre
    out_ref[...] = jnp.maximum(pre, 0.0)

  return pl.pallas_call(
      body,
      grid=(_N // _BLK,),
      in_specs=[
          pl.BlockSpec((_BLK, _D), lambda i: (i, 0)),
          pl.BlockSpec((_BLK, _D), lambda i: (i, 0)),
          pl.BlockSpec((_BLK, 1), lambda i: (i, 0)),
      ],
      out_specs=[
          pl.BlockSpec((_BLK, _D), lambda i: (i, 0)),
          pl.BlockSpec((_BLK, _D), lambda i: (i, 0)),
      ],
      out_shape=[
          jax.ShapeDtypeStruct((_N, _D), jnp.float32),
          jax.ShapeDtypeStruct((_N, _D), jnp.float32),
      ],
  )(z, y, dinv)


def _frag_add(fp):
  def body(fp_ref, out_ref):
    out_ref[...] = fp_ref[0] + fp_ref[1]

  blk = _NACCF // 2
  return pl.pallas_call(
      body,
      grid=(2,),
      in_specs=[pl.BlockSpec((2, blk, _D), lambda i: (0, i, 0))],
      out_specs=pl.BlockSpec((blk, _D), lambda i: (i, 0)),
      out_shape=jax.ShapeDtypeStruct((_NACCF, _D), jnp.float32),
  )(fp)


def _frag_mlp(fp, W1, b1, W2, b2):
  def body(fp_ref, W1_ref, b1_ref, W2_ref, b2_ref, out_ref):
    ffs = fp_ref[0] + fp_ref[1]
    h = jnp.maximum(
        jnp.dot(ffs, W1_ref[...], preferred_element_type=jnp.float32)
        + b1_ref[...], 0.0)
    out_ref[...] = jnp.maximum(
        jnp.dot(h, W2_ref[...], preferred_element_type=jnp.float32)
        + b2_ref[...], 0.0)

  blk = _NACCF // 2
  out = pl.pallas_call(
      body,
      grid=(2,),
      in_specs=[
          pl.BlockSpec((2, blk, _D), lambda i: (0, i, 0)),
          pl.BlockSpec((_D, 2 * _D), lambda i: (0, 0)),
          pl.BlockSpec((1, 2 * _D), lambda i: (0, 0)),
          pl.BlockSpec((2 * _D, _D), lambda i: (0, 0)),
          pl.BlockSpec((1, _D), lambda i: (0, 0)),
      ],
      out_specs=pl.BlockSpec((blk, _D), lambda i: (i, 0)),
      out_shape=jax.ShapeDtypeStruct((_NACCF, _D), jnp.float32),
  )(fp, W1, b1, W2, b2)
  return out[:_NF]


def kernel(x_atoms, edge_index, edge_attr, frag_index, x_frags, batch,
           frag_batch, atom_to_frag_ids, node_features_bonds,
           edge_index_bonds_graph, edge_attr_bonds,
           l1_atom_W, l1_atom_b, l1_edge_W, l1_edge_b, l1_fm_W1, l1_fm_b1, l1_fm_W2, l1_fm_b2,
           l2_atom_W, l2_atom_b, l2_edge_W, l2_edge_b, l2_fm_W1, l2_fm_b1, l2_fm_W2, l2_fm_b2,
           l3_atom_W, l3_atom_b, l3_edge_W, l3_edge_b, l3_fm_W1, l3_fm_b1, l3_fm_W2, l3_fm_b2,
           l4_atom_W, l4_atom_b, l4_edge_W, l4_edge_b, l4_fm_W1, l4_fm_b1, l4_fm_W2, l4_fm_b2):
  src = edge_index[0]
  tgt = edge_index[1]
  ep = _NW * _NCH * 128
  epad = ep - _E
  srcG = jnp.concatenate(
      [src, jnp.zeros((epad,), jnp.int32)]).reshape(_NW, _NCH, 128)
  dsp = _HALF + (jnp.arange(ep, dtype=jnp.int32) % 128)
  tgt_p = jnp.concatenate([tgt, jnp.full((epad,), _N, jnp.int32)])
  tA = jnp.where(tgt_p < _HALF, tgt_p, dsp)
  tB = jnp.where((tgt_p >= _HALF) & (tgt_p < _N), tgt_p - _HALF, dsp)
  tgtI2 = jnp.stack([tA, tB]).reshape(2, _NW, _NCH, 128)
  src_p = jnp.concatenate([src, jnp.full((epad,), _N, jnp.int32)])
  dA = jnp.where(src_p < _HALF, src_p, dsp)
  dB = jnp.where((src_p >= _HALF) & (src_p < _N), src_p - _HALF, dsp)
  degI2 = jnp.stack([dA, dB]).reshape(2, _NW, _NCH, 128)

  apad = _NW * _ACH * 128 - _N
  aidxG = jnp.concatenate(
      [jnp.arange(_N, dtype=jnp.int32), jnp.zeros((apad,), jnp.int32)]
  ).reshape(_NW, _ACH, 128)
  a2fG = jnp.concatenate(
      [atom_to_frag_ids.astype(jnp.int32),
       _NF + (jnp.arange(apad, dtype=jnp.int32) % 48)]
  ).reshape(_NW, _ACH, 128)

  fpad = _NW * _FCH * 128 - _FE
  fsrcG = jnp.concatenate(
      [frag_index[0], jnp.zeros((fpad,), jnp.int32)]).reshape(_NW, _FCH, 128)
  ftgtG = jnp.concatenate(
      [frag_index[1], _NF + (jnp.arange(fpad, dtype=jnp.int32) % 48)]
  ).reshape(_NW, _FCH, 128)

  zerosA = jnp.zeros((_ZRZ, _D), jnp.float32)
  zerosF = jnp.zeros((_ZRF, _D), jnp.float32)
  onesD = jnp.zeros((128, _D), jnp.float32).at[:, 0].set(1.0)

  degp = _degree(degI2, onesD, zerosA)
  dinv = _prep_dinv(degp)

  Ws = (l1_atom_W, l2_atom_W, l3_atom_W, l4_atom_W)
  bs = (l1_atom_b.reshape(1, _D), l2_atom_b.reshape(1, _D),
        l3_atom_b.reshape(1, _D), l4_atom_b.reshape(1, _D))

  y = _mm_first(x_atoms, dinv, Ws[0], bs[0])
  for i in (1, 2, 3):
    z = _atom_scatter(y, srcG, tgtI2, zerosA)
    y = _mm_mid(z, y, dinv, Ws[i], bs[i])
  z = _atom_scatter(y, srcG, tgtI2, zerosA)
  pre4, xa = _final_atoms(z, y, dinv)

  fpp = _frag_scatter(pre4, aidxG, a2fG, zerosF, n_ch=_ACH)
  xfr = _frag_add(fpp)
  ffp = _frag_scatter(xfr, fsrcG, ftgtG, zerosF, n_ch=_FCH)
  xf = _frag_mlp(ffp, l4_fm_W1, l4_fm_b1.reshape(1, 2 * _D),
                 l4_fm_W2, l4_fm_b2.reshape(1, _D))
  return xa, xf

# --- scband reference (transcript-rebuilt; emitter-appended) ---
"""Pipeline reference for scband-frag-net-63917703299245 (READ-ONLY COPY).

The authoritative reference and input builder live on the scoring server;
editing this copy changes nothing except your own understanding.
"""

import jax, jax.numpy as jnp
import numpy as np

N = 10000
E = 320000
NF = 2000
FE = 20000
D = 128
ED = 12

PARAM_KEYS = ["atom_W", "atom_b", "edge_W", "edge_b", "fm_W1", "fm_b1", "fm_W2", "fm_b2"]


def setup_inputs(seed: int = 0) -> dict:
    key = jax.random.key(seed)
    ks = jax.random.split(key, 64)
    inp = {}
    inp["x_atoms"] = jax.random.normal(ks[0], (N, D), jnp.float32)
    inp["edge_index"] = jax.random.randint(ks[1], (2, E), 0, N, dtype=jnp.int32)
    inp["edge_attr"] = jax.random.normal(ks[2], (E, ED), jnp.float32)
    inp["frag_index"] = jax.random.randint(ks[3], (2, FE), 0, NF, dtype=jnp.int32)
    inp["x_frags"] = jax.random.normal(ks[4], (NF, D), jnp.float32)
    inp["batch"] = jnp.sort(jax.random.randint(ks[5], (N,), 0, 64, dtype=jnp.int32))
    inp["frag_batch"] = jnp.sort(jax.random.randint(ks[6], (NF,), 0, 64, dtype=jnp.int32))
    inp["atom_to_frag_ids"] = jnp.sort(jax.random.randint(ks[7], (N,), 0, NF, dtype=jnp.int32))
    inp["node_features_bonds"] = jax.random.normal(ks[8], (E, ED), jnp.float32)
    inp["edge_index_bonds_graph"] = jax.random.randint(ks[9], (2, 2 * E), 0, E, dtype=jnp.int32)
    inp["edge_attr_bonds"] = jax.random.normal(ks[10], (2 * E, ED), jnp.float32)
    k = 11
    for i in range(1, 5):
        inp[f"l{i}_atom_W"] = jax.random.normal(ks[k + 0], (D, D), jnp.float32) / np.sqrt(D)
        inp[f"l{i}_atom_b"] = jnp.zeros((D,), jnp.float32)
        inp[f"l{i}_edge_W"] = jax.random.normal(ks[k + 1], (ED, D), jnp.float32) / np.sqrt(ED)
        inp[f"l{i}_edge_b"] = jnp.zeros((D,), jnp.float32)
        inp[f"l{i}_fm_W1"] = jax.random.normal(ks[k + 2], (D, 2 * D), jnp.float32) / np.sqrt(D)
        inp[f"l{i}_fm_b1"] = jnp.zeros((2 * D,), jnp.float32)
        inp[f"l{i}_fm_W2"] = jax.random.normal(ks[k + 3], (2 * D, D), jnp.float32) / np.sqrt(2 * D)
        inp[f"l{i}_fm_b2"] = jnp.zeros((D,), jnp.float32)
        k += 4
    return inp


def _layer(x_atoms, edge_attr, edge_index, frag_index, atom_to_frag_ids, p):
    # add_self_loops
    ar = jnp.arange(N, dtype=edge_index.dtype)
    src = jnp.concatenate([edge_index[0], ar])
    tgt = jnp.concatenate([edge_index[1], ar])
    self_loop_attr = jnp.zeros((N, ED), dtype=edge_attr.dtype)
    ea = jnp.concatenate([edge_attr, self_loop_attr], axis=0)
    # embeddings
    xa = x_atoms @ p["atom_W"] + p["atom_b"]
    ea = ea @ p["edge_W"] + p["edge_b"]  # computed but unused downstream, as in torch
    # GCN-style normalized message passing over atoms
    source_features = jnp.take(xa, src, axis=0)
    deg = jax.ops.segment_sum(jnp.ones((src.shape[0],), xa.dtype), src, num_segments=N)
    deg_inv_sqrt = jnp.where(deg > 0, deg ** -0.5, 0.0)
    norm = jnp.take(deg_inv_sqrt, src) * jnp.take(deg_inv_sqrt, tgt)
    message = source_features * norm[:, None]
    x_atoms_new = jax.ops.segment_sum(message, tgt, num_segments=N)
    # atoms -> fragments pooling
    x_frags = jax.ops.segment_sum(x_atoms_new, atom_to_frag_ids, num_segments=NF)
    # fragment graph message passing
    fsrc = frag_index[0]
    ftgt = frag_index[1]
    frag_message = jnp.take(x_frags, fsrc, axis=0)
    frag_feats_sum = jax.ops.segment_sum(frag_message, ftgt, num_segments=NF)
    h = jnp.maximum(frag_feats_sum @ p["fm_W1"] + p["fm_b1"], 0.0)
    x_frags_new = h @ p["fm_W2"] + p["fm_b2"]
    return x_atoms_new, x_frags_new


def _forward(inp):
    xa = inp["x_atoms"]
    xf = inp["x_frags"]  # dropout(p=0) is identity; overwritten inside layer1 as in torch
    for i in (1, 2, 3, 4):
        p = {k: inp[f"l{i}_{k}"] for k in PARAM_KEYS}
        xa, xf = _layer(xa, inp["edge_attr"], inp["edge_index"], inp["frag_index"], inp["atom_to_frag_ids"], p)
        xa = jnp.maximum(xa, 0.0)
        xf = jnp.maximum(xf, 0.0)
    return xa, xf


def reference(
    x_atoms,
    edge_index,
    edge_attr,
    frag_index,
    x_frags,
    batch,
    frag_batch,
    atom_to_frag_ids,
    node_features_bonds,
    edge_index_bonds_graph,
    edge_attr_bonds,
    l1_atom_W, l1_atom_b, l1_edge_W, l1_edge_b, l1_fm_W1, l1_fm_b1, l1_fm_W2, l1_fm_b2,
    l2_atom_W, l2_atom_b, l2_edge_W, l2_edge_b, l2_fm_W1, l2_fm_b1, l2_fm_W2, l2_fm_b2,
    l3_atom_W, l3_atom_b, l3_edge_W, l3_edge_b, l3_fm_W1, l3_fm_b1, l3_fm_W2, l3_fm_b2,
    l4_atom_W, l4_atom_b, l4_edge_W, l4_edge_b, l4_fm_W1, l4_fm_b1, l4_fm_W2, l4_fm_b2,
):
    inp = {
        "x_atoms": x_atoms,
        "edge_index": edge_index,
        "edge_attr": edge_attr,
        "frag_index": frag_index,
        "x_frags": x_frags,
        "batch": batch,
        "frag_batch": frag_batch,
        "atom_to_frag_ids": atom_to_frag_ids,
        "node_features_bonds": node_features_bonds,
        "edge_index_bonds_graph": edge_index_bonds_graph,
        "edge_attr_bonds": edge_attr_bonds,
        "l1_atom_W": l1_atom_W, "l1_atom_b": l1_atom_b, "l1_edge_W": l1_edge_W, "l1_edge_b": l1_edge_b,
        "l1_fm_W1": l1_fm_W1, "l1_fm_b1": l1_fm_b1, "l1_fm_W2": l1_fm_W2, "l1_fm_b2": l1_fm_b2,
        "l2_atom_W": l2_atom_W, "l2_atom_b": l2_atom_b, "l2_edge_W": l2_edge_W, "l2_edge_b": l2_edge_b,
        "l2_fm_W1": l2_fm_W1, "l2_fm_b1": l2_fm_b1, "l2_fm_W2": l2_fm_W2, "l2_fm_b2": l2_fm_b2,
        "l3_atom_W": l3_atom_W, "l3_atom_b": l3_atom_b, "l3_edge_W": l3_edge_W, "l3_edge_b": l3_edge_b,
        "l3_fm_W1": l3_fm_W1, "l3_fm_b1": l3_fm_b1, "l3_fm_W2": l3_fm_W2, "l3_fm_b2": l3_fm_b2,
        "l4_atom_W": l4_atom_W, "l4_atom_b": l4_atom_b, "l4_edge_W": l4_edge_W, "l4_edge_b": l4_edge_b,
        "l4_fm_W1": l4_fm_W1, "l4_fm_b1": l4_fm_b1, "l4_fm_W2": l4_fm_W2, "l4_fm_b2": l4_fm_b2,
    }
    return _forward(inp)

if __name__ == "__main__":
    import jax
    _d = setup_inputs()
    print(jax.jit(kernel)(*tuple(_d.values())))

</pallas_src>

<mosaic_0001>
#map = affine_map<(d0, d1) -> (0, 0)>
#map1 = affine_map<(d0, d1) -> (0, 0, 0)>
#map2 = affine_map<(d0, d1) -> (0, 0, 0, 0)>
module attributes {stable_mosaic.version = 14 : i64} {
  func.func @k(%arg0: i32, %arg1: i32, %arg2: memref<10000x128xf32, #tpu.memory_space<hbm>>, %arg3: memref<32x79x128xi32, #tpu.memory_space<hbm>>, %arg4: memref<2x32x79x128xi32, #tpu.memory_space<hbm>>, %arg5: memref<328x128xf32, #tpu.memory_space<hbm>>, %arg6: memref<10240x128xf32, #tpu.memory_space<hbm>>, %arg7: memref<79x128xi32, #tpu.memory_space<vmem>>, %arg8: memref<79x128xi32, #tpu.memory_space<vmem>>, %arg9: memref<128x128xf32, #tpu.memory_space<vmem>>, %arg10: memref<328x128xf32, #tpu.memory_space<vmem>>, %arg11: memref<5248x128xf32, #tpu.memory_space<vmem_shared>>) attributes {dimension_semantics = [#tpu.dimension_semantics<core_parallel>, #tpu.dimension_semantics<subcore_parallel>], iteration_bounds = array<i64: 2, 16>, scalar_prefetch = 0 : i64, scratch_operands = 5 : i64, tpu.core_type = #tpu.core_type<sc_vector_subcore>, window_params = [{transform_indices = #map}, {transform_indices = #map1}, {transform_indices = #map2}, {transform_indices = #map}, {transform_indices = #map}]} {
    "tpu.region"() ({
      %run_scoped3A = tpu.sem_alloc : memref<!tpu.dma_semaphore, #tpu.memory_space<semaphore_mem>>
      tpu.enqueue_dma source(%arg5 : memref<328x128xf32, #tpu.memory_space<hbm>>) target(%arg10 : memref<328x128xf32, #tpu.memory_space<vmem>>) target_semaphore(%run_scoped3A : memref<!tpu.dma_semaphore, #tpu.memory_space<semaphore_mem>>)
      tpu.wait_dma2 semaphore(%run_scoped3A : memref<!tpu.dma_semaphore, #tpu.memory_space<semaphore_mem>>) src(%arg5 : memref<328x128xf32, #tpu.memory_space<hbm>>) dst(%arg10 : memref<328x128xf32, #tpu.memory_space<vmem>>)
      tpu.yield
    }) : () -> ()
    %mul3A = arith.constant 328 : i32
    %mul3A_0 = arith.muli %arg1, %mul3A : i32
    "tpu.region"() ({
      %run_scoped3A = tpu.sem_alloc : memref<!tpu.dma_semaphore, #tpu.memory_space<semaphore_mem>>
      %dma_start3A = arith.constant 0 : i32
      %dma_start3A_21 = tpu.memref_slice %arg11[%mul3A_0, %dma_start3A] : memref<5248x128xf32, #tpu.memory_space<vmem_shared>> -> memref<328x128xf32, #tpu.memory_space<vmem_shared>>
      %dma_start3A_22 = arith.constant 0 : i32
      %dma_start3A_23 = tpu.memref_slice %arg11[%mul3A_0, %dma_start3A_22] : memref<5248x128xf32, #tpu.memory_space<vmem_shared>> -> memref<328x128xf32, #tpu.memory_space<vmem_shared>>
      tpu.enqueue_dma source(%arg10 : memref<328x128xf32, #tpu.memory_space<vmem>>) target(%dma_start3A_23 : memref<328x128xf32, #tpu.memory_space<vmem_shared>>) target_semaphore(%run_scoped3A : memref<!tpu.dma_semaphore, #tpu.memory_space<semaphore_mem>>)
      %dma_wait3A = arith.constant 0 : i32
      %dma_wait3A_24 = tpu.memref_slice %arg11[%mul3A_0, %dma_wait3A] : memref<5248x128xf32, #tpu.memory_space<vmem_shared>> -> memref<328x128xf32, #tpu.memory_space<vmem_shared>>
      %dma_wait3A_25 = arith.constant 0 : i32
      %dma_wait3A_26 = tpu.memref_slice %arg11[%mul3A_0, %dma_wait3A_25] : memref<5248x128xf32, #tpu.memory_space<vmem_shared>> -> memref<328x128xf32, #tpu.memory_space<vmem_shared>>
      tpu.wait_dma2 semaphore(%run_scoped3A : memref<!tpu.dma_semaphore, #tpu.memory_space<semaphore_mem>>) src(%arg10 : memref<328x128xf32, #tpu.memory_space<vmem>>) dst(%dma_wait3A_26 : memref<328x128xf32, #tpu.memory_space<vmem_shared>>)
      tpu.yield
    }) : () -> ()
    %barrier3A = arith.constant 0 : index
    tpu.barrier barrier_id(%barrier3A)
    %add3A = arith.constant 0 : i32
    %add3A_1 = arith.addi %add3A, %arg1 : i32
    "tpu.region"() ({
      %run_scoped3A = tpu.sem_alloc : memref<!tpu.dma_semaphore, #tpu.memory_space<semaphore_mem>>
      %dma_start3A = arith.constant 0 : i32
      %dma_start3A_21 = arith.constant 0 : i32
      %dma_start3A_22 = tpu.memref_slice %arg3[%add3A_1, %dma_start3A, %dma_start3A_21] : memref<32x79x128xi32, #tpu.memory_space<hbm>> -> memref<1x79x128xi32, #tpu.memory_space<hbm>>
      %dma_start3A_23 = tpu.memref_squeeze %dma_start3A_22 : memref<1x79x128xi32, #tpu.memory_space<hbm>> -> memref<79x128xi32, #tpu.memory_space<hbm>>
      %dma_start3A_24 = arith.constant 0 : i32
      %dma_start3A_25 = arith.constant 0 : i32
      %dma_start3A_26 = tpu.memref_slice %arg3[%add3A_1, %dma_start3A_24, %dma_start3A_25] : memref<32x79x128xi32, #tpu.memory_space<hbm>> -> memref<1x79x128xi32, #tpu.memory_space<hbm>>
      %dma_start3A_27 = tpu.memref_squeeze %dma_start3A_26 : memref<1x79x128xi32, #tpu.memory_space<hbm>> -> memref<79x128xi32, #tpu.memory_space<hbm>>
      tpu.enqueue_dma source(%dma_start3A_27 : memref<79x128xi32, #tpu.memory_space<hbm>>) target(%arg7 : memref<79x128xi32, #tpu.memory_space<vmem>>) target_semaphore(%run_scoped3A : memref<!tpu.dma_semaphore, #tpu.memory_space<semaphore_mem>>)
      %dma_wait3A = arith.constant 0 : i32
      %dma_wait3A_28 = arith.constant 0 : i32
      %dma_wait3A_29 = tpu.memref_slice %arg3[%add3A_1, %dma_wait3A, %dma_wait3A_28] : memref<32x79x128xi32, #tpu.memory_space<hbm>> -> memref<1x79x128xi32, #tpu.memory_space<hbm>>
      %dma_wait3A_30 = tpu.memref_squeeze %dma_wait3A_29 : memref<1x79x128xi32, #tpu.memory_space<hbm>> -> memref<79x128xi32, #tpu.memory_space<hbm>>
      %dma_wait3A_31 = arith.constant 0 : i32
      %dma_wait3A_32 = arith.constant 0 : i32
      %dma_wait3A_33 = tpu.memref_slice %arg3[%add3A_1, %dma_wait3A_31, %dma_wait3A_32] : memref<32x79x128xi32, #tpu.memory_space<hbm>> -> memref<1x79x128xi32, #tpu.memory_space<hbm>>
      %dma_wait3A_34 = tpu.memref_squeeze %dma_wait3A_33 : memref<1x79x128xi32, #tpu.memory_space<hbm>> -> memref<79x128xi32, #tpu.memory_space<hbm>>
      tpu.wait_dma2 semaphore(%run_scoped3A : memref<!tpu.dma_semaphore, #tpu.memory_space<semaphore_mem>>) src(%dma_wait3A_34 : memref<79x128xi32, #tpu.memory_space<hbm>>) dst(%arg7 : memref<79x128xi32, #tpu.memory_space<vmem>>)
      tpu.yield
    }) : () -> ()
    "tpu.region"() ({
      %run_scoped3A = tpu.sem_alloc : memref<!tpu.dma_semaphore, #tpu.memory_space<semaphore_mem>>
      %dma_start3A = arith.constant 0 : i32
      %dma_start3A_21 = arith.constant 0 : i32
      %dma_start3A_22 = arith.constant 0 : i32
      %dma_start3A_23 = tpu.memref_slice %arg4[%arg0, %dma_start3A, %dma_start3A_21, %dma_start3A_22] : memref<2x32x79x128xi32, #tpu.memory_space<hbm>> -> memref<1x32x79x128xi32, #tpu.memory_space<hbm>>
      %dma_start3A_24 = tpu.memref_squeeze %dma_start3A_23 : memref<1x32x79x128xi32, #tpu.memory_space<hbm>> -> memref<32x79x128xi32, #tpu.memory_space<hbm>>
      %dma_start3A_25 = arith.constant 0 : i32
      %dma_start3A_26 = arith.constant 0 : i32
      %dma_start3A_27 = tpu.memref_slice %dma_start3A_24[%add3A_1, %dma_start3A_25, %dma_start3A_26] : memref<32x79x128xi32, #tpu.memory_space<hbm>> -> memref<1x79x128xi32, #tpu.memory_space<hbm>>
      %dma_start3A_28 = tpu.memref_squeeze %dma_start3A_27 : memref<1x79x128xi32, #tpu.memory_space<hbm>> -> memref<79x128xi32, #tpu.memory_space<hbm>>
      %dma_start3A_29 = arith.constant 0 : i32
      %dma_start3A_30 = arith.constant 0 : i32
      %dma_start3A_31 = arith.constant 0 : i32
      %dma_start3A_32 = tpu.memref_slice %arg4[%arg0, %dma_start3A_29, %dma_start3A_30, %dma_start3A_31] : memref<2x32x79x128xi32, #tpu.memory_space<hbm>> -> memref<1x32x79x128xi32, #tpu.memory_space<hbm>>
      %dma_start3A_33 = tpu.memref_squeeze %dma_start3A_32 : memref<1x32x79x128xi32, #tpu.memory_space<hbm>> -> memref<32x79x128xi32, #tpu.memory_space<hbm>>
      %dma_start3A_34 = arith.constant 0 : i32
      %dma_start3A_35 = arith.constant 0 : i32
      %dma_start3A_36 = tpu.memref_slice %dma_start3A_33[%add3A_1, %dma_start3A_34, %dma_start3A_35] : memref<32x79x128xi32, #tpu.memory_space<hbm>> -> memref<1x79x128xi32, #tpu.memory_space<hbm>>
      %dma_start3A_37 = tpu.memref_squeeze %dma_start3A_36 : memref<1x79x128xi32, #tpu.memory_space<hbm>> -> memref<79x128xi32, #tpu.memory_space<hbm>>
      tpu.enqueue_dma source(%dma_start3A_37 : memref<79x128xi32, #tpu.memory_space<hbm>>) target(%arg8 : memref<79x128xi32, #tpu.memory_space<vmem>>) target_semaphore(%run_scoped3A : memref<!tpu.dma_semaphore, #tpu.memory_space<semaphore_mem>>)
      %dma_wait3A = arith.constant 0 : i32
      %dma_wait3A_38 = arith.constant 0 : i32
      %dma_wait3A_39 = arith.constant 0 : i32
      %dma_wait3A_40 = tpu.memref_slice %arg4[%arg0, %dma_wait3A, %dma_wait3A_38, %dma_wait3A_39] : memref<2x32x79x128xi32, #tpu.memory_space<hbm>> -> memref<1x32x79x128xi32, #tpu.memory_space<hbm>>
      %dma_wait3A_41 = tpu.memref_squeeze %dma_wait3A_40 : memref<1x32x79x128xi32, #tpu.memory_space<hbm>> -> memref<32x79x128xi32, #tpu.memory_space<hbm>>
      %dma_wait3A_42 = arith.constant 0 : i32
      %dma_wait3A_43 = arith.constant 0 : i32
      %dma_wait3A_44 = tpu.memref_slice %dma_wait3A_41[%add3A_1, %dma_wait3A_42, %dma_wait3A_43] : memref<32x79x128xi32, #tpu.memory_space<hbm>> -> memref<1x79x128xi32, #tpu.memory_space<hbm>>
      %dma_wait3A_45 = tpu.memref_squeeze %dma_wait3A_44 : memref<1x79x128xi32, #tpu.memory_space<hbm>> -> memref<79x128xi32, #tpu.memory_space<hbm>>
      %dma_wait3A_46 = arith.constant 0 : i32
      %dma_wait3A_47 = arith.constant 0 : i32
      %dma_wait3A_48 = arith.constant 0 : i32
      %dma_wait3A_49 = tpu.memref_slice %arg4[%arg0, %dma_wait3A_46, %dma_wait3A_47, %dma_wait3A_48] : memref<2x32x79x128xi32, #tpu.memory_space<hbm>> -> memref<1x32x79x128xi32, #tpu.memory_space<hbm>>
      %dma_wait3A_50 = tpu.memref_squeeze %dma_wait3A_49 : memref<1x32x79x128xi32, #tpu.memory_space<hbm>> -> memref<32x79x128xi32, #tpu.memory_space<hbm>>
      %dma_wait3A_51 = arith.constant 0 : i32
      %dma_wait3A_52 = arith.constant 0 : i32
      %dma_wait3A_53 = tpu.memref_slice %dma_wait3A_50[%add3A_1, %dma_wait3A_51, %dma_wait3A_52] : memref<32x79x128xi32, #tpu.memory_space<hbm>> -> memref<1x79x128xi32, #tpu.memory_space<hbm>>
      %dma_wait3A_54 = tpu.memref_squeeze %dma_wait3A_53 : memref<1x79x128xi32, #tpu.memory_space<hbm>> -> memref<79x128xi32, #tpu.memory_space<hbm>>
      tpu.wait_dma2 semaphore(%run_scoped3A : memref<!tpu.dma_semaphore, #tpu.memory_space<semaphore_mem>>) src(%dma_wait3A_54 : memref<79x128xi32, #tpu.memory_space<hbm>>) dst(%arg8 : memref<79x128xi32, #tpu.memory_space<vmem>>)
      tpu.yield
    }) : () -> ()
    %scan3A = arith.constant 0 : i32
    %scan3A_2 = arith.constant 79 : i32
    %scan3A_3 = arith.addi %scan3A, %scan3A_2 : i32
    %scan3A_4 = arith.constant 1 : i32
    scf.for %scan3A_21 = %scan3A to %scan3A_3 step %scan3A_4  : i32 {
      %mul3A_22 = arith.constant 1 : i32
      %mul3A_23 = arith.muli %scan3A_21, %mul3A_22 : i32
      %add3A_24 = arith.constant 0 : i32
      %add3A_25 = arith.addi %add3A_24, %mul3A_23 : i32
      "tpu.region"() ({
        %run_scoped3A = tpu.sem_alloc : memref<!tpu.dma_semaphore, #tpu.memory_space<semaphore_mem>>
        %dma_start3A = arith.constant 0 : i32
        %dma_start3A_26 = tpu.memref_slice %arg7[%add3A_25, %dma_start3A] : memref<79x128xi32, #tpu.memory_space<vmem>> -> memref<1x128xi32, #tpu.memory_space<vmem>>
        %dma_start3A_27 = tpu.memref_squeeze %dma_start3A_26 : memref<1x128xi32, #tpu.memory_space<vmem>> -> memref<128xi32, #tpu.memory_space<vmem>>
        %dma_start3A_28 = arith.constant 0 : i32
        %dma_start3A_29 = arith.constant 0 : i32
        %dma_start3A_30 = tpu.memref_slice %arg2[%dma_start3A_28, %dma_start3A_29] : memref<10000x128xf32, #tpu.memory_space<hbm>> -> memref<10000x128xf32, #tpu.memory_space<hbm>>
        tpu.enqueue_indirect_dma source(%dma_start3A_30 : memref<10000x128xf32, #tpu.memory_space<hbm>>) target(%arg9 : memref<128x128xf32, #tpu.memory_space<vmem>>) offsets(%dma_start3A_27 : memref<128xi32, #tpu.memory_space<vmem>>) semaphore(%run_scoped3A : memref<!tpu.dma_semaphore, #tpu.memory_space<semaphore_mem>>)
        %dma_wait3A = arith.constant 0 : i32
        %dma_wait3A_31 = tpu.memref_slice %arg7[%add3A_25, %dma_wait3A] : memref<79x128xi32, #tpu.memory_space<vmem>> -> memref<1x128xi32, #tpu.memory_space<vmem>>
        %dma_wait3A_32 = tpu.memref_squeeze %dma_wait3A_31 : memref<1x128xi32, #tpu.memory_space<vmem>> -> memref<128xi32, #tpu.memory_space<vmem>>
        %dma_wait3A_33 = arith.constant 0 : i32
        %dma_wait3A_34 = arith.constant 0 : i32
        %dma_wait3A_35 = tpu.memref_slice %arg2[%dma_wait3A_33, %dma_wait3A_34] : memref<10000x128xf32, #tpu.memory_space<hbm>> -> memref<10000x128xf32, #tpu.memory_space<hbm>>
        tpu.wait_indirect_dma semaphore(%run_scoped3A : memref<!tpu.dma_semaphore, #tpu.memory_space<semaphore_mem>>) src(%dma_wait3A_35 : memref<10000x128xf32, #tpu.memory_space<hbm>>) dst(%arg9 : memref<128x128xf32, #tpu.memory_space<vmem>>)
        tpu.yield
      }) : () -> ()
      "tpu.region"() ({
        %run_scoped3A = tpu.sem_alloc : memref<!tpu.dma_semaphore, #tpu.memory_space<semaphore_mem>>
        %dma_start3A = arith.constant 0 : i32
        %dma_start3A_26 = tpu.memref_slice %arg8[%add3A_25, %dma_start3A] : memref<79x128xi32, #tpu.memory_space<vmem>> -> memref<1x128xi32, #tpu.memory_space<vmem>>
        %dma_start3A_27 = tpu.memref_squeeze %dma_start3A_26 : memref<1x128xi32, #tpu.memory_space<vmem>> -> memref<128xi32, #tpu.memory_space<vmem>>
        %dma_start3A_28 = arith.constant 0 : i32
        %dma_start3A_29 = arith.constant 0 : i32
        %dma_start3A_30 = tpu.memref_slice %arg11[%dma_start3A_28, %dma_start3A_29] : memref<5248x128xf32, #tpu.memory_space<vmem_shared>> -> memref<5248x128xf32, #tpu.memory_space<vmem_shared>>
        tpu.enqueue_indirect_dma source(%arg9 : memref<128x128xf32, #tpu.memory_space<vmem>>) target(%dma_start3A_30 : memref<5248x128xf32, #tpu.memory_space<vmem_shared>>) offsets(%dma_start3A_27 : memref<128xi32, #tpu.memory_space<vmem>>) semaphore(%run_scoped3A : memref<!tpu.dma_semaphore, #tpu.memory_space<semaphore_mem>>) {add = true}
        %dma_wait3A = arith.constant 0 : i32
        %dma_wait3A_31 = tpu.memref_slice %arg8[%add3A_25, %dma_wait3A] : memref<79x128xi32, #tpu.memory_space<vmem>> -> memref<1x128xi32, #tpu.memory_space<vmem>>
        %dma_wait3A_32 = tpu.memref_squeeze %dma_wait3A_31 : memref<1x128xi32, #tpu.memory_space<vmem>> -> memref<128xi32, #tpu.memory_space<vmem>>
        %dma_wait3A_33 = arith.constant 0 : i32
        %dma_wait3A_34 = arith.constant 0 : i32
        %dma_wait3A_35 = tpu.memref_slice %arg11[%dma_wait3A_33, %dma_wait3A_34] : memref<5248x128xf32, #tpu.memory_space<vmem_shared>> -> memref<5248x128xf32, #tpu.memory_space<vmem_shared>>
        tpu.wait_indirect_dma semaphore(%run_scoped3A : memref<!tpu.dma_semaphore, #tpu.memory_space<semaphore_mem>>) src(%arg9 : memref<128x128xf32, #tpu.memory_space<vmem>>) dst(%dma_wait3A_35 : memref<5248x128xf32, #tpu.memory_space<vmem_shared>>)
        tpu.yield
      }) : () -> ()
    }
    %scan3A_5 = arith.constant 79 : i32
    %add3A_6 = arith.constant 16 : i32
    %add3A_7 = arith.addi %add3A_6, %arg1 : i32
    "tpu.region"() ({
      %run_scoped3A = tpu.sem_alloc : memref<!tpu.dma_semaphore, #tpu.memory_space<semaphore_mem>>
      %dma_start3A = arith.constant 0 : i32
      %dma_start3A_21 = arith.constant 0 : i32
      %dma_start3A_22 = tpu.memref_slice %arg3[%add3A_7, %dma_start3A, %dma_start3A_21] : memref<32x79x128xi32, #tpu.memory_space<hbm>> -> memref<1x79x128xi32, #tpu.memory_space<hbm>>
      %dma_start3A_23 = tpu.memref_squeeze %dma_start3A_22 : memref<1x79x128xi32, #tpu.memory_space<hbm>> -> memref<79x128xi32, #tpu.memory_space<hbm>>
      %dma_start3A_24 = arith.constant 0 : i32
      %dma_start3A_25 = arith.constant 0 : i32
      %dma_start3A_26 = tpu.memref_slice %arg3[%add3A_7, %dma_start3A_24, %dma_start3A_25] : memref<32x79x128xi32, #tpu.memory_space<hbm>> -> memref<1x79x128xi32, #tpu.memory_space<hbm>>
      %dma_start3A_27 = tpu.memref_squeeze %dma_start3A_26 : memref<1x79x128xi32, #tpu.memory_space<hbm>> -> memref<79x128xi32, #tpu.memory_space<hbm>>
      tpu.enqueue_dma source(%dma_start3A_27 : memref<79x128xi32, #tpu.memory_space<hbm>>) target(%arg7 : memref<79x128xi32, #tpu.memory_space<vmem>>) target_semaphore(%run_scoped3A : memref<!tpu.dma_semaphore, #tpu.memory_space<semaphore_mem>>)
      %dma_wait3A = arith.constant 0 : i32
      %dma_wait3A_28 = arith.constant 0 : i32
      %dma_wait3A_29 = tpu.memref_slice %arg3[%add3A_7, %dma_wait3A, %dma_wait3A_28] : memref<32x79x128xi32, #tpu.memory_space<hbm>> -> memref<1x79x128xi32, #tpu.memory_space<hbm>>
      %dma_wait3A_30 = tpu.memref_squeeze %dma_wait3A_29 : memref<1x79x128xi32, #tpu.memory_space<hbm>> -> memref<79x128xi32, #tpu.memory_space<hbm>>
      %dma_wait3A_31 = arith.constant 0 : i32
      %dma_wait3A_32 = arith.constant 0 : i32
      %dma_wait3A_33 = tpu.memref_slice %arg3[%add3A_7, %dma_wait3A_31, %dma_wait3A_32] : memref<32x79x128xi32, #tpu.memory_space<hbm>> -> memref<1x79x128xi32, #tpu.memory_space<hbm>>
      %dma_wait3A_34 = tpu.memref_squeeze %dma_wait3A_33 : memref<1x79x128xi32, #tpu.memory_space<hbm>> -> memref<79x128xi32, #tpu.memory_space<hbm>>
      tpu.wait_dma2 semaphore(%run_scoped3A : memref<!tpu.dma_semaphore, #tpu.memory_space<semaphore_mem>>) src(%dma_wait3A_34 : memref<79x128xi32, #tpu.memory_space<hbm>>) dst(%arg7 : memref<79x128xi32, #tpu.memory_space<vmem>>)
      tpu.yield
    }) : () -> ()
    "tpu.region"() ({
      %run_scoped3A = tpu.sem_alloc : memref<!tpu.dma_semaphore, #tpu.memory_space<semaphore_mem>>
      %dma_start3A = arith.constant 0 : i32
      %dma_start3A_21 = arith.constant 0 : i32
      %dma_start3A_22 = arith.constant 0 : i32
      %dma_start3A_23 = tpu.memref_slice %arg4[%arg0, %dma_start3A, %dma_start3A_21, %dma_start3A_22] : memref<2x32x79x128xi32, #tpu.memory_space<hbm>> -> memref<1x32x79x128xi32, #tpu.memory_space<hbm>>
      %dma_start3A_24 = tpu.memref_squeeze %dma_start3A_23 : memref<1x32x79x128xi32, #tpu.memory_space<hbm>> -> memref<32x79x128xi32, #tpu.memory_space<hbm>>
      %dma_start3A_25 = arith.constant 0 : i32
      %dma_start3A_26 = arith.constant 0 : i32
      %dma_start3A_27 = tpu.memref_slice %dma_start3A_24[%add3A_7, %dma_start3A_25, %dma_start3A_26] : memref<32x79x128xi32, #tpu.memory_space<hbm>> -> memref<1x79x128xi32, #tpu.memory_space<hbm>>
      %dma_start3A_28 = tpu.memref_squeeze %dma_start3A_27 : memref<1x79x128xi32, #tpu.memory_space<hbm>> -> memref<79x128xi32, #tpu.memory_space<hbm>>
      %dma_start3A_29 = arith.constant 0 : i32
      %dma_start3A_30 = arith.constant 0 : i32
      %dma_start3A_31 = arith.constant 0 : i32
      %dma_start3A_32 = tpu.memref_slice %arg4[%arg0, %dma_start3A_29, %dma_start3A_30, %dma_start3A_31] : memref<2x32x79x128xi32, #tpu.memory_space<hbm>> -> memref<1x32x79x128xi32, #tpu.memory_space<hbm>>
      %dma_start3A_33 = tpu.memref_squeeze %dma_start3A_32 : memref<1x32x79x128xi32, #tpu.memory_space<hbm>> -> memref<32x79x128xi32, #tpu.memory_space<hbm>>
      %dma_start3A_34 = arith.constant 0 : i32
      %dma_start3A_35 = arith.constant 0 : i32
      %dma_start3A_36 = tpu.memref_slice %dma_start3A_33[%add3A_7, %dma_start3A_34, %dma_start3A_35] : memref<32x79x128xi32, #tpu.memory_space<hbm>> -> memref<1x79x128xi32, #tpu.memory_space<hbm>>
      %dma_start3A_37 = tpu.memref_squeeze %dma_start3A_36 : memref<1x79x128xi32, #tpu.memory_space<hbm>> -> memref<79x128xi32, #tpu.memory_space<hbm>>
      tpu.enqueue_dma source(%dma_start3A_37 : memref<79x128xi32, #tpu.memory_space<hbm>>) target(%arg8 : memref<79x128xi32, #tpu.memory_space<vmem>>) target_semaphore(%run_scoped3A : memref<!tpu.dma_semaphore, #tpu.memory_space<semaphore_mem>>)
      %dma_wait3A = arith.constant 0 : i32
      %dma_wait3A_38 = arith.constant 0 : i32
      %dma_wait3A_39 = arith.constant 0 : i32
      %dma_wait3A_40 = tpu.memref_slice %arg4[%arg0, %dma_wait3A, %dma_wait3A_38, %dma_wait3A_39] : memref<2x32x79x128xi32, #tpu.memory_space<hbm>> -> memref<1x32x79x128xi32, #tpu.memory_space<hbm>>
      %dma_wait3A_41 = tpu.memref_squeeze %dma_wait3A_40 : memref<1x32x79x128xi32, #tpu.memory_space<hbm>> -> memref<32x79x128xi32, #tpu.memory_space<hbm>>
      %dma_wait3A_42 = arith.constant 0 : i32
      %dma_wait3A_43 = arith.constant 0 : i32
      %dma_wait3A_44 = tpu.memref_slice %dma_wait3A_41[%add3A_7, %dma_wait3A_42, %dma_wait3A_43] : memref<32x79x128xi32, #tpu.memory_space<hbm>> -> memref<1x79x128xi32, #tpu.memory_space<hbm>>
      %dma_wait3A_45 = tpu.memref_squeeze %dma_wait3A_44 : memref<1x79x128xi32, #tpu.memory_space<hbm>> -> memref<79x128xi32, #tpu.memory_space<hbm>>
      %dma_wait3A_46 = arith.constant 0 : i32
      %dma_wait3A_47 = arith.constant 0 : i32
      %dma_wait3A_48 = arith.constant 0 : i32
      %dma_wait3A_49 = tpu.memref_slice %arg4[%arg0, %dma_wait3A_46, %dma_wait3A_47, %dma_wait3A_48] : memref<2x32x79x128xi32, #tpu.memory_space<hbm>> -> memref<1x32x79x128xi32, #tpu.memory_space<hbm>>
      %dma_wait3A_50 = tpu.memref_squeeze %dma_wait3A_49 : memref<1x32x79x128xi32, #tpu.memory_space<hbm>> -> memref<32x79x128xi32, #tpu.memory_space<hbm>>
      %dma_wait3A_51 = arith.constant 0 : i32
      %dma_wait3A_52 = arith.constant 0 : i32
      %dma_wait3A_53 = tpu.memref_slice %dma_wait3A_50[%add3A_7, %dma_wait3A_51, %dma_wait3A_52] : memref<32x79x128xi32, #tpu.memory_space<hbm>> -> memref<1x79x128xi32, #tpu.memory_space<hbm>>
      %dma_wait3A_54 = tpu.memref_squeeze %dma_wait3A_53 : memref<1x79x128xi32, #tpu.memory_space<hbm>> -> memref<79x128xi32, #tpu.memory_space<hbm>>
      tpu.wait_dma2 semaphore(%run_scoped3A : memref<!tpu.dma_semaphore, #tpu.memory_space<semaphore_mem>>) src(%dma_wait3A_54 : memref<79x128xi32, #tpu.memory_space<hbm>>) dst(%arg8 : memref<79x128xi32, #tpu.memory_space<vmem>>)
      tpu.yield
    }) : () -> ()
    %scan3A_8 = arith.constant 0 : i32
    %scan3A_9 = arith.constant 79 : i32
    %scan3A_10 = arith.addi %scan3A_8, %scan3A_9 : i32
    %scan3A_11 = arith.constant 1 : i32
    scf.for %scan3A_21 = %scan3A_8 to %scan3A_10 step %scan3A_11  : i32 {
      %mul3A_22 = arith.constant 1 : i32
      %mul3A_23 = arith.muli %scan3A_21, %mul3A_22 : i32
      %add3A_24 = arith.constant 0 : i32
      %add3A_25 = arith.addi %add3A_24, %mul3A_23 : i32
      "tpu.region"() ({
        %run_scoped3A = tpu.sem_alloc : memref<!tpu.dma_semaphore, #tpu.memory_space<semaphore_mem>>
        %dma_start3A = arith.constant 0 : i32
        %dma_start3A_26 = tpu.memref_slice %arg7[%add3A_25, %dma_start3A] : memref<79x128xi32, #tpu.memory_space<vmem>> -> memref<1x128xi32, #tpu.memory_space<vmem>>
        %dma_start3A_27 = tpu.memref_squeeze %dma_start3A_26 : memref<1x128xi32, #tpu.memory_space<vmem>> -> memref<128xi32, #tpu.memory_space<vmem>>
        %dma_start3A_28 = arith.constant 0 : i32
        %dma_start3A_29 = arith.constant 0 : i32
        %dma_start3A_30 = tpu.memref_slice %arg2[%dma_start3A_28, %dma_start3A_29] : memref<10000x128xf32, #tpu.memory_space<hbm>> -> memref<10000x128xf32, #tpu.memory_space<hbm>>
        tpu.enqueue_indirect_dma source(%dma_start3A_30 : memref<10000x128xf32, #tpu.memory_space<hbm>>) target(%arg9 : memref<128x128xf32, #tpu.memory_space<vmem>>) offsets(%dma_start3A_27 : memref<128xi32, #tpu.memory_space<vmem>>) semaphore(%run_scoped3A : memref<!tpu.dma_semaphore, #tpu.memory_space<semaphore_mem>>)
        %dma_wait3A = arith.constant 0 : i32
        %dma_wait3A_31 = tpu.memref_slice %arg7[%add3A_25, %dma_wait3A] : memref<79x128xi32, #tpu.memory_space<vmem>> -> memref<1x128xi32, #tpu.memory_space<vmem>>
        %dma_wait3A_32 = tpu.memref_squeeze %dma_wait3A_31 : memref<1x128xi32, #tpu.memory_space<vmem>> -> memref<128xi32, #tpu.memory_space<vmem>>
        %dma_wait3A_33 = arith.constant 0 : i32
        %dma_wait3A_34 = arith.constant 0 : i32
        %dma_wait3A_35 = tpu.memref_slice %arg2[%dma_wait3A_33, %dma_wait3A_34] : memref<10000x128xf32, #tpu.memory_space<hbm>> -> memref<10000x128xf32, #tpu.memory_space<hbm>>
        tpu.wait_indirect_dma semaphore(%run_scoped3A : memref<!tpu.dma_semaphore, #tpu.memory_space<semaphore_mem>>) src(%dma_wait3A_35 : memref<10000x128xf32, #tpu.memory_space<hbm>>) dst(%arg9 : memref<128x128xf32, #tpu.memory_space<vmem>>)
        tpu.yield
      }) : () -> ()
      "tpu.region"() ({
        %run_scoped3A = tpu.sem_alloc : memref<!tpu.dma_semaphore, #tpu.memory_space<semaphore_mem>>
        %dma_start3A = arith.constant 0 : i32
        %dma_start3A_26 = tpu.memref_slice %arg8[%add3A_25, %dma_start3A] : memref<79x128xi32, #tpu.memory_space<vmem>> -> memref<1x128xi32, #tpu.memory_space<vmem>>
        %dma_start3A_27 = tpu.memref_squeeze %dma_start3A_26 : memref<1x128xi32, #tpu.memory_space<vmem>> -> memref<128xi32, #tpu.memory_space<vmem>>
        %dma_start3A_28 = arith.constant 0 : i32
        %dma_start3A_29 = arith.constant 0 : i32
        %dma_start3A_30 = tpu.memref_slice %arg11[%dma_start3A_28, %dma_start3A_29] : memref<5248x128xf32, #tpu.memory_space<vmem_shared>> -> memref<5248x128xf32, #tpu.memory_space<vmem_shared>>
        tpu.enqueue_indirect_dma source(%arg9 : memref<128x128xf32, #tpu.memory_space<vmem>>) target(%dma_start3A_30 : memref<5248x128xf32, #tpu.memory_space<vmem_shared>>) offsets(%dma_start3A_27 : memref<128xi32, #tpu.memory_space<vmem>>) semaphore(%run_scoped3A : memref<!tpu.dma_semaphore, #tpu.memory_space<semaphore_mem>>) {add = true}
        %dma_wait3A = arith.constant 0 : i32
        %dma_wait3A_31 = tpu.memref_slice %arg8[%add3A_25, %dma_wait3A] : memref<79x128xi32, #tpu.memory_space<vmem>> -> memref<1x128xi32, #tpu.memory_space<vmem>>
        %dma_wait3A_32 = tpu.memref_squeeze %dma_wait3A_31 : memref<1x128xi32, #tpu.memory_space<vmem>> -> memref<128xi32, #tpu.memory_space<vmem>>
        %dma_wait3A_33 = arith.constant 0 : i32
        %dma_wait3A_34 = arith.constant 0 : i32
        %dma_wait3A_35 = tpu.memref_slice %arg11[%dma_wait3A_33, %dma_wait3A_34] : memref<5248x128xf32, #tpu.memory_space<vmem_shared>> -> memref<5248x128xf32, #tpu.memory_space<vmem_shared>>
        tpu.wait_indirect_dma semaphore(%run_scoped3A : memref<!tpu.dma_semaphore, #tpu.memory_space<semaphore_mem>>) src(%arg9 : memref<128x128xf32, #tpu.memory_space<vmem>>) dst(%dma_wait3A_35 : memref<5248x128xf32, #tpu.memory_space<vmem_shared>>)
        tpu.yield
      }) : () -> ()
    }
    %scan3A_12 = arith.constant 79 : i32
    %barrier3A_13 = arith.constant 0 : index
    tpu.barrier barrier_id(%barrier3A_13)
    %mul3A_14 = arith.constant 320 : i32
    %mul3A_15 = arith.muli %arg1, %mul3A_14 : i32
    "tpu.region"() ({
      %run_scoped3A = tpu.sem_alloc : memref<!tpu.dma_semaphore, #tpu.memory_space<semaphore_mem>>
      %dma_start3A = arith.constant 0 : i32
      %dma_start3A_21 = arith.constant 0 : i32
      %dma_start3A_22 = tpu.memref_slice %arg10[%dma_start3A, %dma_start3A_21] : memref<328x128xf32, #tpu.memory_space<vmem>> -> memref<320x128xf32, #tpu.memory_space<vmem>>
      %dma_start3A_23 = arith.constant 0 : i32
      %dma_start3A_24 = tpu.memref_slice %arg11[%mul3A_15, %dma_start3A_23] : memref<5248x128xf32, #tpu.memory_space<vmem_shared>> -> memref<320x128xf32, #tpu.memory_space<vmem_shared>>
      %dma_start3A_25 = arith.constant 0 : i32
      %dma_start3A_26 = arith.constant 0 : i32
      %dma_start3A_27 = tpu.memref_slice %arg10[%dma_start3A_25, %dma_start3A_26] : memref<328x128xf32, #tpu.memory_space<vmem>> -> memref<320x128xf32, #tpu.memory_space<vmem>>
      %dma_start3A_28 = arith.constant 0 : i32
      %dma_start3A_29 = tpu.memref_slice %arg11[%mul3A_15, %dma_start3A_28] : memref<5248x128xf32, #tpu.memory_space<vmem_shared>> -> memref<320x128xf32, #tpu.memory_space<vmem_shared>>
      tpu.enqueue_dma source(%dma_start3A_29 : memref<320x128xf32, #tpu.memory_space<vmem_shared>>) target(%dma_start3A_27 : memref<320x128xf32, #tpu.memory_space<vmem>>) target_semaphore(%run_scoped3A : memref<!tpu.dma_semaphore, #tpu.memory_space<semaphore_mem>>)
      %dma_wait3A = arith.constant 0 : i32
      %dma_wait3A_30 = arith.constant 0 : i32
      %dma_wait3A_31 = tpu.memref_slice %arg10[%dma_wait3A, %dma_wait3A_30] : memref<328x128xf32, #tpu.memory_space<vmem>> -> memref<320x128xf32, #tpu.memory_space<vmem>>
      %dma_wait3A_32 = arith.constant 0 : i32
      %dma_wait3A_33 = tpu.memref_slice %arg11[%mul3A_15, %dma_wait3A_32] : memref<5248x128xf32, #tpu.memory_space<vmem_shared>> -> memref<320x128xf32, #tpu.memory_space<vmem_shared>>
      %dma_wait3A_34 = arith.constant 0 : i32
      %dma_wait3A_35 = arith.constant 0 : i32
      %dma_wait3A_36 = tpu.memref_slice %arg10[%dma_wait3A_34, %dma_wait3A_35] : memref<328x128xf32, #tpu.memory_space<vmem>> -> memref<320x128xf32, #tpu.memory_space<vmem>>
      %dma_wait3A_37 = arith.constant 0 : i32
      %dma_wait3A_38 = tpu.memref_slice %arg11[%mul3A_15, %dma_wait3A_37] : memref<5248x128xf32, #tpu.memory_space<vmem_shared>> -> memref<320x128xf32, #tpu.memory_space<vmem_shared>>
      tpu.wait_dma2 semaphore(%run_scoped3A : memref<!tpu.dma_semaphore, #tpu.memory_space<semaphore_mem>>) src(%dma_wait3A_38 : memref<320x128xf32, #tpu.memory_space<vmem_shared>>) dst(%dma_wait3A_36 : memref<320x128xf32, #tpu.memory_space<vmem>>)
      tpu.yield
    }) : () -> ()
    %mul3A_16 = arith.constant 5120 : i32
    %mul3A_17 = arith.muli %arg0, %mul3A_16 : i32
    %mul3A_18 = arith.constant 320 : i32
    %mul3A_19 = arith.muli %arg1, %mul3A_18 : i32
    %add3A_20 = arith.addi %mul3A_17, %mul3A_19 : i32
    "tpu.region"() ({
      %run_scoped3A = tpu.sem_alloc : memref<!tpu.dma_semaphore, #tpu.memory_space<semaphore_mem>>
      %dma_start3A = arith.constant 0 : i32
      %dma_start3A_21 = arith.constant 0 : i32
      %dma_start3A_22 = tpu.memref_slice %arg10[%dma_start3A, %dma_start3A_21] : memref<328x128xf32, #tpu.memory_space<vmem>> -> memref<320x128xf32, #tpu.memory_space<vmem>>
      %dma_start3A_23 = arith.constant 0 : i32
      %dma_start3A_24 = tpu.memref_slice %arg6[%add3A_20, %dma_start3A_23] : memref<10240x128xf32, #tpu.memory_space<hbm>> -> memref<320x128xf32, #tpu.memory_space<hbm>>
      %dma_start3A_25 = arith.constant 0 : i32
      %dma_start3A_26 = tpu.memref_slice %arg6[%add3A_20, %dma_start3A_25] : memref<10240x128xf32, #tpu.memory_space<hbm>> -> memref<320x128xf32, #tpu.memory_space<hbm>>
      %dma_start3A_27 = arith.constant 0 : i32
      %dma_start3A_28 = arith.constant 0 : i32
      %dma_start3A_29 = tpu.memref_slice %arg10[%dma_start3A_27, %dma_start3A_28] : memref<328x128xf32, #tpu.memory_space<vmem>> -> memref<320x128xf32, #tpu.memory_space<vmem>>
      tpu.enqueue_dma source(%dma_start3A_29 : memref<320x128xf32, #tpu.memory_space<vmem>>) target(%dma_start3A_26 : memref<320x128xf32, #tpu.memory_space<hbm>>) target_semaphore(%run_scoped3A : memref<!tpu.dma_semaphore, #tpu.memory_space<semaphore_mem>>)
      %dma_wait3A = arith.constant 0 : i32
      %dma_wait3A_30 = arith.constant 0 : i32
      %dma_wait3A_31 = tpu.memref_slice %arg10[%dma_wait3A, %dma_wait3A_30] : memref<328x128xf32, #tpu.memory_space<vmem>> -> memref<320x128xf32, #tpu.memory_space<vmem>>
      %dma_wait3A_32 = arith.constant 0 : i32
      %dma_wait3A_33 = tpu.memref_slice %arg6[%add3A_20, %dma_wait3A_32] : memref<10240x128xf32, #tpu.memory_space<hbm>> -> memref<320x128xf32, #tpu.memory_space<hbm>>
      %dma_wait3A_34 = arith.constant 0 : i32
      %dma_wait3A_35 = tpu.memref_slice %arg6[%add3A_20, %dma_wait3A_34] : memref<10240x128xf32, #tpu.memory_space<hbm>> -> memref<320x128xf32, #tpu.memory_space<hbm>>
      %dma_wait3A_36 = arith.constant 0 : i32
      %dma_wait3A_37 = arith.constant 0 : i32
      %dma_wait3A_38 = tpu.memref_slice %arg10[%dma_wait3A_36, %dma_wait3A_37] : memref<328x128xf32, #tpu.memory_space<vmem>> -> memref<320x128xf32, #tpu.memory_space<vmem>>
      tpu.wait_dma2 semaphore(%run_scoped3A : memref<!tpu.dma_semaphore, #tpu.memory_space<semaphore_mem>>) src(%dma_wait3A_38 : memref<320x128xf32, #tpu.memory_space<vmem>>) dst(%dma_wait3A_35 : memref<320x128xf32, #tpu.memory_space<hbm>>)
      tpu.yield
    }) : () -> ()
    return
  }
}

#map = affine_map<(d0, d1) -> (0, 0)>
#map1 = affine_map<(d0, d1) -> (0, 0, 0)>
#map2 = affine_map<(d0, d1) -> (0, 0, 0, 0)>
module attributes {stable_mosaic.version = 14 : i64} {
  func.func @k(%arg0: i32, %arg1: i32, %arg2: memref<10000x128xf32, #tpu.memory_space<hbm>>, %arg3: memref<32x79x128xi32, #tpu.memory_space<hbm>>, %arg4: memref<2x32x79x128xi32, #tpu.memory_space<hbm>>, %arg5: memref<328x128xf32, #tpu.memory_space<hbm>>, %arg6: memref<10240x128xf32, #tpu.memory_space<hbm>>, %arg7: memref<79x128xi32, #tpu.memory_space<vmem>>, %arg8: memref<79x128xi32, #tpu.memory_space<vmem>>, %arg9: memref<128x128xf32, #tpu.memory_space<vmem>>, %arg10: memref<328x128xf32, #tpu.memory_space<vmem>>, %arg11: memref<5248x128xf32, #tpu.memory_space<vmem_shared>>) attributes {dimension_semantics = [#tpu.dimension_semantics<core_parallel>, #tpu.dimension_semantics<subcore_parallel>], iteration_bounds = array<i64: 2, 16>, scalar_prefetch = 0 : i64, scratch_operands = 5 : i64, tpu.core_type = #tpu.core_type<sc_vector_subcore>, window_params = [{transform_indices = #map}, {transform_indices = #map1}, {transform_indices = #map2}, {transform_indices = #map}, {transform_indices = #map}]} {
    "tpu.region"() ({
      %run_scoped3A = tpu.sem_alloc : memref<!tpu.dma_semaphore, #tpu.memory_space<semaphore_mem>>
      tpu.enqueue_dma source(%arg5 : memref<328x128xf32, #tpu.memory_space<hbm>>) target(%arg10 : memref<328x128xf32, #tpu.memory_space<vmem>>) target_semaphore(%run_scoped3A : memref<!tpu.dma_semaphore, #tpu.memory_space<semaphore_mem>>)
      tpu.wait_dma2 semaphore(%run_scoped3A : memref<!tpu.dma_semaphore, #tpu.memory_space<semaphore_mem>>) src(%arg5 : memref<328x128xf32, #tpu.memory_space<hbm>>) dst(%arg10 : memref<328x128xf32, #tpu.memory_space<vmem>>)
      tpu.yield
    }) : () -> ()
    %mul3A = arith.constant 328 : i32
    %mul3A_0 = arith.muli %arg1, %mul3A : i32
    "tpu.region"() ({
      %run_scoped3A = tpu.sem_alloc : memref<!tpu.dma_semaphore, #tpu.memory_space<semaphore_mem>>
      %dma_start3A = arith.constant 0 : i32
      %dma_start3A_21 = tpu.memref_slice %arg11[%mul3A_0, %dma_start3A] : memref<5248x128xf32, #tpu.memory_space<vmem_shared>> -> memref<328x128xf32, #tpu.memory_space<vmem_shared>>
      %dma_start3A_22 = arith.constant 0 : i32
      %dma_start3A_23 = tpu.memref_slice %arg11[%mul3A_0, %dma_start3A_22] : memref<5248x128xf32, #tpu.memory_space<vmem_shared>> -> memref<328x128xf32, #tpu.memory_space<vmem_shared>>
      tpu.enqueue_dma source(%arg10 : memref<328x128xf32, #tpu.memory_space<vmem>>) target(%dma_start3A_23 : memref<328x128xf32, #tpu.memory_space<vmem_shared>>) target_semaphore(%run_scoped3A : memref<!tpu.dma_semaphore, #tpu.memory_space<semaphore_mem>>)
      %dma_wait3A = arith.constant 0 : i32
      %dma_wait3A_24 = tpu.memref_slice %arg11[%mul3A_0, %dma_wait3A] : memref<5248x128xf32, #tpu.memory_space<vmem_shared>> -> memref<328x128xf32, #tpu.memory_space<vmem_shared>>
      %dma_wait3A_25 = arith.constant 0 : i32
      %dma_wait3A_26 = tpu.memref_slice %arg11[%mul3A_0, %dma_wait3A_25] : memref<5248x128xf32, #tpu.memory_space<vmem_shared>> -> memref<328x128xf32, #tpu.memory_space<vmem_shared>>
      tpu.wait_dma2 semaphore(%run_scoped3A : memref<!tpu.dma_semaphore, #tpu.memory_space<semaphore_mem>>) src(%arg10 : memref<328x128xf32, #tpu.memory_space<vmem>>) dst(%dma_wait3A_26 : memref<328x128xf32, #tpu.memory_space<vmem_shared>>)
      tpu.yield
    }) : () -> ()
    %barrier3A = arith.constant 0 : index
    tpu.barrier barrier_id(%barrier3A)
    %add3A = arith.constant 0 : i32
    %add3A_1 = arith.addi %add3A, %arg1 : i32
    "tpu.region"() ({
      %run_scoped3A = tpu.sem_alloc : memref<!tpu.dma_semaphore, #tpu.memory_space<semaphore_mem>>
      %dma_start3A = arith.constant 0 : i32
      %dma_start3A_21 = arith.constant 0 : i32
      %dma_start3A_22 = tpu.memref_slice %arg3[%add3A_1, %dma_start3A, %dma_start3A_21] : memref<32x79x128xi32, #tpu.memory_space<hbm>> -> memref<1x79x128xi32, #tpu.memory_space<hbm>>
      %dma_start3A_23 = tpu.memref_squeeze %dma_start3A_22 : memref<1x79x128xi32, #tpu.memory_space<hbm>> -> memref<79x128xi32, #tpu.memory_space<hbm>>
      %dma_start3A_24 = arith.constant 0 : i32
      %dma_start3A_25 = arith.constant 0 : i32
      %dma_start3A_26 = tpu.memref_slice %arg3[%add3A_1, %dma_start3A_24, %dma_start3A_25] : memref<32x79x128xi32, #tpu.memory_space<hbm>> -> memref<1x79x128xi32, #tpu.memory_space<hbm>>
      %dma_start3A_27 = tpu.memref_squeeze %dma_start3A_26 : memref<1x79x128xi32, #tpu.memory_space<hbm>> -> memref<79x128xi32, #tpu.memory_space<hbm>>
      tpu.enqueue_dma source(%dma_start3A_27 : memref<79x128xi32, #tpu.memory_space<hbm>>) target(%arg7 : memref<79x128xi32, #tpu.memory_space<vmem>>) target_semaphore(%run_scoped3A : memref<!tpu.dma_semaphore, #tpu.memory_space<semaphore_mem>>)
      %dma_wait3A = arith.constant 0 : i32
      %dma_wait3A_28 = arith.constant 0 : i32
      %dma_wait3A_29 = tpu.memref_slice %arg3[%add3A_1, %dma_wait3A, %dma_wait3A_28] : memref<32x79x128xi32, #tpu.memory_space<hbm>> -> memref<1x79x128xi32, #tpu.memory_space<hbm>>
      %dma_wait3A_30 = tpu.memref_squeeze %dma_wait3A_29 : memref<1x79x128xi32, #tpu.memory_space<hbm>> -> memref<79x128xi32, #tpu.memory_space<hbm>>
      %dma_wait3A_31 = arith.constant 0 : i32
      %dma_wait3A_32 = arith.constant 0 : i32
      %dma_wait3A_33 = tpu.memref_slice %arg3[%add3A_1, %dma_wait3A_31, %dma_wait3A_32] : memref<32x79x128xi32, #tpu.memory_space<hbm>> -> memref<1x79x128xi32, #tpu.memory_space<hbm>>
      %dma_wait3A_34 = tpu.memref_squeeze %dma_wait3A_33 : memref<1x79x128xi32, #tpu.memory_space<hbm>> -> memref<79x128xi32, #tpu.memory_space<hbm>>
      tpu.wait_dma2 semaphore(%run_scoped3A : memref<!tpu.dma_semaphore, #tpu.memory_space<semaphore_mem>>) src(%dma_wait3A_34 : memref<79x128xi32, #tpu.memory_space<hbm>>) dst(%arg7 : memref<79x128xi32, #tpu.memory_space<vmem>>)
      tpu.yield
    }) : () -> ()
    "tpu.region"() ({
      %run_scoped3A = tpu.sem_alloc : memref<!tpu.dma_semaphore, #tpu.memory_space<semaphore_mem>>
      %dma_start3A = arith.constant 0 : i32
      %dma_start3A_21 = arith.constant 0 : i32
      %dma_start3A_22 = arith.constant 0 : i32
      %dma_start3A_23 = tpu.memref_slice %arg4[%arg0, %dma_start3A, %dma_start3A_21, %dma_start3A_22] : memref<2x32x79x128xi32, #tpu.memory_space<hbm>> -> memref<1x32x79x128xi32, #tpu.memory_space<hbm>>
      %dma_start3A_24 = tpu.memref_squeeze %dma_start3A_23 : memref<1x32x79x128xi32, #tpu.memory_space<hbm>> -> memref<32x79x128xi32, #tpu.memory_space<hbm>>
      %dma_start3A_25 = arith.constant 0 : i32
      %dma_start3A_26 = arith.constant 0 : i32
      %dma_start3A_27 = tpu.memref_slice %dma_start3A_24[%add3A_1, %dma_start3A_25, %dma_start3A_26] : memref<32x79x128xi32, #tpu.memory_space<hbm>> -> memref<1x79x128xi32, #tpu.memory_space<hbm>>
      %dma_start3A_28 = tpu.memref_squeeze %dma_start3A_27 : memref<1x79x128xi32, #tpu.memory_space<hbm>> -> memref<79x128xi32, #tpu.memory_space<hbm>>
      %dma_start3A_29 = arith.constant 0 : i32
      %dma_start3A_30 = arith.constant 0 : i32
      %dma_start3A_31 = arith.constant 0 : i32
      %dma_start3A_32 = tpu.memref_slice %arg4[%arg0, %dma_start3A_29, %dma_start3A_30, %dma_start3A_31] : memref<2x32x79x128xi32, #tpu.memory_space<hbm>> -> memref<1x32x79x128xi32, #tpu.memory_space<hbm>>
      %dma_start3A_33 = tpu.memref_squeeze %dma_start3A_32 : memref<1x32x79x128xi32, #tpu.memory_space<hbm>> -> memref<32x79x128xi32, #tpu.memory_space<hbm>>
      %dma_start3A_34 = arith.constant 0 : i32
      %dma_start3A_35 = arith.constant 0 : i32
      %dma_start3A_36 = tpu.memref_slice %dma_start3A_33[%add3A_1, %dma_start3A_34, %dma_start3A_35] : memref<32x79x128xi32, #tpu.memory_space<hbm>> -> memref<1x79x128xi32, #tpu.memory_space<hbm>>
      %dma_start3A_37 = tpu.memref_squeeze %dma_start3A_36 : memref<1x79x128xi32, #tpu.memory_space<hbm>> -> memref<79x128xi32, #tpu.memory_space<hbm>>
      tpu.enqueue_dma source(%dma_start3A_37 : memref<79x128xi32, #tpu.memory_space<hbm>>) target(%arg8 : memref<79x128xi32, #tpu.memory_space<vmem>>) target_semaphore(%run_scoped3A : memref<!tpu.dma_semaphore, #tpu.memory_space<semaphore_mem>>)
      %dma_wait3A = arith.constant 0 : i32
      %dma_wait3A_38 = arith.constant 0 : i32
      %dma_wait3A_39 = arith.constant 0 : i32
      %dma_wait3A_40 = tpu.memref_slice %arg4[%arg0, %dma_wait3A, %dma_wait3A_38, %dma_wait3A_39] : memref<2x32x79x128xi32, #tpu.memory_space<hbm>> -> memref<1x32x79x128xi32, #tpu.memory_space<hbm>>
      %dma_wait3A_41 = tpu.memref_squeeze %dma_wait3A_40 : memref<1x32x79x128xi32, #tpu.memory_space<hbm>> -> memref<32x79x128xi32, #tpu.memory_space<hbm>>
      %dma_wait3A_42 = arith.constant 0 : i32
      %dma_wait3A_43 = arith.constant 0 : i32
      %dma_wait3A_44 = tpu.memref_slice %dma_wait3A_41[%add3A_1, %dma_wait3A_42, %dma_wait3A_43] : memref<32x79x128xi32, #tpu.memory_space<hbm>> -> memref<1x79x128xi32, #tpu.memory_space<hbm>>
      %dma_wait3A_45 = tpu.memref_squeeze %dma_wait3A_44 : memref<1x79x128xi32, #tpu.memory_space<hbm>> -> memref<79x128xi32, #tpu.memory_space<hbm>>
      %dma_wait3A_46 = arith.constant 0 : i32
      %dma_wait3A_47 = arith.constant 0 : i32
      %dma_wait3A_48 = arith.constant 0 : i32
      %dma_wait3A_49 = tpu.memref_slice %arg4[%arg0, %dma_wait3A_46, %dma_wait3A_47, %dma_wait3A_48] : memref<2x32x79x128xi32, #tpu.memory_space<hbm>> -> memref<1x32x79x128xi32, #tpu.memory_space<hbm>>
      %dma_wait3A_50 = tpu.memref_squeeze %dma_wait3A_49 : memref<1x32x79x128xi32, #tpu.memory_space<hbm>> -> memref<32x79x128xi32, #tpu.memory_space<hbm>>
      %dma_wait3A_51 = arith.constant 0 : i32
      %dma_wait3A_52 = arith.constant 0 : i32
      %dma_wait3A_53 = tpu.memref_slice %dma_wait3A_50[%add3A_1, %dma_wait3A_51, %dma_wait3A_52] : memref<32x79x128xi32, #tpu.memory_space<hbm>> -> memref<1x79x128xi32, #tpu.memory_space<hbm>>
      %dma_wait3A_54 = tpu.memref_squeeze %dma_wait3A_53 : memref<1x79x128xi32, #tpu.memory_space<hbm>> -> memref<79x128xi32, #tpu.memory_space<hbm>>
      tpu.wait_dma2 semaphore(%run_scoped3A : memref<!tpu.dma_semaphore, #tpu.memory_space<semaphore_mem>>) src(%dma_wait3A_54 : memref<79x128xi32, #tpu.memory_space<hbm>>) dst(%arg8 : memref<79x128xi32, #tpu.memory_space<vmem>>)
      tpu.yield
    }) : () -> ()
    %scan3A = arith.constant 0 : i32
    %scan3A_2 = arith.constant 79 : i32
    %scan3A_3 = arith.addi %scan3A, %scan3A_2 : i32
    %scan3A_4 = arith.constant 1 : i32
    scf.for %scan3A_21 = %scan3A to %scan3A_3 step %scan3A_4  : i32 {
      %mul3A_22 = arith.constant 1 : i32
      %mul3A_23 = arith.muli %scan3A_21, %mul3A_22 : i32
      %add3A_24 = arith.constant 0 : i32
      %add3A_25 = arith.addi %add3A_24, %mul3A_23 : i32
      "tpu.region"() ({
        %run_scoped3A = tpu.sem_alloc : memref<!tpu.dma_semaphore, #tpu.memory_space<semaphore_mem>>
        %dma_start3A = arith.constant 0 : i32
        %dma_start3A_26 = tpu.memref_slice %arg7[%add3A_25, %dma_start3A] : memref<79x128xi32, #tpu.memory_space<vmem>> -> memref<1x128xi32, #tpu.memory_space<vmem>>
        %dma_start3A_27 = tpu.memref_squeeze %dma_start3A_26 : memref<1x128xi32, #tpu.memory_space<vmem>> -> memref<128xi32, #tpu.memory_space<vmem>>
        %dma_start3A_28 = arith.constant 0 : i32
        %dma_start3A_29 = arith.constant 0 : i32
        %dma_start3A_30 = tpu.memref_slice %arg2[%dma_start3A_28, %dma_start3A_29] : memref<10000x128xf32, #tpu.memory_space<hbm>> -> memref<10000x128xf32, #tpu.memory_space<hbm>>
        tpu.enqueue_indirect_dma source(%dma_start3A_30 : memref<10000x128xf32, #tpu.memory_space<hbm>>) target(%arg9 : memref<128x128xf32, #tpu.memory_space<vmem>>) offsets(%dma_start3A_27 : memref<128xi32, #tpu.memory_space<vmem>>) semaphore(%run_scoped3A : memref<!tpu.dma_semaphore, #tpu.memory_space<semaphore_mem>>)
        %dma_wait3A = arith.constant 0 : i32
        %dma_wait3A_31 = tpu.memref_slice %arg7[%add3A_25, %dma_wait3A] : memref<79x128xi32, #tpu.memory_space<vmem>> -> memref<1x128xi32, #tpu.memory_space<vmem>>
        %dma_wait3A_32 = tpu.memref_squeeze %dma_wait3A_31 : memref<1x128xi32, #tpu.memory_space<vmem>> -> memref<128xi32, #tpu.memory_space<vmem>>
        %dma_wait3A_33 = arith.constant 0 : i32
        %dma_wait3A_34 = arith.constant 0 : i32
        %dma_wait3A_35 = tpu.memref_slice %arg2[%dma_wait3A_33, %dma_wait3A_34] : memref<10000x128xf32, #tpu.memory_space<hbm>> -> memref<10000x128xf32, #tpu.memory_space<hbm>>
        tpu.wait_indirect_dma semaphore(%run_scoped3A : memref<!tpu.dma_semaphore, #tpu.memory_space<semaphore_mem>>) src(%dma_wait3A_35 : memref<10000x128xf32, #tpu.memory_space<hbm>>) dst(%arg9 : memref<128x128xf32, #tpu.memory_space<vmem>>)
        tpu.yield
      }) : () -> ()
      "tpu.region"() ({
        %run_scoped3A = tpu.sem_alloc : memref<!tpu.dma_semaphore, #tpu.memory_space<semaphore_mem>>
        %dma_start3A = arith.constant 0 : i32
        %dma_start3A_26 = tpu.memref_slice %arg8[%add3A_25, %dma_start3A] : memref<79x128xi32, #tpu.memory_space<vmem>> -> memref<1x128xi32, #tpu.memory_space<vmem>>
        %dma_start3A_27 = tpu.memref_squeeze %dma_start3A_26 : memref<1x128xi32, #tpu.memory_space<vmem>> -> memref<128xi32, #tpu.memory_space<vmem>>
        %dma_start3A_28 = arith.constant 0 : i32
        %dma_start3A_29 = arith.constant 0 : i32
        %dma_start3A_30 = tpu.memref_slice %arg11[%dma_start3A_28, %dma_start3A_29] : memref<5248x128xf32, #tpu.memory_space<vmem_shared>> -> memref<5248x128xf32, #tpu.memory_space<vmem_shared>>
        tpu.enqueue_indirect_dma source(%arg9 : memref<128x128xf32, #tpu.memory_space<vmem>>) target(%dma_start3A_30 : memref<5248x128xf32, #tpu.memory_space<vmem_shared>>) offsets(%dma_start3A_27 : memref<128xi32, #tpu.memory_space<vmem>>) semaphore(%run_scoped3A : memref<!tpu.dma_semaphore, #tpu.memory_space<semaphore_mem>>) {add = true}
        %dma_wait3A = arith.constant 0 : i32
        %dma_wait3A_31 = tpu.memref_slice %arg8[%add3A_25, %dma_wait3A] : memref<79x128xi32, #tpu.memory_space<vmem>> -> memref<1x128xi32, #tpu.memory_space<vmem>>
        %dma_wait3A_32 = tpu.memref_squeeze %dma_wait3A_31 : memref<1x128xi32, #tpu.memory_space<vmem>> -> memref<128xi32, #tpu.memory_space<vmem>>
        %dma_wait3A_33 = arith.constant 0 : i32
        %dma_wait3A_34 = arith.constant 0 : i32
        %dma_wait3A_35 = tpu.memref_slice %arg11[%dma_wait3A_33, %dma_wait3A_34] : memref<5248x128xf32, #tpu.memory_space<vmem_shared>> -> memref<5248x128xf32, #tpu.memory_space<vmem_shared>>
        tpu.wait_indirect_dma semaphore(%run_scoped3A : memref<!tpu.dma_semaphore, #tpu.memory_space<semaphore_mem>>) src(%arg9 : memref<128x128xf32, #tpu.memory_space<vmem>>) dst(%dma_wait3A_35 : memref<5248x128xf32, #tpu.memory_space<vmem_shared>>)
        tpu.yield
      }) : () -> ()
    }
    %scan3A_5 = arith.constant 79 : i32
    %add3A_6 = arith.constant 16 : i32
    %add3A_7 = arith.addi %add3A_6, %arg1 : i32
    "tpu.region"() ({
      %run_scoped3A = tpu.sem_alloc : memref<!tpu.dma_semaphore, #tpu.memory_space<semaphore_mem>>
      %dma_start3A = arith.constant 0 : i32
      %dma_start3A_21 = arith.constant 0 : i32
      %dma_start3A_22 = tpu.memref_slice %arg3[%add3A_7, %dma_start3A, %dma_start3A_21] : memref<32x79x128xi32, #tpu.memory_space<hbm>> -> memref<1x79x128xi32, #tpu.memory_space<hbm>>
      %dma_start3A_23 = tpu.memref_squeeze %dma_start3A_22 : memref<1x79x128xi32, #tpu.memory_space<hbm>> -> memref<79x128xi32, #tpu.memory_space<hbm>>
      %dma_start3A_24 = arith.constant 0 : i32
      %dma_start3A_25 = arith.constant 0 : i32
      %dma_start3A_26 = tpu.memref_slice %arg3[%add3A_7, %dma_start3A_24, %dma_start3A_25] : memref<32x79x128xi32, #tpu.memory_space<hbm>> -> memref<1x79x128xi32, #tpu.memory_space<hbm>>
      %dma_start3A_27 = tpu.memref_squeeze %dma_start3A_26 : memref<1x79x128xi32, #tpu.memory_space<hbm>> -> memref<79x128xi32, #tpu.memory_space<hbm>>
      tpu.enqueue_dma source(%dma_start3A_27 : memref<79x128xi32, #tpu.memory_space<hbm>>) target(%arg7 : memref<79x128xi32, #tpu.memory_space<vmem>>) target_semaphore(%run_scoped3A : memref<!tpu.dma_semaphore, #tpu.memory_space<semaphore_mem>>)
      %dma_wait3A = arith.constant 0 : i32
      %dma_wait3A_28 = arith.constant 0 : i32
      %dma_wait3A_29 = tpu.memref_slice %arg3[%add3A_7, %dma_wait3A, %dma_wait3A_28] : memref<32x79x128xi32, #tpu.memory_space<hbm>> -> memref<1x79x128xi32, #tpu.memory_space<hbm>>
      %dma_wait3A_30 = tpu.memref_squeeze %dma_wait3A_29 : memref<1x79x128xi32, #tpu.memory_space<hbm>> -> memref<79x128xi32, #tpu.memory_space<hbm>>
      %dma_wait3A_31 = arith.constant 0 : i32
      %dma_wait3A_32 = arith.constant 0 : i32
      %dma_wait3A_33 = tpu.memref_slice %arg3[%add3A_7, %dma_wait3A_31, %dma_wait3A_32] : memref<32x79x128xi32, #tpu.memory_space<hbm>> -> memref<1x79x128xi32, #tpu.memory_space<hbm>>
      %dma_wait3A_34 = tpu.memref_squeeze %dma_wait3A_33 : memref<1x79x128xi32, #tpu.memory_space<hbm>> -> memref<79x128xi32, #tpu.memory_space<hbm>>
      tpu.wait_dma2 semaphore(%run_scoped3A : memref<!tpu.dma_semaphore, #tpu.memory_space<semaphore_mem>>) src(%dma_wait3A_34 : memref<79x128xi32, #tpu.memory_space<hbm>>) dst(%arg7 : memref<79x128xi32, #tpu.memory_space<vmem>>)
      tpu.yield
    }) : () -> ()
    "tpu.region"() ({
      %run_scoped3A = tpu.sem_alloc : memref<!tpu.dma_semaphore, #tpu.memory_space<semaphore_mem>>
      %dma_start3A = arith.constant 0 : i32
      %dma_start3A_21 = arith.constant 0 : i32
      %dma_start3A_22 = arith.constant 0 : i32
      %dma_start3A_23 = tpu.memref_slice %arg4[%arg0, %dma_start3A, %dma_start3A_21, %dma_start3A_22] : memref<2x32x79x128xi32, #tpu.memory_space<hbm>> -> memref<1x32x79x128xi32, #tpu.memory_space<hbm>>
      %dma_start3A_24 = tpu.memref_squeeze %dma_start3A_23 : memref<1x32x79x128xi32, #tpu.memory_space<hbm>> -> memref<32x79x128xi32, #tpu.memory_space<hbm>>
      %dma_start3A_25 = arith.constant 0 : i32
      %dma_start3A_26 = arith.constant 0 : i32
      %dma_start3A_27 = tpu.memref_slice %dma_start3A_24[%add3A_7, %dma_start3A_25, %dma_start3A_26] : memref<32x79x128xi32, #tpu.memory_space<hbm>> -> memref<1x79x128xi32, #tpu.memory_space<hbm>>
      %dma_start3A_28 = tpu.memref_squeeze %dma_start3A_27 : memref<1x79x128xi32, #tpu.memory_space<hbm>> -> memref<79x128xi32, #tpu.memory_space<hbm>>
      %dma_start3A_29 = arith.constant 0 : i32
      %dma_start3A_30 = arith.constant 0 : i32
      %dma_start3A_31 = arith.constant 0 : i32
      %dma_start3A_32 = tpu.memref_slice %arg4[%arg0, %dma_start3A_29, %dma_start3A_30, %dma_start3A_31] : memref<2x32x79x128xi32, #tpu.memory_space<hbm>> -> memref<1x32x79x128xi32, #tpu.memory_space<hbm>>
      %dma_start3A_33 = tpu.memref_squeeze %dma_start3A_32 : memref<1x32x79x128xi32, #tpu.memory_space<hbm>> -> memref<32x79x128xi32, #tpu.memory_space<hbm>>
      %dma_start3A_34 = arith.constant 0 : i32
      %dma_start3A_35 = arith.constant 0 : i32
      %dma_start3A_36 = tpu.memref_slice %dma_start3A_33[%add3A_7, %dma_start3A_34, %dma_start3A_35] : memref<32x79x128xi32, #tpu.memory_space<hbm>> -> memref<1x79x128xi32, #tpu.memory_space<hbm>>
      %dma_start3A_37 = tpu.memref_squeeze %dma_start3A_36 : memref<1x79x128xi32, #tpu.memory_space<hbm>> -> memref<79x128xi32, #tpu.memory_space<hbm>>
      tpu.enqueue_dma source(%dma_start3A_37 : memref<79x128xi32, #tpu.memory_space<hbm>>) target(%arg8 : memref<79x128xi32, #tpu.memory_space<vmem>>) target_semaphore(%run_scoped3A : memref<!tpu.dma_semaphore, #tpu.memory_space<semaphore_mem>>)
      %dma_wait3A = arith.constant 0 : i32
      %dma_wait3A_38 = arith.constant 0 : i32
      %dma_wait3A_39 = arith.constant 0 : i32
      %dma_wait3A_40 = tpu.memref_slice %arg4[%arg0, %dma_wait3A, %dma_wait3A_38, %dma_wait3A_39] : memref<2x32x79x128xi32, #tpu.memory_space<hbm>> -> memref<1x32x79x128xi32, #tpu.memory_space<hbm>>
      %dma_wait3A_41 = tpu.memref_squeeze %dma_wait3A_40 : memref<1x32x79x128xi32, #tpu.memory_space<hbm>> -> memref<32x79x128xi32, #tpu.memory_space<hbm>>
      %dma_wait3A_42 = arith.constant 0 : i32
      %dma_wait3A_43 = arith.constant 0 : i32
      %dma_wait3A_44 = tpu.memref_slice %dma_wait3A_41[%add3A_7, %dma_wait3A_42, %dma_wait3A_43] : memref<32x79x128xi32, #tpu.memory_space<hbm>> -> memref<1x79x128xi32, #tpu.memory_space<hbm>>
      %dma_wait3A_45 = tpu.memref_squeeze %dma_wait3A_44 : memref<1x79x128xi32, #tpu.memory_space<hbm>> -> memref<79x128xi32, #tpu.memory_space<hbm>>
      %dma_wait3A_46 = arith.constant 0 : i32
      %dma_wait3A_47 = arith.constant 0 : i32
      %dma_wait3A_48 = arith.constant 0 : i32
      %dma_wait3A_49 = tpu.memref_slice %arg4[%arg0, %dma_wait3A_46, %dma_wait3A_47, %dma_wait3A_48] : memref<2x32x79x128xi32, #tpu.memory_space<hbm>> -> memref<1x32x79x128xi32, #tpu.memory_space<hbm>>
      %dma_wait3A_50 = tpu.memref_squeeze %dma_wait3A_49 : memref<1x32x79x128xi32, #tpu.memory_space<hbm>> -> memref<32x79x128xi32, #tpu.memory_space<hbm>>
      %dma_wait3A_51 = arith.constant 0 : i32
      %dma_wait3A_52 = arith.constant 0 : i32
      %dma_wait3A_53 = tpu.memref_slice %dma_wait3A_50[%add3A_7, %dma_wait3A_51, %dma_wait3A_52] : memref<32x79x128xi32, #tpu.memory_space<hbm>> -> memref<1x79x128xi32, #tpu.memory_space<hbm>>
      %dma_wait3A_54 = tpu.memref_squeeze %dma_wait3A_53 : memref<1x79x128xi32, #tpu.memory_space<hbm>> -> memref<79x128xi32, #tpu.memory_space<hbm>>
      tpu.wait_dma2 semaphore(%run_scoped3A : memref<!tpu.dma_semaphore, #tpu.memory_space<semaphore_mem>>) src(%dma_wait3A_54 : memref<79x128xi32, #tpu.memory_space<hbm>>) dst(%arg8 : memref<79x128xi32, #tpu.memory_space<vmem>>)
      tpu.yield
    }) : () -> ()
    %scan3A_8 = arith.constant 0 : i32
    %scan3A_9 = arith.constant 79 : i32
    %scan3A_10 = arith.addi %scan3A_8, %scan3A_9 : i32
    %scan3A_11 = arith.constant 1 : i32
    scf.for %scan3A_21 = %scan3A_8 to %scan3A_10 step %scan3A_11  : i32 {
      %mul3A_22 = arith.constant 1 : i32
      %mul3A_23 = arith.muli %scan3A_21, %mul3A_22 : i32
      %add3A_24 = arith.constant 0 : i32
      %add3A_25 = arith.addi %add3A_24, %mul3A_23 : i32
      "tpu.region"() ({
        %run_scoped3A = tpu.sem_alloc : memref<!tpu.dma_semaphore, #tpu.memory_space<semaphore_mem>>
        %dma_start3A = arith.constant 0 : i32
        %dma_start3A_26 = tpu.memref_slice %arg7[%add3A_25, %dma_start3A] : memref<79x128xi32, #tpu.memory_space<vmem>> -> memref<1x128xi32, #tpu.memory_space<vmem>>
        %dma_start3A_27 = tpu.memref_squeeze %dma_start3A_26 : memref<1x128xi32, #tpu.memory_space<vmem>> -> memref<128xi32, #tpu.memory_space<vmem>>
        %dma_start3A_28 = arith.constant 0 : i32
        %dma_start3A_29 = arith.constant 0 : i32
        %dma_start3A_30 = tpu.memref_slice %arg2[%dma_start3A_28, %dma_start3A_29] : memref<10000x128xf32, #tpu.memory_space<hbm>> -> memref<10000x128xf32, #tpu.memory_space<hbm>>
        tpu.enqueue_indirect_dma source(%dma_start3A_30 : memref<10000x128xf32, #tpu.memory_space<hbm>>) target(%arg9 : memref<128x128xf32, #tpu.memory_space<vmem>>) offsets(%dma_start3A_27 : memref<128xi32, #tpu.memory_space<vmem>>) semaphore(%run_scoped3A : memref<!tpu.dma_semaphore, #tpu.memory_space<semaphore_mem>>)
        %dma_wait3A = arith.constant 0 : i32
        %dma_wait3A_31 = tpu.memref_slice %arg7[%add3A_25, %dma_wait3A] : memref<79x128xi32, #tpu.memory_space<vmem>> -> memref<1x128xi32, #tpu.memory_space<vmem>>
        %dma_wait3A_32 = tpu.memref_squeeze %dma_wait3A_31 : memref<1x128xi32, #tpu.memory_space<vmem>> -> memref<128xi32, #tpu.memory_space<vmem>>
        %dma_wait3A_33 = arith.constant 0 : i32
        %dma_wait3A_34 = arith.constant 0 : i32
        %dma_wait3A_35 = tpu.memref_slice %arg2[%dma_wait3A_33, %dma_wait3A_34] : memref<10000x128xf32, #tpu.memory_space<hbm>> -> memref<10000x128xf32, #tpu.memory_space<hbm>>
        tpu.wait_indirect_dma semaphore(%run_scoped3A : memref<!tpu.dma_semaphore, #tpu.memory_space<semaphore_mem>>) src(%dma_wait3A_35 : memref<10000x128xf32, #tpu.memory_space<hbm>>) dst(%arg9 : memref<128x128xf32, #tpu.memory_space<vmem>>)
        tpu.yield
      }) : () -> ()
      "tpu.region"() ({
        %run_scoped3A = tpu.sem_alloc : memref<!tpu.dma_semaphore, #tpu.memory_space<semaphore_mem>>
        %dma_start3A = arith.constant 0 : i32
        %dma_start3A_26 = tpu.memref_slice %arg8[%add3A_25, %dma_start3A] : memref<79x128xi32, #tpu.memory_space<vmem>> -> memref<1x128xi32, #tpu.memory_space<vmem>>
        %dma_start3A_27 = tpu.memref_squeeze %dma_start3A_26 : memref<1x128xi32, #tpu.memory_space<vmem>> -> memref<128xi32, #tpu.memory_space<vmem>>
        %dma_start3A_28 = arith.constant 0 : i32
        %dma_start3A_29 = arith.constant 0 : i32
        %dma_start3A_30 = tpu.memref_slice %arg11[%dma_start3A_28, %dma_start3A_29] : memref<5248x128xf32, #tpu.memory_space<vmem_shared>> -> memref<5248x128xf32, #tpu.memory_space<vmem_shared>>
        tpu.enqueue_indirect_dma source(%arg9 : memref<128x128xf32, #tpu.memory_space<vmem>>) target(%dma_start3A_30 : memref<5248x128xf32, #tpu.memory_space<vmem_shared>>) offsets(%dma_start3A_27 : memref<128xi32, #tpu.memory_space<vmem>>) semaphore(%run_scoped3A : memref<!tpu.dma_semaphore, #tpu.memory_space<semaphore_mem>>) {add = true}
        %dma_wait3A = arith.constant 0 : i32
        %dma_wait3A_31 = tpu.memref_slice %arg8[%add3A_25, %dma_wait3A] : memref<79x128xi32, #tpu.memory_space<vmem>> -> memref<1x128xi32, #tpu.memory_space<vmem>>
        %dma_wait3A_32 = tpu.memref_squeeze %dma_wait3A_31 : memref<1x128xi32, #tpu.memory_space<vmem>> -> memref<128xi32, #tpu.memory_space<vmem>>
        %dma_wait3A_33 = arith.constant 0 : i32
        %dma_wait3A_34 = arith.constant 0 : i32
        %dma_wait3A_35 = tpu.memref_slice %arg11[%dma_wait3A_33, %dma_wait3A_34] : memref<5248x128xf32, #tpu.memory_space<vmem_shared>> -> memref<5248x128xf32, #tpu.memory_space<vmem_shared>>
        tpu.wait_indirect_dma semaphore(%run_scoped3A : memref<!tpu.dma_semaphore, #tpu.memory_space<semaphore_mem>>) src(%arg9 : memref<128x128xf32, #tpu.memory_space<vmem>>) dst(%dma_wait3A_35 : memref<5248x128xf32, #tpu.memory_space<vmem_shared>>)
        tpu.yield
      }) : () -> ()
    }
    %scan3A_12 = arith.constant 79 : i32
    %barrier3A_13 = arith.constant 0 : index
    tpu.barrier barrier_id(%barrier3A_13)
    %mul3A_14 = arith.constant 320 : i32
    %mul3A_15 = arith.muli %arg1, %mul3A_14 : i32
    "tpu.region"() ({
      %run_scoped3A = tpu.sem_alloc : memref<!tpu.dma_semaphore, #tpu.memory_space<semaphore_mem>>
      %dma_start3A = arith.constant 0 : i32
      %dma_start3A_21 = arith.constant 0 : i32
      %dma_start3A_22 = tpu.memref_slice %arg10[%dma_start3A, %dma_start3A_21] : memref<328x128xf32, #tpu.memory_space<vmem>> -> memref<320x128xf32, #tpu.memory_space<vmem>>
      %dma_start3A_23 = arith.constant 0 : i32
      %dma_start3A_24 = tpu.memref_slice %arg11[%mul3A_15, %dma_start3A_23] : memref<5248x128xf32, #tpu.memory_space<vmem_shared>> -> memref<320x128xf32, #tpu.memory_space<vmem_shared>>
      %dma_start3A_25 = arith.constant 0 : i32
      %dma_start3A_26 = arith.constant 0 : i32
      %dma_start3A_27 = tpu.memref_slice %arg10[%dma_start3A_25, %dma_start3A_26] : memref<328x128xf32, #tpu.memory_space<vmem>> -> memref<320x128xf32, #tpu.memory_space<vmem>>
      %dma_start3A_28 = arith.constant 0 : i32
      %dma_start3A_29 = tpu.memref_slice %arg11[%mul3A_15, %dma_start3A_28] : memref<5248x128xf32, #tpu.memory_space<vmem_shared>> -> memref<320x128xf32, #tpu.memory_space<vmem_shared>>
      tpu.enqueue_dma source(%dma_start3A_29 : memref<320x128xf32, #tpu.memory_space<vmem_shared>>) target(%dma_start3A_27 : memref<320x128xf32, #tpu.memory_space<vmem>>) target_semaphore(%run_scoped3A : memref<!tpu.dma_semaphore, #tpu.memory_space<semaphore_mem>>)
      %dma_wait3A = arith.constant 0 : i32
      %dma_wait3A_30 = arith.constant 0 : i32
      %dma_wait3A_31 = tpu.memref_slice %arg10[%dma_wait3A, %dma_wait3A_30] : memref<328x128xf32, #tpu.memory_space<vmem>> -> memref<320x128xf32, #tpu.memory_space<vmem>>
      %dma_wait3A_32 = arith.constant 0 : i32
      %dma_wait3A_33 = tpu.memref_slice %arg11[%mul3A_15, %dma_wait3A_32] : memref<5248x128xf32, #tpu.memory_space<vmem_shared>> -> memref<320x128xf32, #tpu.memory_space<vmem_shared>>
      %dma_wait3A_34 = arith.constant 0 : i32
      %dma_wait3A_35 = arith.constant 0 : i32
      %dma_wait3A_36 = tpu.memref_slice %arg10[%dma_wait3A_34, %dma_wait3A_35] : memref<328x128xf32, #tpu.memory_space<vmem>> -> memref<320x128xf32, #tpu.memory_space<vmem>>
      %dma_wait3A_37 = arith.constant 0 : i32
      %dma_wait3A_38 = tpu.memref_slice %arg11[%mul3A_15, %dma_wait3A_37] : memref<5248x128xf32, #tpu.memory_space<vmem_shared>> -> memref<320x128xf32, #tpu.memory_space<vmem_shared>>
      tpu.wait_dma2 semaphore(%run_scoped3A : memref<!tpu.dma_semaphore, #tpu.memory_space<semaphore_mem>>) src(%dma_wait3A_38 : memref<320x128xf32, #tpu.memory_space<vmem_shared>>) dst(%dma_wait3A_36 : memref<320x128xf32, #tpu.memory_space<vmem>>)
      tpu.yield
    }) : () -> ()
    %mul3A_16 = arith.constant 5120 : i32
    %mul3A_17 = arith.muli %arg0, %mul3A_16 : i32
    %mul3A_18 = arith.constant 320 : i32
    %mul3A_19 = arith.muli %arg1, %mul3A_18 : i32
    %add3A_20 = arith.addi %mul3A_17, %mul3A_19 : i32
    "tpu.region"() ({
      %run_scoped3A = tpu.sem_alloc : memref<!tpu.dma_semaphore, #tpu.memory_space<semaphore_mem>>
      %dma_start3A = arith.constant 0 : i32
      %dma_start3A_21 = arith.constant 0 : i32
      %dma_start3A_22 = tpu.memref_slice %arg10[%dma_start3A, %dma_start3A_21] : memref<328x128xf32, #tpu.memory_space<vmem>> -> memref<320x128xf32, #tpu.memory_space<vmem>>
      %dma_start3A_23 = arith.constant 0 : i32
      %dma_start3A_24 = tpu.memref_slice %arg6[%add3A_20, %dma_start3A_23] : memref<10240x128xf32, #tpu.memory_space<hbm>> -> memref<320x128xf32, #tpu.memory_space<hbm>>
      %dma_start3A_25 = arith.constant 0 : i32
      %dma_start3A_26 = tpu.memref_slice %arg6[%add3A_20, %dma_start3A_25] : memref<10240x128xf32, #tpu.memory_space<hbm>> -> memref<320x128xf32, #tpu.memory_space<hbm>>
      %dma_start3A_27 = arith.constant 0 : i32
      %dma_start3A_28 = arith.constant 0 : i32
      %dma_start3A_29 = tpu.memref_slice %arg10[%dma_start3A_27, %dma_start3A_28] : memref<328x128xf32, #tpu.memory_space<vmem>> -> memref<320x128xf32, #tpu.memory_space<vmem>>
      tpu.enqueue_dma source(%dma_start3A_29 : memref<320x128xf32, #tpu.memory_space<vmem>>) target(%dma_start3A_26 : memref<320x128xf32, #tpu.memory_space<hbm>>) target_semaphore(%run_scoped3A : memref<!tpu.dma_semaphore, #tpu.memory_space<semaphore_mem>>)
      %dma_wait3A = arith.constant 0 : i32
      %dma_wait3A_30 = arith.constant 0 : i32
      %dma_wait3A_31 = tpu.memref_slice %arg10[%dma_wait3A, %dma_wait3A_30] : memref<328x128xf32, #tpu.memory_space<vmem>> -> memref<320x128xf32, #tpu.memory_space<vmem>>
      %dma_wait3A_32 = arith.constant 0 : i32
      %dma_wait3A_33 = tpu.memref_slice %arg6[%add3A_20, %dma_wait3A_32] : memref<10240x128xf32, #tpu.memory_space<hbm>> -> memref<320x128xf32, #tpu.memory_space<hbm>>
      %dma_wait3A_34 = arith.constant 0 : i32
      %dma_wait3A_35 = tpu.memref_slice %arg6[%add3A_20, %dma_wait3A_34] : memref<10240x128xf32, #tpu.memory_space<hbm>> -> memref<320x128xf32, #tpu.memory_space<hbm>>
      %dma_wait3A_36 = arith.constant 0 : i32
      %dma_wait3A_37 = arith.constant 0 : i32
      %dma_wait3A_38 = tpu.memref_slice %arg10[%dma_wait3A_36, %dma_wait3A_37] : memref<328x128xf32, #tpu.memory_space<vmem>> -> memref<320x128xf32, #tpu.memory_space<vmem>>
      tpu.wait_dma2 semaphore(%run_scoped3A : memref<!tpu.dma_semaphore, #tpu.memory_space<semaphore_mem>>) src(%dma_wait3A_38 : memref<320x128xf32, #tpu.memory_space<vmem>>) dst(%dma_wait3A_35 : memref<320x128xf32, #tpu.memory_space<hbm>>)
      tpu.yield
    }) : () -> ()
    return
  }
}

#map = affine_map<(d0, d1) -> (0, 0)>
#map1 = affine_map<(d0, d1) -> (0, 0, 0)>
#map2 = affine_map<(d0, d1) -> (0, 0, 0, 0)>
module attributes {stable_mosaic.version = 14 : i64} {
  func.func @k(%arg0: i32, %arg1: i32, %arg2: memref<10000x128xf32, #tpu.memory_space<hbm>>, %arg3: memref<32x79x128xi32, #tpu.memory_space<hbm>>, %arg4: memref<2x32x79x128xi32, #tpu.memory_space<hbm>>, %arg5: memref<328x128xf32, #tpu.memory_space<hbm>>, %arg6: memref<10240x128xf32, #tpu.memory_space<hbm>>, %arg7: memref<79x128xi32, #tpu.memory_space<vmem>>, %arg8: memref<79x128xi32, #tpu.memory_space<vmem>>, %arg9: memref<128x128xf32, #tpu.memory_space<vmem>>, %arg10: memref<328x128xf32, #tpu.memory_space<vmem>>, %arg11: memref<5248x128xf32, #tpu.memory_space<vmem_shared>>) attributes {dimension_semantics = [#tpu.dimension_semantics<core_parallel>, #tpu.dimension_semantics<subcore_parallel>], iteration_bounds = array<i64: 2, 16>, scalar_prefetch = 0 : i64, scratch_operands = 5 : i64, tpu.core_type = #tpu.core_type<sc_vector_subcore>, window_params = [{transform_indices = #map}, {transform_indices = #map1}, {transform_indices = #map2}, {transform_indices = #map}, {transform_indices = #map}]} {
    "tpu.region"() ({
      %run_scoped3A = tpu.sem_alloc : memref<!tpu.dma_semaphore, #tpu.memory_space<semaphore_mem>>
      tpu.enqueue_dma source(%arg5 : memref<328x128xf32, #tpu.memory_space<hbm>>) target(%arg10 : memref<328x128xf32, #tpu.memory_space<vmem>>) target_semaphore(%run_scoped3A : memref<!tpu.dma_semaphore, #tpu.memory_space<semaphore_mem>>)
      tpu.wait_dma2 semaphore(%run_scoped3A : memref<!tpu.dma_semaphore, #tpu.memory_space<semaphore_mem>>) src(%arg5 : memref<328x128xf32, #tpu.memory_space<hbm>>) dst(%arg10 : memref<328x128xf32, #tpu.memory_space<vmem>>)
      tpu.yield
    }) : () -> ()
    %mul3A = arith.constant 328 : i32
    %mul3A_0 = arith.muli %arg1, %mul3A : i32
    "tpu.region"() ({
      %run_scoped3A = tpu.sem_alloc : memref<!tpu.dma_semaphore, #tpu.memory_space<semaphore_mem>>
      %dma_start3A = arith.constant 0 : i32
      %dma_start3A_21 = tpu.memref_slice %arg11[%mul3A_0, %dma_start3A] : memref<5248x128xf32, #tpu.memory_space<vmem_shared>> -> memref<328x128xf32, #tpu.memory_space<vmem_shared>>
      %dma_start3A_22 = arith.constant 0 : i32
      %dma_start3A_23 = tpu.memref_slice %arg11[%mul3A_0, %dma_start3A_22] : memref<5248x128xf32, #tpu.memory_space<vmem_shared>> -> memref<328x128xf32, #tpu.memory_space<vmem_shared>>
      tpu.enqueue_dma source(%arg10 : memref<328x128xf32, #tpu.memory_space<vmem>>) target(%dma_start3A_23 : memref<328x128xf32, #tpu.memory_space<vmem_shared>>) target_semaphore(%run_scoped3A : memref<!tpu.dma_semaphore, #tpu.memory_space<semaphore_mem>>)
      %dma_wait3A = arith.constant 0 : i32
      %dma_wait3A_24 = tpu.memref_slice %arg11[%mul3A_0, %dma_wait3A] : memref<5248x128xf32, #tpu.memory_space<vmem_shared>> -> memref<328x128xf32, #tpu.memory_space<vmem_shared>>
      %dma_wait3A_25 = arith.constant 0 : i32
      %dma_wait3A_26 = tpu.memref_slice %arg11[%mul3A_0, %dma_wait3A_25] : memref<5248x128xf32, #tpu.memory_space<vmem_shared>> -> memref<328x128xf32, #tpu.memory_space<vmem_shared>>
      tpu.wait_dma2 semaphore(%run_scoped3A : memref<!tpu.dma_semaphore, #tpu.memory_space<semaphore_mem>>) src(%arg10 : memref<328x128xf32, #tpu.memory_space<vmem>>) dst(%dma_wait3A_26 : memref<328x128xf32, #tpu.memory_space<vmem_shared>>)
      tpu.yield
    }) : () -> ()
    %barrier3A = arith.constant 0 : index
    tpu.barrier barrier_id(%barrier3A)
    %add3A = arith.constant 0 : i32
    %add3A_1 = arith.addi %add3A, %arg1 : i32
    "tpu.region"() ({
      %run_scoped3A = tpu.sem_alloc : memref<!tpu.dma_semaphore, #tpu.memory_space<semaphore_mem>>
      %dma_start3A = arith.constant 0 : i32
      %dma_start3A_21 = arith.constant 0 : i32
      %dma_start3A_22 = tpu.memref_slice %arg3[%add3A_1, %dma_start3A, %dma_start3A_21] : memref<32x79x128xi32, #tpu.memory_space<hbm>> -> memref<1x79x128xi32, #tpu.memory_space<hbm>>
      %dma_start3A_23 = tpu.memref_squeeze %dma_start3A_22 : memref<1x79x128xi32, #tpu.memory_space<hbm>> -> memref<79x128xi32, #tpu.memory_space<hbm>>
      %dma_start3A_24 = arith.constant 0 : i32
      %dma_start3A_25 = arith.constant 0 : i32
      %dma_start3A_26 = tpu.memref_slice %arg3[%add3A_1, %dma_start3A_24, %dma_start3A_25] : memref<32x79x128xi32, #tpu.memory_space<hbm>> -> memref<1x79x128xi32, #tpu.memory_space<hbm>>
      %dma_start3A_27 = tpu.memref_squeeze %dma_start3A_26 : memref<1x79x128xi32, #tpu.memory_space<hbm>> -> memref<79x128xi32, #tpu.memory_space<hbm>>
      tpu.enqueue_dma source(%dma_start3A_27 : memref<79x128xi32, #tpu.memory_space<hbm>>) target(%arg7 : memref<79x128xi32, #tpu.memory_space<vmem>>) target_semaphore(%run_scoped3A : memref<!tpu.dma_semaphore, #tpu.memory_space<semaphore_mem>>)
      %dma_wait3A = arith.constant 0 : i32
      %dma_wait3A_28 = arith.constant 0 : i32
      %dma_wait3A_29 = tpu.memref_slice %arg3[%add3A_1, %dma_wait3A, %dma_wait3A_28] : memref<32x79x128xi32, #tpu.memory_space<hbm>> -> memref<1x79x128xi32, #tpu.memory_space<hbm>>
      %dma_wait3A_30 = tpu.memref_squeeze %dma_wait3A_29 : memref<1x79x128xi32, #tpu.memory_space<hbm>> -> memref<79x128xi32, #tpu.memory_space<hbm>>
      %dma_wait3A_31 = arith.constant 0 : i32
      %dma_wait3A_32 = arith.constant 0 : i32
      %dma_wait3A_33 = tpu.memref_slice %arg3[%add3A_1, %dma_wait3A_31, %dma_wait3A_32] : memref<32x79x128xi32, #tpu.memory_space<hbm>> -> memref<1x79x128xi32, #tpu.memory_space<hbm>>
      %dma_wait3A_34 = tpu.memref_squeeze %dma_wait3A_33 : memref<1x79x128xi32, #tpu.memory_space<hbm>> -> memref<79x128xi32, #tpu.memory_space<hbm>>
      tpu.wait_dma2 semaphore(%run_scoped3A : memref<!tpu.dma_semaphore, #tpu.memory_space<semaphore_mem>>) src(%dma_wait3A_34 : memref<79x128xi32, #tpu.memory_space<hbm>>) dst(%arg7 : memref<79x128xi32, #tpu.memory_space<vmem>>)
      tpu.yield
    }) : () -> ()
    "tpu.region"() ({
      %run_scoped3A = tpu.sem_alloc : memref<!tpu.dma_semaphore, #tpu.memory_space<semaphore_mem>>
      %dma_start3A = arith.constant 0 : i32
      %dma_start3A_21 = arith.constant 0 : i32
      %dma_start3A_22 = arith.constant 0 : i32
      %dma_start3A_23 = tpu.memref_slice %arg4[%arg0, %dma_start3A, %dma_start3A_21, %dma_start3A_22] : memref<2x32x79x128xi32, #tpu.memory_space<hbm>> -> memref<1x32x79x128xi32, #tpu.memory_space<hbm>>
      %dma_start3A_24 = tpu.memref_squeeze %dma_start3A_23 : memref<1x32x79x128xi32, #tpu.memory_space<hbm>> -> memref<32x79x128xi32, #tpu.memory_space<hbm>>
      %dma_start3A_25 = arith.constant 0 : i32
      %dma_start3A_26 = arith.constant 0 : i32
      %dma_start3A_27 = tpu.memref_slice %dma_start3A_24[%add3A_1, %dma_start3A_25, %dma_start3A_26] : memref<32x79x128xi32, #tpu.memory_space<hbm>> -> memref<1x79x128xi32, #tpu.memory_space<hbm>>
      %dma_start3A_28 = tpu.memref_squeeze %dma_start3A_27 : memref<1x79x128xi32, #tpu.memory_space<hbm>> -> memref<79x128xi32, #tpu.memory_space<hbm>>
      %dma_start3A_29 = arith.constant 0 : i32
      %dma_start3A_30 = arith.constant 0 : i32
      %dma_start3A_31 = arith.constant 0 : i32
      %dma_start3A_32 = tpu.memref_slice %arg4[%arg0, %dma_start3A_29, %dma_start3A_30, %dma_start3A_31] : memref<2x32x79x128xi32, #tpu.memory_space<hbm>> -> memref<1x32x79x128xi32, #tpu.memory_space<hbm>>
      %dma_start3A_33 = tpu.memref_squeeze %dma_start3A_32 : memref<1x32x79x128xi32, #tpu.memory_space<hbm>> -> memref<32x79x128xi32, #tpu.memory_space<hbm>>
      %dma_start3A_34 = arith.constant 0 : i32
      %dma_start3A_35 = arith.constant 0 : i32
      %dma_start3A_36 = tpu.memref_slice %dma_start3A_33[%add3A_1, %dma_start3A_34, %dma_start3A_35] : memref<32x79x128xi32, #tpu.memory_space<hbm>> -> memref<1x79x128xi32, #tpu.memory_space<hbm>>
      %dma_start3A_37 = tpu.memref_squeeze %dma_start3A_36 : memref<1x79x128xi32, #tpu.memory_space<hbm>> -> memref<79x128xi32, #tpu.memory_space<hbm>>
      tpu.enqueue_dma source(%dma_start3A_37 : memref<79x128xi32, #tpu.memory_space<hbm>>) target(%arg8 : memref<79x128xi32, #tpu.memory_space<vmem>>) target_semaphore(%run_scoped3A : memref<!tpu.dma_semaphore, #tpu.memory_space<semaphore_mem>>)
      %dma_wait3A = arith.constant 0 : i32
      %dma_wait3A_38 = arith.constant 0 : i32
      %dma_wait3A_39 = arith.constant 0 : i32
      %dma_wait3A_40 = tpu.memref_slice %arg4[%arg0, %dma_wait3A, %dma_wait3A_38, %dma_wait3A_39] : memref<2x32x79x128xi32, #tpu.memory_space<hbm>> -> memref<1x32x79x128xi32, #tpu.memory_space<hbm>>
      %dma_wait3A_41 = tpu.memref_squeeze %dma_wait3A_40 : memref<1x32x79x128xi32, #tpu.memory_space<hbm>> -> memref<32x79x128xi32, #tpu.memory_space<hbm>>
      %dma_wait3A_42 = arith.constant 0 : i32
      %dma_wait3A_43 = arith.constant 0 : i32
      %dma_wait3A_44 = tpu.memref_slice %dma_wait3A_41[%add3A_1, %dma_wait3A_42, %dma_wait3A_43] : memref<32x79x128xi32, #tpu.memory_space<hbm>> -> memref<1x79x128xi32, #tpu.memory_space<hbm>>
      %dma_wait3A_45 = tpu.memref_squeeze %dma_wait3A_44 : memref<1x79x128xi32, #tpu.memory_space<hbm>> -> memref<79x128xi32, #tpu.memory_space<hbm>>
      %dma_wait3A_46 = arith.constant 0 : i32
      %dma_wait3A_47 = arith.constant 0 : i32
      %dma_wait3A_48 = arith.constant 0 : i32
      %dma_wait3A_49 = tpu.memref_slice %arg4[%arg0, %dma_wait3A_46, %dma_wait3A_47, %dma_wait3A_48] : memref<2x32x79x128xi32, #tpu.memory_space<hbm>> -> memref<1x32x79x128xi32, #tpu.memory_space<hbm>>
      %dma_wait3A_50 = tpu.memref_squeeze %dma_wait3A_49 : memref<1x32x79x128xi32, #tpu.memory_space<hbm>> -> memref<32x79x128xi32, #tpu.memory_space<hbm>>
      %dma_wait3A_51 = arith.constant 0 : i32
      %dma_wait3A_52 = arith.constant 0 : i32
      %dma_wait3A_53 = tpu.memref_slice %dma_wait3A_50[%add3A_1, %dma_wait3A_51, %dma_wait3A_52] : memref<32x79x128xi32, #tpu.memory_space<hbm>> -> memref<1x79x128xi32, #tpu.memory_space<hbm>>
      %dma_wait3A_54 = tpu.memref_squeeze %dma_wait3A_53 : memref<1x79x128xi32, #tpu.memory_space<hbm>> -> memref<79x128xi32, #tpu.memory_space<hbm>>
      tpu.wait_dma2 semaphore(%run_scoped3A : memref<!tpu.dma_semaphore, #tpu.memory_space<semaphore_mem>>) src(%dma_wait3A_54 : memref<79x128xi32, #tpu.memory_space<hbm>>) dst(%arg8 : memref<79x128xi32, #tpu.memory_space<vmem>>)
      tpu.yield
    }) : () -> ()
    %scan3A = arith.constant 0 : i32
    %scan3A_2 = arith.constant 79 : i32
    %scan3A_3 = arith.addi %scan3A, %scan3A_2 : i32
    %scan3A_4 = arith.constant 1 : i32
    scf.for %scan3A_21 = %scan3A to %scan3A_3 step %scan3A_4  : i32 {
      %mul3A_22 = arith.constant 1 : i32
      %mul3A_23 = arith.muli %scan3A_21, %mul3A_22 : i32
      %add3A_24 = arith.constant 0 : i32
      %add3A_25 = arith.addi %add3A_24, %mul3A_23 : i32
      "tpu.region"() ({
        %run_scoped3A = tpu.sem_alloc : memref<!tpu.dma_semaphore, #tpu.memory_space<semaphore_mem>>
        %dma_start3A = arith.constant 0 : i32
        %dma_start3A_26 = tpu.memref_slice %arg7[%add3A_25, %dma_start3A] : memref<79x128xi32, #tpu.memory_space<vmem>> -> memref<1x128xi32, #tpu.memory_space<vmem>>
        %dma_start3A_27 = tpu.memref_squeeze %dma_start3A_26 : memref<1x128xi32, #tpu.memory_space<vmem>> -> memref<128xi32, #tpu.memory_space<vmem>>
        %dma_start3A_28 = arith.constant 0 : i32
        %dma_start3A_29 = arith.constant 0 : i32
        %dma_start3A_30 = tpu.memref_slice %arg2[%dma_start3A_28, %dma_start3A_29] : memref<10000x128xf32, #tpu.memory_space<hbm>> -> memref<10000x128xf32, #tpu.memory_space<hbm>>
        tpu.enqueue_indirect_dma source(%dma_start3A_30 : memref<10000x128xf32, #tpu.memory_space<hbm>>) target(%arg9 : memref<128x128xf32, #tpu.memory_space<vmem>>) offsets(%dma_start3A_27 : memref<128xi32, #tpu.memory_space<vmem>>) semaphore(%run_scoped3A : memref<!tpu.dma_semaphore, #tpu.memory_space<semaphore_mem>>)
        %dma_wait3A = arith.constant 0 : i32
        %dma_wait3A_31 = tpu.memref_slice %arg7[%add3A_25, %dma_wait3A] : memref<79x128xi32, #tpu.memory_space<vmem>> -> memref<1x128xi32, #tpu.memory_space<vmem>>
        %dma_wait3A_32 = tpu.memref_squeeze %dma_wait3A_31 : memref<1x128xi32, #tpu.memory_space<vmem>> -> memref<128xi32, #tpu.memory_space<vmem>>
        %dma_wait3A_33 = arith.constant 0 : i32
        %dma_wait3A_34 = arith.constant 0 : i32
        %dma_wait3A_35 = tpu.memref_slice %arg2[%dma_wait3A_33, %dma_wait3A_34] : memref<10000x128xf32, #tpu.memory_space<hbm>> -> memref<10000x128xf32, #tpu.memory_space<hbm>>
        tpu.wait_indirect_dma semaphore(%run_scoped3A : memref<!tpu.dma_semaphore, #tpu.memory_space<semaphore_mem>>) src(%dma_wait3A_35 : memref<10000x128xf32, #tpu.memory_space<hbm>>) dst(%arg9 : memref<128x128xf32, #tpu.memory_space<vmem>>)
        tpu.yield
      }) : () -> ()
      "tpu.region"() ({
        %run_scoped3A = tpu.sem_alloc : memref<!tpu.dma_semaphore, #tpu.memory_space<semaphore_mem>>
        %dma_start3A = arith.constant 0 : i32
        %dma_start3A_26 = tpu.memref_slice %arg8[%add3A_25, %dma_start3A] : memref<79x128xi32, #tpu.memory_space<vmem>> -> memref<1x128xi32, #tpu.memory_space<vmem>>
        %dma_start3A_27 = tpu.memref_squeeze %dma_start3A_26 : memref<1x128xi32, #tpu.memory_space<vmem>> -> memref<128xi32, #tpu.memory_space<vmem>>
        %dma_start3A_28 = arith.constant 0 : i32
        %dma_start3A_29 = arith.constant 0 : i32
        %dma_start3A_30 = tpu.memref_slice %arg11[%dma_start3A_28, %dma_start3A_29] : memref<5248x128xf32, #tpu.memory_space<vmem_shared>> -> memref<5248x128xf32, #tpu.memory_space<vmem_shared>>
        tpu.enqueue_indirect_dma source(%arg9 : memref<128x128xf32, #tpu.memory_space<vmem>>) target(%dma_start3A_30 : memref<5248x128xf32, #tpu.memory_space<vmem_shared>>) offsets(%dma_start3A_27 : memref<128xi32, #tpu.memory_space<vmem>>) semaphore(%run_scoped3A : memref<!tpu.dma_semaphore, #tpu.memory_space<semaphore_mem>>) {add = true}
        %dma_wait3A = arith.constant 0 : i32
        %dma_wait3A_31 = tpu.memref_slice %arg8[%add3A_25, %dma_wait3A] : memref<79x128xi32, #tpu.memory_space<vmem>> -> memref<1x128xi32, #tpu.memory_space<vmem>>
        %dma_wait3A_32 = tpu.memref_squeeze %dma_wait3A_31 : memref<1x128xi32, #tpu.memory_space<vmem>> -> memref<128xi32, #tpu.memory_space<vmem>>
        %dma_wait3A_33 = arith.constant 0 : i32
        %dma_wait3A_34 = arith.constant 0 : i32
        %dma_wait3A_35 = tpu.memref_slice %arg11[%dma_wait3A_33, %dma_wait3A_34] : memref<5248x128xf32, #tpu.memory_space<vmem_shared>> -> memref<5248x128xf32, #tpu.memory_space<vmem_shared>>
        tpu.wait_indirect_dma semaphore(%run_scoped3A : memref<!tpu.dma_semaphore, #tpu.memory_space<semaphore_mem>>) src(%arg9 : memref<128x128xf32, #tpu.memory_space<vmem>>) dst(%dma_wait3A_35 : memref<5248x128xf32, #tpu.memory_space<vmem_shared>>)
        tpu.yield
      }) : () -> ()
    }
    %scan3A_5 = arith.constant 79 : i32
    %add3A_6 = arith.constant 16 : i32
    %add3A_7 = arith.addi %add3A_6, %arg1 : i32
    "tpu.region"() ({
      %run_scoped3A = tpu.sem_alloc : memref<!tpu.dma_semaphore, #tpu.memory_space<semaphore_mem>>
      %dma_start3A = arith.constant 0 : i32
      %dma_start3A_21 = arith.constant 0 : i32
      %dma_start3A_22 = tpu.memref_slice %arg3[%add3A_7, %dma_start3A, %dma_start3A_21] : memref<32x79x128xi32, #tpu.memory_space<hbm>> -> memref<1x79x128xi32, #tpu.memory_space<hbm>>
      %dma_start3A_23 = tpu.memref_squeeze %dma_start3A_22 : memref<1x79x128xi32, #tpu.memory_space<hbm>> -> memref<79x128xi32, #tpu.memory_space<hbm>>
      %dma_start3A_24 = arith.constant 0 : i32
      %dma_start3A_25 = arith.constant 0 : i32
      %dma_start3A_26 = tpu.memref_slice %arg3[%add3A_7, %dma_start3A_24, %dma_start3A_25] : memref<32x79x128xi32, #tpu.memory_space<hbm>> -> memref<1x79x128xi32, #tpu.memory_space<hbm>>
      %dma_start3A_27 = tpu.memref_squeeze %dma_start3A_26 : memref<1x79x128xi32, #tpu.memory_space<hbm>> -> memref<79x128xi32, #tpu.memory_space<hbm>>
      tpu.enqueue_dma source(%dma_start3A_27 : memref<79x128xi32, #tpu.memory_space<hbm>>) target(%arg7 : memref<79x128xi32, #tpu.memory_space<vmem>>) target_semaphore(%run_scoped3A : memref<!tpu.dma_semaphore, #tpu.memory_space<semaphore_mem>>)
      %dma_wait3A = arith.constant 0 : i32
      %dma_wait3A_28 = arith.constant 0 : i32
      %dma_wait3A_29 = tpu.memref_slice %arg3[%add3A_7, %dma_wait3A, %dma_wait3A_28] : memref<32x79x128xi32, #tpu.memory_space<hbm>> -> memref<1x79x128xi32, #tpu.memory_space<hbm>>
      %dma_wait3A_30 = tpu.memref_squeeze %dma_wait3A_29 : memref<1x79x128xi32, #tpu.memory_space<hbm>> -> memref<79x128xi32, #tpu.memory_space<hbm>>
      %dma_wait3A_31 = arith.constant 0 : i32
      %dma_wait3A_32 = arith.constant 0 : i32
      %dma_wait3A_33 = tpu.memref_slice %arg3[%add3A_7, %dma_wait3A_31, %dma_wait3A_32] : memref<32x79x128xi32, #tpu.memory_space<hbm>> -> memref<1x79x128xi32, #tpu.memory_space<hbm>>
      %dma_wait3A_34 = tpu.memref_squeeze %dma_wait3A_33 : memref<1x79x128xi32, #tpu.memory_space<hbm>> -> memref<79x128xi32, #tpu.memory_space<hbm>>
      tpu.wait_dma2 semaphore(%run_scoped3A : memref<!tpu.dma_semaphore, #tpu.memory_space<semaphore_mem>>) src(%dma_wait3A_34 : memref<79x128xi32, #tpu.memory_space<hbm>>) dst(%arg7 : memref<79x128xi32, #tpu.memory_space<vmem>>)
      tpu.yield
    }) : () -> ()
    "tpu.region"() ({
      %run_scoped3A = tpu.sem_alloc : memref<!tpu.dma_semaphore, #tpu.memory_space<semaphore_mem>>
      %dma_start3A = arith.constant 0 : i32
      %dma_start3A_21 = arith.constant 0 : i32
      %dma_start3A_22 = arith.constant 0 : i32
      %dma_start3A_23 = tpu.memref_slice %arg4[%arg0, %dma_start3A, %dma_start3A_21, %dma_start3A_22] : memref<2x32x79x128xi32, #tpu.memory_space<hbm>> -> memref<1x32x79x128xi32, #tpu.memory_space<hbm>>
      %dma_start3A_24 = tpu.memref_squeeze %dma_start3A_23 : memref<1x32x79x128xi32, #tpu.memory_space<hbm>> -> memref<32x79x128xi32, #tpu.memory_space<hbm>>
      %dma_start3A_25 = arith.constant 0 : i32
      %dma_start3A_26 = arith.constant 0 : i32
      %dma_start3A_27 = tpu.memref_slice %dma_start3A_24[%add3A_7, %dma_start3A_25, %dma_start3A_26] : memref<32x79x128xi32, #tpu.memory_space<hbm>> -> memref<1x79x128xi32, #tpu.memory_space<hbm>>
      %dma_start3A_28 = tpu.memref_squeeze %dma_start3A_27 : memref<1x79x128xi32, #tpu.memory_space<hbm>> -> memref<79x128xi32, #tpu.memory_space<hbm>>
      %dma_start3A_29 = arith.constant 0 : i32
      %dma_start3A_30 = arith.constant 0 : i32
      %dma_start3A_31 = arith.constant 0 : i32
      %dma_start3A_32 = tpu.memref_slice %arg4[%arg0, %dma_start3A_29, %dma_start3A_30, %dma_start3A_31] : memref<2x32x79x128xi32, #tpu.memory_space<hbm>> -> memref<1x32x79x128xi32, #tpu.memory_space<hbm>>
      %dma_start3A_33 = tpu.memref_squeeze %dma_start3A_32 : memref<1x32x79x128xi32, #tpu.memory_space<hbm>> -> memref<32x79x128xi32, #tpu.memory_space<hbm>>
      %dma_start3A_34 = arith.constant 0 : i32
      %dma_start3A_35 = arith.constant 0 : i32
      %dma_start3A_36 = tpu.memref_slice %dma_start3A_33[%add3A_7, %dma_start3A_34, %dma_start3A_35] : memref<32x79x128xi32, #tpu.memory_space<hbm>> -> memref<1x79x128xi32, #tpu.memory_space<hbm>>
      %dma_start3A_37 = tpu.memref_squeeze %dma_start3A_36 : memref<1x79x128xi32, #tpu.memory_space<hbm>> -> memref<79x128xi32, #tpu.memory_space<hbm>>
      tpu.enqueue_dma source(%dma_start3A_37 : memref<79x128xi32, #tpu.memory_space<hbm>>) target(%arg8 : memref<79x128xi32, #tpu.memory_space<vmem>>) target_semaphore(%run_scoped3A : memref<!tpu.dma_semaphore, #tpu.memory_space<semaphore_mem>>)
      %dma_wait3A = arith.constant 0 : i32
      %dma_wait3A_38 = arith.constant 0 : i32
      %dma_wait3A_39 = arith.constant 0 : i32
      %dma_wait3A_40 = tpu.memref_slice %arg4[%arg0, %dma_wait3A, %dma_wait3A_38, %dma_wait3A_39] : memref<2x32x79x128xi32, #tpu.memory_space<hbm>> -> memref<1x32x79x128xi32, #tpu.memory_space<hbm>>
      %dma_wait3A_41 = tpu.memref_squeeze %dma_wait3A_40 : memref<1x32x79x128xi32, #tpu.memory_space<hbm>> -> memref<32x79x128xi32, #tpu.memory_space<hbm>>
      %dma_wait3A_42 = arith.constant 0 : i32
      %dma_wait3A_43 = arith.constant 0 : i32
      %dma_wait3A_44 = tpu.memref_slice %dma_wait3A_41[%add3A_7, %dma_wait3A_42, %dma_wait3A_43] : memref<32x79x128xi32, #tpu.memory_space<hbm>> -> memref<1x79x128xi32, #tpu.memory_space<hbm>>
      %dma_wait3A_45 = tpu.memref_squeeze %dma_wait3A_44 : memref<1x79x128xi32, #tpu.memory_space<hbm>> -> memref<79x128xi32, #tpu.memory_space<hbm>>
      %dma_wait3A_46 = arith.constant 0 : i32
      %dma_wait3A_47 = arith.constant 0 : i32
      %dma_wait3A_48 = arith.constant 0 : i32
      %dma_wait3A_49 = tpu.memref_slice %arg4[%arg0, %dma_wait3A_46, %dma_wait3A_47, %dma_wait3A_48] : memref<2x32x79x128xi32, #tpu.memory_space<hbm>> -> memref<1x32x79x128xi32, #tpu.memory_space<hbm>>
      %dma_wait3A_50 = tpu.memref_squeeze %dma_wait3A_49 : memref<1x32x79x128xi32, #tpu.memory_space<hbm>> -> memref<32x79x128xi32, #tpu.memory_space<hbm>>
      %dma_wait3A_51 = arith.constant 0 : i32
      %dma_wait3A_52 = arith.constant 0 : i32
      %dma_wait3A_53 = tpu.memref_slice %dma_wait3A_50[%add3A_7, %dma_wait3A_51, %dma_wait3A_52] : memref<32x79x128xi32, #tpu.memory_space<hbm>> -> memref<1x79x128xi32, #tpu.memory_space<hbm>>
      %dma_wait3A_54 = tpu.memref_squeeze %dma_wait3A_53 : memref<1x79x128xi32, #tpu.memory_space<hbm>> -> memref<79x128xi32, #tpu.memory_space<hbm>>
      tpu.wait_dma2 semaphore(%run_scoped3A : memref<!tpu.dma_semaphore, #tpu.memory_space<semaphore_mem>>) src(%dma_wait3A_54 : memref<79x128xi32, #tpu.memory_space<hbm>>) dst(%arg8 : memref<79x128xi32, #tpu.memory_space<vmem>>)
      tpu.yield
    }) : () -> ()
    %scan3A_8 = arith.constant 0 : i32
    %scan3A_9 = arith.constant 79 : i32
    %scan3A_10 = arith.addi %scan3A_8, %scan3A_9 : i32
    %scan3A_11 = arith.constant 1 : i32
    scf.for %scan3A_21 = %scan3A_8 to %scan3A_10 step %scan3A_11  : i32 {
      %mul3A_22 = arith.constant 1 : i32
      %mul3A_23 = arith.muli %scan3A_21, %mul3A_22 : i32
      %add3A_24 = arith.constant 0 : i32
      %add3A_25 = arith.addi %add3A_24, %mul3A_23 : i32
      "tpu.region"() ({
        %run_scoped3A = tpu.sem_alloc : memref<!tpu.dma_semaphore, #tpu.memory_space<semaphore_mem>>
        %dma_start3A = arith.constant 0 : i32
        %dma_start3A_26 = tpu.memref_slice %arg7[%add3A_25, %dma_start3A] : memref<79x128xi32, #tpu.memory_space<vmem>> -> memref<1x128xi32, #tpu.memory_space<vmem>>
        %dma_start3A_27 = tpu.memref_squeeze %dma_start3A_26 : memref<1x128xi32, #tpu.memory_space<vmem>> -> memref<128xi32, #tpu.memory_space<vmem>>
        %dma_start3A_28 = arith.constant 0 : i32
        %dma_start3A_29 = arith.constant 0 : i32
        %dma_start3A_30 = tpu.memref_slice %arg2[%dma_start3A_28, %dma_start3A_29] : memref<10000x128xf32, #tpu.memory_space<hbm>> -> memref<10000x128xf32, #tpu.memory_space<hbm>>
        tpu.enqueue_indirect_dma source(%dma_start3A_30 : memref<10000x128xf32, #tpu.memory_space<hbm>>) target(%arg9 : memref<128x128xf32, #tpu.memory_space<vmem>>) offsets(%dma_start3A_27 : memref<128xi32, #tpu.memory_space<vmem>>) semaphore(%run_scoped3A : memref<!tpu.dma_semaphore, #tpu.memory_space<semaphore_mem>>)
        %dma_wait3A = arith.constant 0 : i32
        %dma_wait3A_31 = tpu.memref_slice %arg7[%add3A_25, %dma_wait3A] : memref<79x128xi32, #tpu.memory_space<vmem>> -> memref<1x128xi32, #tpu.memory_space<vmem>>
        %dma_wait3A_32 = tpu.memref_squeeze %dma_wait3A_31 : memref<1x128xi32, #tpu.memory_space<vmem>> -> memref<128xi32, #tpu.memory_space<vmem>>
        %dma_wait3A_33 = arith.constant 0 : i32
        %dma_wait3A_34 = arith.constant 0 : i32
        %dma_wait3A_35 = tpu.memref_slice %arg2[%dma_wait3A_33, %dma_wait3A_34] : memref<10000x128xf32, #tpu.memory_space<hbm>> -> memref<10000x128xf32, #tpu.memory_space<hbm>>
        tpu.wait_indirect_dma semaphore(%run_scoped3A : memref<!tpu.dma_semaphore, #tpu.memory_space<semaphore_mem>>) src(%dma_wait3A_35 : memref<10000x128xf32, #tpu.memory_space<hbm>>) dst(%arg9 : memref<128x128xf32, #tpu.memory_space<vmem>>)
        tpu.yield
      }) : () -> ()
      "tpu.region"() ({
        %run_scoped3A = tpu.sem_alloc : memref<!tpu.dma_semaphore, #tpu.memory_space<semaphore_mem>>
        %dma_start3A = arith.constant 0 : i32
        %dma_start3A_26 = tpu.memref_slice %arg8[%add3A_25, %dma_start3A] : memref<79x128xi32, #tpu.memory_space<vmem>> -> memref<1x128xi32, #tpu.memory_space<vmem>>
        %dma_start3A_27 = tpu.memref_squeeze %dma_start3A_26 : memref<1x128xi32, #tpu.memory_space<vmem>> -> memref<128xi32, #tpu.memory_space<vmem>>
        %dma_start3A_28 = arith.constant 0 : i32
        %dma_start3A_29 = arith.constant 0 : i32
        %dma_start3A_30 = tpu.memref_slice %arg11[%dma_start3A_28, %dma_start3A_29] : memref<5248x128xf32, #tpu.memory_space<vmem_shared>> -> memref<5248x128xf32, #tpu.memory_space<vmem_shared>>
        tpu.enqueue_indirect_dma source(%arg9 : memref<128x128xf32, #tpu.memory_space<vmem>>) target(%dma_start3A_30 : memref<5248x128xf32, #tpu.memory_space<vmem_shared>>) offsets(%dma_start3A_27 : memref<128xi32, #tpu.memory_space<vmem>>) semaphore(%run_scoped3A : memref<!tpu.dma_semaphore, #tpu.memory_space<semaphore_mem>>) {add = true}
        %dma_wait3A = arith.constant 0 : i32
        %dma_wait3A_31 = tpu.memref_slice %arg8[%add3A_25, %dma_wait3A] : memref<79x128xi32, #tpu.memory_space<vmem>> -> memref<1x128xi32, #tpu.memory_space<vmem>>
        %dma_wait3A_32 = tpu.memref_squeeze %dma_wait3A_31 : memref<1x128xi32, #tpu.memory_space<vmem>> -> memref<128xi32, #tpu.memory_space<vmem>>
        %dma_wait3A_33 = arith.constant 0 : i32
        %dma_wait3A_34 = arith.constant 0 : i32
        %dma_wait3A_35 = tpu.memref_slice %arg11[%dma_wait3A_33, %dma_wait3A_34] : memref<5248x128xf32, #tpu.memory_space<vmem_shared>> -> memref<5248x128xf32, #tpu.memory_space<vmem_shared>>
        tpu.wait_indirect_dma semaphore(%run_scoped3A : memref<!tpu.dma_semaphore, #tpu.memory_space<semaphore_mem>>) src(%arg9 : memref<128x128xf32, #tpu.memory_space<vmem>>) dst(%dma_wait3A_35 : memref<5248x128xf32, #tpu.memory_space<vmem_shared>>)
        tpu.yield
      }) : () -> ()
    }
    %scan3A_12 = arith.constant 79 : i32
    %barrier3A_13 = arith.constant 0 : index
    tpu.barrier barrier_id(%barrier3A_13)
    %mul3A_14 = arith.constant 320 : i32
    %mul3A_15 = arith.muli %arg1, %mul3A_14 : i32
    "tpu.region"() ({
      %run_scoped3A = tpu.sem_alloc : memref<!tpu.dma_semaphore, #tpu.memory_space<semaphore_mem>>
      %dma_start3A = arith.constant 0 : i32
      %dma_start3A_21 = arith.constant 0 : i32
      %dma_start3A_22 = tpu.memref_slice %arg10[%dma_start3A, %dma_start3A_21] : memref<328x128xf32, #tpu.memory_space<vmem>> -> memref<320x128xf32, #tpu.memory_space<vmem>>
      %dma_start3A_23 = arith.constant 0 : i32
      %dma_start3A_24 = tpu.memref_slice %arg11[%mul3A_15, %dma_start3A_23] : memref<5248x128xf32, #tpu.memory_space<vmem_shared>> -> memref<320x128xf32, #tpu.memory_space<vmem_shared>>
      %dma_start3A_25 = arith.constant 0 : i32
      %dma_start3A_26 = arith.constant 0 : i32
      %dma_start3A_27 = tpu.memref_slice %arg10[%dma_start3A_25, %dma_start3A_26] : memref<328x128xf32, #tpu.memory_space<vmem>> -> memref<320x128xf32, #tpu.memory_space<vmem>>
      %dma_start3A_28 = arith.constant 0 : i32
      %dma_start3A_29 = tpu.memref_slice %arg11[%mul3A_15, %dma_start3A_28] : memref<5248x128xf32, #tpu.memory_space<vmem_shared>> -> memref<320x128xf32, #tpu.memory_space<vmem_shared>>
      tpu.enqueue_dma source(%dma_start3A_29 : memref<320x128xf32, #tpu.memory_space<vmem_shared>>) target(%dma_start3A_27 : memref<320x128xf32, #tpu.memory_space<vmem>>) target_semaphore(%run_scoped3A : memref<!tpu.dma_semaphore, #tpu.memory_space<semaphore_mem>>)
      %dma_wait3A = arith.constant 0 : i32
      %dma_wait3A_30 = arith.constant 0 : i32
      %dma_wait3A_31 = tpu.memref_slice %arg10[%dma_wait3A, %dma_wait3A_30] : memref<328x128xf32, #tpu.memory_space<vmem>> -> memref<320x128xf32, #tpu.memory_space<vmem>>
      %dma_wait3A_32 = arith.constant 0 : i32
      %dma_wait3A_33 = tpu.memref_slice %arg11[%mul3A_15, %dma_wait3A_32] : memref<5248x128xf32, #tpu.memory_space<vmem_shared>> -> memref<320x128xf32, #tpu.memory_space<vmem_shared>>
      %dma_wait3A_34 = arith.constant 0 : i32
      %dma_wait3A_35 = arith.constant 0 : i32
      %dma_wait3A_36 = tpu.memref_slice %arg10[%dma_wait3A_34, %dma_wait3A_35] : memref<328x128xf32, #tpu.memory_space<vmem>> -> memref<320x128xf32, #tpu.memory_space<vmem>>
      %dma_wait3A_37 = arith.constant 0 : i32
      %dma_wait3A_38 = tpu.memref_slice %arg11[%mul3A_15, %dma_wait3A_37] : memref<5248x128xf32, #tpu.memory_space<vmem_shared>> -> memref<320x128xf32, #tpu.memory_space<vmem_shared>>
      tpu.wait_dma2 semaphore(%run_scoped3A : memref<!tpu.dma_semaphore, #tpu.memory_space<semaphore_mem>>) src(%dma_wait3A_38 : memref<320x128xf32, #tpu.memory_space<vmem_shared>>) dst(%dma_wait3A_36 : memref<320x128xf32, #tpu.memory_space<vmem>>)
      tpu.yield
    }) : () -> ()
    %mul3A_16 = arith.constant 5120 : i32
    %mul3A_17 = arith.muli %arg0, %mul3A_16 : i32
    %mul3A_18 = arith.constant 320 : i32
    %mul3A_19 = arith.muli %arg1, %mul3A_18 : i32
    %add3A_20 = arith.addi %mul3A_17, %mul3A_19 : i32
    "tpu.region"() ({
      %run_scoped3A = tpu.sem_alloc : memref<!tpu.dma_semaphore, #tpu.memory_space<semaphore_mem>>
      %dma_start3A = arith.constant 0 : i32
      %dma_start3A_21 = arith.constant 0 : i32
      %dma_start3A_22 = tpu.memref_slice %arg10[%dma_start3A, %dma_start3A_21] : memref<328x128xf32, #tpu.memory_space<vmem>> -> memref<320x128xf32, #tpu.memory_space<vmem>>
      %dma_start3A_23 = arith.constant 0 : i32
      %dma_start3A_24 = tpu.memref_slice %arg6[%add3A_20, %dma_start3A_23] : memref<10240x128xf32, #tpu.memory_space<hbm>> -> memref<320x128xf32, #tpu.memory_space<hbm>>
      %dma_start3A_25 = arith.constant 0 : i32
      %dma_start3A_26 = tpu.memref_slice %arg6[%add3A_20, %dma_start3A_25] : memref<10240x128xf32, #tpu.memory_space<hbm>> -> memref<320x128xf32, #tpu.memory_space<hbm>>
      %dma_start3A_27 = arith.constant 0 : i32
      %dma_start3A_28 = arith.constant 0 : i32
      %dma_start3A_29 = tpu.memref_slice %arg10[%dma_start3A_27, %dma_start3A_28] : memref<328x128xf32, #tpu.memory_space<vmem>> -> memref<320x128xf32, #tpu.memory_space<vmem>>
      tpu.enqueue_dma source(%dma_start3A_29 : memref<320x128xf32, #tpu.memory_space<vmem>>) target(%dma_start3A_26 : memref<320x128xf32, #tpu.memory_space<hbm>>) target_semaphore(%run_scoped3A : memref<!tpu.dma_semaphore, #tpu.memory_space<semaphore_mem>>)
      %dma_wait3A = arith.constant 0 : i32
      %dma_wait3A_30 = arith.constant 0 : i32
      %dma_wait3A_31 = tpu.memref_slice %arg10[%dma_wait3A, %dma_wait3A_30] : memref<328x128xf32, #tpu.memory_space<vmem>> -> memref<320x128xf32, #tpu.memory_space<vmem>>
      %dma_wait3A_32 = arith.constant 0 : i32
      %dma_wait3A_33 = tpu.memref_slice %arg6[%add3A_20, %dma_wait3A_32] : memref<10240x128xf32, #tpu.memory_space<hbm>> -> memref<320x128xf32, #tpu.memory_space<hbm>>
      %dma_wait3A_34 = arith.constant 0 : i32
      %dma_wait3A_35 = tpu.memref_slice %arg6[%add3A_20, %dma_wait3A_34] : memref<10240x128xf32, #tpu.memory_space<hbm>> -> memref<320x128xf32, #tpu.memory_space<hbm>>
      %dma_wait3A_36 = arith.constant 0 : i32
      %dma_wait3A_37 = arith.constant 0 : i32
      %dma_wait3A_38 = tpu.memref_slice %arg10[%dma_wait3A_36, %dma_wait3A_37] : memref<328x128xf32, #tpu.memory_space<vmem>> -> memref<320x128xf32, #tpu.memory_space<vmem>>
      tpu.wait_dma2 semaphore(%run_scoped3A : memref<!tpu.dma_semaphore, #tpu.memory_space<semaphore_mem>>) src(%dma_wait3A_38 : memref<320x128xf32, #tpu.memory_space<vmem>>) dst(%dma_wait3A_35 : memref<320x128xf32, #tpu.memory_space<hbm>>)
      tpu.yield
    }) : () -> ()
    return
  }
}

#map = affine_map<(d0, d1) -> (0, 0, 0, 0)>
#map1 = affine_map<(d0, d1) -> (0, 0)>
module attributes {stable_mosaic.version = 14 : i64} {
  func.func @k(%arg0: i32, %arg1: i32, %arg2: memref<2x32x79x128xi32, #tpu.memory_space<hbm>>, %arg3: memref<128x128xf32, #tpu.memory_space<hbm>>, %arg4: memref<328x128xf32, #tpu.memory_space<hbm>>, %arg5: memref<10240x128xf32, #tpu.memory_space<hbm>>, %arg6: memref<79x128xi32, #tpu.memory_space<vmem>>, %arg7: memref<128x128xf32, #tpu.memory_space<vmem>>, %arg8: memref<328x128xf32, #tpu.memory_space<vmem>>, %arg9: memref<5248x128xf32, #tpu.memory_space<vmem_shared>>) attributes {dimension_semantics = [#tpu.dimension_semantics<core_parallel>, #tpu.dimension_semantics<subcore_parallel>], iteration_bounds = array<i64: 2, 16>, scalar_prefetch = 0 : i64, scratch_operands = 4 : i64, tpu.core_type = #tpu.core_type<sc_vector_subcore>, window_params = [{transform_indices = #map}, {transform_indices = #map1}, {transform_indices = #map1}, {transform_indices = #map1}]} {
    "tpu.region"() ({
      %run_scoped3A = tpu.sem_alloc : memref<!tpu.dma_semaphore, #tpu.memory_space<semaphore_mem>>
      tpu.enqueue_dma source(%arg3 : memref<128x128xf32, #tpu.memory_space<hbm>>) target(%arg7 : memref<128x128xf32, #tpu.memory_space<vmem>>) target_semaphore(%run_scoped3A : memref<!tpu.dma_semaphore, #tpu.memory_space<semaphore_mem>>)
      tpu.wait_dma2 semaphore(%run_scoped3A : memref<!tpu.dma_semaphore, #tpu.memory_space<semaphore_mem>>) src(%arg3 : memref<128x128xf32, #tpu.memory_space<hbm>>) dst(%arg7 : memref<128x128xf32, #tpu.memory_space<vmem>>)
      tpu.yield
    }) : () -> ()
    "tpu.region"() ({
      %run_scoped3A = tpu.sem_alloc : memref<!tpu.dma_semaphore, #tpu.memory_space<semaphore_mem>>
      tpu.enqueue_dma source(%arg4 : memref<328x128xf32, #tpu.memory_space<hbm>>) target(%arg8 : memref<328x128xf32, #tpu.memory_space<vmem>>) target_semaphore(%run_scoped3A : memref<!tpu.dma_semaphore, #tpu.memory_space<semaphore_mem>>)
      tpu.wait_dma2 semaphore(%run_scoped3A : memref<!tpu.dma_semaphore, #tpu.memory_space<semaphore_mem>>) src(%arg4 : memref<328x128xf32, #tpu.memory_space<hbm>>) dst(%arg8 : memref<328x128xf32, #tpu.memory_space<vmem>>)
      tpu.yield
    }) : () -> ()
    %mul3A = arith.constant 328 : i32
    %mul3A_0 = arith.muli %arg1, %mul3A : i32
    "tpu.region"() ({
      %run_scoped3A = tpu.sem_alloc : memref<!tpu.dma_semaphore, #tpu.memory_space<semaphore_mem>>
      %dma_start3A = arith.constant 0 : i32
      %dma_start3A_21 = tpu.memref_slice %arg9[%mul3A_0, %dma_start3A] : memref<5248x128xf32, #tpu.memory_space<vmem_shared>> -> memref<328x128xf32, #tpu.memory_space<vmem_shared>>
      %dma_start3A_22 = arith.constant 0 : i32
      %dma_start3A_23 = tpu.memref_slice %arg9[%mul3A_0, %dma_start3A_22] : memref<5248x128xf32, #tpu.memory_space<vmem_shared>> -> memref<328x128xf32, #tpu.memory_space<vmem_shared>>
      tpu.enqueue_dma source(%arg8 : memref<328x128xf32, #tpu.memory_space<vmem>>) target(%dma_start3A_23 : memref<328x128xf32, #tpu.memory_space<vmem_shared>>) target_semaphore(%run_scoped3A : memref<!tpu.dma_semaphore, #tpu.memory_space<semaphore_mem>>)
      %dma_wait3A = arith.constant 0 : i32
      %dma_wait3A_24 = tpu.memref_slice %arg9[%mul3A_0, %dma_wait3A] : memref<5248x128xf32, #tpu.memory_space<vmem_shared>> -> memref<328x128xf32, #tpu.memory_space<vmem_shared>>
      %dma_wait3A_25 = arith.constant 0 : i32
      %dma_wait3A_26 = tpu.memref_slice %arg9[%mul3A_0, %dma_wait3A_25] : memref<5248x128xf32, #tpu.memory_space<vmem_shared>> -> memref<328x128xf32, #tpu.memory_space<vmem_shared>>
      tpu.wait_dma2 semaphore(%run_scoped3A : memref<!tpu.dma_semaphore, #tpu.memory_space<semaphore_mem>>) src(%arg8 : memref<328x128xf32, #tpu.memory_space<vmem>>) dst(%dma_wait3A_26 : memref<328x128xf32, #tpu.memory_space<vmem_shared>>)
      tpu.yield
    }) : () -> ()
    %barrier3A = arith.constant 0 : index
    tpu.barrier barrier_id(%barrier3A)
    %add3A = arith.constant 0 : i32
    %add3A_1 = arith.addi %add3A, %arg1 : i32
    "tpu.region"() ({
      %run_scoped3A = tpu.sem_alloc : memref<!tpu.dma_semaphore, #tpu.memory_space<semaphore_mem>>
      %dma_start3A = arith.constant 0 : i32
      %dma_start3A_21 = arith.constant 0 : i32
      %dma_start3A_22 = arith.constant 0 : i32
      %dma_start3A_23 = tpu.memref_slice %arg2[%arg0, %dma_start3A, %dma_start3A_21, %dma_start3A_22] : memref<2x32x79x128xi32, #tpu.memory_space<hbm>> -> memref<1x32x79x128xi32, #tpu.memory_space<hbm>>
      %dma_start3A_24 = tpu.memref_squeeze %dma_start3A_23 : memref<1x32x79x128xi32, #tpu.memory_space<hbm>> -> memref<32x79x128xi32, #tpu.memory_space<hbm>>
      %dma_start3A_25 = arith.constant 0 : i32
      %dma_start3A_26 = arith.constant 0 : i32
      %dma_start3A_27 = tpu.memref_slice %dma_start3A_24[%add3A_1, %dma_start3A_25, %dma_start3A_26] : memref<32x79x128xi32, #tpu.memory_space<hbm>> -> memref<1x79x128xi32, #tpu.memory_space<hbm>>
      %dma_start3A_28 = tpu.memref_squeeze %dma_start3A_27 : memref<1x79x128xi32, #tpu.memory_space<hbm>> -> memref<79x128xi32, #tpu.memory_space<hbm>>
      %dma_start3A_29 = arith.constant 0 : i32
      %dma_start3A_30 = arith.constant 0 : i32
      %dma_start3A_31 = arith.constant 0 : i32
      %dma_start3A_32 = tpu.memref_slice %arg2[%arg0, %dma_start3A_29, %dma_start3A_30, %dma_start3A_31] : memref<2x32x79x128xi32, #tpu.memory_space<hbm>> -> memref<1x32x79x128xi32, #tpu.memory_space<hbm>>
      %dma_start3A_33 = tpu.memref_squeeze %dma_start3A_32 : memref<1x32x79x128xi32, #tpu.memory_space<hbm>> -> memref<32x79x128xi32, #tpu.memory_space<hbm>>
      %dma_start3A_34 = arith.constant 0 : i32
      %dma_start3A_35 = arith.constant 0 : i32
      %dma_start3A_36 = tpu.memref_slice %dma_start3A_33[%add3A_1, %dma_start3A_34, %dma_start3A_35] : memref<32x79x128xi32, #tpu.memory_space<hbm>> -> memref<1x79x128xi32, #tpu.memory_space<hbm>>
      %dma_start3A_37 = tpu.memref_squeeze %dma_start3A_36 : memref<1x79x128xi32, #tpu.memory_space<hbm>> -> memref<79x128xi32, #tpu.memory_space<hbm>>
      tpu.enqueue_dma source(%dma_start3A_37 : memref<79x128xi32, #tpu.memory_space<hbm>>) target(%arg6 : memref<79x128xi32, #tpu.memory_space<vmem>>) target_semaphore(%run_scoped3A : memref<!tpu.dma_semaphore, #tpu.memory_space<semaphore_mem>>)
      %dma_wait3A = arith.constant 0 : i32
      %dma_wait3A_38 = arith.constant 0 : i32
      %dma_wait3A_39 = arith.constant 0 : i32
      %dma_wait3A_40 = tpu.memref_slice %arg2[%arg0, %dma_wait3A, %dma_wait3A_38, %dma_wait3A_39] : memref<2x32x79x128xi32, #tpu.memory_space<hbm>> -> memref<1x32x79x128xi32, #tpu.memory_space<hbm>>
      %dma_wait3A_41 = tpu.memref_squeeze %dma_wait3A_40 : memref<1x32x79x128xi32, #tpu.memory_space<hbm>> -> memref<32x79x128xi32, #tpu.memory_space<hbm>>
      %dma_wait3A_42 = arith.constant 0 : i32
      %dma_wait3A_43 = arith.constant 0 : i32
      %dma_wait3A_44 = tpu.memref_slice %dma_wait3A_41[%add3A_1, %dma_wait3A_42, %dma_wait3A_43] : memref<32x79x128xi32, #tpu.memory_space<hbm>> -> memref<1x79x128xi32, #tpu.memory_space<hbm>>
      %dma_wait3A_45 = tpu.memref_squeeze %dma_wait3A_44 : memref<1x79x128xi32, #tpu.memory_space<hbm>> -> memref<79x128xi32, #tpu.memory_space<hbm>>
      %dma_wait3A_46 = arith.constant 0 : i32
      %dma_wait3A_47 = arith.constant 0 : i32
      %dma_wait3A_48 = arith.constant 0 : i32
      %dma_wait3A_49 = tpu.memref_slice %arg2[%arg0, %dma_wait3A_46, %dma_wait3A_47, %dma_wait3A_48] : memref<2x32x79x128xi32, #tpu.memory_space<hbm>> -> memref<1x32x79x128xi32, #tpu.memory_space<hbm>>
      %dma_wait3A_50 = tpu.memref_squeeze %dma_wait3A_49 : memref<1x32x79x128xi32, #tpu.memory_space<hbm>> -> memref<32x79x128xi32, #tpu.memory_space<hbm>>
      %dma_wait3A_51 = arith.constant 0 : i32
      %dma_wait3A_52 = arith.constant 0 : i32
      %dma_wait3A_53 = tpu.memref_slice %dma_wait3A_50[%add3A_1, %dma_wait3A_51, %dma_wait3A_52] : memref<32x79x128xi32, #tpu.memory_space<hbm>> -> memref<1x79x128xi32, #tpu.memory_space<hbm>>
      %dma_wait3A_54 = tpu.memref_squeeze %dma_wait3A_53 : memref<1x79x128xi32, #tpu.memory_space<hbm>> -> memref<79x128xi32, #tpu.memory_space<hbm>>
      tpu.wait_dma2 semaphore(%run_scoped3A : memref<!tpu.dma_semaphore, #tpu.memory_space<semaphore_mem>>) src(%dma_wait3A_54 : memref<79x128xi32, #tpu.memory_space<hbm>>) dst(%arg6 : memref<79x128xi32, #tpu.memory_space<vmem>>)
      tpu.yield
    }) : () -> ()
    %scan3A = arith.constant 0 : i32
    %scan3A_2 = arith.constant 79 : i32
    %scan3A_3 = arith.addi %scan3A, %scan3A_2 : i32
    %scan3A_4 = arith.constant 1 : i32
    scf.for %scan3A_21 = %scan3A to %scan3A_3 step %scan3A_4  : i32 {
      %mul3A_22 = arith.constant 1 : i32
      %mul3A_23 = arith.muli %scan3A_21, %mul3A_22 : i32
      %add3A_24 = arith.constant 0 : i32
      %add3A_25 = arith.addi %add3A_24, %mul3A_23 : i32
      "tpu.region"() ({
        %run_scoped3A = tpu.sem_alloc : memref<!tpu.dma_semaphore, #tpu.memory_space<semaphore_mem>>
        %dma_start3A = arith.constant 0 : i32
        %dma_start3A_26 = tpu.memref_slice %arg6[%add3A_25, %dma_start3A] : memref<79x128xi32, #tpu.memory_space<vmem>> -> memref<1x128xi32, #tpu.memory_space<vmem>>
        %dma_start3A_27 = tpu.memref_squeeze %dma_start3A_26 : memref<1x128xi32, #tpu.memory_space<vmem>> -> memref<128xi32, #tpu.memory_space<vmem>>
        %dma_start3A_28 = arith.constant 0 : i32
        %dma_start3A_29 = arith.constant 0 : i32
        %dma_start3A_30 = tpu.memref_slice %arg9[%dma_start3A_28, %dma_start3A_29] : memref<5248x128xf32, #tpu.memory_space<vmem_shared>> -> memref<5248x128xf32, #tpu.memory_space<vmem_shared>>
        tpu.enqueue_indirect_dma source(%arg7 : memref<128x128xf32, #tpu.memory_space<vmem>>) target(%dma_start3A_30 : memref<5248x128xf32, #tpu.memory_space<vmem_shared>>) offsets(%dma_start3A_27 : memref<128xi32, #tpu.memory_space<vmem>>) semaphore(%run_scoped3A : memref<!tpu.dma_semaphore, #tpu.memory_space<semaphore_mem>>) {add = true}
        %dma_wait3A = arith.constant 0 : i32
        %dma_wait3A_31 = tpu.memref_slice %arg6[%add3A_25, %dma_wait3A] : memref<79x128xi32, #tpu.memory_space<vmem>> -> memref<1x128xi32, #tpu.memory_space<vmem>>
        %dma_wait3A_32 = tpu.memref_squeeze %dma_wait3A_31 : memref<1x128xi32, #tpu.memory_space<vmem>> -> memref<128xi32, #tpu.memory_space<vmem>>
        %dma_wait3A_33 = arith.constant 0 : i32
        %dma_wait3A_34 = arith.constant 0 : i32
        %dma_wait3A_35 = tpu.memref_slice %arg9[%dma_wait3A_33, %dma_wait3A_34] : memref<5248x128xf32, #tpu.memory_space<vmem_shared>> -> memref<5248x128xf32, #tpu.memory_space<vmem_shared>>
        tpu.wait_indirect_dma semaphore(%run_scoped3A : memref<!tpu.dma_semaphore, #tpu.memory_space<semaphore_mem>>) src(%arg7 : memref<128x128xf32, #tpu.memory_space<vmem>>) dst(%dma_wait3A_35 : memref<5248x128xf32, #tpu.memory_space<vmem_shared>>)
        tpu.yield
      }) : () -> ()
    }
    %scan3A_5 = arith.constant 79 : i32
    %add3A_6 = arith.constant 16 : i32
    %add3A_7 = arith.addi %add3A_6, %arg1 : i32
    "tpu.region"() ({
      %run_scoped3A = tpu.sem_alloc : memref<!tpu.dma_semaphore, #tpu.memory_space<semaphore_mem>>
      %dma_start3A = arith.constant 0 : i32
      %dma_start3A_21 = arith.constant 0 : i32
      %dma_start3A_22 = arith.constant 0 : i32
      %dma_start3A_23 = tpu.memref_slice %arg2[%arg0, %dma_start3A, %dma_start3A_21, %dma_start3A_22] : memref<2x32x79x128xi32, #tpu.memory_space<hbm>> -> memref<1x32x79x128xi32, #tpu.memory_space<hbm>>
      %dma_start3A_24 = tpu.memref_squeeze %dma_start3A_23 : memref<1x32x79x128xi32, #tpu.memory_space<hbm>> -> memref<32x79x128xi32, #tpu.memory_space<hbm>>
      %dma_start3A_25 = arith.constant 0 : i32
      %dma_start3A_26 = arith.constant 0 : i32
      %dma_start3A_27 = tpu.memref_slice %dma_start3A_24[%add3A_7, %dma_start3A_25, %dma_start3A_26] : memref<32x79x128xi32, #tpu.memory_space<hbm>> -> memref<1x79x128xi32, #tpu.memory_space<hbm>>
      %dma_start3A_28 = tpu.memref_squeeze %dma_start3A_27 : memref<1x79x128xi32, #tpu.memory_space<hbm>> -> memref<79x128xi32, #tpu.memory_space<hbm>>
      %dma_start3A_29 = arith.constant 0 : i32
      %dma_start3A_30 = arith.constant 0 : i32
      %dma_start3A_31 = arith.constant 0 : i32
      %dma_start3A_32 = tpu.memref_slice %arg2[%arg0, %dma_start3A_29, %dma_start3A_30, %dma_start3A_31] : memref<2x32x79x128xi32, #tpu.memory_space<hbm>> -> memref<1x32x79x128xi32, #tpu.memory_space<hbm>>
      %dma_start3A_33 = tpu.memref_squeeze %dma_start3A_32 : memref<1x32x79x128xi32, #tpu.memory_space<hbm>> -> memref<32x79x128xi32, #tpu.memory_space<hbm>>
      %dma_start3A_34 = arith.constant 0 : i32
      %dma_start3A_35 = arith.constant 0 : i32
      %dma_start3A_36 = tpu.memref_slice %dma_start3A_33[%add3A_7, %dma_start3A_34, %dma_start3A_35] : memref<32x79x128xi32, #tpu.memory_space<hbm>> -> memref<1x79x128xi32, #tpu.memory_space<hbm>>
      %dma_start3A_37 = tpu.memref_squeeze %dma_start3A_36 : memref<1x79x128xi32, #tpu.memory_space<hbm>> -> memref<79x128xi32, #tpu.memory_space<hbm>>
      tpu.enqueue_dma source(%dma_start3A_37 : memref<79x128xi32, #tpu.memory_space<hbm>>) target(%arg6 : memref<79x128xi32, #tpu.memory_space<vmem>>) target_semaphore(%run_scoped3A : memref<!tpu.dma_semaphore, #tpu.memory_space<semaphore_mem>>)
      %dma_wait3A = arith.constant 0 : i32
      %dma_wait3A_38 = arith.constant 0 : i32
      %dma_wait3A_39 = arith.constant 0 : i32
      %dma_wait3A_40 = tpu.memref_slice %arg2[%arg0, %dma_wait3A, %dma_wait3A_38, %dma_wait3A_39] : memref<2x32x79x128xi32, #tpu.memory_space<hbm>> -> memref<1x32x79x128xi32, #tpu.memory_space<hbm>>
      %dma_wait3A_41 = tpu.memref_squeeze %dma_wait3A_40 : memref<1x32x79x128xi32, #tpu.memory_space<hbm>> -> memref<32x79x128xi32, #tpu.memory_space<hbm>>
      %dma_wait3A_42 = arith.constant 0 : i32
      %dma_wait3A_43 = arith.constant 0 : i32
      %dma_wait3A_44 = tpu.memref_slice %dma_wait3A_41[%add3A_7, %dma_wait3A_42, %dma_wait3A_43] : memref<32x79x128xi32, #tpu.memory_space<hbm>> -> memref<1x79x128xi32, #tpu.memory_space<hbm>>
      %dma_wait3A_45 = tpu.memref_squeeze %dma_wait3A_44 : memref<1x79x128xi32, #tpu.memory_space<hbm>> -> memref<79x128xi32, #tpu.memory_space<hbm>>
      %dma_wait3A_46 = arith.constant 0 : i32
      %dma_wait3A_47 = arith.constant 0 : i32
      %dma_wait3A_48 = arith.constant 0 : i32
      %dma_wait3A_49 = tpu.memref_slice %arg2[%arg0, %dma_wait3A_46, %dma_wait3A_47, %dma_wait3A_48] : memref<2x32x79x128xi32, #tpu.memory_space<hbm>> -> memref<1x32x79x128xi32, #tpu.memory_space<hbm>>
      %dma_wait3A_50 = tpu.memref_squeeze %dma_wait3A_49 : memref<1x32x79x128xi32, #tpu.memory_space<hbm>> -> memref<32x79x128xi32, #tpu.memory_space<hbm>>
      %dma_wait3A_51 = arith.constant 0 : i32
      %dma_wait3A_52 = arith.constant 0 : i32
      %dma_wait3A_53 = tpu.memref_slice %dma_wait3A_50[%add3A_7, %dma_wait3A_51, %dma_wait3A_52] : memref<32x79x128xi32, #tpu.memory_space<hbm>> -> memref<1x79x128xi32, #tpu.memory_space<hbm>>
      %dma_wait3A_54 = tpu.memref_squeeze %dma_wait3A_53 : memref<1x79x128xi32, #tpu.memory_space<hbm>> -> memref<79x128xi32, #tpu.memory_space<hbm>>
      tpu.wait_dma2 semaphore(%run_scoped3A : memref<!tpu.dma_semaphore, #tpu.memory_space<semaphore_mem>>) src(%dma_wait3A_54 : memref<79x128xi32, #tpu.memory_space<hbm>>) dst(%arg6 : memref<79x128xi32, #tpu.memory_space<vmem>>)
      tpu.yield
    }) : () -> ()
    %scan3A_8 = arith.constant 0 : i32
    %scan3A_9 = arith.constant 79 : i32
    %scan3A_10 = arith.addi %scan3A_8, %scan3A_9 : i32
    %scan3A_11 = arith.constant 1 : i32
    scf.for %scan3A_21 = %scan3A_8 to %scan3A_10 step %scan3A_11  : i32 {
      %mul3A_22 = arith.constant 1 : i32
      %mul3A_23 = arith.muli %scan3A_21, %mul3A_22 : i32
      %add3A_24 = arith.constant 0 : i32
      %add3A_25 = arith.addi %add3A_24, %mul3A_23 : i32
      "tpu.region"() ({
        %run_scoped3A = tpu.sem_alloc : memref<!tpu.dma_semaphore, #tpu.memory_space<semaphore_mem>>
        %dma_start3A = arith.constant 0 : i32
        %dma_start3A_26 = tpu.memref_slice %arg6[%add3A_25, %dma_start3A] : memref<79x128xi32, #tpu.memory_space<vmem>> -> memref<1x128xi32, #tpu.memory_space<vmem>>
        %dma_start3A_27 = tpu.memref_squeeze %dma_start3A_26 : memref<1x128xi32, #tpu.memory_space<vmem>> -> memref<128xi32, #tpu.memory_space<vmem>>
        %dma_start3A_28 = arith.constant 0 : i32
        %dma_start3A_29 = arith.constant 0 : i32
        %dma_start3A_30 = tpu.memref_slice %arg9[%dma_start3A_28, %dma_start3A_29] : memref<5248x128xf32, #tpu.memory_space<vmem_shared>> -> memref<5248x128xf32, #tpu.memory_space<vmem_shared>>
        tpu.enqueue_indirect_dma source(%arg7 : memref<128x128xf32, #tpu.memory_space<vmem>>) target(%dma_start3A_30 : memref<5248x128xf32, #tpu.memory_space<vmem_shared>>) offsets(%dma_start3A_27 : memref<128xi32, #tpu.memory_space<vmem>>) semaphore(%run_scoped3A : memref<!tpu.dma_semaphore, #tpu.memory_space<semaphore_mem>>) {add = true}
        %dma_wait3A = arith.constant 0 : i32
        %dma_wait3A_31 = tpu.memref_slice %arg6[%add3A_25, %dma_wait3A] : memref<79x128xi32, #tpu.memory_space<vmem>> -> memref<1x128xi32, #tpu.memory_space<vmem>>
        %dma_wait3A_32 = tpu.memref_squeeze %dma_wait3A_31 : memref<1x128xi32, #tpu.memory_space<vmem>> -> memref<128xi32, #tpu.memory_space<vmem>>
        %dma_wait3A_33 = arith.constant 0 : i32
        %dma_wait3A_34 = arith.constant 0 : i32
        %dma_wait3A_35 = tpu.memref_slice %arg9[%dma_wait3A_33, %dma_wait3A_34] : memref<5248x128xf32, #tpu.memory_space<vmem_shared>> -> memref<5248x128xf32, #tpu.memory_space<vmem_shared>>
        tpu.wait_indirect_dma semaphore(%run_scoped3A : memref<!tpu.dma_semaphore, #tpu.memory_space<semaphore_mem>>) src(%arg7 : memref<128x128xf32, #tpu.memory_space<vmem>>) dst(%dma_wait3A_35 : memref<5248x128xf32, #tpu.memory_space<vmem_shared>>)
        tpu.yield
      }) : () -> ()
    }
    %scan3A_12 = arith.constant 79 : i32
    %barrier3A_13 = arith.constant 0 : index
    tpu.barrier barrier_id(%barrier3A_13)
    %mul3A_14 = arith.constant 320 : i32
    %mul3A_15 = arith.muli %arg1, %mul3A_14 : i32
    "tpu.region"() ({
      %run_scoped3A = tpu.sem_alloc : memref<!tpu.dma_semaphore, #tpu.memory_space<semaphore_mem>>
      %dma_start3A = arith.constant 0 : i32
      %dma_start3A_21 = arith.constant 0 : i32
      %dma_start3A_22 = tpu.memref_slice %arg8[%dma_start3A, %dma_start3A_21] : memref<328x128xf32, #tpu.memory_space<vmem>> -> memref<320x128xf32, #tpu.memory_space<vmem>>
      %dma_start3A_23 = arith.constant 0 : i32
      %dma_start3A_24 = tpu.memref_slice %arg9[%mul3A_15, %dma_start3A_23] : memref<5248x128xf32, #tpu.memory_space<vmem_shared>> -> memref<320x128xf32, #tpu.memory_space<vmem_shared>>
      %dma_start3A_25 = arith.constant 0 : i32
      %dma_start3A_26 = arith.constant 0 : i32
      %dma_start3A_27 = tpu.memref_slice %arg8[%dma_start3A_25, %dma_start3A_26] : memref<328x128xf32, #tpu.memory_space<vmem>> -> memref<320x128xf32, #tpu.memory_space<vmem>>
      %dma_start3A_28 = arith.constant 0 : i32
      %dma_start3A_29 = tpu.memref_slice %arg9[%mul3A_15, %dma_start3A_28] : memref<5248x128xf32, #tpu.memory_space<vmem_shared>> -> memref<320x128xf32, #tpu.memory_space<vmem_shared>>
      tpu.enqueue_dma source(%dma_start3A_29 : memref<320x128xf32, #tpu.memory_space<vmem_shared>>) target(%dma_start3A_27 : memref<320x128xf32, #tpu.memory_space<vmem>>) target_semaphore(%run_scoped3A : memref<!tpu.dma_semaphore, #tpu.memory_space<semaphore_mem>>)
      %dma_wait3A = arith.constant 0 : i32
      %dma_wait3A_30 = arith.constant 0 : i32
      %dma_wait3A_31 = tpu.memref_slice %arg8[%dma_wait3A, %dma_wait3A_30] : memref<328x128xf32, #tpu.memory_space<vmem>> -> memref<320x128xf32, #tpu.memory_space<vmem>>
      %dma_wait3A_32 = arith.constant 0 : i32
      %dma_wait3A_33 = tpu.memref_slice %arg9[%mul3A_15, %dma_wait3A_32] : memref<5248x128xf32, #tpu.memory_space<vmem_shared>> -> memref<320x128xf32, #tpu.memory_space<vmem_shared>>
      %dma_wait3A_34 = arith.constant 0 : i32
      %dma_wait3A_35 = arith.constant 0 : i32
      %dma_wait3A_36 = tpu.memref_slice %arg8[%dma_wait3A_34, %dma_wait3A_35] : memref<328x128xf32, #tpu.memory_space<vmem>> -> memref<320x128xf32, #tpu.memory_space<vmem>>
      %dma_wait3A_37 = arith.constant 0 : i32
      %dma_wait3A_38 = tpu.memref_slice %arg9[%mul3A_15, %dma_wait3A_37] : memref<5248x128xf32, #tpu.memory_space<vmem_shared>> -> memref<320x128xf32, #tpu.memory_space<vmem_shared>>
      tpu.wait_dma2 semaphore(%run_scoped3A : memref<!tpu.dma_semaphore, #tpu.memory_space<semaphore_mem>>) src(%dma_wait3A_38 : memref<320x128xf32, #tpu.memory_space<vmem_shared>>) dst(%dma_wait3A_36 : memref<320x128xf32, #tpu.memory_space<vmem>>)
      tpu.yield
    }) : () -> ()
    %mul3A_16 = arith.constant 5120 : i32
    %mul3A_17 = arith.muli %arg0, %mul3A_16 : i32
    %mul3A_18 = arith.constant 320 : i32
    %mul3A_19 = arith.muli %arg1, %mul3A_18 : i32
    %add3A_20 = arith.addi %mul3A_17, %mul3A_19 : i32
    "tpu.region"() ({
      %run_scoped3A = tpu.sem_alloc : memref<!tpu.dma_semaphore, #tpu.memory_space<semaphore_mem>>
      %dma_start3A = arith.constant 0 : i32
      %dma_start3A_21 = arith.constant 0 : i32
      %dma_start3A_22 = tpu.memref_slice %arg8[%dma_start3A, %dma_start3A_21] : memref<328x128xf32, #tpu.memory_space<vmem>> -> memref<320x128xf32, #tpu.memory_space<vmem>>
      %dma_start3A_23 = arith.constant 0 : i32
      %dma_start3A_24 = tpu.memref_slice %arg5[%add3A_20, %dma_start3A_23] : memref<10240x128xf32, #tpu.memory_space<hbm>> -> memref<320x128xf32, #tpu.memory_space<hbm>>
      %dma_start3A_25 = arith.constant 0 : i32
      %dma_start3A_26 = tpu.memref_slice %arg5[%add3A_20, %dma_start3A_25] : memref<10240x128xf32, #tpu.memory_space<hbm>> -> memref<320x128xf32, #tpu.memory_space<hbm>>
      %dma_start3A_27 = arith.constant 0 : i32
      %dma_start3A_28 = arith.constant 0 : i32
      %dma_start3A_29 = tpu.memref_slice %arg8[%dma_start3A_27, %dma_start3A_28] : memref<328x128xf32, #tpu.memory_space<vmem>> -> memref<320x128xf32, #tpu.memory_space<vmem>>
      tpu.enqueue_dma source(%dma_start3A_29 : memref<320x128xf32, #tpu.memory_space<vmem>>) target(%dma_start3A_26 : memref<320x128xf32, #tpu.memory_space<hbm>>) target_semaphore(%run_scoped3A : memref<!tpu.dma_semaphore, #tpu.memory_space<semaphore_mem>>)
      %dma_wait3A = arith.constant 0 : i32
      %dma_wait3A_30 = arith.constant 0 : i32
      %dma_wait3A_31 = tpu.memref_slice %arg8[%dma_wait3A, %dma_wait3A_30] : memref<328x128xf32, #tpu.memory_space<vmem>> -> memref<320x128xf32, #tpu.memory_space<vmem>>
      %dma_wait3A_32 = arith.constant 0 : i32
      %dma_wait3A_33 = tpu.memref_slice %arg5[%add3A_20, %dma_wait3A_32] : memref<10240x128xf32, #tpu.memory_space<hbm>> -> memref<320x128xf32, #tpu.memory_space<hbm>>
      %dma_wait3A_34 = arith.constant 0 : i32
      %dma_wait3A_35 = tpu.memref_slice %arg5[%add3A_20, %dma_wait3A_34] : memref<10240x128xf32, #tpu.memory_space<hbm>> -> memref<320x128xf32, #tpu.memory_space<hbm>>
      %dma_wait3A_36 = arith.constant 0 : i32
      %dma_wait3A_37 = arith.constant 0 : i32
      %dma_wait3A_38 = tpu.memref_slice %arg8[%dma_wait3A_36, %dma_wait3A_37] : memref<328x128xf32, #tpu.memory_space<vmem>> -> memref<320x128xf32, #tpu.memory_space<vmem>>
      tpu.wait_dma2 semaphore(%run_scoped3A : memref<!tpu.dma_semaphore, #tpu.memory_space<semaphore_mem>>) src(%dma_wait3A_38 : memref<320x128xf32, #tpu.memory_space<vmem>>) dst(%dma_wait3A_35 : memref<320x128xf32, #tpu.memory_space<hbm>>)
      tpu.yield
    }) : () -> ()
    return
  }
}

#map = affine_map<(d0, d1) -> (0, 0)>
#map1 = affine_map<(d0, d1) -> (0, 0, 0)>
#map2 = affine_map<(d0, d1) -> (0, 0, 0, 0)>
module attributes {stable_mosaic.version = 14 : i64} {
  func.func @k(%arg0: i32, %arg1: i32, %arg2: memref<10000x128xf32, #tpu.memory_space<hbm>>, %arg3: memref<32x79x128xi32, #tpu.memory_space<hbm>>, %arg4: memref<2x32x79x128xi32, #tpu.memory_space<hbm>>, %arg5: memref<328x128xf32, #tpu.memory_space<hbm>>, %arg6: memref<10240x128xf32, #tpu.memory_space<hbm>>, %arg7: memref<79x128xi32, #tpu.memory_space<vmem>>, %arg8: memref<79x128xi32, #tpu.memory_space<vmem>>, %arg9: memref<128x128xf32, #tpu.memory_space<vmem>>, %arg10: memref<328x128xf32, #tpu.memory_space<vmem>>, %arg11: memref<5248x128xf32, #tpu.memory_space<vmem_shared>>) attributes {dimension_semantics = [#tpu.dimension_semantics<core_parallel>, #tpu.dimension_semantics<subcore_parallel>], iteration_bounds = array<i64: 2, 16>, scalar_prefetch = 0 : i64, scratch_operands = 5 : i64, tpu.core_type = #tpu.core_type<sc_vector_subcore>, window_params = [{transform_indices = #map}, {transform_indices = #map1}, {transform_indices = #map2}, {transform_indices = #map}, {transform_indices = #map}]} {
    "tpu.region"() ({
      %run_scoped3A = tpu.sem_alloc : memref<!tpu.dma_semaphore, #tpu.memory_space<semaphore_mem>>
      tpu.enqueue_dma source(%arg5 : memref<328x128xf32, #tpu.memory_space<hbm>>) target(%arg10 : memref<328x128xf32, #tpu.memory_space<vmem>>) target_semaphore(%run_scoped3A : memref<!tpu.dma_semaphore, #tpu.memory_space<semaphore_mem>>)
      tpu.wait_dma2 semaphore(%run_scoped3A : memref<!tpu.dma_semaphore, #tpu.memory_space<semaphore_mem>>) src(%arg5 : memref<328x128xf32, #tpu.memory_space<hbm>>) dst(%arg10 : memref<328x128xf32, #tpu.memory_space<vmem>>)
      tpu.yield
    }) : () -> ()
    %mul3A = arith.constant 328 : i32
    %mul3A_0 = arith.muli %arg1, %mul3A : i32
    "tpu.region"() ({
      %run_scoped3A = tpu.sem_alloc : memref<!tpu.dma_semaphore, #tpu.memory_space<semaphore_mem>>
      %dma_start3A = arith.constant 0 : i32
      %dma_start3A_21 = tpu.memref_slice %arg11[%mul3A_0, %dma_start3A] : memref<5248x128xf32, #tpu.memory_space<vmem_shared>> -> memref<328x128xf32, #tpu.memory_space<vmem_shared>>
      %dma_start3A_22 = arith.constant 0 : i32
      %dma_start3A_23 = tpu.memref_slice %arg11[%mul3A_0, %dma_start3A_22] : memref<5248x128xf32, #tpu.memory_space<vmem_shared>> -> memref<328x128xf32, #tpu.memory_space<vmem_shared>>
      tpu.enqueue_dma source(%arg10 : memref<328x128xf32, #tpu.memory_space<vmem>>) target(%dma_start3A_23 : memref<328x128xf32, #tpu.memory_space<vmem_shared>>) target_semaphore(%run_scoped3A : memref<!tpu.dma_semaphore, #tpu.memory_space<semaphore_mem>>)
      %dma_wait3A = arith.constant 0 : i32
      %dma_wait3A_24 = tpu.memref_slice %arg11[%mul3A_0, %dma_wait3A] : memref<5248x128xf32, #tpu.memory_space<vmem_shared>> -> memref<328x128xf32, #tpu.memory_space<vmem_shared>>
      %dma_wait3A_25 = arith.constant 0 : i32
      %dma_wait3A_26 = tpu.memref_slice %arg11[%mul3A_0, %dma_wait3A_25] : memref<5248x128xf32, #tpu.memory_space<vmem_shared>> -> memref<328x128xf32, #tpu.memory_space<vmem_shared>>
      tpu.wait_dma2 semaphore(%run_scoped3A : memref<!tpu.dma_semaphore, #tpu.memory_space<semaphore_mem>>) src(%arg10 : memref<328x128xf32, #tpu.memory_space<vmem>>) dst(%dma_wait3A_26 : memref<328x128xf32, #tpu.memory_space<vmem_shared>>)
      tpu.yield
    }) : () -> ()
    %barrier3A = arith.constant 0 : index
    tpu.barrier barrier_id(%barrier3A)
    %add3A = arith.constant 0 : i32
    %add3A_1 = arith.addi %add3A, %arg1 : i32
    "tpu.region"() ({
      %run_scoped3A = tpu.sem_alloc : memref<!tpu.dma_semaphore, #tpu.memory_space<semaphore_mem>>
      %dma_start3A = arith.constant 0 : i32
      %dma_start3A_21 = arith.constant 0 : i32
      %dma_start3A_22 = tpu.memref_slice %arg3[%add3A_1, %dma_start3A, %dma_start3A_21] : memref<32x79x128xi32, #tpu.memory_space<hbm>> -> memref<1x79x128xi32, #tpu.memory_space<hbm>>
      %dma_start3A_23 = tpu.memref_squeeze %dma_start3A_22 : memref<1x79x128xi32, #tpu.memory_space<hbm>> -> memref<79x128xi32, #tpu.memory_space<hbm>>
      %dma_start3A_24 = arith.constant 0 : i32
      %dma_start3A_25 = arith.constant 0 : i32
      %dma_start3A_26 = tpu.memref_slice %arg3[%add3A_1, %dma_start3A_24, %dma_start3A_25] : memref<32x79x128xi32, #tpu.memory_space<hbm>> -> memref<1x79x128xi32, #tpu.memory_space<hbm>>
      %dma_start3A_27 = tpu.memref_squeeze %dma_start3A_26 : memref<1x79x128xi32, #tpu.memory_space<hbm>> -> memref<79x128xi32, #tpu.memory_space<hbm>>
      tpu.enqueue_dma source(%dma_start3A_27 : memref<79x128xi32, #tpu.memory_space<hbm>>) target(%arg7 : memref<79x128xi32, #tpu.memory_space<vmem>>) target_semaphore(%run_scoped3A : memref<!tpu.dma_semaphore, #tpu.memory_space<semaphore_mem>>)
      %dma_wait3A = arith.constant 0 : i32
      %dma_wait3A_28 = arith.constant 0 : i32
      %dma_wait3A_29 = tpu.memref_slice %arg3[%add3A_1, %dma_wait3A, %dma_wait3A_28] : memref<32x79x128xi32, #tpu.memory_space<hbm>> -> memref<1x79x128xi32, #tpu.memory_space<hbm>>
      %dma_wait3A_30 = tpu.memref_squeeze %dma_wait3A_29 : memref<1x79x128xi32, #tpu.memory_space<hbm>> -> memref<79x128xi32, #tpu.memory_space<hbm>>
      %dma_wait3A_31 = arith.constant 0 : i32
      %dma_wait3A_32 = arith.constant 0 : i32
      %dma_wait3A_33 = tpu.memref_slice %arg3[%add3A_1, %dma_wait3A_31, %dma_wait3A_32] : memref<32x79x128xi32, #tpu.memory_space<hbm>> -> memref<1x79x128xi32, #tpu.memory_space<hbm>>
      %dma_wait3A_34 = tpu.memref_squeeze %dma_wait3A_33 : memref<1x79x128xi32, #tpu.memory_space<hbm>> -> memref<79x128xi32, #tpu.memory_space<hbm>>
      tpu.wait_dma2 semaphore(%run_scoped3A : memref<!tpu.dma_semaphore, #tpu.memory_space<semaphore_mem>>) src(%dma_wait3A_34 : memref<79x128xi32, #tpu.memory_space<hbm>>) dst(%arg7 : memref<79x128xi32, #tpu.memory_space<vmem>>)
      tpu.yield
    }) : () -> ()
    "tpu.region"() ({
      %run_scoped3A = tpu.sem_alloc : memref<!tpu.dma_semaphore, #tpu.memory_space<semaphore_mem>>
      %dma_start3A = arith.constant 0 : i32
      %dma_start3A_21 = arith.constant 0 : i32
      %dma_start3A_22 = arith.constant 0 : i32
      %dma_start3A_23 = tpu.memref_slice %arg4[%arg0, %dma_start3A, %dma_start3A_21, %dma_start3A_22] : memref<2x32x79x128xi32, #tpu.memory_space<hbm>> -> memref<1x32x79x128xi32, #tpu.memory_space<hbm>>
      %dma_start3A_24 = tpu.memref_squeeze %dma_start3A_23 : memref<1x32x79x128xi32, #tpu.memory_space<hbm>> -> memref<32x79x128xi32, #tpu.memory_space<hbm>>
      %dma_start3A_25 = arith.constant 0 : i32
      %dma_start3A_26 = arith.constant 0 : i32
      %dma_start3A_27 = tpu.memref_slice %dma_start3A_24[%add3A_1, %dma_start3A_25, %dma_start3A_26] : memref<32x79x128xi32, #tpu.memory_space<hbm>> -> memref<1x79x128xi32, #tpu.memory_space<hbm>>
      %dma_start3A_28 = tpu.memref_squeeze %dma_start3A_27 : memref<1x79x128xi32, #tpu.memory_space<hbm>> -> memref<79x128xi32, #tpu.memory_space<hbm>>
      %dma_start3A_29 = arith.constant 0 : i32
      %dma_start3A_30 = arith.constant 0 : i32
      %dma_start3A_31 = arith.constant 0 : i32
      %dma_start3A_32 = tpu.memref_slice %arg4[%arg0, %dma_start3A_29, %dma_start3A_30, %dma_start3A_31] : memref<2x32x79x128xi32, #tpu.memory_space<hbm>> -> memref<1x32x79x128xi32, #tpu.memory_space<hbm>>
      %dma_start3A_33 = tpu.memref_squeeze %dma_start3A_32 : memref<1x32x79x128xi32, #tpu.memory_space<hbm>> -> memref<32x79x128xi32, #tpu.memory_space<hbm>>
      %dma_start3A_34 = arith.constant 0 : i32
      %dma_start3A_35 = arith.constant 0 : i32
      %dma_start3A_36 = tpu.memref_slice %dma_start3A_33[%add3A_1, %dma_start3A_34, %dma_start3A_35] : memref<32x79x128xi32, #tpu.memory_space<hbm>> -> memref<1x79x128xi32, #tpu.memory_space<hbm>>
      %dma_start3A_37 = tpu.memref_squeeze %dma_start3A_36 : memref<1x79x128xi32, #tpu.memory_space<hbm>> -> memref<79x128xi32, #tpu.memory_space<hbm>>
      tpu.enqueue_dma source(%dma_start3A_37 : memref<79x128xi32, #tpu.memory_space<hbm>>) target(%arg8 : memref<79x128xi32, #tpu.memory_space<vmem>>) target_semaphore(%run_scoped3A : memref<!tpu.dma_semaphore, #tpu.memory_space<semaphore_mem>>)
      %dma_wait3A = arith.constant 0 : i32
      %dma_wait3A_38 = arith.constant 0 : i32
      %dma_wait3A_39 = arith.constant 0 : i32
      %dma_wait3A_40 = tpu.memref_slice %arg4[%arg0, %dma_wait3A, %dma_wait3A_38, %dma_wait3A_39] : memref<2x32x79x128xi32, #tpu.memory_space<hbm>> -> memref<1x32x79x128xi32, #tpu.memory_space<hbm>>
      %dma_wait3A_41 = tpu.memref_squeeze %dma_wait3A_40 : memref<1x32x79x128xi32, #tpu.memory_space<hbm>> -> memref<32x79x128xi32, #tpu.memory_space<hbm>>
      %dma_wait3A_42 = arith.constant 0 : i32
      %dma_wait3A_43 = arith.constant 0 : i32
      %dma_wait3A_44 = tpu.memref_slice %dma_wait3A_41[%add3A_1, %dma_wait3A_42, %dma_wait3A_43] : memref<32x79x128xi32, #tpu.memory_space<hbm>> -> memref<1x79x128xi32, #tpu.memory_space<hbm>>
      %dma_wait3A_45 = tpu.memref_squeeze %dma_wait3A_44 : memref<1x79x128xi32, #tpu.memory_space<hbm>> -> memref<79x128xi32, #tpu.memory_space<hbm>>
      %dma_wait3A_46 = arith.constant 0 : i32
      %dma_wait3A_47 = arith.constant 0 : i32
      %dma_wait3A_48 = arith.constant 0 : i32
      %dma_wait3A_49 = tpu.memref_slice %arg4[%arg0, %dma_wait3A_46, %dma_wait3A_47, %dma_wait3A_48] : memref<2x32x79x128xi32, #tpu.memory_space<hbm>> -> memref<1x32x79x128xi32, #tpu.memory_space<hbm>>
      %dma_wait3A_50 = tpu.memref_squeeze %dma_wait3A_49 : memref<1x32x79x128xi32, #tpu.memory_space<hbm>> -> memref<32x79x128xi32, #tpu.memory_space<hbm>>
      %dma_wait3A_51 = arith.constant 0 : i32
      %dma_wait3A_52 = arith.constant 0 : i32
      %dma_wait3A_53 = tpu.memref_slice %dma_wait3A_50[%add3A_1, %dma_wait3A_51, %dma_wait3A_52] : memref<32x79x128xi32, #tpu.memory_space<hbm>> -> memref<1x79x128xi32, #tpu.memory_space<hbm>>
      %dma_wait3A_54 = tpu.memref_squeeze %dma_wait3A_53 : memref<1x79x128xi32, #tpu.memory_space<hbm>> -> memref<79x128xi32, #tpu.memory_space<hbm>>
      tpu.wait_dma2 semaphore(%run_scoped3A : memref<!tpu.dma_semaphore, #tpu.memory_space<semaphore_mem>>) src(%dma_wait3A_54 : memref<79x128xi32, #tpu.memory_space<hbm>>) dst(%arg8 : memref<79x128xi32, #tpu.memory_space<vmem>>)
      tpu.yield
    }) : () -> ()
    %scan3A = arith.constant 0 : i32
    %scan3A_2 = arith.constant 79 : i32
    %scan3A_3 = arith.addi %scan3A, %scan3A_2 : i32
    %scan3A_4 = arith.constant 1 : i32
    scf.for %scan3A_21 = %scan3A to %scan3A_3 step %scan3A_4  : i32 {
      %mul3A_22 = arith.constant 1 : i32
      %mul3A_23 = arith.muli %scan3A_21, %mul3A_22 : i32
      %add3A_24 = arith.constant 0 : i32
      %add3A_25 = arith.addi %add3A_24, %mul3A_23 : i32
      "tpu.region"() ({
        %run_scoped3A = tpu.sem_alloc : memref<!tpu.dma_semaphore, #tpu.memory_space<semaphore_mem>>
        %dma_start3A = arith.constant 0 : i32
        %dma_start3A_26 = tpu.memref_slice %arg7[%add3A_25, %dma_start3A] : memref<79x128xi32, #tpu.memory_space<vmem>> -> memref<1x128xi32, #tpu.memory_space<vmem>>
        %dma_start3A_27 = tpu.memref_squeeze %dma_start3A_26 : memref<1x128xi32, #tpu.memory_space<vmem>> -> memref<128xi32, #tpu.memory_space<vmem>>
        %dma_start3A_28 = arith.constant 0 : i32
        %dma_start3A_29 = arith.constant 0 : i32
        %dma_start3A_30 = tpu.memref_slice %arg2[%dma_start3A_28, %dma_start3A_29] : memref<10000x128xf32, #tpu.memory_space<hbm>> -> memref<10000x128xf32, #tpu.memory_space<hbm>>
        tpu.enqueue_indirect_dma source(%dma_start3A_30 : memref<10000x128xf32, #tpu.memory_space<hbm>>) target(%arg9 : memref<128x128xf32, #tpu.memory_space<vmem>>) offsets(%dma_start3A_27 : memref<128xi32, #tpu.memory_space<vmem>>) semaphore(%run_scoped3A : memref<!tpu.dma_semaphore, #tpu.memory_space<semaphore_mem>>)
        %dma_wait3A = arith.constant 0 : i32
        %dma_wait3A_31 = tpu.memref_slice %arg7[%add3A_25, %dma_wait3A] : memref<79x128xi32, #tpu.memory_space<vmem>> -> memref<1x128xi32, #tpu.memory_space<vmem>>
        %dma_wait3A_32 = tpu.memref_squeeze %dma_wait3A_31 : memref<1x128xi32, #tpu.memory_space<vmem>> -> memref<128xi32, #tpu.memory_space<vmem>>
        %dma_wait3A_33 = arith.constant 0 : i32
        %dma_wait3A_34 = arith.constant 0 : i32
        %dma_wait3A_35 = tpu.memref_slice %arg2[%dma_wait3A_33, %dma_wait3A_34] : memref<10000x128xf32, #tpu.memory_space<hbm>> -> memref<10000x128xf32, #tpu.memory_space<hbm>>
        tpu.wait_indirect_dma semaphore(%run_scoped3A : memref<!tpu.dma_semaphore, #tpu.memory_space<semaphore_mem>>) src(%dma_wait3A_35 : memref<10000x128xf32, #tpu.memory_space<hbm>>) dst(%arg9 : memref<128x128xf32, #tpu.memory_space<vmem>>)
        tpu.yield
      }) : () -> ()
      "tpu.region"() ({
        %run_scoped3A = tpu.sem_alloc : memref<!tpu.dma_semaphore, #tpu.memory_space<semaphore_mem>>
        %dma_start3A = arith.constant 0 : i32
        %dma_start3A_26 = tpu.memref_slice %arg8[%add3A_25, %dma_start3A] : memref<79x128xi32, #tpu.memory_space<vmem>> -> memref<1x128xi32, #tpu.memory_space<vmem>>
        %dma_start3A_27 = tpu.memref_squeeze %dma_start3A_26 : memref<1x128xi32, #tpu.memory_space<vmem>> -> memref<128xi32, #tpu.memory_space<vmem>>
        %dma_start3A_28 = arith.constant 0 : i32
        %dma_start3A_29 = arith.constant 0 : i32
        %dma_start3A_30 = tpu.memref_slice %arg11[%dma_start3A_28, %dma_start3A_29] : memref<5248x128xf32, #tpu.memory_space<vmem_shared>> -> memref<5248x128xf32, #tpu.memory_space<vmem_shared>>
        tpu.enqueue_indirect_dma source(%arg9 : memref<128x128xf32, #tpu.memory_space<vmem>>) target(%dma_start3A_30 : memref<5248x128xf32, #tpu.memory_space<vmem_shared>>) offsets(%dma_start3A_27 : memref<128xi32, #tpu.memory_space<vmem>>) semaphore(%run_scoped3A : memref<!tpu.dma_semaphore, #tpu.memory_space<semaphore_mem>>) {add = true}
        %dma_wait3A = arith.constant 0 : i32
        %dma_wait3A_31 = tpu.memref_slice %arg8[%add3A_25, %dma_wait3A] : memref<79x128xi32, #tpu.memory_space<vmem>> -> memref<1x128xi32, #tpu.memory_space<vmem>>
        %dma_wait3A_32 = tpu.memref_squeeze %dma_wait3A_31 : memref<1x128xi32, #tpu.memory_space<vmem>> -> memref<128xi32, #tpu.memory_space<vmem>>
        %dma_wait3A_33 = arith.constant 0 : i32
        %dma_wait3A_34 = arith.constant 0 : i32
        %dma_wait3A_35 = tpu.memref_slice %arg11[%dma_wait3A_33, %dma_wait3A_34] : memref<5248x128xf32, #tpu.memory_space<vmem_shared>> -> memref<5248x128xf32, #tpu.memory_space<vmem_shared>>
        tpu.wait_indirect_dma semaphore(%run_scoped3A : memref<!tpu.dma_semaphore, #tpu.memory_space<semaphore_mem>>) src(%arg9 : memref<128x128xf32, #tpu.memory_space<vmem>>) dst(%dma_wait3A_35 : memref<5248x128xf32, #tpu.memory_space<vmem_shared>>)
        tpu.yield
      }) : () -> ()
    }
    %scan3A_5 = arith.constant 79 : i32
    %add3A_6 = arith.constant 16 : i32
    %add3A_7 = arith.addi %add3A_6, %arg1 : i32
    "tpu.region"() ({
      %run_scoped3A = tpu.sem_alloc : memref<!tpu.dma_semaphore, #tpu.memory_space<semaphore_mem>>
      %dma_start3A = arith.constant 0 : i32
      %dma_start3A_21 = arith.constant 0 : i32
      %dma_start3A_22 = tpu.memref_slice %arg3[%add3A_7, %dma_start3A, %dma_start3A_21] : memref<32x79x128xi32, #tpu.memory_space<hbm>> -> memref<1x79x128xi32, #tpu.memory_space<hbm>>
      %dma_start3A_23 = tpu.memref_squeeze %dma_start3A_22 : memref<1x79x128xi32, #tpu.memory_space<hbm>> -> memref<79x128xi32, #tpu.memory_space<hbm>>
      %dma_start3A_24 = arith.constant 0 : i32
      %dma_start3A_25 = arith.constant 0 : i32
      %dma_start3A_26 = tpu.memref_slice %arg3[%add3A_7, %dma_start3A_24, %dma_start3A_25] : memref<32x79x128xi32, #tpu.memory_space<hbm>> -> memref<1x79x128xi32, #tpu.memory_space<hbm>>
      %dma_start3A_27 = tpu.memref_squeeze %dma_start3A_26 : memref<1x79x128xi32, #tpu.memory_space<hbm>> -> memref<79x128xi32, #tpu.memory_space<hbm>>
      tpu.enqueue_dma source(%dma_start3A_27 : memref<79x128xi32, #tpu.memory_space<hbm>>) target(%arg7 : memref<79x128xi32, #tpu.memory_space<vmem>>) target_semaphore(%run_scoped3A : memref<!tpu.dma_semaphore, #tpu.memory_space<semaphore_mem>>)
      %dma_wait3A = arith.constant 0 : i32
      %dma_wait3A_28 = arith.constant 0 : i32
      %dma_wait3A_29 = tpu.memref_slice %arg3[%add3A_7, %dma_wait3A, %dma_wait3A_28] : memref<32x79x128xi32, #tpu.memory_space<hbm>> -> memref<1x79x128xi32, #tpu.memory_space<hbm>>
      %dma_wait3A_30 = tpu.memref_squeeze %dma_wait3A_29 : memref<1x79x128xi32, #tpu.memory_space<hbm>> -> memref<79x128xi32, #tpu.memory_space<hbm>>
      %dma_wait3A_31 = arith.constant 0 : i32
      %dma_wait3A_32 = arith.constant 0 : i32
      %dma_wait3A_33 = tpu.memref_slice %arg3[%add3A_7, %dma_wait3A_31, %dma_wait3A_32] : memref<32x79x128xi32, #tpu.memory_space<hbm>> -> memref<1x79x128xi32, #tpu.memory_space<hbm>>
      %dma_wait3A_34 = tpu.memref_squeeze %dma_wait3A_33 : memref<1x79x128xi32, #tpu.memory_space<hbm>> -> memref<79x128xi32, #tpu.memory_space<hbm>>
      tpu.wait_dma2 semaphore(%run_scoped3A : memref<!tpu.dma_semaphore, #tpu.memory_space<semaphore_mem>>) src(%dma_wait3A_34 : memref<79x128xi32, #tpu.memory_space<hbm>>) dst(%arg7 : memref<79x128xi32, #tpu.memory_space<vmem>>)
      tpu.yield
    }) : () -> ()
    "tpu.region"() ({
      %run_scoped3A = tpu.sem_alloc : memref<!tpu.dma_semaphore, #tpu.memory_space<semaphore_mem>>
      %dma_start3A = arith.constant 0 : i32
      %dma_start3A_21 = arith.constant 0 : i32
      %dma_start3A_22 = arith.constant 0 : i32
      %dma_start3A_23 = tpu.memref_slice %arg4[%arg0, %dma_start3A, %dma_start3A_21, %dma_start3A_22] : memref<2x32x79x128xi32, #tpu.memory_space<hbm>> -> memref<1x32x79x128xi32, #tpu.memory_space<hbm>>
      %dma_start3A_24 = tpu.memref_squeeze %dma_start3A_23 : memref<1x32x79x128xi32, #tpu.memory_space<hbm>> -> memref<32x79x128xi32, #tpu.memory_space<hbm>>
      %dma_start3A_25 = arith.constant 0 : i32
      %dma_start3A_26 = arith.constant 0 : i32
      %dma_start3A_27 = tpu.memref_slice %dma_start3A_24[%add3A_7, %dma_start3A_25, %dma_start3A_26] : memref<32x79x128xi32, #tpu.memory_space<hbm>> -> memref<1x79x128xi32, #tpu.memory_space<hbm>>
      %dma_start3A_28 = tpu.memref_squeeze %dma_start3A_27 : memref<1x79x128xi32, #tpu.memory_space<hbm>> -> memref<79x128xi32, #tpu.memory_space<hbm>>
      %dma_start3A_29 = arith.constant 0 : i32
      %dma_start3A_30 = arith.constant 0 : i32
      %dma_start3A_31 = arith.constant 0 : i32
      %dma_start3A_32 = tpu.memref_slice %arg4[%arg0, %dma_start3A_29, %dma_start3A_30, %dma_start3A_31] : memref<2x32x79x128xi32, #tpu.memory_space<hbm>> -> memref<1x32x79x128xi32, #tpu.memory_space<hbm>>
      %dma_start3A_33 = tpu.memref_squeeze %dma_start3A_32 : memref<1x32x79x128xi32, #tpu.memory_space<hbm>> -> memref<32x79x128xi32, #tpu.memory_space<hbm>>
      %dma_start3A_34 = arith.constant 0 : i32
      %dma_start3A_35 = arith.constant 0 : i32
      %dma_start3A_36 = tpu.memref_slice %dma_start3A_33[%add3A_7, %dma_start3A_34, %dma_start3A_35] : memref<32x79x128xi32, #tpu.memory_space<hbm>> -> memref<1x79x128xi32, #tpu.memory_space<hbm>>
      %dma_start3A_37 = tpu.memref_squeeze %dma_start3A_36 : memref<1x79x128xi32, #tpu.memory_space<hbm>> -> memref<79x128xi32, #tpu.memory_space<hbm>>
      tpu.enqueue_dma source(%dma_start3A_37 : memref<79x128xi32, #tpu.memory_space<hbm>>) target(%arg8 : memref<79x128xi32, #tpu.memory_space<vmem>>) target_semaphore(%run_scoped3A : memref<!tpu.dma_semaphore, #tpu.memory_space<semaphore_mem>>)
      %dma_wait3A = arith.constant 0 : i32
      %dma_wait3A_38 = arith.constant 0 : i32
      %dma_wait3A_39 = arith.constant 0 : i32
      %dma_wait3A_40 = tpu.memref_slice %arg4[%arg0, %dma_wait3A, %dma_wait3A_38, %dma_wait3A_39] : memref<2x32x79x128xi32, #tpu.memory_space<hbm>> -> memref<1x32x79x128xi32, #tpu.memory_space<hbm>>
      %dma_wait3A_41 = tpu.memref_squeeze %dma_wait3A_40 : memref<1x32x79x128xi32, #tpu.memory_space<hbm>> -> memref<32x79x128xi32, #tpu.memory_space<hbm>>
      %dma_wait3A_42 = arith.constant 0 : i32
      %dma_wait3A_43 = arith.constant 0 : i32
      %dma_wait3A_44 = tpu.memref_slice %dma_wait3A_41[%add3A_7, %dma_wait3A_42, %dma_wait3A_43] : memref<32x79x128xi32, #tpu.memory_space<hbm>> -> memref<1x79x128xi32, #tpu.memory_space<hbm>>
      %dma_wait3A_45 = tpu.memref_squeeze %dma_wait3A_44 : memref<1x79x128xi32, #tpu.memory_space<hbm>> -> memref<79x128xi32, #tpu.memory_space<hbm>>
      %dma_wait3A_46 = arith.constant 0 : i32
      %dma_wait3A_47 = arith.constant 0 : i32
      %dma_wait3A_48 = arith.constant 0 : i32
      %dma_wait3A_49 = tpu.memref_slice %arg4[%arg0, %dma_wait3A_46, %dma_wait3A_47, %dma_wait3A_48] : memref<2x32x79x128xi32, #tpu.memory_space<hbm>> -> memref<1x32x79x128xi32, #tpu.memory_space<hbm>>
      %dma_wait3A_50 = tpu.memref_squeeze %dma_wait3A_49 : memref<1x32x79x128xi32, #tpu.memory_space<hbm>> -> memref<32x79x128xi32, #tpu.memory_space<hbm>>
      %dma_wait3A_51 = arith.constant 0 : i32
      %dma_wait3A_52 = arith.constant 0 : i32
      %dma_wait3A_53 = tpu.memref_slice %dma_wait3A_50[%add3A_7, %dma_wait3A_51, %dma_wait3A_52] : memref<32x79x128xi32, #tpu.memory_space<hbm>> -> memref<1x79x128xi32, #tpu.memory_space<hbm>>
      %dma_wait3A_54 = tpu.memref_squeeze %dma_wait3A_53 : memref<1x79x128xi32, #tpu.memory_space<hbm>> -> memref<79x128xi32, #tpu.memory_space<hbm>>
      tpu.wait_dma2 semaphore(%run_scoped3A : memref<!tpu.dma_semaphore, #tpu.memory_space<semaphore_mem>>) src(%dma_wait3A_54 : memref<79x128xi32, #tpu.memory_space<hbm>>) dst(%arg8 : memref<79x128xi32, #tpu.memory_space<vmem>>)
      tpu.yield
    }) : () -> ()
    %scan3A_8 = arith.constant 0 : i32
    %scan3A_9 = arith.constant 79 : i32
    %scan3A_10 = arith.addi %scan3A_8, %scan3A_9 : i32
    %scan3A_11 = arith.constant 1 : i32
    scf.for %scan3A_21 = %scan3A_8 to %scan3A_10 step %scan3A_11  : i32 {
      %mul3A_22 = arith.constant 1 : i32
      %mul3A_23 = arith.muli %scan3A_21, %mul3A_22 : i32
      %add3A_24 = arith.constant 0 : i32
      %add3A_25 = arith.addi %add3A_24, %mul3A_23 : i32
      "tpu.region"() ({
        %run_scoped3A = tpu.sem_alloc : memref<!tpu.dma_semaphore, #tpu.memory_space<semaphore_mem>>
        %dma_start3A = arith.constant 0 : i32
        %dma_start3A_26 = tpu.memref_slice %arg7[%add3A_25, %dma_start3A] : memref<79x128xi32, #tpu.memory_space<vmem>> -> memref<1x128xi32, #tpu.memory_space<vmem>>
        %dma_start3A_27 = tpu.memref_squeeze %dma_start3A_26 : memref<1x128xi32, #tpu.memory_space<vmem>> -> memref<128xi32, #tpu.memory_space<vmem>>
        %dma_start3A_28 = arith.constant 0 : i32
        %dma_start3A_29 = arith.constant 0 : i32
        %dma_start3A_30 = tpu.memref_slice %arg2[%dma_start3A_28, %dma_start3A_29] : memref<10000x128xf32, #tpu.memory_space<hbm>> -> memref<10000x128xf32, #tpu.memory_space<hbm>>
        tpu.enqueue_indirect_dma source(%dma_start3A_30 : memref<10000x128xf32, #tpu.memory_space<hbm>>) target(%arg9 : memref<128x128xf32, #tpu.memory_space<vmem>>) offsets(%dma_start3A_27 : memref<128xi32, #tpu.memory_space<vmem>>) semaphore(%run_scoped3A : memref<!tpu.dma_semaphore, #tpu.memory_space<semaphore_mem>>)
        %dma_wait3A = arith.constant 0 : i32
        %dma_wait3A_31 = tpu.memref_slice %arg7[%add3A_25, %dma_wait3A] : memref<79x128xi32, #tpu.memory_space<vmem>> -> memref<1x128xi32, #tpu.memory_space<vmem>>
        %dma_wait3A_32 = tpu.memref_squeeze %dma_wait3A_31 : memref<1x128xi32, #tpu.memory_space<vmem>> -> memref<128xi32, #tpu.memory_space<vmem>>
        %dma_wait3A_33 = arith.constant 0 : i32
        %dma_wait3A_34 = arith.constant 0 : i32
        %dma_wait3A_35 = tpu.memref_slice %arg2[%dma_wait3A_33, %dma_wait3A_34] : memref<10000x128xf32, #tpu.memory_space<hbm>> -> memref<10000x128xf32, #tpu.memory_space<hbm>>
        tpu.wait_indirect_dma semaphore(%run_scoped3A : memref<!tpu.dma_semaphore, #tpu.memory_space<semaphore_mem>>) src(%dma_wait3A_35 : memref<10000x128xf32, #tpu.memory_space<hbm>>) dst(%arg9 : memref<128x128xf32, #tpu.memory_space<vmem>>)
        tpu.yield
      }) : () -> ()
      "tpu.region"() ({
        %run_scoped3A = tpu.sem_alloc : memref<!tpu.dma_semaphore, #tpu.memory_space<semaphore_mem>>
        %dma_start3A = arith.constant 0 : i32
        %dma_start3A_26 = tpu.memref_slice %arg8[%add3A_25, %dma_start3A] : memref<79x128xi32, #tpu.memory_space<vmem>> -> memref<1x128xi32, #tpu.memory_space<vmem>>
        %dma_start3A_27 = tpu.memref_squeeze %dma_start3A_26 : memref<1x128xi32, #tpu.memory_space<vmem>> -> memref<128xi32, #tpu.memory_space<vmem>>
        %dma_start3A_28 = arith.constant 0 : i32
        %dma_start3A_29 = arith.constant 0 : i32
        %dma_start3A_30 = tpu.memref_slice %arg11[%dma_start3A_28, %dma_start3A_29] : memref<5248x128xf32, #tpu.memory_space<vmem_shared>> -> memref<5248x128xf32, #tpu.memory_space<vmem_shared>>
        tpu.enqueue_indirect_dma source(%arg9 : memref<128x128xf32, #tpu.memory_space<vmem>>) target(%dma_start3A_30 : memref<5248x128xf32, #tpu.memory_space<vmem_shared>>) offsets(%dma_start3A_27 : memref<128xi32, #tpu.memory_space<vmem>>) semaphore(%run_scoped3A : memref<!tpu.dma_semaphore, #tpu.memory_space<semaphore_mem>>) {add = true}
        %dma_wait3A = arith.constant 0 : i32
        %dma_wait3A_31 = tpu.memref_slice %arg8[%add3A_25, %dma_wait3A] : memref<79x128xi32, #tpu.memory_space<vmem>> -> memref<1x128xi32, #tpu.memory_space<vmem>>
        %dma_wait3A_32 = tpu.memref_squeeze %dma_wait3A_31 : memref<1x128xi32, #tpu.memory_space<vmem>> -> memref<128xi32, #tpu.memory_space<vmem>>
        %dma_wait3A_33 = arith.constant 0 : i32
        %dma_wait3A_34 = arith.constant 0 : i32
        %dma_wait3A_35 = tpu.memref_slice %arg11[%dma_wait3A_33, %dma_wait3A_34] : memref<5248x128xf32, #tpu.memory_space<vmem_shared>> -> memref<5248x128xf32, #tpu.memory_space<vmem_shared>>
        tpu.wait_indirect_dma semaphore(%run_scoped3A : memref<!tpu.dma_semaphore, #tpu.memory_space<semaphore_mem>>) src(%arg9 : memref<128x128xf32, #tpu.memory_space<vmem>>) dst(%dma_wait3A_35 : memref<5248x128xf32, #tpu.memory_space<vmem_shared>>)
        tpu.yield
      }) : () -> ()
    }
    %scan3A_12 = arith.constant 79 : i32
    %barrier3A_13 = arith.constant 0 : index
    tpu.barrier barrier_id(%barrier3A_13)
    %mul3A_14 = arith.constant 320 : i32
    %mul3A_15 = arith.muli %arg1, %mul3A_14 : i32
    "tpu.region"() ({
      %run_scoped3A = tpu.sem_alloc : memref<!tpu.dma_semaphore, #tpu.memory_space<semaphore_mem>>
      %dma_start3A = arith.constant 0 : i32
      %dma_start3A_21 = arith.constant 0 : i32
      %dma_start3A_22 = tpu.memref_slice %arg10[%dma_start3A, %dma_start3A_21] : memref<328x128xf32, #tpu.memory_space<vmem>> -> memref<320x128xf32, #tpu.memory_space<vmem>>
      %dma_start3A_23 = arith.constant 0 : i32
      %dma_start3A_24 = tpu.memref_slice %arg11[%mul3A_15, %dma_start3A_23] : memref<5248x128xf32, #tpu.memory_space<vmem_shared>> -> memref<320x128xf32, #tpu.memory_space<vmem_shared>>
      %dma_start3A_25 = arith.constant 0 : i32
      %dma_start3A_26 = arith.constant 0 : i32
      %dma_start3A_27 = tpu.memref_slice %arg10[%dma_start3A_25, %dma_start3A_26] : memref<328x128xf32, #tpu.memory_space<vmem>> -> memref<320x128xf32, #tpu.memory_space<vmem>>
      %dma_start3A_28 = arith.constant 0 : i32
      %dma_start3A_29 = tpu.memref_slice %arg11[%mul3A_15, %dma_start3A_28] : memref<5248x128xf32, #tpu.memory_space<vmem_shared>> -> memref<320x128xf32, #tpu.memory_space<vmem_shared>>
      tpu.enqueue_dma source(%dma_start3A_29 : memref<320x128xf32, #tpu.memory_space<vmem_shared>>) target(%dma_start3A_27 : memref<320x128xf32, #tpu.memory_space<vmem>>) target_semaphore(%run_scoped3A : memref<!tpu.dma_semaphore, #tpu.memory_space<semaphore_mem>>)
      %dma_wait3A = arith.constant 0 : i32
      %dma_wait3A_30 = arith.constant 0 : i32
      %dma_wait3A_31 = tpu.memref_slice %arg10[%dma_wait3A, %dma_wait3A_30] : memref<328x128xf32, #tpu.memory_space<vmem>> -> memref<320x128xf32, #tpu.memory_space<vmem>>
      %dma_wait3A_32 = arith.constant 0 : i32
      %dma_wait3A_33 = tpu.memref_slice %arg11[%mul3A_15, %dma_wait3A_32] : memref<5248x128xf32, #tpu.memory_space<vmem_shared>> -> memref<320x128xf32, #tpu.memory_space<vmem_shared>>
      %dma_wait3A_34 = arith.constant 0 : i32
      %dma_wait3A_35 = arith.constant 0 : i32
      %dma_wait3A_36 = tpu.memref_slice %arg10[%dma_wait3A_34, %dma_wait3A_35] : memref<328x128xf32, #tpu.memory_space<vmem>> -> memref<320x128xf32, #tpu.memory_space<vmem>>
      %dma_wait3A_37 = arith.constant 0 : i32
      %dma_wait3A_38 = tpu.memref_slice %arg11[%mul3A_15, %dma_wait3A_37] : memref<5248x128xf32, #tpu.memory_space<vmem_shared>> -> memref<320x128xf32, #tpu.memory_space<vmem_shared>>
      tpu.wait_dma2 semaphore(%run_scoped3A : memref<!tpu.dma_semaphore, #tpu.memory_space<semaphore_mem>>) src(%dma_wait3A_38 : memref<320x128xf32, #tpu.memory_space<vmem_shared>>) dst(%dma_wait3A_36 : memref<320x128xf32, #tpu.memory_space<vmem>>)
      tpu.yield
    }) : () -> ()
    %mul3A_16 = arith.constant 5120 : i32
    %mul3A_17 = arith.muli %arg0, %mul3A_16 : i32
    %mul3A_18 = arith.constant 320 : i32
    %mul3A_19 = arith.muli %arg1, %mul3A_18 : i32
    %add3A_20 = arith.addi %mul3A_17, %mul3A_19 : i32
    "tpu.region"() ({
      %run_scoped3A = tpu.sem_alloc : memref<!tpu.dma_semaphore, #tpu.memory_space<semaphore_mem>>
      %dma_start3A = arith.constant 0 : i32
      %dma_start3A_21 = arith.constant 0 : i32
      %dma_start3A_22 = tpu.memref_slice %arg10[%dma_start3A, %dma_start3A_21] : memref<328x128xf32, #tpu.memory_space<vmem>> -> memref<320x128xf32, #tpu.memory_space<vmem>>
      %dma_start3A_23 = arith.constant 0 : i32
      %dma_start3A_24 = tpu.memref_slice %arg6[%add3A_20, %dma_start3A_23] : memref<10240x128xf32, #tpu.memory_space<hbm>> -> memref<320x128xf32, #tpu.memory_space<hbm>>
      %dma_start3A_25 = arith.constant 0 : i32
      %dma_start3A_26 = tpu.memref_slice %arg6[%add3A_20, %dma_start3A_25] : memref<10240x128xf32, #tpu.memory_space<hbm>> -> memref<320x128xf32, #tpu.memory_space<hbm>>
      %dma_start3A_27 = arith.constant 0 : i32
      %dma_start3A_28 = arith.constant 0 : i32
      %dma_start3A_29 = tpu.memref_slice %arg10[%dma_start3A_27, %dma_start3A_28] : memref<328x128xf32, #tpu.memory_space<vmem>> -> memref<320x128xf32, #tpu.memory_space<vmem>>
      tpu.enqueue_dma source(%dma_start3A_29 : memref<320x128xf32, #tpu.memory_space<vmem>>) target(%dma_start3A_26 : memref<320x128xf32, #tpu.memory_space<hbm>>) target_semaphore(%run_scoped3A : memref<!tpu.dma_semaphore, #tpu.memory_space<semaphore_mem>>)
      %dma_wait3A = arith.constant 0 : i32
      %dma_wait3A_30 = arith.constant 0 : i32
      %dma_wait3A_31 = tpu.memref_slice %arg10[%dma_wait3A, %dma_wait3A_30] : memref<328x128xf32, #tpu.memory_space<vmem>> -> memref<320x128xf32, #tpu.memory_space<vmem>>
      %dma_wait3A_32 = arith.constant 0 : i32
      %dma_wait3A_33 = tpu.memref_slice %arg6[%add3A_20, %dma_wait3A_32] : memref<10240x128xf32, #tpu.memory_space<hbm>> -> memref<320x128xf32, #tpu.memory_space<hbm>>
      %dma_wait3A_34 = arith.constant 0 : i32
      %dma_wait3A_35 = tpu.memref_slice %arg6[%add3A_20, %dma_wait3A_34] : memref<10240x128xf32, #tpu.memory_space<hbm>> -> memref<320x128xf32, #tpu.memory_space<hbm>>
      %dma_wait3A_36 = arith.constant 0 : i32
      %dma_wait3A_37 = arith.constant 0 : i32
      %dma_wait3A_38 = tpu.memref_slice %arg10[%dma_wait3A_36, %dma_wait3A_37] : memref<328x128xf32, #tpu.memory_space<vmem>> -> memref<320x128xf32, #tpu.memory_space<vmem>>
      tpu.wait_dma2 semaphore(%run_scoped3A : memref<!tpu.dma_semaphore, #tpu.memory_space<semaphore_mem>>) src(%dma_wait3A_38 : memref<320x128xf32, #tpu.memory_space<vmem>>) dst(%dma_wait3A_35 : memref<320x128xf32, #tpu.memory_space<hbm>>)
      tpu.yield
    }) : () -> ()
    return
  }
}

#map = affine_map<(d0, d1) -> (0, 0)>
#map1 = affine_map<(d0, d1) -> (0, 0, 0)>
module attributes {stable_mosaic.version = 14 : i64} {
  func.func @k(%arg0: i32, %arg1: i32, %arg2: memref<10000x128xf32, #tpu.memory_space<hbm>>, %arg3: memref<32x3x128xi32, #tpu.memory_space<hbm>>, %arg4: memref<32x3x128xi32, #tpu.memory_space<hbm>>, %arg5: memref<128x128xf32, #tpu.memory_space<hbm>>, %arg6: memref<2x2048x128xf32, #tpu.memory_space<hbm>>, %arg7: memref<3x128xi32, #tpu.memory_space<vmem>>, %arg8: memref<3x128xi32, #tpu.memory_space<vmem>>, %arg9: memref<128x128xf32, #tpu.memory_space<vmem>>, %arg10: memref<128x128xf32, #tpu.memory_space<vmem>>, %arg11: memref<2048x128xf32, #tpu.memory_space<vmem_shared>>) attributes {dimension_semantics = [#tpu.dimension_semantics<core_parallel>, #tpu.dimension_semantics<subcore_parallel>], iteration_bounds = array<i64: 2, 16>, scalar_prefetch = 0 : i64, scratch_operands = 5 : i64, tpu.core_type = #tpu.core_type<sc_vector_subcore>, window_params = [{transform_indices = #map}, {transform_indices = #map1}, {transform_indices = #map1}, {transform_indices = #map}, {transform_indices = #map1}]} {
    %mul3A = arith.constant 16 : i32
    %mul3A_0 = arith.muli %arg0, %mul3A : i32
    %add3A = arith.addi %mul3A_0, %arg1 : i32
    "tpu.region"() ({
      %run_scoped3A = tpu.sem_alloc : memref<!tpu.dma_semaphore, #tpu.memory_space<semaphore_mem>>
      %dma_start3A = arith.constant 0 : i32
      %dma_start3A_12 = arith.constant 0 : i32
      %dma_start3A_13 = tpu.memref_slice %arg3[%add3A, %dma_start3A, %dma_start3A_12] : memref<32x3x128xi32, #tpu.memory_space<hbm>> -> memref<1x3x128xi32, #tpu.memory_space<hbm>>
      %dma_start3A_14 = tpu.memref_squeeze %dma_start3A_13 : memref<1x3x128xi32, #tpu.memory_space<hbm>> -> memref<3x128xi32, #tpu.memory_space<hbm>>
      %dma_start3A_15 = arith.constant 0 : i32
      %dma_start3A_16 = arith.constant 0 : i32
      %dma_start3A_17 = tpu.memref_slice %arg3[%add3A, %dma_start3A_15, %dma_start3A_16] : memref<32x3x128xi32, #tpu.memory_space<hbm>> -> memref<1x3x128xi32, #tpu.memory_space<hbm>>
      %dma_start3A_18 = tpu.memref_squeeze %dma_start3A_17 : memref<1x3x128xi32, #tpu.memory_space<hbm>> -> memref<3x128xi32, #tpu.memory_space<hbm>>
      tpu.enqueue_dma source(%dma_start3A_18 : memref<3x128xi32, #tpu.memory_space<hbm>>) target(%arg7 : memref<3x128xi32, #tpu.memory_space<vmem>>) target_semaphore(%run_scoped3A : memref<!tpu.dma_semaphore, #tpu.memory_space<semaphore_mem>>)
      %dma_wait3A = arith.constant 0 : i32
      %dma_wait3A_19 = arith.constant 0 : i32
      %dma_wait3A_20 = tpu.memref_slice %arg3[%add3A, %dma_wait3A, %dma_wait3A_19] : memref<32x3x128xi32, #tpu.memory_space<hbm>> -> memref<1x3x128xi32, #tpu.memory_space<hbm>>
      %dma_wait3A_21 = tpu.memref_squeeze %dma_wait3A_20 : memref<1x3x128xi32, #tpu.memory_space<hbm>> -> memref<3x128xi32, #tpu.memory_space<hbm>>
      %dma_wait3A_22 = arith.constant 0 : i32
      %dma_wait3A_23 = arith.constant 0 : i32
      %dma_wait3A_24 = tpu.memref_slice %arg3[%add3A, %dma_wait3A_22, %dma_wait3A_23] : memref<32x3x128xi32, #tpu.memory_space<hbm>> -> memref<1x3x128xi32, #tpu.memory_space<hbm>>
      %dma_wait3A_25 = tpu.memref_squeeze %dma_wait3A_24 : memref<1x3x128xi32, #tpu.memory_space<hbm>> -> memref<3x128xi32, #tpu.memory_space<hbm>>
      tpu.wait_dma2 semaphore(%run_scoped3A : memref<!tpu.dma_semaphore, #tpu.memory_space<semaphore_mem>>) src(%dma_wait3A_25 : memref<3x128xi32, #tpu.memory_space<hbm>>) dst(%arg7 : memref<3x128xi32, #tpu.memory_space<vmem>>)
      tpu.yield
    }) : () -> ()
    "tpu.region"() ({
      %run_scoped3A = tpu.sem_alloc : memref<!tpu.dma_semaphore, #tpu.memory_space<semaphore_mem>>
      %dma_start3A = arith.constant 0 : i32
      %dma_start3A_12 = arith.constant 0 : i32
      %dma_start3A_13 = tpu.memref_slice %arg4[%add3A, %dma_start3A, %dma_start3A_12] : memref<32x3x128xi32, #tpu.memory_space<hbm>> -> memref<1x3x128xi32, #tpu.memory_space<hbm>>
      %dma_start3A_14 = tpu.memref_squeeze %dma_start3A_13 : memref<1x3x128xi32, #tpu.memory_space<hbm>> -> memref<3x128xi32, #tpu.memory_space<hbm>>
      %dma_start3A_15 = arith.constant 0 : i32
      %dma_start3A_16 = arith.constant 0 : i32
      %dma_start3A_17 = tpu.memref_slice %arg4[%add3A, %dma_start3A_15, %dma_start3A_16] : memref<32x3x128xi32, #tpu.memory_space<hbm>> -> memref<1x3x128xi32, #tpu.memory_space<hbm>>
      %dma_start3A_18 = tpu.memref_squeeze %dma_start3A_17 : memref<1x3x128xi32, #tpu.memory_space<hbm>> -> memref<3x128xi32, #tpu.memory_space<hbm>>
      tpu.enqueue_dma source(%dma_start3A_18 : memref<3x128xi32, #tpu.memory_space<hbm>>) target(%arg8 : memref<3x128xi32, #tpu.memory_space<vmem>>) target_semaphore(%run_scoped3A : memref<!tpu.dma_semaphore, #tpu.memory_space<semaphore_mem>>)
      %dma_wait3A = arith.constant 0 : i32
      %dma_wait3A_19 = arith.constant 0 : i32
      %dma_wait3A_20 = tpu.memref_slice %arg4[%add3A, %dma_wait3A, %dma_wait3A_19] : memref<32x3x128xi32, #tpu.memory_space<hbm>> -> memref<1x3x128xi32, #tpu.memory_space<hbm>>
      %dma_wait3A_21 = tpu.memref_squeeze %dma_wait3A_20 : memref<1x3x128xi32, #tpu.memory_space<hbm>> -> memref<3x128xi32, #tpu.memory_space<hbm>>
      %dma_wait3A_22 = arith.constant 0 : i32
      %dma_wait3A_23 = arith.constant 0 : i32
      %dma_wait3A_24 = tpu.memref_slice %arg4[%add3A, %dma_wait3A_22, %dma_wait3A_23] : memref<32x3x128xi32, #tpu.memory_space<hbm>> -> memref<1x3x128xi32, #tpu.memory_space<hbm>>
      %dma_wait3A_25 = tpu.memref_squeeze %dma_wait3A_24 : memref<1x3x128xi32, #tpu.memory_space<hbm>> -> memref<3x128xi32, #tpu.memory_space<hbm>>
      tpu.wait_dma2 semaphore(%run_scoped3A : memref<!tpu.dma_semaphore, #tpu.memory_space<semaphore_mem>>) src(%dma_wait3A_25 : memref<3x128xi32, #tpu.memory_space<hbm>>) dst(%arg8 : memref<3x128xi32, #tpu.memory_space<vmem>>)
      tpu.yield
    }) : () -> ()
    "tpu.region"() ({
      %run_scoped3A = tpu.sem_alloc : memref<!tpu.dma_semaphore, #tpu.memory_space<semaphore_mem>>
      tpu.enqueue_dma source(%arg5 : memref<128x128xf32, #tpu.memory_space<hbm>>) target(%arg10 : memref<128x128xf32, #tpu.memory_space<vmem>>) target_semaphore(%run_scoped3A : memref<!tpu.dma_semaphore, #tpu.memory_space<semaphore_mem>>)
      tpu.wait_dma2 semaphore(%run_scoped3A : memref<!tpu.dma_semaphore, #tpu.memory_space<semaphore_mem>>) src(%arg5 : memref<128x128xf32, #tpu.memory_space<hbm>>) dst(%arg10 : memref<128x128xf32, #tpu.memory_space<vmem>>)
      tpu.yield
    }) : () -> ()
    %mul3A_1 = arith.constant 128 : i32
    %mul3A_2 = arith.muli %arg1, %mul3A_1 : i32
    "tpu.region"() ({
      %run_scoped3A = tpu.sem_alloc : memref<!tpu.dma_semaphore, #tpu.memory_space<semaphore_mem>>
      %dma_start3A = arith.constant 0 : i32
      %dma_start3A_12 = tpu.memref_slice %arg11[%mul3A_2, %dma_start3A] : memref<2048x128xf32, #tpu.memory_space<vmem_shared>> -> memref<128x128xf32, #tpu.memory_space<vmem_shared>>
      %dma_start3A_13 = arith.constant 0 : i32
      %dma_start3A_14 = tpu.memref_slice %arg11[%mul3A_2, %dma_start3A_13] : memref<2048x128xf32, #tpu.memory_space<vmem_shared>> -> memref<128x128xf32, #tpu.memory_space<vmem_shared>>
      tpu.enqueue_dma source(%arg10 : memref<128x128xf32, #tpu.memory_space<vmem>>) target(%dma_start3A_14 : memref<128x128xf32, #tpu.memory_space<vmem_shared>>) target_semaphore(%run_scoped3A : memref<!tpu.dma_semaphore, #tpu.memory_space<semaphore_mem>>)
      %dma_wait3A = arith.constant 0 : i32
      %dma_wait3A_15 = tpu.memref_slice %arg11[%mul3A_2, %dma_wait3A] : memref<2048x128xf32, #tpu.memory_space<vmem_shared>> -> memref<128x128xf32, #tpu.memory_space<vmem_shared>>
      %dma_wait3A_16 = arith.constant 0 : i32
      %dma_wait3A_17 = tpu.memref_slice %arg11[%mul3A_2, %dma_wait3A_16] : memref<2048x128xf32, #tpu.memory_space<vmem_shared>> -> memref<128x128xf32, #tpu.memory_space<vmem_shared>>
      tpu.wait_dma2 semaphore(%run_scoped3A : memref<!tpu.dma_semaphore, #tpu.memory_space<semaphore_mem>>) src(%arg10 : memref<128x128xf32, #tpu.memory_space<vmem>>) dst(%dma_wait3A_17 : memref<128x128xf32, #tpu.memory_space<vmem_shared>>)
      tpu.yield
    }) : () -> ()
    %barrier3A = arith.constant 0 : index
    tpu.barrier barrier_id(%barrier3A)
    %scan3A = arith.constant 0 : i32
    %scan3A_3 = arith.constant 3 : i32
    %scan3A_4 = arith.addi %scan3A, %scan3A_3 : i32
    %scan3A_5 = arith.constant 1 : i32
    scf.for %scan3A_12 = %scan3A to %scan3A_4 step %scan3A_5  : i32 {
      %mul3A_13 = arith.constant 1 : i32
      %mul3A_14 = arith.muli %scan3A_12, %mul3A_13 : i32
      %add3A_15 = arith.constant 0 : i32
      %add3A_16 = arith.addi %add3A_15, %mul3A_14 : i32
      "tpu.region"() ({
        %run_scoped3A = tpu.sem_alloc : memref<!tpu.dma_semaphore, #tpu.memory_space<semaphore_mem>>
        %dma_start3A = arith.constant 0 : i32
        %dma_start3A_17 = tpu.memref_slice %arg7[%add3A_16, %dma_start3A] : memref<3x128xi32, #tpu.memory_space<vmem>> -> memref<1x128xi32, #tpu.memory_space<vmem>>
        %dma_start3A_18 = tpu.memref_squeeze %dma_start3A_17 : memref<1x128xi32, #tpu.memory_space<vmem>> -> memref<128xi32, #tpu.memory_space<vmem>>
        %dma_start3A_19 = arith.constant 0 : i32
        %dma_start3A_20 = arith.constant 0 : i32
        %dma_start3A_21 = tpu.memref_slice %arg2[%dma_start3A_19, %dma_start3A_20] : memref<10000x128xf32, #tpu.memory_space<hbm>> -> memref<10000x128xf32, #tpu.memory_space<hbm>>
        tpu.enqueue_indirect_dma source(%dma_start3A_21 : memref<10000x128xf32, #tpu.memory_space<hbm>>) target(%arg9 : memref<128x128xf32, #tpu.memory_space<vmem>>) offsets(%dma_start3A_18 : memref<128xi32, #tpu.memory_space<vmem>>) semaphore(%run_scoped3A : memref<!tpu.dma_semaphore, #tpu.memory_space<semaphore_mem>>)
        %dma_wait3A = arith.constant 0 : i32
        %dma_wait3A_22 = tpu.memref_slice %arg7[%add3A_16, %dma_wait3A] : memref<3x128xi32, #tpu.memory_space<vmem>> -> memref<1x128xi32, #tpu.memory_space<vmem>>
        %dma_wait3A_23 = tpu.memref_squeeze %dma_wait3A_22 : memref<1x128xi32, #tpu.memory_space<vmem>> -> memref<128xi32, #tpu.memory_space<vmem>>
        %dma_wait3A_24 = arith.constant 0 : i32
        %dma_wait3A_25 = arith.constant 0 : i32
        %dma_wait3A_26 = tpu.memref_slice %arg2[%dma_wait3A_24, %dma_wait3A_25] : memref<10000x128xf32, #tpu.memory_space<hbm>> -> memref<10000x128xf32, #tpu.memory_space<hbm>>
        tpu.wait_indirect_dma semaphore(%run_scoped3A : memref<!tpu.dma_semaphore, #tpu.memory_space<semaphore_mem>>) src(%dma_wait3A_26 : memref<10000x128xf32, #tpu.memory_space<hbm>>) dst(%arg9 : memref<128x128xf32, #tpu.memory_space<vmem>>)
        tpu.yield
      }) : () -> ()
      "tpu.region"() ({
        %run_scoped3A = tpu.sem_alloc : memref<!tpu.dma_semaphore, #tpu.memory_space<semaphore_mem>>
        %dma_start3A = arith.constant 0 : i32
        %dma_start3A_17 = tpu.memref_slice %arg8[%add3A_16, %dma_start3A] : memref<3x128xi32, #tpu.memory_space<vmem>> -> memref<1x128xi32, #tpu.memory_space<vmem>>
        %dma_start3A_18 = tpu.memref_squeeze %dma_start3A_17 : memref<1x128xi32, #tpu.memory_space<vmem>> -> memref<128xi32, #tpu.memory_space<vmem>>
        %dma_start3A_19 = arith.constant 0 : i32
        %dma_start3A_20 = arith.constant 0 : i32
        %dma_start3A_21 = tpu.memref_slice %arg11[%dma_start3A_19, %dma_start3A_20] : memref<2048x128xf32, #tpu.memory_space<vmem_shared>> -> memref<2048x128xf32, #tpu.memory_space<vmem_shared>>
        tpu.enqueue_indirect_dma source(%arg9 : memref<128x128xf32, #tpu.memory_space<vmem>>) target(%dma_start3A_21 : memref<2048x128xf32, #tpu.memory_space<vmem_shared>>) offsets(%dma_start3A_18 : memref<128xi32, #tpu.memory_space<vmem>>) semaphore(%run_scoped3A : memref<!tpu.dma_semaphore, #tpu.memory_space<semaphore_mem>>) {add = true}
        %dma_wait3A = arith.constant 0 : i32
        %dma_wait3A_22 = tpu.memref_slice %arg8[%add3A_16, %dma_wait3A] : memref<3x128xi32, #tpu.memory_space<vmem>> -> memref<1x128xi32, #tpu.memory_space<vmem>>
        %dma_wait3A_23 = tpu.memref_squeeze %dma_wait3A_22 : memref<1x128xi32, #tpu.memory_space<vmem>> -> memref<128xi32, #tpu.memory_space<vmem>>
        %dma_wait3A_24 = arith.constant 0 : i32
        %dma_wait3A_25 = arith.constant 0 : i32
        %dma_wait3A_26 = tpu.memref_slice %arg11[%dma_wait3A_24, %dma_wait3A_25] : memref<2048x128xf32, #tpu.memory_space<vmem_shared>> -> memref<2048x128xf32, #tpu.memory_space<vmem_shared>>
        tpu.wait_indirect_dma semaphore(%run_scoped3A : memref<!tpu.dma_semaphore, #tpu.memory_space<semaphore_mem>>) src(%arg9 : memref<128x128xf32, #tpu.memory_space<vmem>>) dst(%dma_wait3A_26 : memref<2048x128xf32, #tpu.memory_space<vmem_shared>>)
        tpu.yield
      }) : () -> ()
    }
    %scan3A_6 = arith.constant 3 : i32
    %barrier3A_7 = arith.constant 0 : index
    tpu.barrier barrier_id(%barrier3A_7)
    %mul3A_8 = arith.constant 128 : i32
    %mul3A_9 = arith.muli %arg1, %mul3A_8 : i32
    "tpu.region"() ({
      %run_scoped3A = tpu.sem_alloc : memref<!tpu.dma_semaphore, #tpu.memory_space<semaphore_mem>>
      %dma_start3A = arith.constant 0 : i32
      %dma_start3A_12 = tpu.memref_slice %arg11[%mul3A_9, %dma_start3A] : memref<2048x128xf32, #tpu.memory_space<vmem_shared>> -> memref<128x128xf32, #tpu.memory_space<vmem_shared>>
      %dma_start3A_13 = arith.constant 0 : i32
      %dma_start3A_14 = tpu.memref_slice %arg11[%mul3A_9, %dma_start3A_13] : memref<2048x128xf32, #tpu.memory_space<vmem_shared>> -> memref<128x128xf32, #tpu.memory_space<vmem_shared>>
      tpu.enqueue_dma source(%dma_start3A_14 : memref<128x128xf32, #tpu.memory_space<vmem_shared>>) target(%arg10 : memref<128x128xf32, #tpu.memory_space<vmem>>) target_semaphore(%run_scoped3A : memref<!tpu.dma_semaphore, #tpu.memory_space<semaphore_mem>>)
      %dma_wait3A = arith.constant 0 : i32
      %dma_wait3A_15 = tpu.memref_slice %arg11[%mul3A_9, %dma_wait3A] : memref<2048x128xf32, #tpu.memory_space<vmem_shared>> -> memref<128x128xf32, #tpu.memory_space<vmem_shared>>
      %dma_wait3A_16 = arith.constant 0 : i32
      %dma_wait3A_17 = tpu.memref_slice %arg11[%mul3A_9, %dma_wait3A_16] : memref<2048x128xf32, #tpu.memory_space<vmem_shared>> -> memref<128x128xf32, #tpu.memory_space<vmem_shared>>
      tpu.wait_dma2 semaphore(%run_scoped3A : memref<!tpu.dma_semaphore, #tpu.memory_space<semaphore_mem>>) src(%dma_wait3A_17 : memref<128x128xf32, #tpu.memory_space<vmem_shared>>) dst(%arg10 : memref<128x128xf32, #tpu.memory_space<vmem>>)
      tpu.yield
    }) : () -> ()
    %mul3A_10 = arith.constant 128 : i32
    %mul3A_11 = arith.muli %arg1, %mul3A_10 : i32
    "tpu.region"() ({
      %run_scoped3A = tpu.sem_alloc : memref<!tpu.dma_semaphore, #tpu.memory_space<semaphore_mem>>
      %dma_start3A = arith.constant 0 : i32
      %dma_start3A_12 = arith.constant 0 : i32
      %dma_start3A_13 = tpu.memref_slice %arg6[%arg0, %dma_start3A, %dma_start3A_12] : memref<2x2048x128xf32, #tpu.memory_space<hbm>> -> memref<1x2048x128xf32, #tpu.memory_space<hbm>>
      %dma_start3A_14 = tpu.memref_squeeze %dma_start3A_13 : memref<1x2048x128xf32, #tpu.memory_space<hbm>> -> memref<2048x128xf32, #tpu.memory_space<hbm>>
      %dma_start3A_15 = arith.constant 0 : i32
      %dma_start3A_16 = tpu.memref_slice %dma_start3A_14[%mul3A_11, %dma_start3A_15] : memref<2048x128xf32, #tpu.memory_space<hbm>> -> memref<128x128xf32, #tpu.memory_space<hbm>>
      %dma_start3A_17 = arith.constant 0 : i32
      %dma_start3A_18 = arith.constant 0 : i32
      %dma_start3A_19 = tpu.memref_slice %arg6[%arg0, %dma_start3A_17, %dma_start3A_18] : memref<2x2048x128xf32, #tpu.memory_space<hbm>> -> memref<1x2048x128xf32, #tpu.memory_space<hbm>>
      %dma_start3A_20 = tpu.memref_squeeze %dma_start3A_19 : memref<1x2048x128xf32, #tpu.memory_space<hbm>> -> memref<2048x128xf32, #tpu.memory_space<hbm>>
      %dma_start3A_21 = arith.constant 0 : i32
      %dma_start3A_22 = tpu.memref_slice %dma_start3A_20[%mul3A_11, %dma_start3A_21] : memref<2048x128xf32, #tpu.memory_space<hbm>> -> memref<128x128xf32, #tpu.memory_space<hbm>>
      tpu.enqueue_dma source(%arg10 : memref<128x128xf32, #tpu.memory_space<vmem>>) target(%dma_start3A_22 : memref<128x128xf32, #tpu.memory_space<hbm>>) target_semaphore(%run_scoped3A : memref<!tpu.dma_semaphore, #tpu.memory_space<semaphore_mem>>)
      %dma_wait3A = arith.constant 0 : i32
      %dma_wait3A_23 = arith.constant 0 : i32
      %dma_wait3A_24 = tpu.memref_slice %arg6[%arg0, %dma_wait3A, %dma_wait3A_23] : memref<2x2048x128xf32, #tpu.memory_space<hbm>> -> memref<1x2048x128xf32, #tpu.memory_space<hbm>>
      %dma_wait3A_25 = tpu.memref_squeeze %dma_wait3A_24 : memref<1x2048x128xf32, #tpu.memory_space<hbm>> -> memref<2048x128xf32, #tpu.memory_space<hbm>>
      %dma_wait3A_26 = arith.constant 0 : i32
      %dma_wait3A_27 = tpu.memref_slice %dma_wait3A_25[%mul3A_11, %dma_wait3A_26] : memref<2048x128xf32, #tpu.memory_space<hbm>> -> memref<128x128xf32, #tpu.memory_space<hbm>>
      %dma_wait3A_28 = arith.constant 0 : i32
      %dma_wait3A_29 = arith.constant 0 : i32
      %dma_wait3A_30 = tpu.memref_slice %arg6[%arg0, %dma_wait3A_28, %dma_wait3A_29] : memref<2x2048x128xf32, #tpu.memory_space<hbm>> -> memref<1x2048x128xf32, #tpu.memory_space<hbm>>
      %dma_wait3A_31 = tpu.memref_squeeze %dma_wait3A_30 : memref<1x2048x128xf32, #tpu.memory_space<hbm>> -> memref<2048x128xf32, #tpu.memory_space<hbm>>
      %dma_wait3A_32 = arith.constant 0 : i32
      %dma_wait3A_33 = tpu.memref_slice %dma_wait3A_31[%mul3A_11, %dma_wait3A_32] : memref<2048x128xf32, #tpu.memory_space<hbm>> -> memref<128x128xf32, #tpu.memory_space<hbm>>
      tpu.wait_dma2 semaphore(%run_scoped3A : memref<!tpu.dma_semaphore, #tpu.memory_space<semaphore_mem>>) src(%arg10 : memref<128x128xf32, #tpu.memory_space<vmem>>) dst(%dma_wait3A_33 : memref<128x128xf32, #tpu.memory_space<hbm>>)
      tpu.yield
    }) : () -> ()
    return
  }
}

#map = affine_map<(d0, d1) -> (0, 0)>
#map1 = affine_map<(d0, d1) -> (0, 0, 0)>
module attributes {stable_mosaic.version = 14 : i64} {
  func.func @k(%arg0: i32, %arg1: i32, %arg2: memref<2048x128xf32, #tpu.memory_space<hbm>>, %arg3: memref<32x5x128xi32, #tpu.memory_space<hbm>>, %arg4: memref<32x5x128xi32, #tpu.memory_space<hbm>>, %arg5: memref<128x128xf32, #tpu.memory_space<hbm>>, %arg6: memref<2x2048x128xf32, #tpu.memory_space<hbm>>, %arg7: memref<5x128xi32, #tpu.memory_space<vmem>>, %arg8: memref<5x128xi32, #tpu.memory_space<vmem>>, %arg9: memref<128x128xf32, #tpu.memory_space<vmem>>, %arg10: memref<128x128xf32, #tpu.memory_space<vmem>>, %arg11: memref<2048x128xf32, #tpu.memory_space<vmem_shared>>) attributes {dimension_semantics = [#tpu.dimension_semantics<core_parallel>, #tpu.dimension_semantics<subcore_parallel>], iteration_bounds = array<i64: 2, 16>, scalar_prefetch = 0 : i64, scratch_operands = 5 : i64, tpu.core_type = #tpu.core_type<sc_vector_subcore>, window_params = [{transform_indices = #map}, {transform_indices = #map1}, {transform_indices = #map1}, {transform_indices = #map}, {transform_indices = #map1}]} {
    %mul3A = arith.constant 16 : i32
    %mul3A_0 = arith.muli %arg0, %mul3A : i32
    %add3A = arith.addi %mul3A_0, %arg1 : i32
    "tpu.region"() ({
      %run_scoped3A = tpu.sem_alloc : memref<!tpu.dma_semaphore, #tpu.memory_space<semaphore_mem>>
      %dma_start3A = arith.constant 0 : i32
      %dma_start3A_12 = arith.constant 0 : i32
      %dma_start3A_13 = tpu.memref_slice %arg3[%add3A, %dma_start3A, %dma_start3A_12] : memref<32x5x128xi32, #tpu.memory_space<hbm>> -> memref<1x5x128xi32, #tpu.memory_space<hbm>>
      %dma_start3A_14 = tpu.memref_squeeze %dma_start3A_13 : memref<1x5x128xi32, #tpu.memory_space<hbm>> -> memref<5x128xi32, #tpu.memory_space<hbm>>
      %dma_start3A_15 = arith.constant 0 : i32
      %dma_start3A_16 = arith.constant 0 : i32
      %dma_start3A_17 = tpu.memref_slice %arg3[%add3A, %dma_start3A_15, %dma_start3A_16] : memref<32x5x128xi32, #tpu.memory_space<hbm>> -> memref<1x5x128xi32, #tpu.memory_space<hbm>>
      %dma_start3A_18 = tpu.memref_squeeze %dma_start3A_17 : memref<1x5x128xi32, #tpu.memory_space<hbm>> -> memref<5x128xi32, #tpu.memory_space<hbm>>
      tpu.enqueue_dma source(%dma_start3A_18 : memref<5x128xi32, #tpu.memory_space<hbm>>) target(%arg7 : memref<5x128xi32, #tpu.memory_space<vmem>>) target_semaphore(%run_scoped3A : memref<!tpu.dma_semaphore, #tpu.memory_space<semaphore_mem>>)
      %dma_wait3A = arith.constant 0 : i32
      %dma_wait3A_19 = arith.constant 0 : i32
      %dma_wait3A_20 = tpu.memref_slice %arg3[%add3A, %dma_wait3A, %dma_wait3A_19] : memref<32x5x128xi32, #tpu.memory_space<hbm>> -> memref<1x5x128xi32, #tpu.memory_space<hbm>>
      %dma_wait3A_21 = tpu.memref_squeeze %dma_wait3A_20 : memref<1x5x128xi32, #tpu.memory_space<hbm>> -> memref<5x128xi32, #tpu.memory_space<hbm>>
      %dma_wait3A_22 = arith.constant 0 : i32
      %dma_wait3A_23 = arith.constant 0 : i32
      %dma_wait3A_24 = tpu.memref_slice %arg3[%add3A, %dma_wait3A_22, %dma_wait3A_23] : memref<32x5x128xi32, #tpu.memory_space<hbm>> -> memref<1x5x128xi32, #tpu.memory_space<hbm>>
      %dma_wait3A_25 = tpu.memref_squeeze %dma_wait3A_24 : memref<1x5x128xi32, #tpu.memory_space<hbm>> -> memref<5x128xi32, #tpu.memory_space<hbm>>
      tpu.wait_dma2 semaphore(%run_scoped3A : memref<!tpu.dma_semaphore, #tpu.memory_space<semaphore_mem>>) src(%dma_wait3A_25 : memref<5x128xi32, #tpu.memory_space<hbm>>) dst(%arg7 : memref<5x128xi32, #tpu.memory_space<vmem>>)
      tpu.yield
    }) : () -> ()
    "tpu.region"() ({
      %run_scoped3A = tpu.sem_alloc : memref<!tpu.dma_semaphore, #tpu.memory_space<semaphore_mem>>
      %dma_start3A = arith.constant 0 : i32
      %dma_start3A_12 = arith.constant 0 : i32
      %dma_start3A_13 = tpu.memref_slice %arg4[%add3A, %dma_start3A, %dma_start3A_12] : memref<32x5x128xi32, #tpu.memory_space<hbm>> -> memref<1x5x128xi32, #tpu.memory_space<hbm>>
      %dma_start3A_14 = tpu.memref_squeeze %dma_start3A_13 : memref<1x5x128xi32, #tpu.memory_space<hbm>> -> memref<5x128xi32, #tpu.memory_space<hbm>>
      %dma_start3A_15 = arith.constant 0 : i32
      %dma_start3A_16 = arith.constant 0 : i32
      %dma_start3A_17 = tpu.memref_slice %arg4[%add3A, %dma_start3A_15, %dma_start3A_16] : memref<32x5x128xi32, #tpu.memory_space<hbm>> -> memref<1x5x128xi32, #tpu.memory_space<hbm>>
      %dma_start3A_18 = tpu.memref_squeeze %dma_start3A_17 : memref<1x5x128xi32, #tpu.memory_space<hbm>> -> memref<5x128xi32, #tpu.memory_space<hbm>>
      tpu.enqueue_dma source(%dma_start3A_18 : memref<5x128xi32, #tpu.memory_space<hbm>>) target(%arg8 : memref<5x128xi32, #tpu.memory_space<vmem>>) target_semaphore(%run_scoped3A : memref<!tpu.dma_semaphore, #tpu.memory_space<semaphore_mem>>)
      %dma_wait3A = arith.constant 0 : i32
      %dma_wait3A_19 = arith.constant 0 : i32
      %dma_wait3A_20 = tpu.memref_slice %arg4[%add3A, %dma_wait3A, %dma_wait3A_19] : memref<32x5x128xi32, #tpu.memory_space<hbm>> -> memref<1x5x128xi32, #tpu.memory_space<hbm>>
      %dma_wait3A_21 = tpu.memref_squeeze %dma_wait3A_20 : memref<1x5x128xi32, #tpu.memory_space<hbm>> -> memref<5x128xi32, #tpu.memory_space<hbm>>
      %dma_wait3A_22 = arith.constant 0 : i32
      %dma_wait3A_23 = arith.constant 0 : i32
      %dma_wait3A_24 = tpu.memref_slice %arg4[%add3A, %dma_wait3A_22, %dma_wait3A_23] : memref<32x5x128xi32, #tpu.memory_space<hbm>> -> memref<1x5x128xi32, #tpu.memory_space<hbm>>
      %dma_wait3A_25 = tpu.memref_squeeze %dma_wait3A_24 : memref<1x5x128xi32, #tpu.memory_space<hbm>> -> memref<5x128xi32, #tpu.memory_space<hbm>>
      tpu.wait_dma2 semaphore(%run_scoped3A : memref<!tpu.dma_semaphore, #tpu.memory_space<semaphore_mem>>) src(%dma_wait3A_25 : memref<5x128xi32, #tpu.memory_space<hbm>>) dst(%arg8 : memref<5x128xi32, #tpu.memory_space<vmem>>)
      tpu.yield
    }) : () -> ()
    "tpu.region"() ({
      %run_scoped3A = tpu.sem_alloc : memref<!tpu.dma_semaphore, #tpu.memory_space<semaphore_mem>>
      tpu.enqueue_dma source(%arg5 : memref<128x128xf32, #tpu.memory_space<hbm>>) target(%arg10 : memref<128x128xf32, #tpu.memory_space<vmem>>) target_semaphore(%run_scoped3A : memref<!tpu.dma_semaphore, #tpu.memory_space<semaphore_mem>>)
      tpu.wait_dma2 semaphore(%run_scoped3A : memref<!tpu.dma_semaphore, #tpu.memory_space<semaphore_mem>>) src(%arg5 : memref<128x128xf32, #tpu.memory_space<hbm>>) dst(%arg10 : memref<128x128xf32, #tpu.memory_space<vmem>>)
      tpu.yield
    }) : () -> ()
    %mul3A_1 = arith.constant 128 : i32
    %mul3A_2 = arith.muli %arg1, %mul3A_1 : i32
    "tpu.region"() ({
      %run_scoped3A = tpu.sem_alloc : memref<!tpu.dma_semaphore, #tpu.memory_space<semaphore_mem>>
      %dma_start3A = arith.constant 0 : i32
      %dma_start3A_12 = tpu.memref_slice %arg11[%mul3A_2, %dma_start3A] : memref<2048x128xf32, #tpu.memory_space<vmem_shared>> -> memref<128x128xf32, #tpu.memory_space<vmem_shared>>
      %dma_start3A_13 = arith.constant 0 : i32
      %dma_start3A_14 = tpu.memref_slice %arg11[%mul3A_2, %dma_start3A_13] : memref<2048x128xf32, #tpu.memory_space<vmem_shared>> -> memref<128x128xf32, #tpu.memory_space<vmem_shared>>
      tpu.enqueue_dma source(%arg10 : memref<128x128xf32, #tpu.memory_space<vmem>>) target(%dma_start3A_14 : memref<128x128xf32, #tpu.memory_space<vmem_shared>>) target_semaphore(%run_scoped3A : memref<!tpu.dma_semaphore, #tpu.memory_space<semaphore_mem>>)
      %dma_wait3A = arith.constant 0 : i32
      %dma_wait3A_15 = tpu.memref_slice %arg11[%mul3A_2, %dma_wait3A] : memref<2048x128xf32, #tpu.memory_space<vmem_shared>> -> memref<128x128xf32, #tpu.memory_space<vmem_shared>>
      %dma_wait3A_16 = arith.constant 0 : i32
      %dma_wait3A_17 = tpu.memref_slice %arg11[%mul3A_2, %dma_wait3A_16] : memref<2048x128xf32, #tpu.memory_space<vmem_shared>> -> memref<128x128xf32, #tpu.memory_space<vmem_shared>>
      tpu.wait_dma2 semaphore(%run_scoped3A : memref<!tpu.dma_semaphore, #tpu.memory_space<semaphore_mem>>) src(%arg10 : memref<128x128xf32, #tpu.memory_space<vmem>>) dst(%dma_wait3A_17 : memref<128x128xf32, #tpu.memory_space<vmem_shared>>)
      tpu.yield
    }) : () -> ()
    %barrier3A = arith.constant 0 : index
    tpu.barrier barrier_id(%barrier3A)
    %scan3A = arith.constant 0 : i32
    %scan3A_3 = arith.constant 5 : i32
    %scan3A_4 = arith.addi %scan3A, %scan3A_3 : i32
    %scan3A_5 = arith.constant 1 : i32
    scf.for %scan3A_12 = %scan3A to %scan3A_4 step %scan3A_5  : i32 {
      %mul3A_13 = arith.constant 1 : i32
      %mul3A_14 = arith.muli %scan3A_12, %mul3A_13 : i32
      %add3A_15 = arith.constant 0 : i32
      %add3A_16 = arith.addi %add3A_15, %mul3A_14 : i32
      "tpu.region"() ({
        %run_scoped3A = tpu.sem_alloc : memref<!tpu.dma_semaphore, #tpu.memory_space<semaphore_mem>>
        %dma_start3A = arith.constant 0 : i32
        %dma_start3A_17 = tpu.memref_slice %arg7[%add3A_16, %dma_start3A] : memref<5x128xi32, #tpu.memory_space<vmem>> -> memref<1x128xi32, #tpu.memory_space<vmem>>
        %dma_start3A_18 = tpu.memref_squeeze %dma_start3A_17 : memref<1x128xi32, #tpu.memory_space<vmem>> -> memref<128xi32, #tpu.memory_space<vmem>>
        %dma_start3A_19 = arith.constant 0 : i32
        %dma_start3A_20 = arith.constant 0 : i32
        %dma_start3A_21 = tpu.memref_slice %arg2[%dma_start3A_19, %dma_start3A_20] : memref<2048x128xf32, #tpu.memory_space<hbm>> -> memref<2048x128xf32, #tpu.memory_space<hbm>>
        tpu.enqueue_indirect_dma source(%dma_start3A_21 : memref<2048x128xf32, #tpu.memory_space<hbm>>) target(%arg9 : memref<128x128xf32, #tpu.memory_space<vmem>>) offsets(%dma_start3A_18 : memref<128xi32, #tpu.memory_space<vmem>>) semaphore(%run_scoped3A : memref<!tpu.dma_semaphore, #tpu.memory_space<semaphore_mem>>)
        %dma_wait3A = arith.constant 0 : i32
        %dma_wait3A_22 = tpu.memref_slice %arg7[%add3A_16, %dma_wait3A] : memref<5x128xi32, #tpu.memory_space<vmem>> -> memref<1x128xi32, #tpu.memory_space<vmem>>
        %dma_wait3A_23 = tpu.memref_squeeze %dma_wait3A_22 : memref<1x128xi32, #tpu.memory_space<vmem>> -> memref<128xi32, #tpu.memory_space<vmem>>
        %dma_wait3A_24 = arith.constant 0 : i32
        %dma_wait3A_25 = arith.constant 0 : i32
        %dma_wait3A_26 = tpu.memref_slice %arg2[%dma_wait3A_24, %dma_wait3A_25] : memref<2048x128xf32, #tpu.memory_space<hbm>> -> memref<2048x128xf32, #tpu.memory_space<hbm>>
        tpu.wait_indirect_dma semaphore(%run_scoped3A : memref<!tpu.dma_semaphore, #tpu.memory_space<semaphore_mem>>) src(%dma_wait3A_26 : memref<2048x128xf32, #tpu.memory_space<hbm>>) dst(%arg9 : memref<128x128xf32, #tpu.memory_space<vmem>>)
        tpu.yield
      }) : () -> ()
      "tpu.region"() ({
        %run_scoped3A = tpu.sem_alloc : memref<!tpu.dma_semaphore, #tpu.memory_space<semaphore_mem>>
        %dma_start3A = arith.constant 0 : i32
        %dma_start3A_17 = tpu.memref_slice %arg8[%add3A_16, %dma_start3A] : memref<5x128xi32, #tpu.memory_space<vmem>> -> memref<1x128xi32, #tpu.memory_space<vmem>>
        %dma_start3A_18 = tpu.memref_squeeze %dma_start3A_17 : memref<1x128xi32, #tpu.memory_space<vmem>> -> memref<128xi32, #tpu.memory_space<vmem>>
        %dma_start3A_19 = arith.constant 0 : i32
        %dma_start3A_20 = arith.constant 0 : i32
        %dma_start3A_21 = tpu.memref_slice %arg11[%dma_start3A_19, %dma_start3A_20] : memref<2048x128xf32, #tpu.memory_space<vmem_shared>> -> memref<2048x128xf32, #tpu.memory_space<vmem_shared>>
        tpu.enqueue_indirect_dma source(%arg9 : memref<128x128xf32, #tpu.memory_space<vmem>>) target(%dma_start3A_21 : memref<2048x128xf32, #tpu.memory_space<vmem_shared>>) offsets(%dma_start3A_18 : memref<128xi32, #tpu.memory_space<vmem>>) semaphore(%run_scoped3A : memref<!tpu.dma_semaphore, #tpu.memory_space<semaphore_mem>>) {add = true}
        %dma_wait3A = arith.constant 0 : i32
        %dma_wait3A_22 = tpu.memref_slice %arg8[%add3A_16, %dma_wait3A] : memref<5x128xi32, #tpu.memory_space<vmem>> -> memref<1x128xi32, #tpu.memory_space<vmem>>
        %dma_wait3A_23 = tpu.memref_squeeze %dma_wait3A_22 : memref<1x128xi32, #tpu.memory_space<vmem>> -> memref<128xi32, #tpu.memory_space<vmem>>
        %dma_wait3A_24 = arith.constant 0 : i32
        %dma_wait3A_25 = arith.constant 0 : i32
        %dma_wait3A_26 = tpu.memref_slice %arg11[%dma_wait3A_24, %dma_wait3A_25] : memref<2048x128xf32, #tpu.memory_space<vmem_shared>> -> memref<2048x128xf32, #tpu.memory_space<vmem_shared>>
        tpu.wait_indirect_dma semaphore(%run_scoped3A : memref<!tpu.dma_semaphore, #tpu.memory_space<semaphore_mem>>) src(%arg9 : memref<128x128xf32, #tpu.memory_space<vmem>>) dst(%dma_wait3A_26 : memref<2048x128xf32, #tpu.memory_space<vmem_shared>>)
        tpu.yield
      }) : () -> ()
    }
    %scan3A_6 = arith.constant 5 : i32
    %barrier3A_7 = arith.constant 0 : index
    tpu.barrier barrier_id(%barrier3A_7)
    %mul3A_8 = arith.constant 128 : i32
    %mul3A_9 = arith.muli %arg1, %mul3A_8 : i32
    "tpu.region"() ({
      %run_scoped3A = tpu.sem_alloc : memref<!tpu.dma_semaphore, #tpu.memory_space<semaphore_mem>>
      %dma_start3A = arith.constant 0 : i32
      %dma_start3A_12 = tpu.memref_slice %arg11[%mul3A_9, %dma_start3A] : memref<2048x128xf32, #tpu.memory_space<vmem_shared>> -> memref<128x128xf32, #tpu.memory_space<vmem_shared>>
      %dma_start3A_13 = arith.constant 0 : i32
      %dma_start3A_14 = tpu.memref_slice %arg11[%mul3A_9, %dma_start3A_13] : memref<2048x128xf32, #tpu.memory_space<vmem_shared>> -> memref<128x128xf32, #tpu.memory_space<vmem_shared>>
      tpu.enqueue_dma source(%dma_start3A_14 : memref<128x128xf32, #tpu.memory_space<vmem_shared>>) target(%arg10 : memref<128x128xf32, #tpu.memory_space<vmem>>) target_semaphore(%run_scoped3A : memref<!tpu.dma_semaphore, #tpu.memory_space<semaphore_mem>>)
      %dma_wait3A = arith.constant 0 : i32
      %dma_wait3A_15 = tpu.memref_slice %arg11[%mul3A_9, %dma_wait3A] : memref<2048x128xf32, #tpu.memory_space<vmem_shared>> -> memref<128x128xf32, #tpu.memory_space<vmem_shared>>
      %dma_wait3A_16 = arith.constant 0 : i32
      %dma_wait3A_17 = tpu.memref_slice %arg11[%mul3A_9, %dma_wait3A_16] : memref<2048x128xf32, #tpu.memory_space<vmem_shared>> -> memref<128x128xf32, #tpu.memory_space<vmem_shared>>
      tpu.wait_dma2 semaphore(%run_scoped3A : memref<!tpu.dma_semaphore, #tpu.memory_space<semaphore_mem>>) src(%dma_wait3A_17 : memref<128x128xf32, #tpu.memory_space<vmem_shared>>) dst(%arg10 : memref<128x128xf32, #tpu.memory_space<vmem>>)
      tpu.yield
    }) : () -> ()
    %mul3A_10 = arith.constant 128 : i32
    %mul3A_11 = arith.muli %arg1, %mul3A_10 : i32
    "tpu.region"() ({
      %run_scoped3A = tpu.sem_alloc : memref<!tpu.dma_semaphore, #tpu.memory_space<semaphore_mem>>
      %dma_start3A = arith.constant 0 : i32
      %dma_start3A_12 = arith.constant 0 : i32
      %dma_start3A_13 = tpu.memref_slice %arg6[%arg0, %dma_start3A, %dma_start3A_12] : memref<2x2048x128xf32, #tpu.memory_space<hbm>> -> memref<1x2048x128xf32, #tpu.memory_space<hbm>>
      %dma_start3A_14 = tpu.memref_squeeze %dma_start3A_13 : memref<1x2048x128xf32, #tpu.memory_space<hbm>> -> memref<2048x128xf32, #tpu.memory_space<hbm>>
      %dma_start3A_15 = arith.constant 0 : i32
      %dma_start3A_16 = tpu.memref_slice %dma_start3A_14[%mul3A_11, %dma_start3A_15] : memref<2048x128xf32, #tpu.memory_space<hbm>> -> memref<128x128xf32, #tpu.memory_space<hbm>>
      %dma_start3A_17 = arith.constant 0 : i32
      %dma_start3A_18 = arith.constant 0 : i32
      %dma_start3A_19 = tpu.memref_slice %arg6[%arg0, %dma_start3A_17, %dma_start3A_18] : memref<2x2048x128xf32, #tpu.memory_space<hbm>> -> memref<1x2048x128xf32, #tpu.memory_space<hbm>>
      %dma_start3A_20 = tpu.memref_squeeze %dma_start3A_19 : memref<1x2048x128xf32, #tpu.memory_space<hbm>> -> memref<2048x128xf32, #tpu.memory_space<hbm>>
      %dma_start3A_21 = arith.constant 0 : i32
      %dma_start3A_22 = tpu.memref_slice %dma_start3A_20[%mul3A_11, %dma_start3A_21] : memref<2048x128xf32, #tpu.memory_space<hbm>> -> memref<128x128xf32, #tpu.memory_space<hbm>>
      tpu.enqueue_dma source(%arg10 : memref<128x128xf32, #tpu.memory_space<vmem>>) target(%dma_start3A_22 : memref<128x128xf32, #tpu.memory_space<hbm>>) target_semaphore(%run_scoped3A : memref<!tpu.dma_semaphore, #tpu.memory_space<semaphore_mem>>)
      %dma_wait3A = arith.constant 0 : i32
      %dma_wait3A_23 = arith.constant 0 : i32
      %dma_wait3A_24 = tpu.memref_slice %arg6[%arg0, %dma_wait3A, %dma_wait3A_23] : memref<2x2048x128xf32, #tpu.memory_space<hbm>> -> memref<1x2048x128xf32, #tpu.memory_space<hbm>>
      %dma_wait3A_25 = tpu.memref_squeeze %dma_wait3A_24 : memref<1x2048x128xf32, #tpu.memory_space<hbm>> -> memref<2048x128xf32, #tpu.memory_space<hbm>>
      %dma_wait3A_26 = arith.constant 0 : i32
      %dma_wait3A_27 = tpu.memref_slice %dma_wait3A_25[%mul3A_11, %dma_wait3A_26] : memref<2048x128xf32, #tpu.memory_space<hbm>> -> memref<128x128xf32, #tpu.memory_space<hbm>>
      %dma_wait3A_28 = arith.constant 0 : i32
      %dma_wait3A_29 = arith.constant 0 : i32
      %dma_wait3A_30 = tpu.memref_slice %arg6[%arg0, %dma_wait3A_28, %dma_wait3A_29] : memref<2x2048x128xf32, #tpu.memory_space<hbm>> -> memref<1x2048x128xf32, #tpu.memory_space<hbm>>
      %dma_wait3A_31 = tpu.memref_squeeze %dma_wait3A_30 : memref<1x2048x128xf32, #tpu.memory_space<hbm>> -> memref<2048x128xf32, #tpu.memory_space<hbm>>
      %dma_wait3A_32 = arith.constant 0 : i32
      %dma_wait3A_33 = tpu.memref_slice %dma_wait3A_31[%mul3A_11, %dma_wait3A_32] : memref<2048x128xf32, #tpu.memory_space<hbm>> -> memref<128x128xf32, #tpu.memory_space<hbm>>
      tpu.wait_dma2 semaphore(%run_scoped3A : memref<!tpu.dma_semaphore, #tpu.memory_space<semaphore_mem>>) src(%arg10 : memref<128x128xf32, #tpu.memory_space<vmem>>) dst(%dma_wait3A_33 : memref<128x128xf32, #tpu.memory_space<hbm>>)
      tpu.yield
    }) : () -> ()
    return
  }
}

module attributes {stable_mosaic.version = 14 : i64} {
  func.func @body(%arg0: i32, %arg1: memref<1280x128xf32, #tpu.memory_space<vmem>>, %arg2: memref<1280x1xf32, #tpu.memory_space<vmem>>) attributes {dimension_semantics = [#tpu.dimension_semantics<arbitrary>], iteration_bounds = array<i64: 8>, scalar_prefetch = 0 : i64, scratch_operands = 0 : i64, tpu.core_type = #tpu.core_type<tc>, window_params = [{transform_indices = @transform_0, window_bounds = array<i64: 1280, 128>}, {transform_indices = @transform_1, window_bounds = array<i64: 1280, 1>}]} {
    %get3A = arith.constant 0 : index
    %get3A_0 = arith.constant 0 : index
    %get3A_1 = vector.load %arg1[%get3A, %get3A_0] : memref<1280x128xf32, #tpu.memory_space<vmem>>, vector<1280x1xf32>
    %add3A = arith.constant 1.000000e+00 : f32
    %add3A_2 = vector.broadcast %add3A : f32 to vector<1280x1xf32>
    %add3A_3 = arith.addf %get3A_1, %add3A_2 : vector<1280x1xf32>
    %rsqrt3A = math.rsqrt %add3A_3 : vector<1280x1xf32>
    %swap3A = arith.constant 0 : index
    %swap3A_4 = arith.constant 0 : index
    %swap3A_5 = vector.load %arg2[%swap3A, %swap3A_4] : memref<1280x1xf32, #tpu.memory_space<vmem>>, vector<1280x1xf32>
    tpu.vector_store %arg2[%swap3A, %swap3A_4], %rsqrt3A {strides = array<i32>} : memref<1280x1xf32, #tpu.memory_space<vmem>>, vector<1280x1xf32>,
    return
  }
  func.func @transform_0(%arg0: i32) -> (i32, i32) {
    %c0_i32 = arith.constant 0 : i32
    %c0_i32_0 = arith.constant 0 : i32
    return %arg0, %c0_i32 : i32, i32
  }
  func.func @transform_1(%arg0: i32) -> (i32, i32) {
    %c0_i32 = arith.constant 0 : i32
    %c0_i32_0 = arith.constant 0 : i32
    return %arg0, %c0_i32 : i32, i32
  }
}

module attributes {stable_mosaic.version = 14 : i64} {
  func.func @body(%arg0: i32, %arg1: memref<1000x128xf32, #tpu.memory_space<vmem>>, %arg2: memref<1000x1xf32, #tpu.memory_space<vmem>>, %arg3: memref<128x128xf32, #tpu.memory_space<vmem>>, %arg4: memref<1x128xf32, #tpu.memory_space<vmem>>, %arg5: memref<1000x128xf32, #tpu.memory_space<vmem>>) attributes {dimension_semantics = [#tpu.dimension_semantics<arbitrary>], iteration_bounds = array<i64: 10>, scalar_prefetch = 0 : i64, scratch_operands = 0 : i64, tpu.core_type = #tpu.core_type<tc>, window_params = [{transform_indices = @transform_0, window_bounds = array<i64: 1000, 128>}, {transform_indices = @transform_1, window_bounds = array<i64: 1000, 1>}, {pipeline_mode = #tpu.pipeline_mode<synchronous>, transform_indices = @transform_2, window_bounds = array<i64: 128, 128>}, {pipeline_mode = #tpu.pipeline_mode<synchronous>, transform_indices = @transform_3, window_bounds = array<i64: 1, 128>}, {transform_indices = @transform_4, window_bounds = array<i64: 1000, 128>}]} {
    %get3A = arith.constant 0 : index
    %get3A_0 = arith.constant 0 : index
    %get3A_1 = vector.load %arg1[%get3A, %get3A_0] : memref<1000x128xf32, #tpu.memory_space<vmem>>, vector<1000x128xf32>
    %get3A_2 = arith.constant 0 : index
    %get3A_3 = arith.constant 0 : index
    %get3A_4 = vector.load %arg3[%get3A_2, %get3A_3] : memref<128x128xf32, #tpu.memory_space<vmem>>, vector<128x128xf32>
    %dot_general3A = arith.constant dense<0.000000e+00> : vector<1000x128xf32>
    %dot_general3A_5 = tpu.matmul %get3A_1, %get3A_4, %dot_general3A {dimension_numbers = #tpu.dot_dimension_numbers<[1], [0], [0], [1], [0, 0, 1, 1], [], []>, transpose_lhs_hint = false} : vector<1000x128xf32>, vector<128x128xf32>, vector<1000x128xf32> -> vector<1000x128xf32>
    %get3A_6 = arith.constant 0 : index
    %get3A_7 = arith.constant 0 : index
    %get3A_8 = vector.load %arg2[%get3A_6, %get3A_7] : memref<1000x1xf32, #tpu.memory_space<vmem>>, vector<1000x1xf32>
    %get3A_9 = arith.constant 0 : index
    %get3A_10 = arith.constant 0 : index
    %get3A_11 = vector.load %arg4[%get3A_9, %get3A_10] : memref<1x128xf32, #tpu.memory_space<vmem>>, vector<1x128xf32>
    %add3A = vector.broadcast %get3A_11 : vector<1x128xf32> to vector<1000x128xf32>
    %add3A_12 = arith.addf %dot_general3A_5, %add3A : vector<1000x128xf32>
    %mul3A = vector.broadcast %get3A_8 : vector<1000x1xf32> to vector<1000x128xf32>
    %mul3A_13 = arith.mulf %mul3A, %add3A_12 : vector<1000x128xf32>
    %swap3A = arith.constant 0 : index
    %swap3A_14 = arith.constant 0 : index
    %swap3A_15 = vector.load %arg5[%swap3A, %swap3A_14] : memref<1000x128xf32, #tpu.memory_space<vmem>>, vector<1000x128xf32>
    tpu.vector_store %arg5[%swap3A, %swap3A_14], %mul3A_13 {strides = array<i32>} : memref<1000x128xf32, #tpu.memory_space<vmem>>, vector<1000x128xf32>,
    return
  }
  func.func @transform_0(%arg0: i32) -> (i32, i32) {
    %c0_i32 = arith.constant 0 : i32
    %c0_i32_0 = arith.constant 0 : i32
    return %arg0, %c0_i32 : i32, i32
  }
  func.func @transform_1(%arg0: i32) -> (i32, i32) {
    %c0_i32 = arith.constant 0 : i32
    %c0_i32_0 = arith.constant 0 : i32
    return %arg0, %c0_i32 : i32, i32
  }
  func.func @transform_2(%arg0: i32) -> (i32, i32) {
    %c0_i32 = arith.constant 0 : i32
    %c0_i32_0 = arith.constant 0 : i32
    %c0_i32_1 = arith.constant 0 : i32
    return %c0_i32, %c0_i32_0 : i32, i32
  }
  func.func @transform_3(%arg0: i32) -> (i32, i32) {
    %c0_i32 = arith.constant 0 : i32
    %c0_i32_0 = arith.constant 0 : i32
    %c0_i32_1 = arith.constant 0 : i32
    return %c0_i32, %c0_i32_0 : i32, i32
  }
  func.func @transform_4(%arg0: i32) -> (i32, i32) {
    %c0_i32 = arith.constant 0 : i32
    %c0_i32_0 = arith.constant 0 : i32
    return %arg0, %c0_i32 : i32, i32
  }
}

module attributes {stable_mosaic.version = 14 : i64} {
  func.func @body(%arg0: i32, %arg1: memref<1000x128xf32, #tpu.memory_space<vmem>>, %arg2: memref<1000x128xf32, #tpu.memory_space<vmem>>, %arg3: memref<1000x1xf32, #tpu.memory_space<vmem>>, %arg4: memref<128x128xf32, #tpu.memory_space<vmem>>, %arg5: memref<1x128xf32, #tpu.memory_space<vmem>>, %arg6: memref<1000x128xf32, #tpu.memory_space<vmem>>) attributes {dimension_semantics = [#tpu.dimension_semantics<arbitrary>], iteration_bounds = array<i64: 10>, scalar_prefetch = 0 : i64, scratch_operands = 0 : i64, tpu.core_type = #tpu.core_type<tc>, window_params = [{transform_indices = @transform_0, window_bounds = array<i64: 1000, 128>}, {transform_indices = @transform_1, window_bounds = array<i64: 1000, 128>}, {transform_indices = @transform_2, window_bounds = array<i64: 1000, 1>}, {pipeline_mode = #tpu.pipeline_mode<synchronous>, transform_indices = @transform_3, window_bounds = array<i64: 128, 128>}, {pipeline_mode = #tpu.pipeline_mode<synchronous>, transform_indices = @transform_4, window_bounds = array<i64: 1, 128>}, {transform_indices = @transform_5, window_bounds = array<i64: 1000, 128>}]} {
    %get3A = arith.constant 0 : index
    %get3A_0 = arith.constant 0 : index
    %get3A_1 = vector.load %arg3[%get3A, %get3A_0] : memref<1000x1xf32, #tpu.memory_space<vmem>>, vector<1000x1xf32>
    %get3A_2 = arith.constant 0 : index
    %get3A_3 = arith.constant 0 : index
    %get3A_4 = vector.load %arg1[%get3A_2, %get3A_3] : memref<1000x128xf32, #tpu.memory_space<vmem>>, vector<1000x128xf32>
    %get3A_5 = arith.constant 0 : index
    %get3A_6 = arith.constant 0 : index
    %get3A_7 = vector.load %arg2[%get3A_5, %get3A_6] : memref<1000x128xf32, #tpu.memory_space<vmem>>, vector<1000x128xf32>
    %add3A = arith.addf %get3A_4, %get3A_7 : vector<1000x128xf32>
    %mul3A = vector.broadcast %get3A_1 : vector<1000x1xf32> to vector<1000x128xf32>
    %mul3A_8 = arith.mulf %mul3A, %add3A : vector<1000x128xf32>
    %max3A = arith.constant 0.000000e+00 : f32
    %max3A_9 = vector.broadcast %max3A : f32 to vector<1000x128xf32>
    %max3A_10 = arith.maximumf %mul3A_8, %max3A_9 : vector<1000x128xf32>
    %get3A_11 = arith.constant 0 : index
    %get3A_12 = arith.constant 0 : index
    %get3A_13 = vector.load %arg4[%get3A_11, %get3A_12] : memref<128x128xf32, #tpu.memory_space<vmem>>, vector<128x128xf32>
    %dot_general3A = arith.constant dense<0.000000e+00> : vector<1000x128xf32>
    %dot_general3A_14 = tpu.matmul %max3A_10, %get3A_13, %dot_general3A {dimension_numbers = #tpu.dot_dimension_numbers<[1], [0], [0], [1], [0, 0, 1, 1], [], []>, transpose_lhs_hint = false} : vector<1000x128xf32>, vector<128x128xf32>, vector<1000x128xf32> -> vector<1000x128xf32>
    %get3A_15 = arith.constant 0 : index
    %get3A_16 = arith.constant 0 : index
    %get3A_17 = vector.load %arg3[%get3A_15, %get3A_16] : memref<1000x1xf32, #tpu.memory_space<vmem>>, vector<1000x1xf32>
    %get3A_18 = arith.constant 0 : index
    %get3A_19 = arith.constant 0 : index
    %get3A_20 = vector.load %arg5[%get3A_18, %get3A_19] : memref<1x128xf32, #tpu.memory_space<vmem>>, vector<1x128xf32>
    %add3A_21 = vector.broadcast %get3A_20 : vector<1x128xf32> to vector<1000x128xf32>
    %add3A_22 = arith.addf %dot_general3A_14, %add3A_21 : vector<1000x128xf32>
    %mul3A_23 = vector.broadcast %get3A_17 : vector<1000x1xf32> to vector<1000x128xf32>
    %mul3A_24 = arith.mulf %mul3A_23, %add3A_22 : vector<1000x128xf32>
    %swap3A = arith.constant 0 : index
    %swap3A_25 = arith.constant 0 : index
    %swap3A_26 = vector.load %arg6[%swap3A, %swap3A_25] : memref<1000x128xf32, #tpu.memory_space<vmem>>, vector<1000x128xf32>
    tpu.vector_store %arg6[%swap3A, %swap3A_25], %mul3A_24 {strides = array<i32>} : memref<1000x128xf32, #tpu.memory_space<vmem>>, vector<1000x128xf32>,
    return
  }
  func.func @transform_0(%arg0: i32) -> (i32, i32) {
    %c0_i32 = arith.constant 0 : i32
    %c0_i32_0 = arith.constant 0 : i32
    return %arg0, %c0_i32 : i32, i32
  }
  func.func @transform_1(%arg0: i32) -> (i32, i32) {
    %c0_i32 = arith.constant 0 : i32
    %c0_i32_0 = arith.constant 0 : i32
    return %arg0, %c0_i32 : i32, i32
  }
  func.func @transform_2(%arg0: i32) -> (i32, i32) {
    %c0_i32 = arith.constant 0 : i32
    %c0_i32_0 = arith.constant 0 : i32
    return %arg0, %c0_i32 : i32, i32
  }
  func.func @transform_3(%arg0: i32) -> (i32, i32) {
    %c0_i32 = arith.constant 0 : i32
    %c0_i32_0 = arith.constant 0 : i32
    %c0_i32_1 = arith.constant 0 : i32
    return %c0_i32, %c0_i32_0 : i32, i32
  }
  func.func @transform_4(%arg0: i32) -> (i32, i32) {
    %c0_i32 = arith.constant 0 : i32
    %c0_i32_0 = arith.constant 0 : i32
    %c0_i32_1 = arith.constant 0 : i32
    return %c0_i32, %c0_i32_0 : i32, i32
  }
  func.func @transform_5(%arg0: i32) -> (i32, i32) {
    %c0_i32 = arith.constant 0 : i32
    %c0_i32_0 = arith.constant 0 : i32
    return %arg0, %c0_i32 : i32, i32
  }
}

module attributes {stable_mosaic.version = 14 : i64} {
  func.func @body(%arg0: i32, %arg1: memref<1000x128xf32, #tpu.memory_space<vmem>>, %arg2: memref<1000x128xf32, #tpu.memory_space<vmem>>, %arg3: memref<1000x1xf32, #tpu.memory_space<vmem>>, %arg4: memref<1000x128xf32, #tpu.memory_space<vmem>>, %arg5: memref<1000x128xf32, #tpu.memory_space<vmem>>) attributes {dimension_semantics = [#tpu.dimension_semantics<arbitrary>], iteration_bounds = array<i64: 10>, scalar_prefetch = 0 : i64, scratch_operands = 0 : i64, tpu.core_type = #tpu.core_type<tc>, window_params = [{transform_indices = @transform_0, window_bounds = array<i64: 1000, 128>}, {transform_indices = @transform_1, window_bounds = array<i64: 1000, 128>}, {transform_indices = @transform_2, window_bounds = array<i64: 1000, 1>}, {transform_indices = @transform_3, window_bounds = array<i64: 1000, 128>}, {transform_indices = @transform_4, window_bounds = array<i64: 1000, 128>}]} {
    %get3A = arith.constant 0 : index
    %get3A_0 = arith.constant 0 : index
    %get3A_1 = vector.load %arg3[%get3A, %get3A_0] : memref<1000x1xf32, #tpu.memory_space<vmem>>, vector<1000x1xf32>
    %get3A_2 = arith.constant 0 : index
    %get3A_3 = arith.constant 0 : index
    %get3A_4 = vector.load %arg1[%get3A_2, %get3A_3] : memref<1000x128xf32, #tpu.memory_space<vmem>>, vector<1000x128xf32>
    %get3A_5 = arith.constant 0 : index
    %get3A_6 = arith.constant 0 : index
    %get3A_7 = vector.load %arg2[%get3A_5, %get3A_6] : memref<1000x128xf32, #tpu.memory_space<vmem>>, vector<1000x128xf32>
    %add3A = arith.addf %get3A_4, %get3A_7 : vector<1000x128xf32>
    %mul3A = vector.broadcast %get3A_1 : vector<1000x1xf32> to vector<1000x128xf32>
    %mul3A_8 = arith.mulf %mul3A, %add3A : vector<1000x128xf32>
    %swap3A = arith.constant 0 : index
    %swap3A_9 = arith.constant 0 : index
    %swap3A_10 = vector.load %arg4[%swap3A, %swap3A_9] : memref<1000x128xf32, #tpu.memory_space<vmem>>, vector<1000x128xf32>
    tpu.vector_store %arg4[%swap3A, %swap3A_9], %mul3A_8 {strides = array<i32>} : memref<1000x128xf32, #tpu.memory_space<vmem>>, vector<1000x128xf32>,
    %max3A = arith.constant 0.000000e+00 : f32
    %max3A_11 = vector.broadcast %max3A : f32 to vector<1000x128xf32>
    %max3A_12 = arith.maximumf %mul3A_8, %max3A_11 : vector<1000x128xf32>
    %swap3A_13 = arith.constant 0 : index
    %swap3A_14 = arith.constant 0 : index
    %swap3A_15 = vector.load %arg5[%swap3A_13, %swap3A_14] : memref<1000x128xf32, #tpu.memory_space<vmem>>, vector<1000x128xf32>
    tpu.vector_store %arg5[%swap3A_13, %swap3A_14], %max3A_12 {strides = array<i32>} : memref<1000x128xf32, #tpu.memory_space<vmem>>, vector<1000x128xf32>,
    return
  }
  func.func @transform_0(%arg0: i32) -> (i32, i32) {
    %c0_i32 = arith.constant 0 : i32
    %c0_i32_0 = arith.constant 0 : i32
    return %arg0, %c0_i32 : i32, i32
  }
  func.func @transform_1(%arg0: i32) -> (i32, i32) {
    %c0_i32 = arith.constant 0 : i32
    %c0_i32_0 = arith.constant 0 : i32
    return %arg0, %c0_i32 : i32, i32
  }
  func.func @transform_2(%arg0: i32) -> (i32, i32) {
    %c0_i32 = arith.constant 0 : i32
    %c0_i32_0 = arith.constant 0 : i32
    return %arg0, %c0_i32 : i32, i32
  }
  func.func @transform_3(%arg0: i32) -> (i32, i32) {
    %c0_i32 = arith.constant 0 : i32
    %c0_i32_0 = arith.constant 0 : i32
    return %arg0, %c0_i32 : i32, i32
  }
  func.func @transform_4(%arg0: i32) -> (i32, i32) {
    %c0_i32 = arith.constant 0 : i32
    %c0_i32_0 = arith.constant 0 : i32
    return %arg0, %c0_i32 : i32, i32
  }
}

module attributes {stable_mosaic.version = 14 : i64} {
  func.func @body(%arg0: i32, %arg1: memref<2x1024x128xf32, #tpu.memory_space<vmem>>, %arg2: memref<1024x128xf32, #tpu.memory_space<vmem>>) attributes {dimension_semantics = [#tpu.dimension_semantics<arbitrary>], iteration_bounds = array<i64: 2>, scalar_prefetch = 0 : i64, scratch_operands = 0 : i64, tpu.core_type = #tpu.core_type<tc>, window_params = [{transform_indices = @transform_0, window_bounds = array<i64: 2, 1024, 128>}, {transform_indices = @transform_1, window_bounds = array<i64: 1024, 128>}]} {
    %get3A = arith.constant 0 : index
    %get3A_0 = arith.constant 0 : index
    %get3A_1 = arith.constant 0 : index
    %get3A_2 = vector.load %arg1[%get3A, %get3A_0, %get3A_1] : memref<2x1024x128xf32, #tpu.memory_space<vmem>>, vector<1x1024x128xf32>
    %get3A_3 = vector.shape_cast %get3A_2 : vector<1x1024x128xf32> to vector<1024x128xf32>
    %get3A_4 = arith.constant 1 : index
    %get3A_5 = arith.constant 0 : index
    %get3A_6 = arith.constant 0 : index
    %get3A_7 = vector.load %arg1[%get3A_4, %get3A_5, %get3A_6] : memref<2x1024x128xf32, #tpu.memory_space<vmem>>, vector<1x1024x128xf32>
    %get3A_8 = vector.shape_cast %get3A_7 : vector<1x1024x128xf32> to vector<1024x128xf32>
    %add3A = arith.addf %get3A_3, %get3A_8 : vector<1024x128xf32>
    %swap3A = arith.constant 0 : index
    %swap3A_9 = arith.constant 0 : index
    %swap3A_10 = vector.load %arg2[%swap3A, %swap3A_9] : memref<1024x128xf32, #tpu.memory_space<vmem>>, vector<1024x128xf32>
    tpu.vector_store %arg2[%swap3A, %swap3A_9], %add3A {strides = array<i32>} : memref<1024x128xf32, #tpu.memory_space<vmem>>, vector<1024x128xf32>,
    return
  }
  func.func @transform_0(%arg0: i32) -> (i32, i32, i32) {
    %c0_i32 = arith.constant 0 : i32
    %c0_i32_0 = arith.constant 0 : i32
    %c0_i32_1 = arith.constant 0 : i32
    return %c0_i32, %arg0, %c0_i32_0 : i32, i32, i32
  }
  func.func @transform_1(%arg0: i32) -> (i32, i32) {
    %c0_i32 = arith.constant 0 : i32
    %c0_i32_0 = arith.constant 0 : i32
    return %arg0, %c0_i32 : i32, i32
  }
}

module attributes {stable_mosaic.version = 14 : i64} {
  func.func @body(%arg0: i32, %arg1: memref<2x1024x128xf32, #tpu.memory_space<vmem>>, %arg2: memref<128x256xf32, #tpu.memory_space<vmem>>, %arg3: memref<1x256xf32, #tpu.memory_space<vmem>>, %arg4: memref<256x128xf32, #tpu.memory_space<vmem>>, %arg5: memref<1x128xf32, #tpu.memory_space<vmem>>, %arg6: memref<1024x128xf32, #tpu.memory_space<vmem>>) attributes {dimension_semantics = [#tpu.dimension_semantics<arbitrary>], iteration_bounds = array<i64: 2>, scalar_prefetch = 0 : i64, scratch_operands = 0 : i64, tpu.core_type = #tpu.core_type<tc>, window_params = [{transform_indices = @transform_0, window_bounds = array<i64: 2, 1024, 128>}, {pipeline_mode = #tpu.pipeline_mode<synchronous>, transform_indices = @transform_1, window_bounds = array<i64: 128, 256>}, {pipeline_mode = #tpu.pipeline_mode<synchronous>, transform_indices = @transform_2, window_bounds = array<i64: 1, 256>}, {pipeline_mode = #tpu.pipeline_mode<synchronous>, transform_indices = @transform_3, window_bounds = array<i64: 256, 128>}, {pipeline_mode = #tpu.pipeline_mode<synchronous>, transform_indices = @transform_4, window_bounds = array<i64: 1, 128>}, {transform_indices = @transform_5, window_bounds = array<i64: 1024, 128>}]} {
    %get3A = arith.constant 0 : index
    %get3A_0 = arith.constant 0 : index
    %get3A_1 = arith.constant 0 : index
    %get3A_2 = vector.load %arg1[%get3A, %get3A_0, %get3A_1] : memref<2x1024x128xf32, #tpu.memory_space<vmem>>, vector<1x1024x128xf32>
    %get3A_3 = vector.shape_cast %get3A_2 : vector<1x1024x128xf32> to vector<1024x128xf32>
    %get3A_4 = arith.constant 1 : index
    %get3A_5 = arith.constant 0 : index
    %get3A_6 = arith.constant 0 : index
    %get3A_7 = vector.load %arg1[%get3A_4, %get3A_5, %get3A_6] : memref<2x1024x128xf32, #tpu.memory_space<vmem>>, vector<1x1024x128xf32>
    %get3A_8 = vector.shape_cast %get3A_7 : vector<1x1024x128xf32> to vector<1024x128xf32>
    %add3A = arith.addf %get3A_3, %get3A_8 : vector<1024x128xf32>
    %get3A_9 = arith.constant 0 : index
    %get3A_10 = arith.constant 0 : index
    %get3A_11 = vector.load %arg2[%get3A_9, %get3A_10] : memref<128x256xf32, #tpu.memory_space<vmem>>, vector<128x256xf32>
    %dot_general3A = arith.constant dense<0.000000e+00> : vector<1024x256xf32>
    %dot_general3A_12 = tpu.matmul %add3A, %get3A_11, %dot_general3A {dimension_numbers = #tpu.dot_dimension_numbers<[1], [0], [0], [1], [0, 0, 1, 1], [], []>, transpose_lhs_hint = false} : vector<1024x128xf32>, vector<128x256xf32>, vector<1024x256xf32> -> vector<1024x256xf32>
    %get3A_13 = arith.constant 0 : index
    %get3A_14 = arith.constant 0 : index
    %get3A_15 = vector.load %arg3[%get3A_13, %get3A_14] : memref<1x256xf32, #tpu.memory_space<vmem>>, vector<1x256xf32>
    %add3A_16 = vector.broadcast %get3A_15 : vector<1x256xf32> to vector<1024x256xf32>
    %add3A_17 = arith.addf %dot_general3A_12, %add3A_16 : vector<1024x256xf32>
    %max3A = arith.constant 0.000000e+00 : f32
    %max3A_18 = vector.broadcast %max3A : f32 to vector<1024x256xf32>
    %max3A_19 = arith.maximumf %add3A_17, %max3A_18 : vector<1024x256xf32>
    %get3A_20 = arith.constant 0 : index
    %get3A_21 = arith.constant 0 : index
    %get3A_22 = vector.load %arg4[%get3A_20, %get3A_21] : memref<256x128xf32, #tpu.memory_space<vmem>>, vector<256x128xf32>
    %dot_general3A_23 = arith.constant dense<0.000000e+00> : vector<1024x128xf32>
    %dot_general3A_24 = tpu.matmul %max3A_19, %get3A_22, %dot_general3A_23 {dimension_numbers = #tpu.dot_dimension_numbers<[1], [0], [0], [1], [0, 0, 1, 1], [], []>, transpose_lhs_hint = false} : vector<1024x256xf32>, vector<256x128xf32>, vector<1024x128xf32> -> vector<1024x128xf32>
    %get3A_25 = arith.constant 0 : index
    %get3A_26 = arith.constant 0 : index
    %get3A_27 = vector.load %arg5[%get3A_25, %get3A_26] : memref<1x128xf32, #tpu.memory_space<vmem>>, vector<1x128xf32>
    %add3A_28 = vector.broadcast %get3A_27 : vector<1x128xf32> to vector<1024x128xf32>
    %add3A_29 = arith.addf %dot_general3A_24, %add3A_28 : vector<1024x128xf32>
    %max3A_30 = arith.constant 0.000000e+00 : f32
    %max3A_31 = vector.broadcast %max3A_30 : f32 to vector<1024x128xf32>
    %max3A_32 = arith.maximumf %add3A_29, %max3A_31 : vector<1024x128xf32>
    %swap3A = arith.constant 0 : index
    %swap3A_33 = arith.constant 0 : index
    %swap3A_34 = vector.load %arg6[%swap3A, %swap3A_33] : memref<1024x128xf32, #tpu.memory_space<vmem>>, vector<1024x128xf32>
    tpu.vector_store %arg6[%swap3A, %swap3A_33], %max3A_32 {strides = array<i32>} : memref<1024x128xf32, #tpu.memory_space<vmem>>, vector<1024x128xf32>,
    return
  }
  func.func @transform_0(%arg0: i32) -> (i32, i32, i32) {
    %c0_i32 = arith.constant 0 : i32
    %c0_i32_0 = arith.constant 0 : i32
    %c0_i32_1 = arith.constant 0 : i32
    return %c0_i32, %arg0, %c0_i32_0 : i32, i32, i32
  }
  func.func @transform_1(%arg0: i32) -> (i32, i32) {
    %c0_i32 = arith.constant 0 : i32
    %c0_i32_0 = arith.constant 0 : i32
    %c0_i32_1 = arith.constant 0 : i32
    return %c0_i32, %c0_i32_0 : i32, i32
  }
  func.func @transform_2(%arg0: i32) -> (i32, i32) {
    %c0_i32 = arith.constant 0 : i32
    %c0_i32_0 = arith.constant 0 : i32
    %c0_i32_1 = arith.constant 0 : i32
    return %c0_i32, %c0_i32_0 : i32, i32
  }
  func.func @transform_3(%arg0: i32) -> (i32, i32) {
    %c0_i32 = arith.constant 0 : i32
    %c0_i32_0 = arith.constant 0 : i32
    %c0_i32_1 = arith.constant 0 : i32
    return %c0_i32, %c0_i32_0 : i32, i32
  }
  func.func @transform_4(%arg0: i32) -> (i32, i32) {
    %c0_i32 = arith.constant 0 : i32
    %c0_i32_0 = arith.constant 0 : i32
    %c0_i32_1 = arith.constant 0 : i32
    return %c0_i32, %c0_i32_0 : i32, i32
  }
  func.func @transform_5(%arg0: i32) -> (i32, i32) {
    %c0_i32 = arith.constant 0 : i32
    %c0_i32_0 = arith.constant 0 : i32
    return %arg0, %c0_i32 : i32, i32
  }
}

</mosaic_0001>

<sc_bundles>
// kernel: kernel.17.cloned.1.call-start
scs
__scs_entry_jumppad:
0x0: {  	(pc) =	sbr.rel $0x88, $3  }
0x1: {  	(tag) =	ssettag $0x0;
	lr =	simm.s32 $0x1  }
0x2: {  	[smem:$0x3F91] =	sst lr;
	_ =	strace $0xD0000000  }
0x3: {  	_ = 	snop  }
0x4: {  	_ = 	snop  }
0x5: {  	_ = 	snop  }
0x6: {  	_ = 	snop  }
0x7: {  	_ = 	snop  }
__scs_overlays_trampoline_lowered:
0x8: {  	[smem:$0x3FA0] =	sst s0  }
0x9: {  	[smem:$0x3FA1] =	sst s1  }
0xa: {  	[smem:$0x3FA2] =	sst s2  }
0xb: {  	[smem:$0x3FA3] =	sst s3  }
0xc: {  	[smem:$0x3FA4] =	sst s4  }
0xd: {  	[smem:$0x3FA5] =	sst s5  }
0xe: {  	[smem:$0x3FA6] =	sst s6  }
0xf: {  	[smem:$0x3FA7] =	sst s7  }
0x10: {  	[smem:$0x3FA8] =	sst s8  }
0x11: {  	[smem:$0x3FA9] =	sst s9;
	s0 =	simm.s32 @!p0 $0x0  }
0x12: {  	s1 =	sld [smem:$0x3F8F];
	s0 =	simm.s32 @p0 $0x1  }
0x13: {  	[smem:$0x3FAA] =	sst s0;
	s0 =	simm.s32 @!p1 $0x0  }
0x14: {  	s2 =	sld [smem:$0x3F8E];
	s0 =	simm.s32 @p1 $0x1  }
0x15: {  	[smem:$0x3FAB] =	sst s0;
	s0 =	simm.s32 @!p2 $0x0  }
0x16: {  	s3 =	sld [smem:$0x3FDB];
	s0 =	simm.s32 @p2 $0x1  }
0x17: {  	s4 =	simm.s32 $0x1BF5;
	[smem:$0x3FAD] =	sst s0  }
0x18: {  	s0 =	sld [smem:$0x3F90];
	_ =	swait.ge [sflag:s4], $0x0  }
0x19: {  	s7 =	sld [smem:$0x3F91]  }
0x1a: {  	s8 =	sadd.s32 $0xFFFFE003, lr  }
0x1b: {  	s9 =	sadd.s32 $0xFFFFFEF7, lr;
	s5 =	simm.s32 $0xFFFFFFFF;
	p2 =	slt.u32 s8, $0xFFFFF086  }
0x1c: {  	p1 =	slt.u32 s9, $0xF7A;
	s5 =	simm.s32 @!p2 $0x0  }
0x1d: {  	s5 =	simm.s32 @p1 $0x1;
	p0 =	seq.s32 s7, s2  }
0x1e: {  	s7 =	smul.u32 @!p0 $0xF7A, s2;
	p2 =	seq.s32 @!p0 s5, $0x0  }
0x1f: {  	s9 =	smul.u32 $0xF7A, s1;
	s8 =	simm.s32 @!p0 $0x1BF5;
	p2 =	por !p2, p0  }
0x20: {  	[sflag:s8] =	ssyncset.s32 @!p0 $0xFFFFF086;
	s6 =	sadd.s32 @!p0 s3, s7;
	s7 =	simm.s32 @!p0 $0x108  }
0x21: {  	s3 =	sadd.s32 s3, s9;
	s6 =	sadd.s32 @!p0 $0x88, s6;
	s7 =	simm.s32 @p2 $0x1082  }
0x22: {  	[simem:s7], [sflag:s8] =	dma.local @!p0 [hbm:s6], $0xF7A  }
0x23: {  	s9 =	sor.u32 $0xD0000000, s2;
	s6 =	simm.s32 $0x108;
	_ =	swait.ge @!p0 [sflag:s8], $0x0  }
0x24: {  	s3 =	sadd.s32 $0x88, s3;
	s6 =	simm.s32 @!p1 $0x1082;
	[sflag:s4] =	ssyncset.s32 $0xFFFFF086  }
0x25: {  	[simem:s6], [sflag:s4] =	dma.local [hbm:s3], $0xF7A  }
0x26: {  	[smem:$0x3F91] =	sst s1;
	(tag) =	ssettag s2;
	_ =	strace s9  }
0x27: {  	s1 =	sld [smem:$0x3FA1]  }
0x28: {  	s2 =	sld [smem:$0x3FA2]  }
0x29: {  	s4 =	sld [smem:$0x3FA4]  }
0x2a: {  	p0 =	seq.s32 s5, $0x0;
	s5 =	sld [smem:$0x3FA5]  }
0x2b: {  	s6 =	sld [smem:$0x3FA6]  }
0x2c: {  	s7 =	sld [smem:$0x3FA7]  }
0x2d: {  	s3 =	simm.s32 $0x108;
	s8 =	sld [smem:$0x3FA8]  }
0x2e: {  	s3 =	simm.s32 @!p0 $0x1082;
	s9 =	sld [smem:$0x3FA9]  }
0x2f: {  	lr =	sadd.s32 s0, s3;
	s0 =	sld [smem:$0x3FA0]  }
0x30: {  	s3 =	sld [smem:$0x3FA3]  }
0x31: {  	[smem:$0x3FAC] =	sst s10  }
0x32: {  	s10 =	sld [smem:$0x3FAA];
	_ =	sdelay $0x3  }
0x33: {  	p0 =	seq.s32 s10, $0x1;
	s10 =	sld [smem:$0x3FAC];
	_ =	sdelay $0x3  }
0x34: {  	[smem:$0x3FAC] =	sst s10  }
0x35: {  	s10 =	sld [smem:$0x3FAB];
	_ =	sdelay $0x3  }
0x36: {  	p1 =	seq.s32 s10, $0x1;
	s10 =	sld [smem:$0x3FAC];
	_ =	sdelay $0x3  }
0x37: {  	[smem:$0x3FAC] =	sst s10  }
0x38: {  	s10 =	sld [smem:$0x3FAD]  }
0x39: {  	_ = 	snop;
	(pc) =	sbr.ind lr, $3  }
0x3a: {  	_ = 	snop  }
0x3b: {  	_ = 	snop  }
0x3c: {  	p2 =	seq.s32 s10, $0x1;
	s10 =	sld [smem:$0x3FAC]  }
0x3d: {  	_ =	shalt  }
0x3e: {  	_ =	shalt  }
0x3f: {  	_ =	shalt  }
0x40: {  	_ =	shalt  }
0x41: {  	_ =	shalt  }
0x42: {  	_ =	shalt  }
0x43: {  	_ =	shalt  }
0x44: {  	_ =	shalt  }
0x45: {  	_ =	shalt  }
0x46: {  	_ =	shalt  }
0x47: {  	_ =	shalt  }
0x48: {  	_ =	shalt  }
0x49: {  	_ =	shalt  }
0x4a: {  	_ =	shalt  }
0x4b: {  	_ =	shalt  }
0x4c: {  	_ =	shalt  }
0x4d: {  	_ =	shalt  }
0x4e: {  	_ =	shalt  }
0x4f: {  	_ =	shalt  }
0x50: {  	_ =	shalt  }
0x51: {  	_ =	shalt  }
0x52: {  	_ =	shalt  }
0x53: {  	_ =	shalt  }
0x54: {  	_ =	shalt  }
0x55: {  	_ =	shalt  }
0x56: {  	_ =	shalt  }
0x57: {  	_ =	shalt  }
0x58: {  	_ =	shalt  }
0x59: {  	_ =	shalt  }
0x5a: {  	_ =	shalt  }
0x5b: {  	_ =	shalt  }
0x5c: {  	_ =	shalt  }
0x5d: {  	_ =	shalt  }
0x5e: {  	_ =	shalt  }
0x5f: {  	_ =	shalt  }
0x60: {  	_ =	shalt  }
0x61: {  	_ =	shalt  }
0x62: {  	_ =	shalt  }
0x63: {  	_ =	shalt  }
0x64: {  	_ =	shalt  }
0x65: {  	_ =	shalt  }
0x66: {  	_ =	shalt  }
0x67: {  	_ =	shalt  }
0x68: {  	_ =	shalt  }
0x69: {  	_ =	shalt  }
0x6a: {  	_ =	shalt  }
0x6b: {  	_ =	shalt  }
0x6c: {  	_ =	shalt  }
0x6d: {  	_ =	shalt  }
0x6e: {  	_ =	shalt  }
0x6f: {  	_ =	shalt  }
0x70: {  	_ =	shalt  }
0x71: {  	_ =	shalt  }
0x72: {  	_ =	shalt  }
0x73: {  	_ =	shalt  }
0x74: {  	_ =	shalt  }
0x75: {  	_ =	shalt  }
0x76: {  	_ =	shalt  }
0x77: {  	_ =	shalt  }
0x78: {  	_ =	shalt  }
0x79: {  	_ =	shalt  }
0x7a: {  	_ =	shalt  }
0x7b: {  	_ =	shalt  }
0x7c: {  	_ =	shalt  }
0x7d: {  	_ =	shalt  }
0x7e: {  	_ =	shalt  }
0x7f: {  	_ =	shalt  }
0x80: {  	_ =	shalt  }
0x81: {  	_ =	shalt  }
0x82: {  	_ =	shalt  }
0x83: {  	_ =	shalt  }
0x84: {  	_ =	shalt  }
0x85: {  	_ =	shalt  }
0x86: {  	_ =	shalt  }
0x87: {  	_ =	shalt  }
.Lfunc_end0:
.L_simem_size_0:
called_computation_lowered:
.L_overlay_start_0:
0x88: {  	s2 =	sld [smem:$0x3FD9]  }
0x89: {  	s3 =	sld [smem:$0x3FFE];
	_ =	sdelay $0x1  }
0x8a: {  	s1 =	srdreg.scid  }
0x8b: {  	s0 =	sand.u32 $0x1, s1  }
0x8c: {  	s14 =	sshll.u32 s0, $0xA;
	s2 =	sadd.s32 s3, s2  }
0x8d: {  	s2 =	sadd.s32 s2, s14  }
0x8e: {  	[smem:$0x3FB8] =	sst s2  }
0x8f: {  	_ = 	snop  }
0x90: {  	s2 =	sld [smem:$0x3FD0];
	_ =	sdelay $0x2  }
0x91: {  	s15 =	simm.s32 $0xA;
	s4 =	simm.s32 $0x10  }
0x92: {  	[smem:s4], [sflag:s15] =	dma.local [hbm:s2], $0x1  }
0x93: {  	_ =	swait.eq [sflag:s15], $0x1  }
0x94: {  	[sflag:s15] =	ssyncset.done $0x0  }
0x95: {  	s16 =	sld [smem:$0x10];
	[sflag:s15] =	ssyncadd.s32 $0xFFFFFFFF  }
0x96: {  	s17 =	sld [smem:$0x11];
	(tm) =	ssettm $0x1  }
0x97: {  	s18 =	sld [smem:$0x3FFB];
	_ =	sdelay $0x3  }
0x98: {  	_ =	strace s18  }
0x99: {  	s4 =	sld [smem:$0x3FFC];
	_ =	sdelay $0x3  }
0x9a: {  	_ =	strace s4  }
0x9b: {  	s4 =	sld [smem:$0x3FFD];
	_ =	sdelay $0x3  }
0x9c: {  	_ =	strace s4  }
0x9d: {  	_ =	strace $0x8FFFFFFF  }
0x9e: {  	s19 =	sld [smem:$0x3FDB];
	_ =	sdelay $0x1  }
0x9f: {  	s5 =	simm.s32 $_scs_section_size  }
0xa0: {  	s6 =	simm.s32 $_size__tile_overlayer_lowered;
	s7 =	simm.s32 $_tile_overlayer_lowered  }
0xa1: {  	s22 =	simm.s32 $0x1BFF;
	s21 =	sshll.u32 s7, $0x1;
	s4 =	sadd.s32 s5, s19  }
0xa2: {  	s8 =	simm.s32 $0x0;
	s20 =	sshll.u32 s6, $0x1;
	s6 =	sadd.s32 s21, s4  }
0xa3: {  	[timem:s8], [sflag:s22] =	dma.local [hbm:s6], s20  }
0xa4: {  	_ =	swait.ge [sflag:s22], s20  }
0xa5: {  	s5 =	ssub.s32 $0x0, s20;
	[sflag:s22] =	ssyncset.done $0x0  }
0xa6: {  	[sflag:s22] =	ssyncadd.s32 s5;
	_ =	sdelay $0x1  }
0xa7: {  	s23 =	simm.s32 $0x1B8B  }
0xa8: {  	_ =	swait.ge [sflag:s23], $0x1  }
0xa9: {  	[sflag:s23] =	ssyncset.done $0x0  }
0xaa: {  	s25 =	simm.s32 $0x1B8E;
	s24 =	sld [smem:$0x3FFE];
	[sflag:s23] =	ssyncadd.s32 $0xFFFFFFFF  }
0xab: {  	s26 =	simm.s32 $execute0_lowered;
	[smem:$0x3FD2] =	sst s25  }
0xac: {  	s6 =	sshll.u32 s26, $0x1;
	_ =	strace $0x80000046;
	[dreg:$0x1] =	wrdreg $0xFFFFFFFF  }
0xad: {  	s28 =	simm.s32 $_size_execute0_lowered;
	s4 =	sadd.s32 s4, s6;
	[dreg:$0x0] =	wrdreg $0x0  }
0xae: {  	s6 =	sshll.u32 s28, $0x1;
	[dreg:$0x2] =	wrdreg s4  }
0xaf: {  	[dreg:$0x3] =	wrdreg s6  }
0xb0: {  	[dreg:$0x4] =	wrdreg $0xC0  }
0xb1: {  	_ =	task [dreg:s8], $0x5FFFF  }
0xb2: {  	[dreg:$0x1] =	wrdreg $0xFFFFFFFF  }
0xb3: {  	[dreg:$0x0] =	wrdreg $0x60  }
0xb4: {  	[dreg:$0x2] =	wrdreg s16  }
0xb5: {  	[dreg:$0x3] =	wrdreg s24  }
0xb6: {  	[dreg:$0x4] =	wrdreg s17  }
0xb7: {  	[dreg:$0x5] =	wrdreg $0x10C000  }
0xb8: {  	[dreg:$0x6] =	wrdreg $0x9  }
0xb9: {  	_ =	task.clear_ibuf [dreg:s8], $0x7FFFF;
	_ =	strace $0x90000046  }
0xba: {  	s29 =	simm.s32 $0x9;
	_ =	strace $0x80000048  }
0xbb: {  	_ =	swait.ge [sflag:s29], $0x1  }
0xbc: {  	[sflag:s29] =	ssyncadd.s32 $0xFFFFFFFF  }
0xbd: {  	_ =	strace $0x90000048  }
0xbe: {  	_ =	sfence  }
0xbf: {  	s30 =	sld [smem:$0x0];
	_ =	sdelay $0x2  }
0xc0: {  	s31 =	sshll.u32 s1, $0xD;
	s1 =	sshrl.u32 s1, $0x2  }
0xc1: {  	s3 =	sand.u32 $0x4000, s31;
	s1 =	sadd.s32 s1, s30  }
0xc2: {  	s0 =	sor.u32 s3, s0;
	s1 =	sshll.u32 s1, $0x11  }
0xc3: {  	s0 =	sor.u32 s1, s0  }
0xc4: {  	s0 =	sadd.s32 $0x8F2B, s0  }
0xc5: {  	[sflag:s0] =	ssyncadd.remote.s32 $0x1  }
0xc6: {  	_ =	sfence.sel $0xFFFF  }
0xc7: {  	[dreg:$0x0] =	wrdreg $0xFFFFFFFF;
	(pc) =	sbr.abs _section_cstart, $3  }
0xc8: {  	[dreg:$0x1] =	wrdreg $0xFFFFFFFF  }
0xc9: {  	_ =	task.clear_ibuf [dreg:s8], $0x2FFFF;
	_ =	strace $0x9FFFFFFF  }
0xca: {  	(tm) =	ssettm $0x7FFFFFFF  }
0xcb: {  	_ =	shalt  }
tec
execute0_lowered:
.L_overlay_start_1:
0x0: {  	(tag) =	ssettag $0x1  }
0x1: {  	s7 =	rddreg [dreg:$0x0];
	s1 =	stileid.u32  }
0x2: {  	s6 =	rddreg [dreg:$0x1];
	s10 =	smul.u32 $0x1400, s1  }
0x3: {  	s2 =	rddreg [dreg:$0x2];
	s11 =	smul.u32 $0x29000, s1  }
0x4: {  	s0 =	srdreg.scid;
	s28 =	smul.u32 $0x2800, s1  }
0x5: {  	s3 =	rddreg [dreg:$0x3];
	s4 =	simm.s32 $0x0;
	s14 =	smul.u32 $0x28000, s1  }
0x6: {  	s8 =	sand.u32 $0x1, s0;
	s0 =	rddreg [dreg:$0x4];
	s31 =	smul.u32 $0x500, s1  }
0x7: {  	[smem:$0x7FF] =	sst s4;
	s9 =	smul.u32 $0x14000, s8  }
0x8: {  	s5 =	sadd.s32 $0x5200, s6;
	s12 =	smul.u32 $0xA000, s8;
	s8 =	ssub.s32 $0x2, s8  }
0x9: {  	_ =	strace $0x80000047;
	s13 =	sshrl.u32 s8, $0x1;
	s11 =	sshrl.u32 s11, $0x2  }
0xa: {  	s29 =	sshrl.u32 s28, $0x3;
	s30 =	sshrl.u32 s14, $0x2;
	s14 =	simm.s32 $0x80  }
0xb: {  	s9 =	sadd.s32 s10, s9;
	s13 =	ssub.s32 s8, s13;
	s15 =	sadd.s32 s7, s12  }
0xc: {  	s16 =	sadd.s32 $0x5000, s29;
	s7 =	sadd.s32 s30, s3;
	s10 =	simm.s32 $0x2800  }
0xd: {  	s12 =	simm.s32 $0x6800;
	s9 =	sadd.s32 s9, s6;
	s6 =	sadd.s32 s11, s3  }
0xe: {  	s11 =	simm.s32 $0x1;
	s8 =	sadd.s32 $0x5A00, s9;
	s9 =	smax.u32 s13, $0x1  }
0xf: {  	s13 =	sadd.s32 s31, s15;
	s15 =	sadd.s32 s16, s15;
	s16 =	simm.s32 $0x0  }
.LBB2_1:
0x10: {  	[tilespmem:s10], [sflag:$0x1] =	stream.linear.gather [hbm4b:s5+s4], $0x4000, $0x38;
	[tilespmem:$0x1B000] =	vst v63  }
0x11: {  	_ =	swait.ge [sflag:s11], $0x4000  }
0x12: {  	[sflag:s11] =	ssyncset.done $0x0  }
0x13: {  	[sflag:s11] =	ssyncadd.s32 $0xFFFFC000  }
0x14: {  	[tilespmem:s12], [sflag:$0x1] =	stream.linear.gather [hbm4b:s2+s4], $0xA400, $0x38;
	[tilespmem:$0x1B000] =	vst v63  }
0x15: {  	_ =	swait.ge [sflag:s11], $0xA400  }
0x16: {  	[sflag:s11] =	ssyncset.done $0x0  }
0x17: {  	[sflag:s11] =	ssyncadd.s32 $0xFFFF5C00  }
0x18: {  	[spmem:s6] =	stream.linear.scatter [tilespmem:s12], [sflag:$0x1], $0xA400, $0x38;
	[tilespmem:$0x1B000] =	vst v63  }
0x19: {  	_ =	swait.ge [sflag:s11], $0xA400  }
0x1a: {  	[sflag:s11] =	ssyncset.done $0x0  }
0x1b: {  	[sflag:s11] =	ssyncadd.s32 $0xFFFF5C00  }
0x1c: {  	[bflag:$0x0] =	sbarrier.arrive $0xFFFF  }
0x1d: {  	[tilespmem:s4], [sflag:$0x1] =	stream.linear.gather [hbm4b:s13+s4], $0x2780, $0x38;
	[tilespmem:$0x1B000] =	vst v63  }
0x1e: {  	_ =	swait.ge [sflag:s11], $0x2780  }
0x1f: {  	[sflag:s11] =	ssyncset.done $0x0  }
0x20: {  	s17 =	simm.s32 $0x0;
	[sflag:s11] =	ssyncadd.s32 $0xFFFFD880  }
0x21: {  	[spmem:s3] =	stream.indirect.scatter.add.f32 [tilespmem:s10], [sflag:$0x1], $0x80, s17, s14, $0xb8;
	[tilespmem:$0x1B000] =	vst v63  }
0x22: {  	_ =	swait.ge [sflag:s11], $0x4000  }
0x23: {  	s17 =	simm.s32 $0x200;
	[sflag:s11] =	ssyncset.done $0x0  }
.LBB2_2:
0x24: {  	s18 =	sshra.s32 s17, $0x2;
	[sflag:s11] =	ssyncadd.s32 $0xFFFFC000;
	p0 =	sne.s32 s17, $0x9C00  }
0x25: {  	[spmem:s3] =	stream.indirect.scatter.add.f32 [tilespmem:s10], [sflag:$0x1], $0x80, s18, s14, $0xb8;
	[tilespmem:$0x1B000] =	vst v63  }
.Ltmp0:
0x26: {  	_ = 	snop;
	(pc) =	sbr.rel @p0 .LBB2_2-.Ltmp0, $4  }
0x27: {  	_ = 	snop  }
0x28: {  	s17 =	sadd.s32 $0x200, s17  }
0x29: {  	_ =	swait.ge [sflag:s11], $0x4000  }
0x2a: {  	[sflag:s11] =	ssyncset.done $0x0  }
0x2b: {  	[sflag:s11] =	ssyncadd.s32 $0xFFFFC000;
	s17 =	simm.s32 $0x0  }
0x2c: {  	[tilespmem:s17], [sflag:$0x1] =	stream.linear.gather [hbm4b:s15+s17], $0x2780, $0x38;
	[tilespmem:$0x1B000] =	vst v63  }
0x2d: {  	_ =	swait.ge [sflag:s11], $0x2780  }
0x2e: {  	[sflag:s11] =	ssyncset.done $0x0  }
0x2f: {  	s31 =	simm.s32 $0x0;
	[sflag:s11] =	ssyncadd.s32 $0xFFFFD880  }
0x30: {  	[spmem:s3] =	stream.indirect.scatter.add.f32 [tilespmem:s10], [sflag:$0x1], $0x80, s31, s14, $0xb8;
	[tilespmem:$0x1B000] =	vst v63  }
0x31: {  	_ =	swait.ge [sflag:s11], $0x4000  }
0x32: {  	s17 =	simm.s32 $0x200;
	[sflag:s11] =	ssyncset.done $0x0  }
.LBB2_4:
0x33: {  	s18 =	sshra.s32 s17, $0x2;
	[sflag:s11] =	ssyncadd.s32 $0xFFFFC000;
	p0 =	sne.s32 s17, $0x9C00  }
0x34: {  	[spmem:s3] =	stream.indirect.scatter.add.f32 [tilespmem:s10], [sflag:$0x1], $0x80, s18, s14, $0xb8;
	[tilespmem:$0x1B000] =	vst v63  }
.Ltmp1:
0x35: {  	_ = 	snop;
	(pc) =	sbr.rel @p0 .LBB2_4-.Ltmp1, $4  }
0x36: {  	_ = 	snop  }
0x37: {  	s17 =	sadd.s32 $0x200, s17  }
0x38: {  	_ =	swait.ge [sflag:s11], $0x4000  }
0x39: {  	[sflag:s11] =	ssyncset.done $0x0  }
0x3a: {  	[sflag:s11] =	ssyncadd.s32 $0xFFFFC000  }
0x3b: {  	[bflag:$0x0] =	sbarrier.arrive $0xFFFF  }
0x3c: {  	[tilespmem:s12], [sflag:$0x1] =	stream.linear.gather [spmem:s7], $0xA000, $0x38;
	[tilespmem:$0x1B000] =	vst v63  }
0x3d: {  	s16 =	sadd.s32 $0x1, s16;
	_ =	swait.ge [sflag:s11], $0xA000  }
0x3e: {  	p0 =	sne.s32 s16, s9;
	[sflag:s11] =	ssyncset.done $0x0  }
.Ltmp2:
0x3f: {  	[sflag:s11] =	ssyncadd.s32 $0xFFFF6000;
	(pc) =	sbr.rel @p0 .LBB2_1-.Ltmp2, $4  }
0x40: {  	[hbm4b:s8+s4] =	stream.linear.scatter [tilespmem:s12], [sflag:$0x1], $0xA000, $0x38;
	[tilespmem:$0x1B000] =	vst v63  }
0x41: {  	_ =	swait.ge [sflag:s11], $0xA000  }
0x42: {  	[sflag:s11] =	ssyncset.done $0x0  }
0x43: {  	[sflag:s11] =	ssyncadd.s32 $0xFFFF6000  }
0x44: {  	_ =	sfence.sel $0x180000  }
0x45: {  	[bflag:$0x0] =	sbarrier.arrive $0xFFFF  }
0x46: {  	p0 =	sne.s32 s1, $0x0;
	_ =	strace $0x90000047  }
0x47: {  	s0 =	sadd.s32 @!p0 $0x100000, s0;
	[bflag:$0x2] =	sbarrier.arrive $0xFFFF  }
0x48: {  	[sflag:s0] =	ssyncadd.tile.s32 @!p0 $0x1;
	_ =	shalt  }
.Lfunc_end2:
_tile_overlayer_lowered:
.L_overlay_start_2:
0x49: {  	(tag) =	ssettag $0x2  }
0x4a: {  	s0 =	rddreg [dreg:$0x0];
	s2 =	stileid.u32  }
0x4b: {  	s1 =	rddreg [dreg:$0x1];
	p0 =	sne.s32 s2, $0x0  }
0x4c: {  	s3 =	rddreg [dreg:$0x2];
	[bflag:$0x3] =	sbarrier.arrive $0xFFFF;
	s2 =	simm.s32 @!p0 $0x1C01  }
0x4d: {  	[timem:s3], [sflag:s2] =	dma.local @!p0 [hbm:s0], s1  }
0x4e: {  	s0 =	simm.s32 @!p0 $0x1  }
0x4f: {  	_ =	swait.ge @!p0 [sflag:s0], s1  }
0x50: {  	s1 =	ssub.s32 @!p0 $0x0, s1;
	[sflag:s0] =	ssyncset.done @!p0 $0x0  }
0x51: {  	[sflag:s0] =	ssyncadd.s32 @!p0 s1  }
0x52: {  	[bflag:$0x3] =	sbarrier.arrive $0xFFFF  }
0x53: {  	_ =	shalt  }

// kernel: kernel.20.cloned.1.call-start
scs
__scs_entry_jumppad:
0x0: {  	(pc) =	sbr.rel $0x88, $3  }
0x1: {  	(tag) =	ssettag $0x0;
	lr =	simm.s32 $0x1  }
0x2: {  	[smem:$0x3F91] =	sst lr;
	_ =	strace $0xD0000000  }
0x3: {  	_ = 	snop  }
0x4: {  	_ = 	snop  }
0x5: {  	_ = 	snop  }
0x6: {  	_ = 	snop  }
0x7: {  	_ = 	snop  }
__scs_overlays_trampoline_lowered:
0x8: {  	[smem:$0x3FA0] =	sst s0  }
0x9: {  	[smem:$0x3FA1] =	sst s1  }
0xa: {  	[smem:$0x3FA2] =	sst s2  }
0xb: {  	[smem:$0x3FA3] =	sst s3  }
0xc: {  	[smem:$0x3FA4] =	sst s4  }
0xd: {  	[smem:$0x3FA5] =	sst s5  }
0xe: {  	[smem:$0x3FA6] =	sst s6  }
0xf: {  	[smem:$0x3FA7] =	sst s7  }
0x10: {  	[smem:$0x3FA8] =	sst s8  }
0x11: {  	[smem:$0x3FA9] =	sst s9;
	s0 =	simm.s32 @!p0 $0x0  }
0x12: {  	s1 =	sld [smem:$0x3F8F];
	s0 =	simm.s32 @p0 $0x1  }
0x13: {  	[smem:$0x3FAA] =	sst s0;
	s0 =	simm.s32 @!p1 $0x0  }
0x14: {  	s2 =	sld [smem:$0x3F8E];
	s0 =	simm.s32 @p1 $0x1  }
0x15: {  	[smem:$0x3FAB] =	sst s0;
	s0 =	simm.s32 @!p2 $0x0  }
0x16: {  	s3 =	sld [smem:$0x3FDB];
	s0 =	simm.s32 @p2 $0x1  }
0x17: {  	s4 =	simm.s32 $0x1BF5;
	[smem:$0x3FAD] =	sst s0  }
0x18: {  	s0 =	sld [smem:$0x3F90];
	_ =	swait.ge [sflag:s4], $0x0  }
0x19: {  	s7 =	sld [smem:$0x3F91]  }
0x1a: {  	s8 =	sadd.s32 $0xFFFFE003, lr  }
0x1b: {  	s9 =	sadd.s32 $0xFFFFFEF7, lr;
	s5 =	simm.s32 $0xFFFFFFFF;
	p2 =	slt.u32 s8, $0xFFFFF086  }
0x1c: {  	p1 =	slt.u32 s9, $0xF7A;
	s5 =	simm.s32 @!p2 $0x0  }
0x1d: {  	s5 =	simm.s32 @p1 $0x1;
	p0 =	seq.s32 s7, s2  }
0x1e: {  	s7 =	smul.u32 @!p0 $0xF7A, s2;
	p2 =	seq.s32 @!p0 s5, $0x0  }
0x1f: {  	s9 =	smul.u32 $0xF7A, s1;
	s8 =	simm.s32 @!p0 $0x1BF5;
	p2 =	por !p2, p0  }
0x20: {  	[sflag:s8] =	ssyncset.s32 @!p0 $0xFFFFF086;
	s6 =	sadd.s32 @!p0 s3, s7;
	s7 =	simm.s32 @!p0 $0x108  }
0x21: {  	s3 =	sadd.s32 s3, s9;
	s6 =	sadd.s32 @!p0 $0x88, s6;
	s7 =	simm.s32 @p2 $0x1082  }
0x22: {  	[simem:s7], [sflag:s8] =	dma.local @!p0 [hbm:s6], $0xF7A  }
0x23: {  	s9 =	sor.u32 $0xD0000000, s2;
	s6 =	simm.s32 $0x108;
	_ =	swait.ge @!p0 [sflag:s8], $0x0  }
0x24: {  	s3 =	sadd.s32 $0x88, s3;
	s6 =	simm.s32 @!p1 $0x1082;
	[sflag:s4] =	ssyncset.s32 $0xFFFFF086  }
0x25: {  	[simem:s6], [sflag:s4] =	dma.local [hbm:s3], $0xF7A  }
0x26: {  	[smem:$0x3F91] =	sst s1;
	(tag) =	ssettag s2;
	_ =	strace s9  }
0x27: {  	s1 =	sld [smem:$0x3FA1]  }
0x28: {  	s2 =	sld [smem:$0x3FA2]  }
0x29: {  	s4 =	sld [smem:$0x3FA4]  }
0x2a: {  	p0 =	seq.s32 s5, $0x0;
	s5 =	sld [smem:$0x3FA5]  }
0x2b: {  	s6 =	sld [smem:$0x3FA6]  }
0x2c: {  	s7 =	sld [smem:$0x3FA7]  }
0x2d: {  	s3 =	simm.s32 $0x108;
	s8 =	sld [smem:$0x3FA8]  }
0x2e: {  	s3 =	simm.s32 @!p0 $0x1082;
	s9 =	sld [smem:$0x3FA9]  }
0x2f: {  	lr =	sadd.s32 s0, s3;
	s0 =	sld [smem:$0x3FA0]  }
0x30: {  	s3 =	sld [smem:$0x3FA3]  }
0x31: {  	[smem:$0x3FAC] =	sst s10  }
0x32: {  	s10 =	sld [smem:$0x3FAA];
	_ =	sdelay $0x3  }
0x33: {  	p0 =	seq.s32 s10, $0x1;
	s10 =	sld [smem:$0x3FAC];
	_ =	sdelay $0x3  }
0x34: {  	[smem:$0x3FAC] =	sst s10  }
0x35: {  	s10 =	sld [smem:$0x3FAB];
	_ =	sdelay $0x3  }
0x36: {  	p1 =	seq.s32 s10, $0x1;
	s10 =	sld [smem:$0x3FAC];
	_ =	sdelay $0x3  }
0x37: {  	[smem:$0x3FAC] =	sst s10  }
0x38: {  	s10 =	sld [smem:$0x3FAD]  }
0x39: {  	_ = 	snop;
	(pc) =	sbr.ind lr, $3  }
0x3a: {  	_ = 	snop  }
0x3b: {  	_ = 	snop  }
0x3c: {  	p2 =	seq.s32 s10, $0x1;
	s10 =	sld [smem:$0x3FAC]  }
0x3d: {  	_ =	shalt  }
0x3e: {  	_ =	shalt  }
0x3f: {  	_ =	shalt  }
0x40: {  	_ =	shalt  }
0x41: {  	_ =	shalt  }
0x42: {  	_ =	shalt  }
0x43: {  	_ =	shalt  }
0x44: {  	_ =	shalt  }
0x45: {  	_ =	shalt  }
0x46: {  	_ =	shalt  }
0x47: {  	_ =	shalt  }
0x48: {  	_ =	shalt  }
0x49: {  	_ =	shalt  }
0x4a: {  	_ =	shalt  }
0x4b: {  	_ =	shalt  }
0x4c: {  	_ =	shalt  }
0x4d: {  	_ =	shalt  }
0x4e: {  	_ =	shalt  }
0x4f: {  	_ =	shalt  }
0x50: {  	_ =	shalt  }
0x51: {  	_ =	shalt  }
0x52: {  	_ =	shalt  }
0x53: {  	_ =	shalt  }
0x54: {  	_ =	shalt  }
0x55: {  	_ =	shalt  }
0x56: {  	_ =	shalt  }
0x57: {  	_ =	shalt  }
0x58: {  	_ =	shalt  }
0x59: {  	_ =	shalt  }
0x5a: {  	_ =	shalt  }
0x5b: {  	_ =	shalt  }
0x5c: {  	_ =	shalt  }
0x5d: {  	_ =	shalt  }
0x5e: {  	_ =	shalt  }
0x5f: {  	_ =	shalt  }
0x60: {  	_ =	shalt  }
0x61: {  	_ =	shalt  }
0x62: {  	_ =	shalt  }
0x63: {  	_ =	shalt  }
0x64: {  	_ =	shalt  }
0x65: {  	_ =	shalt  }
0x66: {  	_ =	shalt  }
0x67: {  	_ =	shalt  }
0x68: {  	_ =	shalt  }
0x69: {  	_ =	shalt  }
0x6a: {  	_ =	shalt  }
0x6b: {  	_ =	shalt  }
0x6c: {  	_ =	shalt  }
0x6d: {  	_ =	shalt  }
0x6e: {  	_ =	shalt  }
0x6f: {  	_ =	shalt  }
0x70: {  	_ =	shalt  }
0x71: {  	_ =	shalt  }
0x72: {  	_ =	shalt  }
0x73: {  	_ =	shalt  }
0x74: {  	_ =	shalt  }
0x75: {  	_ =	shalt  }
0x76: {  	_ =	shalt  }
0x77: {  	_ =	shalt  }
0x78: {  	_ =	shalt  }
0x79: {  	_ =	shalt  }
0x7a: {  	_ =	shalt  }
0x7b: {  	_ =	shalt  }
0x7c: {  	_ =	shalt  }
0x7d: {  	_ =	shalt  }
0x7e: {  	_ =	shalt  }
0x7f: {  	_ =	shalt  }
0x80: {  	_ =	shalt  }
0x81: {  	_ =	shalt  }
0x82: {  	_ =	shalt  }
0x83: {  	_ =	shalt  }
0x84: {  	_ =	shalt  }
0x85: {  	_ =	shalt  }
0x86: {  	_ =	shalt  }
0x87: {  	_ =	shalt  }
.Lfunc_end0:
.L_simem_size_0:
called_computation.1_lowered:
.L_overlay_start_0:
0x88: {  	s2 =	sld [smem:$0x3FD9]  }
0x89: {  	s3 =	sld [smem:$0x3FFE];
	_ =	sdelay $0x1  }
0x8a: {  	s1 =	srdreg.scid  }
0x8b: {  	s0 =	sand.u32 $0x1, s1  }
0x8c: {  	s14 =	sshll.u32 s0, $0xA;
	s2 =	sadd.s32 s3, s2  }
0x8d: {  	s2 =	sadd.s32 s2, s14  }
0x8e: {  	[smem:$0x3FB8] =	sst s2  }
0x8f: {  	_ = 	snop  }
0x90: {  	s2 =	sld [smem:$0x3FD0];
	_ =	sdelay $0x2  }
0x91: {  	s15 =	simm.s32 $0xA;
	s4 =	simm.s32 $0x10  }
0x92: {  	[smem:s4], [sflag:s15] =	dma.local [hbm:s2], $0x1  }
0x93: {  	_ =	swait.eq [sflag:s15], $0x1  }
0x94: {  	[sflag:s15] =	ssyncset.done $0x0  }
0x95: {  	s16 =	sld [smem:$0x10];
	[sflag:s15] =	ssyncadd.s32 $0xFFFFFFFF  }
0x96: {  	s17 =	sld [smem:$0x11];
	(tm) =	ssettm $0x1  }
0x97: {  	s18 =	sld [smem:$0x3FFB];
	_ =	sdelay $0x3  }
0x98: {  	_ =	strace s18  }
0x99: {  	s4 =	sld [smem:$0x3FFC];
	_ =	sdelay $0x3  }
0x9a: {  	_ =	strace s4  }
0x9b: {  	s4 =	sld [smem:$0x3FFD];
	_ =	sdelay $0x3  }
0x9c: {  	_ =	strace s4  }
0x9d: {  	_ =	strace $0x8FFFFFFF  }
0x9e: {  	s19 =	sld [smem:$0x3FDB];
	_ =	sdelay $0x1  }
0x9f: {  	s5 =	simm.s32 $_scs_section_size  }
0xa0: {  	s6 =	simm.s32 $_size__tile_overlayer_lowered;
	s7 =	simm.s32 $_tile_overlayer_lowered  }
0xa1: {  	s22 =	simm.s32 $0x1BFF;
	s21 =	sshll.u32 s7, $0x1;
	s4 =	sadd.s32 s5, s19  }
0xa2: {  	s8 =	simm.s32 $0x0;
	s20 =	sshll.u32 s6, $0x1;
	s6 =	sadd.s32 s21, s4  }
0xa3: {  	[timem:s8], [sflag:s22] =	dma.local [hbm:s6], s20  }
0xa4: {  	_ =	swait.ge [sflag:s22], s20  }
0xa5: {  	s5 =	ssub.s32 $0x0, s20;
	[sflag:s22] =	ssyncset.done $0x0  }
0xa6: {  	[sflag:s22] =	ssyncadd.s32 s5;
	_ =	sdelay $0x1  }
0xa7: {  	s23 =	simm.s32 $0x1B8B  }
0xa8: {  	_ =	swait.ge [sflag:s23], $0x1  }
0xa9: {  	[sflag:s23] =	ssyncset.done $0x0  }
0xaa: {  	s25 =	simm.s32 $0x1B8E;
	s24 =	sld [smem:$0x3FFE];
	[sflag:s23] =	ssyncadd.s32 $0xFFFFFFFF  }
0xab: {  	s26 =	simm.s32 $execute0_lowered;
	[smem:$0x3FD2] =	sst s25  }
0xac: {  	s6 =	sshll.u32 s26, $0x1;
	_ =	strace $0x80000049;
	[dreg:$0x1] =	wrdreg $0xFFFFFFFF  }
0xad: {  	s28 =	simm.s32 $_size_execute0_lowered;
	s4 =	sadd.s32 s4, s6;
	[dreg:$0x0] =	wrdreg $0x0  }
0xae: {  	s6 =	sshll.u32 s28, $0x1;
	[dreg:$0x2] =	wrdreg s4  }
0xaf: {  	[dreg:$0x3] =	wrdreg s6  }
0xb0: {  	[dreg:$0x4] =	wrdreg $0xC0  }
0xb1: {  	_ =	task [dreg:s8], $0x5FFFF  }
0xb2: {  	[dreg:$0x1] =	wrdreg $0xFFFFFFFF  }
0xb3: {  	[dreg:$0x0] =	wrdreg $0x60  }
0xb4: {  	[dreg:$0x2] =	wrdreg s16  }
0xb5: {  	[dreg:$0x3] =	wrdreg s24  }
0xb6: {  	[dreg:$0x4] =	wrdreg s17  }
0xb7: {  	[dreg:$0x5] =	wrdreg $0x134000  }
0xb8: {  	[dreg:$0x6] =	wrdreg $0x9  }
0xb9: {  	_ =	task.clear_ibuf [dreg:s8], $0x7FFFF;
	_ =	strace $0x90000049  }
0xba: {  	s29 =	simm.s32 $0x9;
	_ =	strace $0x8000004B  }
0xbb: {  	_ =	swait.ge [sflag:s29], $0x1  }
0xbc: {  	[sflag:s29] =	ssyncadd.s32 $0xFFFFFFFF  }
0xbd: {  	_ =	strace $0x9000004B  }
0xbe: {  	_ =	sfence  }
0xbf: {  	s30 =	sld [smem:$0x0];
	_ =	sdelay $0x2  }
0xc0: {  	s31 =	sshll.u32 s1, $0xD;
	s1 =	sshrl.u32 s1, $0x2  }
0xc1: {  	s3 =	sand.u32 $0x4000, s31;
	s1 =	sadd.s32 s1, s30  }
0xc2: {  	s0 =	sor.u32 s3, s0;
	s1 =	sshll.u32 s1, $0x11  }
0xc3: {  	s0 =	sor.u32 s1, s0  }
0xc4: {  	s0 =	sadd.s32 $0x8F2B, s0  }
0xc5: {  	[sflag:s0] =	ssyncadd.remote.s32 $0x1  }
0xc6: {  	_ =	sfence.sel $0xFFFF  }
0xc7: {  	[dreg:$0x0] =	wrdreg $0xFFFFFFFF;
	(pc) =	sbr.abs _section_cstart, $3  }
0xc8: {  	[dreg:$0x1] =	wrdreg $0xFFFFFFFF  }
0xc9: {  	_ =	task.clear_ibuf [dreg:s8], $0x2FFFF;
	_ =	strace $0x9FFFFFFF  }
0xca: {  	(tm) =	ssettm $0x7FFFFFFF  }
0xcb: {  	_ =	shalt  }
tec
execute0_lowered:
.L_overlay_start_1:
0x0: {  	(tag) =	ssettag $0x1  }
0x1: {  	s1 =	rddreg [dreg:$0x0]  }
0x2: {  	s6 =	rddreg [dreg:$0x1];
	s4 =	srdreg.scid  }
0x3: {  	s2 =	rddreg [dreg:$0x2];
	s7 =	sand.u32 $0x1, s4  }
0x4: {  	s3 =	rddreg [dreg:$0x3];
	s8 =	smul.u32 $0xA000, s7  }
0x5: {  	s4 =	stileid.u32;
	s9 =	smul.u32 $0x14000, s7  }
0x6: {  	s0 =	rddreg [dreg:$0x4];
	s10 =	smul.u32 $0x1400, s4  }
0x7: {  	s5 =	simm.s32 $0x0;
	s15 =	simm.s32 $0x2800;
	s12 =	smul.u32 $0x29000, s4  }
0x8: {  	s16 =	simm.s32 $0x80;
	s17 =	simm.s32 $0x5000;
	s14 =	smul.u32 $0x500, s4  }
0x9: {  	[smem:$0x7FF] =	sst s5;
	s11 =	sadd.s32 $0x2DA00, s6;
	s28 =	smul.u32 $0x2800, s4  }
0xa: {  	_ =	strace $0x8000004A;
	s7 =	ssub.s32 $0x2, s7;
	s30 =	smul.u32 $0x28000, s4  }
0xb: {  	s26 =	sshrl.u32 s7, $0x1;
	s8 =	sadd.s32 s8, s6;
	s9 =	sadd.s32 s10, s9  }
0xc: {  	s13 =	ssub.s32 s7, s26;
	s29 =	sshrl.u32 s12, $0x2;
	s7 =	sadd.s32 s11, s14  }
0xd: {  	s31 =	sshrl.u32 s30, $0x2;
	s12 =	simm.s32 $0x9000;
	s10 =	sadd.s32 s9, s6  }
0xe: {  	s6 =	sadd.s32 s29, s3;
	s9 =	sshrl.u32 s28, $0x3;
	s18 =	sadd.s32 $0x37A00, s8  }
0xf: {  	s19 =	sadd.s32 $0x5000, s9;
	s9 =	sadd.s32 s31, s3;
	s10 =	sadd.s32 $0x5200, s10  }
0x10: {  	s14 =	sadd.s32 s14, s18;
	s8 =	sadd.s32 s11, s19;
	s11 =	smax.u32 s13, $0x1  }
0x11: {  	s13 =	simm.s32 $0x1;
	s18 =	sadd.s32 s19, s18;
	s19 =	simm.s32 $0x0  }
.LBB2_1:
0x12: {  	[tilespmem:s12], [sflag:$0x1] =	stream.linear.gather [hbm4b:s2+s5], $0xA400, $0x38;
	[tilespmem:$0x1D800] =	vst v63  }
0x13: {  	_ =	swait.ge [sflag:s13], $0xA400  }
0x14: {  	[sflag:s13] =	ssyncset.done $0x0  }
0x15: {  	[sflag:s13] =	ssyncadd.s32 $0xFFFF5C00  }
0x16: {  	[spmem:s6] =	stream.linear.scatter [tilespmem:s12], [sflag:$0x1], $0xA400, $0x38;
	[tilespmem:$0x1D800] =	vst v63  }
0x17: {  	_ =	swait.ge [sflag:s13], $0xA400  }
0x18: {  	[sflag:s13] =	ssyncset.done $0x0  }
0x19: {  	[sflag:s13] =	ssyncadd.s32 $0xFFFF5C00  }
0x1a: {  	[bflag:$0x0] =	sbarrier.arrive $0xFFFF  }
0x1b: {  	[tilespmem:s5], [sflag:$0x1] =	stream.linear.gather [hbm4b:s7+s5], $0x2780, $0x38;
	[tilespmem:$0x1D800] =	vst v63  }
0x1c: {  	_ =	swait.ge [sflag:s13], $0x2780  }
0x1d: {  	[sflag:s13] =	ssyncset.done $0x0  }
0x1e: {  	[sflag:s13] =	ssyncadd.s32 $0xFFFFD880  }
0x1f: {  	[tilespmem:s15], [sflag:$0x1] =	stream.linear.gather [hbm4b:s14+s5], $0x2780, $0x38;
	[tilespmem:$0x1D800] =	vst v63  }
0x20: {  	_ =	swait.ge [sflag:s13], $0x2780  }
0x21: {  	[sflag:s13] =	ssyncset.done $0x0  }
0x22: {  	s20 =	simm.s32 $0x0;
	[sflag:s13] =	ssyncadd.s32 $0xFFFFD880  }
0x23: {  	[tilespmem:s17], [sflag:$0x1] =	stream.indirect.gather [hbm4b:s1+s16], $0x80, s20, s16, $0xb8;
	[tilespmem:$0x1D800] =	vst v63  }
0x24: {  	_ =	swait.ge [sflag:s13], $0x4000  }
0x25: {  	[sflag:s13] =	ssyncset.done $0x0  }
0x26: {  	s31 =	simm.s32 $0x2800;
	[sflag:s13] =	ssyncadd.s32 $0xFFFFC000  }
0x27: {  	[spmem:s3] =	stream.indirect.scatter.add.f32 [tilespmem:s17], [sflag:$0x1], $0x80, s31, s16, $0xb8;
	[tilespmem:$0x1D800] =	vst v63  }
0x28: {  	_ =	swait.ge [sflag:s13], $0x4000  }
0x29: {  	s21 =	simm.s32 $0x400;
	s20 =	simm.s32 $0x200;
	[sflag:s13] =	ssyncset.done $0x0  }
.LBB2_2:
0x2a: {  	s22 =	sshra.s32 s20, $0x2  }
0x2b: {  	[sflag:s13] =	ssyncadd.s32 $0xFFFFC000;
	s20 =	smov.u32 s21;
	s23 =	sadd.s32 $0x200, s21  }
0x2c: {  	[tilespmem:s17], [sflag:$0x1] =	stream.indirect.gather [hbm4b:s1+s16], $0x80, s22, s16, $0xb8;
	[tilespmem:$0x1D800] =	vst v63  }
0x2d: {  	p0 =	sne.s32 s21, $0x9C00;
	_ =	swait.ge [sflag:s13], $0x4000  }
.Ltmp0:
0x2e: {  	[sflag:s13] =	ssyncset.done $0x0;
	(pc) =	sbr.rel @p0 .LBB2_2-.Ltmp0, $4  }
0x2f: {  	s21 =	sadd.s32 $0x2800, s22;
	[sflag:s13] =	ssyncadd.s32 $0xFFFFC000  }
0x30: {  	[spmem:s3] =	stream.indirect.scatter.add.f32 [tilespmem:s17], [sflag:$0x1], $0x80, s21, s16, $0xb8;
	[tilespmem:$0x1D800] =	vst v63  }
0x31: {  	_ =	swait.ge [sflag:s13], $0x4000  }
0x32: {  	s21 =	smov.u32 s23;
	[sflag:s13] =	ssyncset.done $0x0  }
0x33: {  	s20 =	sshra.s32 s20, $0x2;
	[sflag:s13] =	ssyncadd.s32 $0xFFFFC000  }
0x34: {  	[tilespmem:s17], [sflag:$0x1] =	stream.indirect.gather [hbm4b:s1+s16], $0x80, s20, s16, $0xb8;
	[tilespmem:$0x1D800] =	vst v63  }
0x35: {  	_ =	swait.ge [sflag:s13], $0x4000  }
0x36: {  	[sflag:s13] =	ssyncset.done $0x0  }
0x37: {  	s20 =	sadd.s32 $0x2800, s20;
	[sflag:s13] =	ssyncadd.s32 $0xFFFFC000  }
0x38: {  	[spmem:s3] =	stream.indirect.scatter.add.f32 [tilespmem:s17], [sflag:$0x1], $0x80, s20, s16, $0xb8;
	[tilespmem:$0x1D800] =	vst v63  }
0x39: {  	_ =	swait.ge [sflag:s13], $0x4000  }
0x3a: {  	[sflag:s13] =	ssyncset.done $0x0  }
0x3b: {  	s29 =	simm.s32 $0x0;
	[sflag:s13] =	ssyncadd.s32 $0xFFFFC000  }
0x3c: {  	[tilespmem:s29], [sflag:$0x1] =	stream.linear.gather [hbm4b:s8+s29], $0x2780, $0x38;
	[tilespmem:$0x1D800] =	vst v63  }
0x3d: {  	_ =	swait.ge [sflag:s13], $0x2780  }
0x3e: {  	[sflag:s13] =	ssyncset.done $0x0  }
0x3f: {  	[sflag:s13] =	ssyncadd.s32 $0xFFFFD880  }
0x40: {  	[tilespmem:s15], [sflag:$0x1] =	stream.linear.gather [hbm4b:s18+s29], $0x2780, $0x38;
	[tilespmem:$0x1D800] =	vst v63  }
0x41: {  	_ =	swait.ge [sflag:s13], $0x2780  }
0x42: {  	[sflag:s13] =	ssyncset.done $0x0  }
0x43: {  	s30 =	simm.s32 $0x0;
	[sflag:s13] =	ssyncadd.s32 $0xFFFFD880  }
0x44: {  	[tilespmem:s17], [sflag:$0x1] =	stream.indirect.gather [hbm4b:s1+s16], $0x80, s30, s16, $0xb8;
	[tilespmem:$0x1D800] =	vst v63  }
0x45: {  	_ =	swait.ge [sflag:s13], $0x4000  }
0x46: {  	[sflag:s13] =	ssyncset.done $0x0  }
0x47: {  	s31 =	simm.s32 $0x2800;
	[sflag:s13] =	ssyncadd.s32 $0xFFFFC000  }
0x48: {  	[spmem:s3] =	stream.indirect.scatter.add.f32 [tilespmem:s17], [sflag:$0x1], $0x80, s31, s16, $0xb8;
	[tilespmem:$0x1D800] =	vst v63  }
0x49: {  	_ =	swait.ge [sflag:s13], $0x4000  }
0x4a: {  	s21 =	simm.s32 $0x400;
	s20 =	simm.s32 $0x200;
	[sflag:s13] =	ssyncset.done $0x0  }
.LBB2_4:
0x4b: {  	s22 =	sshra.s32 s20, $0x2  }
0x4c: {  	[sflag:s13] =	ssyncadd.s32 $0xFFFFC000;
	s20 =	smov.u32 s21;
	s23 =	sadd.s32 $0x200, s21  }
0x4d: {  	[tilespmem:s17], [sflag:$0x1] =	stream.indirect.gather [hbm4b:s1+s16], $0x80, s22, s16, $0xb8;
	[tilespmem:$0x1D800] =	vst v63  }
0x4e: {  	p0 =	sne.s32 s21, $0x9C00;
	_ =	swait.ge [sflag:s13], $0x4000  }
.Ltmp1:
0x4f: {  	[sflag:s13] =	ssyncset.done $0x0;
	(pc) =	sbr.rel @p0 .LBB2_4-.Ltmp1, $4  }
0x50: {  	s21 =	sadd.s32 $0x2800, s22;
	[sflag:s13] =	ssyncadd.s32 $0xFFFFC000  }
0x51: {  	[spmem:s3] =	stream.indirect.scatter.add.f32 [tilespmem:s17], [sflag:$0x1], $0x80, s21, s16, $0xb8;
	[tilespmem:$0x1D800] =	vst v63  }
0x52: {  	_ =	swait.ge [sflag:s13], $0x4000  }
0x53: {  	s21 =	smov.u32 s23;
	[sflag:s13] =	ssyncset.done $0x0  }
0x54: {  	s20 =	sshra.s32 s20, $0x2;
	[sflag:s13] =	ssyncadd.s32 $0xFFFFC000  }
0x55: {  	[tilespmem:s17], [sflag:$0x1] =	stream.indirect.gather [hbm4b:s1+s16], $0x80, s20, s16, $0xb8;
	[tilespmem:$0x1D800] =	vst v63  }
0x56: {  	_ =	swait.ge [sflag:s13], $0x4000  }
0x57: {  	[sflag:s13] =	ssyncset.done $0x0  }
0x58: {  	s20 =	sadd.s32 $0x2800, s20;
	[sflag:s13] =	ssyncadd.s32 $0xFFFFC000  }
0x59: {  	[spmem:s3] =	stream.indirect.scatter.add.f32 [tilespmem:s17], [sflag:$0x1], $0x80, s20, s16, $0xb8;
	[tilespmem:$0x1D800] =	vst v63  }
0x5a: {  	_ =	swait.ge [sflag:s13], $0x4000  }
0x5b: {  	[sflag:s13] =	ssyncset.done $0x0  }
0x5c: {  	[sflag:s13] =	ssyncadd.s32 $0xFFFFC000  }
0x5d: {  	[bflag:$0x0] =	sbarrier.arrive $0xFFFF  }
0x5e: {  	[tilespmem:s12], [sflag:$0x1] =	stream.linear.gather [spmem:s9], $0xA000, $0x38;
	[tilespmem:$0x1D800] =	vst v63  }
0x5f: {  	s19 =	sadd.s32 $0x1, s19;
	_ =	swait.ge [sflag:s13], $0xA000  }
0x60: {  	p0 =	sne.s32 s19, s11;
	[sflag:s13] =	ssyncset.done $0x0  }
.Ltmp2:
0x61: {  	[sflag:s13] =	ssyncadd.s32 $0xFFFF6000;
	(pc) =	sbr.rel @p0 .LBB2_1-.Ltmp2, $4  }
0x62: {  	[hbm4b:s10+s5] =	stream.linear.scatter [tilespmem:s12], [sflag:$0x1], $0xA000, $0x38;
	[tilespmem:$0x1D800] =	vst v63  }
0x63: {  	_ =	swait.ge [sflag:s13], $0xA000  }
0x64: {  	[sflag:s13] =	ssyncset.done $0x0  }
0x65: {  	[sflag:s13] =	ssyncadd.s32 $0xFFFF6000  }
0x66: {  	_ =	sfence.sel $0x180000  }
0x67: {  	[bflag:$0x0] =	sbarrier.arrive $0xFFFF  }
0x68: {  	p0 =	sne.s32 s4, $0x0;
	_ =	strace $0x9000004A  }
0x69: {  	s0 =	sadd.s32 @!p0 $0x100000, s0;
	[bflag:$0x2] =	sbarrier.arrive $0xFFFF  }
0x6a: {  	[sflag:s0] =	ssyncadd.tile.s32 @!p0 $0x1;
	_ =	shalt  }
.Lfunc_end2:
_tile_overlayer_lowered:
.L_overlay_start_2:
0x6b: {  	(tag) =	ssettag $0x2  }
0x6c: {  	s0 =	rddreg [dreg:$0x0];
	s2 =	stileid.u32  }
0x6d: {  	s1 =	rddreg [dreg:$0x1];
	p0 =	sne.s32 s2, $0x0  }
0x6e: {  	s3 =	rddreg [dreg:$0x2];
	[bflag:$0x3] =	sbarrier.arrive $0xFFFF;
	s2 =	simm.s32 @!p0 $0x1C01  }
0x6f: {  	[timem:s3], [sflag:s2] =	dma.local @!p0 [hbm:s0], s1  }
0x70: {  	s0 =	simm.s32 @!p0 $0x1  }
0x71: {  	_ =	swait.ge @!p0 [sflag:s0], s1  }
0x72: {  	s1 =	ssub.s32 @!p0 $0x0, s1;
	[sflag:s0] =	ssyncset.done @!p0 $0x0  }
0x73: {  	[sflag:s0] =	ssyncadd.s32 @!p0 s1  }
0x74: {  	[bflag:$0x3] =	sbarrier.arrive $0xFFFF  }
0x75: {  	_ =	shalt  }

// kernel: kernel.23.cloned.1.call-start
scs
__scs_entry_jumppad:
0x0: {  	(pc) =	sbr.rel $0x88, $3  }
0x1: {  	(tag) =	ssettag $0x0;
	lr =	simm.s32 $0x1  }
0x2: {  	[smem:$0x3F91] =	sst lr;
	_ =	strace $0xD0000000  }
0x3: {  	_ = 	snop  }
0x4: {  	_ = 	snop  }
0x5: {  	_ = 	snop  }
0x6: {  	_ = 	snop  }
0x7: {  	_ = 	snop  }
__scs_overlays_trampoline_lowered:
0x8: {  	[smem:$0x3FA0] =	sst s0  }
0x9: {  	[smem:$0x3FA1] =	sst s1  }
0xa: {  	[smem:$0x3FA2] =	sst s2  }
0xb: {  	[smem:$0x3FA3] =	sst s3  }
0xc: {  	[smem:$0x3FA4] =	sst s4  }
0xd: {  	[smem:$0x3FA5] =	sst s5  }
0xe: {  	[smem:$0x3FA6] =	sst s6  }
0xf: {  	[smem:$0x3FA7] =	sst s7  }
0x10: {  	[smem:$0x3FA8] =	sst s8  }
0x11: {  	[smem:$0x3FA9] =	sst s9;
	s0 =	simm.s32 @!p0 $0x0  }
0x12: {  	s1 =	sld [smem:$0x3F8F];
	s0 =	simm.s32 @p0 $0x1  }
0x13: {  	[smem:$0x3FAA] =	sst s0;
	s0 =	simm.s32 @!p1 $0x0  }
0x14: {  	s2 =	sld [smem:$0x3F8E];
	s0 =	simm.s32 @p1 $0x1  }
0x15: {  	[smem:$0x3FAB] =	sst s0;
	s0 =	simm.s32 @!p2 $0x0  }
0x16: {  	s3 =	sld [smem:$0x3FDB];
	s0 =	simm.s32 @p2 $0x1  }
0x17: {  	s4 =	simm.s32 $0x1BF5;
	[smem:$0x3FAD] =	sst s0  }
0x18: {  	s0 =	sld [smem:$0x3F90];
	_ =	swait.ge [sflag:s4], $0x0  }
0x19: {  	s7 =	sld [smem:$0x3F91]  }
0x1a: {  	s8 =	sadd.s32 $0xFFFFE003, lr  }
0x1b: {  	s9 =	sadd.s32 $0xFFFFFEF7, lr;
	s5 =	simm.s32 $0xFFFFFFFF;
	p2 =	slt.u32 s8, $0xFFFFF086  }
0x1c: {  	p1 =	slt.u32 s9, $0xF7A;
	s5 =	simm.s32 @!p2 $0x0  }
0x1d: {  	s5 =	simm.s32 @p1 $0x1;
	p0 =	seq.s32 s7, s2  }
0x1e: {  	s7 =	smul.u32 @!p0 $0xF7A, s2;
	p2 =	seq.s32 @!p0 s5, $0x0  }
0x1f: {  	s9 =	smul.u32 $0xF7A, s1;
	s8 =	simm.s32 @!p0 $0x1BF5;
	p2 =	por !p2, p0  }
0x20: {  	[sflag:s8] =	ssyncset.s32 @!p0 $0xFFFFF086;
	s6 =	sadd.s32 @!p0 s3, s7;
	s7 =	simm.s32 @!p0 $0x108  }
0x21: {  	s3 =	sadd.s32 s3, s9;
	s6 =	sadd.s32 @!p0 $0x88, s6;
	s7 =	simm.s32 @p2 $0x1082  }
0x22: {  	[simem:s7], [sflag:s8] =	dma.local @!p0 [hbm:s6], $0xF7A  }
0x23: {  	s9 =	sor.u32 $0xD0000000, s2;
	s6 =	simm.s32 $0x108;
	_ =	swait.ge @!p0 [sflag:s8], $0x0  }
0x24: {  	s3 =	sadd.s32 $0x88, s3;
	s6 =	simm.s32 @!p1 $0x1082;
	[sflag:s4] =	ssyncset.s32 $0xFFFFF086  }
0x25: {  	[simem:s6], [sflag:s4] =	dma.local [hbm:s3], $0xF7A  }
0x26: {  	[smem:$0x3F91] =	sst s1;
	(tag) =	ssettag s2;
	_ =	strace s9  }
0x27: {  	s1 =	sld [smem:$0x3FA1]  }
0x28: {  	s2 =	sld [smem:$0x3FA2]  }
0x29: {  	s4 =	sld [smem:$0x3FA4]  }
0x2a: {  	p0 =	seq.s32 s5, $0x0;
	s5 =	sld [smem:$0x3FA5]  }
0x2b: {  	s6 =	sld [smem:$0x3FA6]  }
0x2c: {  	s7 =	sld [smem:$0x3FA7]  }
0x2d: {  	s3 =	simm.s32 $0x108;
	s8 =	sld [smem:$0x3FA8]  }
0x2e: {  	s3 =	simm.s32 @!p0 $0x1082;
	s9 =	sld [smem:$0x3FA9]  }
0x2f: {  	lr =	sadd.s32 s0, s3;
	s0 =	sld [smem:$0x3FA0]  }
0x30: {  	s3 =	sld [smem:$0x3FA3]  }
0x31: {  	[smem:$0x3FAC] =	sst s10  }
0x32: {  	s10 =	sld [smem:$0x3FAA];
	_ =	sdelay $0x3  }
0x33: {  	p0 =	seq.s32 s10, $0x1;
	s10 =	sld [smem:$0x3FAC];
	_ =	sdelay $0x3  }
0x34: {  	[smem:$0x3FAC] =	sst s10  }
0x35: {  	s10 =	sld [smem:$0x3FAB];
	_ =	sdelay $0x3  }
0x36: {  	p1 =	seq.s32 s10, $0x1;
	s10 =	sld [smem:$0x3FAC];
	_ =	sdelay $0x3  }
0x37: {  	[smem:$0x3FAC] =	sst s10  }
0x38: {  	s10 =	sld [smem:$0x3FAD]  }
0x39: {  	_ = 	snop;
	(pc) =	sbr.ind lr, $3  }
0x3a: {  	_ = 	snop  }
0x3b: {  	_ = 	snop  }
0x3c: {  	p2 =	seq.s32 s10, $0x1;
	s10 =	sld [smem:$0x3FAC]  }
0x3d: {  	_ =	shalt  }
0x3e: {  	_ =	shalt  }
0x3f: {  	_ =	shalt  }
0x40: {  	_ =	shalt  }
0x41: {  	_ =	shalt  }
0x42: {  	_ =	shalt  }
0x43: {  	_ =	shalt  }
0x44: {  	_ =	shalt  }
0x45: {  	_ =	shalt  }
0x46: {  	_ =	shalt  }
0x47: {  	_ =	shalt  }
0x48: {  	_ =	shalt  }
0x49: {  	_ =	shalt  }
0x4a: {  	_ =	shalt  }
0x4b: {  	_ =	shalt  }
0x4c: {  	_ =	shalt  }
0x4d: {  	_ =	shalt  }
0x4e: {  	_ =	shalt  }
0x4f: {  	_ =	shalt  }
0x50: {  	_ =	shalt  }
0x51: {  	_ =	shalt  }
0x52: {  	_ =	shalt  }
0x53: {  	_ =	shalt  }
0x54: {  	_ =	shalt  }
0x55: {  	_ =	shalt  }
0x56: {  	_ =	shalt  }
0x57: {  	_ =	shalt  }
0x58: {  	_ =	shalt  }
0x59: {  	_ =	shalt  }
0x5a: {  	_ =	shalt  }
0x5b: {  	_ =	shalt  }
0x5c: {  	_ =	shalt  }
0x5d: {  	_ =	shalt  }
0x5e: {  	_ =	shalt  }
0x5f: {  	_ =	shalt  }
0x60: {  	_ =	shalt  }
0x61: {  	_ =	shalt  }
0x62: {  	_ =	shalt  }
0x63: {  	_ =	shalt  }
0x64: {  	_ =	shalt  }
0x65: {  	_ =	shalt  }
0x66: {  	_ =	shalt  }
0x67: {  	_ =	shalt  }
0x68: {  	_ =	shalt  }
0x69: {  	_ =	shalt  }
0x6a: {  	_ =	shalt  }
0x6b: {  	_ =	shalt  }
0x6c: {  	_ =	shalt  }
0x6d: {  	_ =	shalt  }
0x6e: {  	_ =	shalt  }
0x6f: {  	_ =	shalt  }
0x70: {  	_ =	shalt  }
0x71: {  	_ =	shalt  }
0x72: {  	_ =	shalt  }
0x73: {  	_ =	shalt  }
0x74: {  	_ =	shalt  }
0x75: {  	_ =	shalt  }
0x76: {  	_ =	shalt  }
0x77: {  	_ =	shalt  }
0x78: {  	_ =	shalt  }
0x79: {  	_ =	shalt  }
0x7a: {  	_ =	shalt  }
0x7b: {  	_ =	shalt  }
0x7c: {  	_ =	shalt  }
0x7d: {  	_ =	shalt  }
0x7e: {  	_ =	shalt  }
0x7f: {  	_ =	shalt  }
0x80: {  	_ =	shalt  }
0x81: {  	_ =	shalt  }
0x82: {  	_ =	shalt  }
0x83: {  	_ =	shalt  }
0x84: {  	_ =	shalt  }
0x85: {  	_ =	shalt  }
0x86: {  	_ =	shalt  }
0x87: {  	_ =	shalt  }
.Lfunc_end0:
.L_simem_size_0:
called_computation.2_lowered:
.L_overlay_start_0:
0x88: {  	s2 =	sld [smem:$0x3FD9]  }
0x89: {  	s3 =	sld [smem:$0x3FFE];
	_ =	sdelay $0x1  }
0x8a: {  	s1 =	srdreg.scid  }
0x8b: {  	s0 =	sand.u32 $0x1, s1  }
0x8c: {  	s14 =	sshll.u32 s0, $0xA;
	s2 =	sadd.s32 s3, s2  }
0x8d: {  	s2 =	sadd.s32 s2, s14  }
0x8e: {  	[smem:$0x3FB8] =	sst s2  }
0x8f: {  	_ = 	snop  }
0x90: {  	s2 =	sld [smem:$0x3FD0];
	_ =	sdelay $0x2  }
0x91: {  	s15 =	simm.s32 $0xA;
	s4 =	simm.s32 $0x10  }
0x92: {  	[smem:s4], [sflag:s15] =	dma.local [hbm:s2], $0x1  }
0x93: {  	_ =	swait.eq [sflag:s15], $0x1  }
0x94: {  	[sflag:s15] =	ssyncset.done $0x0  }
0x95: {  	s16 =	sld [smem:$0x10];
	[sflag:s15] =	ssyncadd.s32 $0xFFFFFFFF  }
0x96: {  	s17 =	sld [smem:$0x11];
	(tm) =	ssettm $0x1  }
0x97: {  	s18 =	sld [smem:$0x3FFB];
	_ =	sdelay $0x3  }
0x98: {  	_ =	strace s18  }
0x99: {  	s4 =	sld [smem:$0x3FFC];
	_ =	sdelay $0x3  }
0x9a: {  	_ =	strace s4  }
0x9b: {  	s4 =	sld [smem:$0x3FFD];
	_ =	sdelay $0x3  }
0x9c: {  	_ =	strace s4  }
0x9d: {  	_ =	strace $0x8FFFFFFF  }
0x9e: {  	s19 =	sld [smem:$0x3FDB];
	_ =	sdelay $0x1  }
0x9f: {  	s5 =	simm.s32 $_scs_section_size  }
0xa0: {  	s6 =	simm.s32 $_size__tile_overlayer_lowered;
	s7 =	simm.s32 $_tile_overlayer_lowered  }
0xa1: {  	s22 =	simm.s32 $0x1BFF;
	s21 =	sshll.u32 s7, $0x1;
	s4 =	sadd.s32 s5, s19  }
0xa2: {  	s8 =	simm.s32 $0x0;
	s20 =	sshll.u32 s6, $0x1;
	s6 =	sadd.s32 s21, s4  }
0xa3: {  	[timem:s8], [sflag:s22] =	dma.local [hbm:s6], s20  }
0xa4: {  	_ =	swait.ge [sflag:s22], s20  }
0xa5: {  	s5 =	ssub.s32 $0x0, s20;
	[sflag:s22] =	ssyncset.done $0x0  }
0xa6: {  	[sflag:s22] =	ssyncadd.s32 s5;
	_ =	sdelay $0x1  }
0xa7: {  	s23 =	simm.s32 $0x1B8B  }
0xa8: {  	_ =	swait.ge [sflag:s23], $0x1  }
0xa9: {  	[sflag:s23] =	ssyncset.done $0x0  }
0xaa: {  	s25 =	simm.s32 $0x1B8E;
	s24 =	sld [smem:$0x3FFE];
	[sflag:s23] =	ssyncadd.s32 $0xFFFFFFFF  }
0xab: {  	s26 =	simm.s32 $execute0_lowered;
	[smem:$0x3FD2] =	sst s25  }
0xac: {  	s6 =	sshll.u32 s26, $0x1;
	_ =	strace $0x8000004C;
	[dreg:$0x1] =	wrdreg $0xFFFFFFFF  }
0xad: {  	s28 =	simm.s32 $_size_execute0_lowered;
	s4 =	sadd.s32 s4, s6;
	[dreg:$0x0] =	wrdreg $0x0  }
0xae: {  	s6 =	sshll.u32 s28, $0x1;
	[dreg:$0x2] =	wrdreg s4  }
0xaf: {  	[dreg:$0x3] =	wrdreg s6  }
0xb0: {  	[dreg:$0x4] =	wrdreg $0xC0  }
0xb1: {  	_ =	task [dreg:s8], $0x5FFFF  }
0xb2: {  	[dreg:$0x1] =	wrdreg $0xFFFFFFFF  }
0xb3: {  	[dreg:$0x0] =	wrdreg $0x60  }
0xb4: {  	[dreg:$0x2] =	wrdreg s16  }
0xb5: {  	[dreg:$0x3] =	wrdreg s24  }
0xb6: {  	[dreg:$0x4] =	wrdreg s17  }
0xb7: {  	[dreg:$0x5] =	wrdreg $0x134000  }
0xb8: {  	[dreg:$0x6] =	wrdreg $0x9  }
0xb9: {  	_ =	task.clear_ibuf [dreg:s8], $0x7FFFF;
	_ =	strace $0x9000004C  }
0xba: {  	s29 =	simm.s32 $0x9;
	_ =	strace $0x8000004E  }
0xbb: {  	_ =	swait.ge [sflag:s29], $0x1  }
0xbc: {  	[sflag:s29] =	ssyncadd.s32 $0xFFFFFFFF  }
0xbd: {  	_ =	strace $0x9000004E  }
0xbe: {  	_ =	sfence  }
0xbf: {  	s30 =	sld [smem:$0x0];
	_ =	sdelay $0x2  }
0xc0: {  	s31 =	sshll.u32 s1, $0xD;
	s1 =	sshrl.u32 s1, $0x2  }
0xc1: {  	s3 =	sand.u32 $0x4000, s31;
	s1 =	sadd.s32 s1, s30  }
0xc2: {  	s0 =	sor.u32 s3, s0;
	s1 =	sshll.u32 s1, $0x11  }
0xc3: {  	s0 =	sor.u32 s1, s0  }
0xc4: {  	s0 =	sadd.s32 $0x8F2B, s0  }
0xc5: {  	[sflag:s0] =	ssyncadd.remote.s32 $0x1  }
0xc6: {  	_ =	sfence.sel $0xFFFF  }
0xc7: {  	[dreg:$0x0] =	wrdreg $0xFFFFFFFF;
	(pc) =	sbr.abs _section_cstart, $3  }
0xc8: {  	[dreg:$0x1] =	wrdreg $0xFFFFFFFF  }
0xc9: {  	_ =	task.clear_ibuf [dreg:s8], $0x2FFFF;
	_ =	strace $0x9FFFFFFF  }
0xca: {  	(tm) =	ssettm $0x7FFFFFFF  }
0xcb: {  	_ =	shalt  }
tec
execute0_lowered:
.L_overlay_start_1:
0x0: {  	(tag) =	ssettag $0x1  }
0x1: {  	s1 =	rddreg [dreg:$0x0]  }
0x2: {  	s6 =	rddreg [dreg:$0x1];
	s4 =	srdreg.scid  }
0x3: {  	s2 =	rddreg [dreg:$0x2];
	s7 =	sand.u32 $0x1, s4  }
0x4: {  	s3 =	rddreg [dreg:$0x3];
	s8 =	smul.u32 $0xA000, s7  }
0x5: {  	s4 =	stileid.u32;
	s9 =	smul.u32 $0x14000, s7  }
0x6: {  	s0 =	rddreg [dreg:$0x4];
	s10 =	smul.u32 $0x1400, s4  }
0x7: {  	s5 =	simm.s32 $0x0;
	s15 =	simm.s32 $0x2800;
	s12 =	smul.u32 $0x29000, s4  }
0x8: {  	s16 =	simm.s32 $0x80;
	s17 =	simm.s32 $0x5000;
	s14 =	smul.u32 $0x500, s4  }
0x9: {  	[smem:$0x7FF] =	sst s5;
	s11 =	sadd.s32 $0x2DA00, s6;
	s28 =	smul.u32 $0x2800, s4  }
0xa: {  	_ =	strace $0x8000004D;
	s7 =	ssub.s32 $0x2, s7;
	s30 =	smul.u32 $0x28000, s4  }
0xb: {  	s26 =	sshrl.u32 s7, $0x1;
	s8 =	sadd.s32 s8, s6;
	s9 =	sadd.s32 s10, s9  }
0xc: {  	s13 =	ssub.s32 s7, s26;
	s29 =	sshrl.u32 s12, $0x2;
	s7 =	sadd.s32 s11, s14  }
0xd: {  	s31 =	sshrl.u32 s30, $0x2;
	s12 =	simm.s32 $0x9000;
	s10 =	sadd.s32 s9, s6  }
0xe: {  	s6 =	sadd.s32 s29, s3;
	s9 =	sshrl.u32 s28, $0x3;
	s18 =	sadd.s32 $0x37A00, s8  }
0xf: {  	s19 =	sadd.s32 $0x5000, s9;
	s9 =	sadd.s32 s31, s3;
	s10 =	sadd.s32 $0x5200, s10  }
0x10: {  	s14 =	sadd.s32 s14, s18;
	s8 =	sadd.s32 s11, s19;
	s11 =	smax.u32 s13, $0x1  }
0x11: {  	s13 =	simm.s32 $0x1;
	s18 =	sadd.s32 s19, s18;
	s19 =	simm.s32 $0x0  }
.LBB2_1:
0x12: {  	[tilespmem:s12], [sflag:$0x1] =	stream.linear.gather [hbm4b:s2+s5], $0xA400, $0x38;
	[tilespmem:$0x1D800] =	vst v63  }
0x13: {  	_ =	swait.ge [sflag:s13], $0xA400  }
0x14: {  	[sflag:s13] =	ssyncset.done $0x0  }
0x15: {  	[sflag:s13] =	ssyncadd.s32 $0xFFFF5C00  }
0x16: {  	[spmem:s6] =	stream.linear.scatter [tilespmem:s12], [sflag:$0x1], $0xA400, $0x38;
	[tilespmem:$0x1D800] =	vst v63  }
0x17: {  	_ =	swait.ge [sflag:s13], $0xA400  }
0x18: {  	[sflag:s13] =	ssyncset.done $0x0  }
0x19: {  	[sflag:s13] =	ssyncadd.s32 $0xFFFF5C00  }
0x1a: {  	[bflag:$0x0] =	sbarrier.arrive $0xFFFF  }
0x1b: {  	[tilespmem:s5], [sflag:$0x1] =	stream.linear.gather [hbm4b:s7+s5], $0x2780, $0x38;
	[tilespmem:$0x1D800] =	vst v63  }
0x1c: {  	_ =	swait.ge [sflag:s13], $0x2780  }
0x1d: {  	[sflag:s13] =	ssyncset.done $0x0  }
0x1e: {  	[sflag:s13] =	ssyncadd.s32 $0xFFFFD880  }
0x1f: {  	[tilespmem:s15], [sflag:$0x1] =	stream.linear.gather [hbm4b:s14+s5], $0x2780, $0x38;
	[tilespmem:$0x1D800] =	vst v63  }
0x20: {  	_ =	swait.ge [sflag:s13], $0x2780  }
0x21: {  	[sflag:s13] =	ssyncset.done $0x0  }
0x22: {  	s20 =	simm.s32 $0x0;
	[sflag:s13] =	ssyncadd.s32 $0xFFFFD880  }
0x23: {  	[tilespmem:s17], [sflag:$0x1] =	stream.indirect.gather [hbm4b:s1+s16], $0x80, s20, s16, $0xb8;
	[tilespmem:$0x1D800] =	vst v63  }
0x24: {  	_ =	swait.ge [sflag:s13], $0x4000  }
0x25: {  	[sflag:s13] =	ssyncset.done $0x0  }
0x26: {  	s31 =	simm.s32 $0x2800;
	[sflag:s13] =	ssyncadd.s32 $0xFFFFC000  }
0x27: {  	[spmem:s3] =	stream.indirect.scatter.add.f32 [tilespmem:s17], [sflag:$0x1], $0x80, s31, s16, $0xb8;
	[tilespmem:$0x1D800] =	vst v63  }
0x28: {  	_ =	swait.ge [sflag:s13], $0x4000  }
0x29: {  	s21 =	simm.s32 $0x400;
	s20 =	simm.s32 $0x200;
	[sflag:s13] =	ssyncset.done $0x0  }
.LBB2_2:
0x2a: {  	s22 =	sshra.s32 s20, $0x2  }
0x2b: {  	[sflag:s13] =	ssyncadd.s32 $0xFFFFC000;
	s20 =	smov.u32 s21;
	s23 =	sadd.s32 $0x200, s21  }
0x2c: {  	[tilespmem:s17], [sflag:$0x1] =	stream.indirect.gather [hbm4b:s1+s16], $0x80, s22, s16, $0xb8;
	[tilespmem:$0x1D800] =	vst v63  }
0x2d: {  	p0 =	sne.s32 s21, $0x9C00;
	_ =	swait.ge [sflag:s13], $0x4000  }
.Ltmp0:
0x2e: {  	[sflag:s13] =	ssyncset.done $0x0;
	(pc) =	sbr.rel @p0 .LBB2_2-.Ltmp0, $4  }
0x2f: {  	s21 =	sadd.s32 $0x2800, s22;
	[sflag:s13] =	ssyncadd.s32 $0xFFFFC000  }
0x30: {  	[spmem:s3] =	stream.indirect.scatter.add.f32 [tilespmem:s17], [sflag:$0x1], $0x80, s21, s16, $0xb8;
	[tilespmem:$0x1D800] =	vst v63  }
0x31: {  	_ =	swait.ge [sflag:s13], $0x4000  }
0x32: {  	s21 =	smov.u32 s23;
	[sflag:s13] =	ssyncset.done $0x0  }
0x33: {  	s20 =	sshra.s32 s20, $0x2;
	[sflag:s13] =	ssyncadd.s32 $0xFFFFC000  }
0x34: {  	[tilespmem:s17], [sflag:$0x1] =	stream.indirect.gather [hbm4b:s1+s16], $0x80, s20, s16, $0xb8;
	[tilespmem:$0x1D800] =	vst v63  }
0x35: {  	_ =	swait.ge [sflag:s13], $0x4000  }
0x36: {  	[sflag:s13] =	ssyncset.done $0x0  }
0x37: {  	s20 =	sadd.s32 $0x2800, s20;
	[sflag:s13] =	ssyncadd.s32 $0xFFFFC000  }
0x38: {  	[spmem:s3] =	stream.indirect.scatter.add.f32 [tilespmem:s17], [sflag:$0x1], $0x80, s20, s16, $0xb8;
	[tilespmem:$0x1D800] =	vst v63  }
0x39: {  	_ =	swait.ge [sflag:s13], $0x4000  }
0x3a: {  	[sflag:s13] =	ssyncset.done $0x0  }
0x3b: {  	s29 =	simm.s32 $0x0;
	[sflag:s13] =	ssyncadd.s32 $0xFFFFC000  }
0x3c: {  	[tilespmem:s29], [sflag:$0x1] =	stream.linear.gather [hbm4b:s8+s29], $0x2780, $0x38;
	[tilespmem:$0x1D800] =	vst v63  }
0x3d: {  	_ =	swait.ge [sflag:s13], $0x2780  }
0x3e: {  	[sflag:s13] =	ssyncset.done $0x0  }
0x3f: {  	[sflag:s13] =	ssyncadd.s32 $0xFFFFD880  }
0x40: {  	[tilespmem:s15], [sflag:$0x1] =	stream.linear.gather [hbm4b:s18+s29], $0x2780, $0x38;
	[tilespmem:$0x1D800] =	vst v63  }
0x41: {  	_ =	swait.ge [sflag:s13], $0x2780  }
0x42: {  	[sflag:s13] =	ssyncset.done $0x0  }
0x43: {  	s30 =	simm.s32 $0x0;
	[sflag:s13] =	ssyncadd.s32 $0xFFFFD880  }
0x44: {  	[tilespmem:s17], [sflag:$0x1] =	stream.indirect.gather [hbm4b:s1+s16], $0x80, s30, s16, $0xb8;
	[tilespmem:$0x1D800] =	vst v63  }
0x45: {  	_ =	swait.ge [sflag:s13], $0x4000  }
0x46: {  	[sflag:s13] =	ssyncset.done $0x0  }
0x47: {  	s31 =	simm.s32 $0x2800;
	[sflag:s13] =	ssyncadd.s32 $0xFFFFC000  }
0x48: {  	[spmem:s3] =	stream.indirect.scatter.add.f32 [tilespmem:s17], [sflag:$0x1], $0x80, s31, s16, $0xb8;
	[tilespmem:$0x1D800] =	vst v63  }
0x49: {  	_ =	swait.ge [sflag:s13], $0x4000  }
0x4a: {  	s21 =	simm.s32 $0x400;
	s20 =	simm.s32 $0x200;
	[sflag:s13] =	ssyncset.done $0x0  }
.LBB2_4:
0x4b: {  	s22 =	sshra.s32 s20, $0x2  }
0x4c: {  	[sflag:s13] =	ssyncadd.s32 $0xFFFFC000;
	s20 =	smov.u32 s21;
	s23 =	sadd.s32 $0x200, s21  }
0x4d: {  	[tilespmem:s17], [sflag:$0x1] =	stream.indirect.gather [hbm4b:s1+s16], $0x80, s22, s16, $0xb8;
	[tilespmem:$0x1D800] =	vst v63  }
0x4e: {  	p0 =	sne.s32 s21, $0x9C00;
	_ =	swait.ge [sflag:s13], $0x4000  }
.Ltmp1:
0x4f: {  	[sflag:s13] =	ssyncset.done $0x0;
	(pc) =	sbr.rel @p0 .LBB2_4-.Ltmp1, $4  }
0x50: {  	s21 =	sadd.s32 $0x2800, s22;
	[sflag:s13] =	ssyncadd.s32 $0xFFFFC000  }
0x51: {  	[spmem:s3] =	stream.indirect.scatter.add.f32 [tilespmem:s17], [sflag:$0x1], $0x80, s21, s16, $0xb8;
	[tilespmem:$0x1D800] =	vst v63  }
0x52: {  	_ =	swait.ge [sflag:s13], $0x4000  }
0x53: {  	s21 =	smov.u32 s23;
	[sflag:s13] =	ssyncset.done $0x0  }
0x54: {  	s20 =	sshra.s32 s20, $0x2;
	[sflag:s13] =	ssyncadd.s32 $0xFFFFC000  }
0x55: {  	[tilespmem:s17], [sflag:$0x1] =	stream.indirect.gather [hbm4b:s1+s16], $0x80, s20, s16, $0xb8;
	[tilespmem:$0x1D800] =	vst v63  }
0x56: {  	_ =	swait.ge [sflag:s13], $0x4000  }
0x57: {  	[sflag:s13] =	ssyncset.done $0x0  }
0x58: {  	s20 =	sadd.s32 $0x2800, s20;
	[sflag:s13] =	ssyncadd.s32 $0xFFFFC000  }
0x59: {  	[spmem:s3] =	stream.indirect.scatter.add.f32 [tilespmem:s17], [sflag:$0x1], $0x80, s20, s16, $0xb8;
	[tilespmem:$0x1D800] =	vst v63  }
0x5a: {  	_ =	swait.ge [sflag:s13], $0x4000  }
0x5b: {  	[sflag:s13] =	ssyncset.done $0x0  }
0x5c: {  	[sflag:s13] =	ssyncadd.s32 $0xFFFFC000  }
0x5d: {  	[bflag:$0x0] =	sbarrier.arrive $0xFFFF  }
0x5e: {  	[tilespmem:s12], [sflag:$0x1] =	stream.linear.gather [spmem:s9], $0xA000, $0x38;
	[tilespmem:$0x1D800] =	vst v63  }
0x5f: {  	s19 =	sadd.s32 $0x1, s19;
	_ =	swait.ge [sflag:s13], $0xA000  }
0x60: {  	p0 =	sne.s32 s19, s11;
	[sflag:s13] =	ssyncset.done $0x0  }
.Ltmp2:
0x61: {  	[sflag:s13] =	ssyncadd.s32 $0xFFFF6000;
	(pc) =	sbr.rel @p0 .LBB2_1-.Ltmp2, $4  }
0x62: {  	[hbm4b:s10+s5] =	stream.linear.scatter [tilespmem:s12], [sflag:$0x1], $0xA000, $0x38;
	[tilespmem:$0x1D800] =	vst v63  }
0x63: {  	_ =	swait.ge [sflag:s13], $0xA000  }
0x64: {  	[sflag:s13] =	ssyncset.done $0x0  }
0x65: {  	[sflag:s13] =	ssyncadd.s32 $0xFFFF6000  }
0x66: {  	_ =	sfence.sel $0x180000  }
0x67: {  	[bflag:$0x0] =	sbarrier.arrive $0xFFFF  }
0x68: {  	p0 =	sne.s32 s4, $0x0;
	_ =	strace $0x9000004D  }
0x69: {  	s0 =	sadd.s32 @!p0 $0x100000, s0;
	[bflag:$0x2] =	sbarrier.arrive $0xFFFF  }
0x6a: {  	[sflag:s0] =	ssyncadd.tile.s32 @!p0 $0x1;
	_ =	shalt  }
.Lfunc_end2:
_tile_overlayer_lowered:
.L_overlay_start_2:
0x6b: {  	(tag) =	ssettag $0x2  }
0x6c: {  	s0 =	rddreg [dreg:$0x0];
	s2 =	stileid.u32  }
0x6d: {  	s1 =	rddreg [dreg:$0x1];
	p0 =	sne.s32 s2, $0x0  }
0x6e: {  	s3 =	rddreg [dreg:$0x2];
	[bflag:$0x3] =	sbarrier.arrive $0xFFFF;
	s2 =	simm.s32 @!p0 $0x1C01  }
0x6f: {  	[timem:s3], [sflag:s2] =	dma.local @!p0 [hbm:s0], s1  }
0x70: {  	s0 =	simm.s32 @!p0 $0x1  }
0x71: {  	_ =	swait.ge @!p0 [sflag:s0], s1  }
0x72: {  	s1 =	ssub.s32 @!p0 $0x0, s1;
	[sflag:s0] =	ssyncset.done @!p0 $0x0  }
0x73: {  	[sflag:s0] =	ssyncadd.s32 @!p0 s1  }
0x74: {  	[bflag:$0x3] =	sbarrier.arrive $0xFFFF  }
0x75: {  	_ =	shalt  }

// kernel: kernel.26.cloned.1.call-start
scs
__scs_entry_jumppad:
0x0: {  	(pc) =	sbr.rel $0x88, $3  }
0x1: {  	(tag) =	ssettag $0x0;
	lr =	simm.s32 $0x1  }
0x2: {  	[smem:$0x3F91] =	sst lr;
	_ =	strace $0xD0000000  }
0x3: {  	_ = 	snop  }
0x4: {  	_ = 	snop  }
0x5: {  	_ = 	snop  }
0x6: {  	_ = 	snop  }
0x7: {  	_ = 	snop  }
__scs_overlays_trampoline_lowered:
0x8: {  	[smem:$0x3FA0] =	sst s0  }
0x9: {  	[smem:$0x3FA1] =	sst s1  }
0xa: {  	[smem:$0x3FA2] =	sst s2  }
0xb: {  	[smem:$0x3FA3] =	sst s3  }
0xc: {  	[smem:$0x3FA4] =	sst s4  }
0xd: {  	[smem:$0x3FA5] =	sst s5  }
0xe: {  	[smem:$0x3FA6] =	sst s6  }
0xf: {  	[smem:$0x3FA7] =	sst s7  }
0x10: {  	[smem:$0x3FA8] =	sst s8  }
0x11: {  	[smem:$0x3FA9] =	sst s9;
	s0 =	simm.s32 @!p0 $0x0  }
0x12: {  	s1 =	sld [smem:$0x3F8F];
	s0 =	simm.s32 @p0 $0x1  }
0x13: {  	[smem:$0x3FAA] =	sst s0;
	s0 =	simm.s32 @!p1 $0x0  }
0x14: {  	s2 =	sld [smem:$0x3F8E];
	s0 =	simm.s32 @p1 $0x1  }
0x15: {  	[smem:$0x3FAB] =	sst s0;
	s0 =	simm.s32 @!p2 $0x0  }
0x16: {  	s3 =	sld [smem:$0x3FDB];
	s0 =	simm.s32 @p2 $0x1  }
0x17: {  	s4 =	simm.s32 $0x1BF5;
	[smem:$0x3FAD] =	sst s0  }
0x18: {  	s0 =	sld [smem:$0x3F90];
	_ =	swait.ge [sflag:s4], $0x0  }
0x19: {  	s7 =	sld [smem:$0x3F91]  }
0x1a: {  	s8 =	sadd.s32 $0xFFFFE003, lr  }
0x1b: {  	s9 =	sadd.s32 $0xFFFFFEF7, lr;
	s5 =	simm.s32 $0xFFFFFFFF;
	p2 =	slt.u32 s8, $0xFFFFF086  }
0x1c: {  	p1 =	slt.u32 s9, $0xF7A;
	s5 =	simm.s32 @!p2 $0x0  }
0x1d: {  	s5 =	simm.s32 @p1 $0x1;
	p0 =	seq.s32 s7, s2  }
0x1e: {  	s7 =	smul.u32 @!p0 $0xF7A, s2;
	p2 =	seq.s32 @!p0 s5, $0x0  }
0x1f: {  	s9 =	smul.u32 $0xF7A, s1;
	s8 =	simm.s32 @!p0 $0x1BF5;
	p2 =	por !p2, p0  }
0x20: {  	[sflag:s8] =	ssyncset.s32 @!p0 $0xFFFFF086;
	s6 =	sadd.s32 @!p0 s3, s7;
	s7 =	simm.s32 @!p0 $0x108  }
0x21: {  	s3 =	sadd.s32 s3, s9;
	s6 =	sadd.s32 @!p0 $0x88, s6;
	s7 =	simm.s32 @p2 $0x1082  }
0x22: {  	[simem:s7], [sflag:s8] =	dma.local @!p0 [hbm:s6], $0xF7A  }
0x23: {  	s9 =	sor.u32 $0xD0000000, s2;
	s6 =	simm.s32 $0x108;
	_ =	swait.ge @!p0 [sflag:s8], $0x0  }
0x24: {  	s3 =	sadd.s32 $0x88, s3;
	s6 =	simm.s32 @!p1 $0x1082;
	[sflag:s4] =	ssyncset.s32 $0xFFFFF086  }
0x25: {  	[simem:s6], [sflag:s4] =	dma.local [hbm:s3], $0xF7A  }
0x26: {  	[smem:$0x3F91] =	sst s1;
	(tag) =	ssettag s2;
	_ =	strace s9  }
0x27: {  	s1 =	sld [smem:$0x3FA1]  }
0x28: {  	s2 =	sld [smem:$0x3FA2]  }
0x29: {  	s4 =	sld [smem:$0x3FA4]  }
0x2a: {  	p0 =	seq.s32 s5, $0x0;
	s5 =	sld [smem:$0x3FA5]  }
0x2b: {  	s6 =	sld [smem:$0x3FA6]  }
0x2c: {  	s7 =	sld [smem:$0x3FA7]  }
0x2d: {  	s3 =	simm.s32 $0x108;
	s8 =	sld [smem:$0x3FA8]  }
0x2e: {  	s3 =	simm.s32 @!p0 $0x1082;
	s9 =	sld [smem:$0x3FA9]  }
0x2f: {  	lr =	sadd.s32 s0, s3;
	s0 =	sld [smem:$0x3FA0]  }
0x30: {  	s3 =	sld [smem:$0x3FA3]  }
0x31: {  	[smem:$0x3FAC] =	sst s10  }
0x32: {  	s10 =	sld [smem:$0x3FAA];
	_ =	sdelay $0x3  }
0x33: {  	p0 =	seq.s32 s10, $0x1;
	s10 =	sld [smem:$0x3FAC];
	_ =	sdelay $0x3  }
0x34: {  	[smem:$0x3FAC] =	sst s10  }
0x35: {  	s10 =	sld [smem:$0x3FAB];
	_ =	sdelay $0x3  }
0x36: {  	p1 =	seq.s32 s10, $0x1;
	s10 =	sld [smem:$0x3FAC];
	_ =	sdelay $0x3  }
0x37: {  	[smem:$0x3FAC] =	sst s10  }
0x38: {  	s10 =	sld [smem:$0x3FAD]  }
0x39: {  	_ = 	snop;
	(pc) =	sbr.ind lr, $3  }
0x3a: {  	_ = 	snop  }
0x3b: {  	_ = 	snop  }
0x3c: {  	p2 =	seq.s32 s10, $0x1;
	s10 =	sld [smem:$0x3FAC]  }
0x3d: {  	_ =	shalt  }
0x3e: {  	_ =	shalt  }
0x3f: {  	_ =	shalt  }
0x40: {  	_ =	shalt  }
0x41: {  	_ =	shalt  }
0x42: {  	_ =	shalt  }
0x43: {  	_ =	shalt  }
0x44: {  	_ =	shalt  }
0x45: {  	_ =	shalt  }
0x46: {  	_ =	shalt  }
0x47: {  	_ =	shalt  }
0x48: {  	_ =	shalt  }
0x49: {  	_ =	shalt  }
0x4a: {  	_ =	shalt  }
0x4b: {  	_ =	shalt  }
0x4c: {  	_ =	shalt  }
0x4d: {  	_ =	shalt  }
0x4e: {  	_ =	shalt  }
0x4f: {  	_ =	shalt  }
0x50: {  	_ =	shalt  }
0x51: {  	_ =	shalt  }
0x52: {  	_ =	shalt  }
0x53: {  	_ =	shalt  }
0x54: {  	_ =	shalt  }
0x55: {  	_ =	shalt  }
0x56: {  	_ =	shalt  }
0x57: {  	_ =	shalt  }
0x58: {  	_ =	shalt  }
0x59: {  	_ =	shalt  }
0x5a: {  	_ =	shalt  }
0x5b: {  	_ =	shalt  }
0x5c: {  	_ =	shalt  }
0x5d: {  	_ =	shalt  }
0x5e: {  	_ =	shalt  }
0x5f: {  	_ =	shalt  }
0x60: {  	_ =	shalt  }
0x61: {  	_ =	shalt  }
0x62: {  	_ =	shalt  }
0x63: {  	_ =	shalt  }
0x64: {  	_ =	shalt  }
0x65: {  	_ =	shalt  }
0x66: {  	_ =	shalt  }
0x67: {  	_ =	shalt  }
0x68: {  	_ =	shalt  }
0x69: {  	_ =	shalt  }
0x6a: {  	_ =	shalt  }
0x6b: {  	_ =	shalt  }
0x6c: {  	_ =	shalt  }
0x6d: {  	_ =	shalt  }
0x6e: {  	_ =	shalt  }
0x6f: {  	_ =	shalt  }
0x70: {  	_ =	shalt  }
0x71: {  	_ =	shalt  }
0x72: {  	_ =	shalt  }
0x73: {  	_ =	shalt  }
0x74: {  	_ =	shalt  }
0x75: {  	_ =	shalt  }
0x76: {  	_ =	shalt  }
0x77: {  	_ =	shalt  }
0x78: {  	_ =	shalt  }
0x79: {  	_ =	shalt  }
0x7a: {  	_ =	shalt  }
0x7b: {  	_ =	shalt  }
0x7c: {  	_ =	shalt  }
0x7d: {  	_ =	shalt  }
0x7e: {  	_ =	shalt  }
0x7f: {  	_ =	shalt  }
0x80: {  	_ =	shalt  }
0x81: {  	_ =	shalt  }
0x82: {  	_ =	shalt  }
0x83: {  	_ =	shalt  }
0x84: {  	_ =	shalt  }
0x85: {  	_ =	shalt  }
0x86: {  	_ =	shalt  }
0x87: {  	_ =	shalt  }
.Lfunc_end0:
.L_simem_size_0:
called_computation.3_lowered:
.L_overlay_start_0:
0x88: {  	s2 =	sld [smem:$0x3FD9]  }
0x89: {  	s3 =	sld [smem:$0x3FFE];
	_ =	sdelay $0x1  }
0x8a: {  	s1 =	srdreg.scid  }
0x8b: {  	s0 =	sand.u32 $0x1, s1  }
0x8c: {  	s14 =	sshll.u32 s0, $0xA;
	s2 =	sadd.s32 s3, s2  }
0x8d: {  	s2 =	sadd.s32 s2, s14  }
0x8e: {  	[smem:$0x3FB8] =	sst s2  }
0x8f: {  	_ = 	snop  }
0x90: {  	s2 =	sld [smem:$0x3FD0];
	_ =	sdelay $0x2  }
0x91: {  	s15 =	simm.s32 $0xA;
	s4 =	simm.s32 $0x10  }
0x92: {  	[smem:s4], [sflag:s15] =	dma.local [hbm:s2], $0x1  }
0x93: {  	_ =	swait.eq [sflag:s15], $0x1  }
0x94: {  	[sflag:s15] =	ssyncset.done $0x0  }
0x95: {  	s16 =	sld [smem:$0x10];
	[sflag:s15] =	ssyncadd.s32 $0xFFFFFFFF  }
0x96: {  	s17 =	sld [smem:$0x11];
	(tm) =	ssettm $0x1  }
0x97: {  	s18 =	sld [smem:$0x3FFB];
	_ =	sdelay $0x3  }
0x98: {  	_ =	strace s18  }
0x99: {  	s4 =	sld [smem:$0x3FFC];
	_ =	sdelay $0x3  }
0x9a: {  	_ =	strace s4  }
0x9b: {  	s4 =	sld [smem:$0x3FFD];
	_ =	sdelay $0x3  }
0x9c: {  	_ =	strace s4  }
0x9d: {  	_ =	strace $0x8FFFFFFF  }
0x9e: {  	s19 =	sld [smem:$0x3FDB];
	_ =	sdelay $0x1  }
0x9f: {  	s5 =	simm.s32 $_scs_section_size  }
0xa0: {  	s6 =	simm.s32 $_size__tile_overlayer_lowered;
	s7 =	simm.s32 $_tile_overlayer_lowered  }
0xa1: {  	s22 =	simm.s32 $0x1BFF;
	s21 =	sshll.u32 s7, $0x1;
	s4 =	sadd.s32 s5, s19  }
0xa2: {  	s8 =	simm.s32 $0x0;
	s20 =	sshll.u32 s6, $0x1;
	s6 =	sadd.s32 s21, s4  }
0xa3: {  	[timem:s8], [sflag:s22] =	dma.local [hbm:s6], s20  }
0xa4: {  	_ =	swait.ge [sflag:s22], s20  }
0xa5: {  	s5 =	ssub.s32 $0x0, s20;
	[sflag:s22] =	ssyncset.done $0x0  }
0xa6: {  	[sflag:s22] =	ssyncadd.s32 s5;
	_ =	sdelay $0x1  }
0xa7: {  	s23 =	simm.s32 $0x1B8B  }
0xa8: {  	_ =	swait.ge [sflag:s23], $0x1  }
0xa9: {  	[sflag:s23] =	ssyncset.done $0x0  }
0xaa: {  	s25 =	simm.s32 $0x1B8E;
	s24 =	sld [smem:$0x3FFE];
	[sflag:s23] =	ssyncadd.s32 $0xFFFFFFFF  }
0xab: {  	s26 =	simm.s32 $execute0_lowered;
	[smem:$0x3FD2] =	sst s25  }
0xac: {  	s6 =	sshll.u32 s26, $0x1;
	_ =	strace $0x8000004F;
	[dreg:$0x1] =	wrdreg $0xFFFFFFFF  }
0xad: {  	s28 =	simm.s32 $_size_execute0_lowered;
	s4 =	sadd.s32 s4, s6;
	[dreg:$0x0] =	wrdreg $0x0  }
0xae: {  	s6 =	sshll.u32 s28, $0x1;
	[dreg:$0x2] =	wrdreg s4  }
0xaf: {  	[dreg:$0x3] =	wrdreg s6  }
0xb0: {  	[dreg:$0x4] =	wrdreg $0xC0  }
0xb1: {  	_ =	task [dreg:s8], $0x5FFFF  }
0xb2: {  	[dreg:$0x1] =	wrdreg $0xFFFFFFFF  }
0xb3: {  	[dreg:$0x0] =	wrdreg $0x60  }
0xb4: {  	[dreg:$0x2] =	wrdreg s16  }
0xb5: {  	[dreg:$0x3] =	wrdreg s24  }
0xb6: {  	[dreg:$0x4] =	wrdreg s17  }
0xb7: {  	[dreg:$0x5] =	wrdreg $0x134000  }
0xb8: {  	[dreg:$0x6] =	wrdreg $0x9  }
0xb9: {  	_ =	task.clear_ibuf [dreg:s8], $0x7FFFF;
	_ =	strace $0x9000004F  }
0xba: {  	s29 =	simm.s32 $0x9;
	_ =	strace $0x80000051  }
0xbb: {  	_ =	swait.ge [sflag:s29], $0x1  }
0xbc: {  	[sflag:s29] =	ssyncadd.s32 $0xFFFFFFFF  }
0xbd: {  	_ =	strace $0x90000051  }
0xbe: {  	_ =	sfence  }
0xbf: {  	s30 =	sld [smem:$0x0];
	_ =	sdelay $0x2  }
0xc0: {  	s31 =	sshll.u32 s1, $0xD;
	s1 =	sshrl.u32 s1, $0x2  }
0xc1: {  	s3 =	sand.u32 $0x4000, s31;
	s1 =	sadd.s32 s1, s30  }
0xc2: {  	s0 =	sor.u32 s3, s0;
	s1 =	sshll.u32 s1, $0x11  }
0xc3: {  	s0 =	sor.u32 s1, s0  }
0xc4: {  	s0 =	sadd.s32 $0x8F2B, s0  }
0xc5: {  	[sflag:s0] =	ssyncadd.remote.s32 $0x1  }
0xc6: {  	_ =	sfence.sel $0xFFFF  }
0xc7: {  	[dreg:$0x0] =	wrdreg $0xFFFFFFFF;
	(pc) =	sbr.abs _section_cstart, $3  }
0xc8: {  	[dreg:$0x1] =	wrdreg $0xFFFFFFFF  }
0xc9: {  	_ =	task.clear_ibuf [dreg:s8], $0x2FFFF;
	_ =	strace $0x9FFFFFFF  }
0xca: {  	(tm) =	ssettm $0x7FFFFFFF  }
0xcb: {  	_ =	shalt  }
tec
execute0_lowered:
.L_overlay_start_1:
0x0: {  	(tag) =	ssettag $0x1  }
0x1: {  	s1 =	rddreg [dreg:$0x0]  }
0x2: {  	s6 =	rddreg [dreg:$0x1];
	s4 =	srdreg.scid  }
0x3: {  	s2 =	rddreg [dreg:$0x2];
	s7 =	sand.u32 $0x1, s4  }
0x4: {  	s3 =	rddreg [dreg:$0x3];
	s8 =	smul.u32 $0xA000, s7  }
0x5: {  	s4 =	stileid.u32;
	s9 =	smul.u32 $0x14000, s7  }
0x6: {  	s0 =	rddreg [dreg:$0x4];
	s10 =	smul.u32 $0x1400, s4  }
0x7: {  	s5 =	simm.s32 $0x0;
	s15 =	simm.s32 $0x2800;
	s12 =	smul.u32 $0x29000, s4  }
0x8: {  	s16 =	simm.s32 $0x80;
	s17 =	simm.s32 $0x5000;
	s14 =	smul.u32 $0x500, s4  }
0x9: {  	[smem:$0x7FF] =	sst s5;
	s11 =	sadd.s32 $0x2DA00, s6;
	s28 =	smul.u32 $0x2800, s4  }
0xa: {  	_ =	strace $0x80000050;
	s7 =	ssub.s32 $0x2, s7;
	s30 =	smul.u32 $0x28000, s4  }
0xb: {  	s26 =	sshrl.u32 s7, $0x1;
	s8 =	sadd.s32 s8, s6;
	s9 =	sadd.s32 s10, s9  }
0xc: {  	s13 =	ssub.s32 s7, s26;
	s29 =	sshrl.u32 s12, $0x2;
	s7 =	sadd.s32 s11, s14  }
0xd: {  	s31 =	sshrl.u32 s30, $0x2;
	s12 =	simm.s32 $0x9000;
	s10 =	sadd.s32 s9, s6  }
0xe: {  	s6 =	sadd.s32 s29, s3;
	s9 =	sshrl.u32 s28, $0x3;
	s18 =	sadd.s32 $0x37A00, s8  }
0xf: {  	s19 =	sadd.s32 $0x5000, s9;
	s9 =	sadd.s32 s31, s3;
	s10 =	sadd.s32 $0x5200, s10  }
0x10: {  	s14 =	sadd.s32 s14, s18;
	s8 =	sadd.s32 s11, s19;
	s11 =	smax.u32 s13, $0x1  }
0x11: {  	s13 =	simm.s32 $0x1;
	s18 =	sadd.s32 s19, s18;
	s19 =	simm.s32 $0x0  }
.LBB2_1:
0x12: {  	[tilespmem:s12], [sflag:$0x1] =	stream.linear.gather [hbm4b:s2+s5], $0xA400, $0x38;
	[tilespmem:$0x1D800] =	vst v63  }
0x13: {  	_ =	swait.ge [sflag:s13], $0xA400  }
0x14: {  	[sflag:s13] =	ssyncset.done $0x0  }
0x15: {  	[sflag:s13] =	ssyncadd.s32 $0xFFFF5C00  }
0x16: {  	[spmem:s6] =	stream.linear.scatter [tilespmem:s12], [sflag:$0x1], $0xA400, $0x38;
	[tilespmem:$0x1D800] =	vst v63  }
0x17: {  	_ =	swait.ge [sflag:s13], $0xA400  }
0x18: {  	[sflag:s13] =	ssyncset.done $0x0  }
0x19: {  	[sflag:s13] =	ssyncadd.s32 $0xFFFF5C00  }
0x1a: {  	[bflag:$0x0] =	sbarrier.arrive $0xFFFF  }
0x1b: {  	[tilespmem:s5], [sflag:$0x1] =	stream.linear.gather [hbm4b:s7+s5], $0x2780, $0x38;
	[tilespmem:$0x1D800] =	vst v63  }
0x1c: {  	_ =	swait.ge [sflag:s13], $0x2780  }
0x1d: {  	[sflag:s13] =	ssyncset.done $0x0  }
0x1e: {  	[sflag:s13] =	ssyncadd.s32 $0xFFFFD880  }
0x1f: {  	[tilespmem:s15], [sflag:$0x1] =	stream.linear.gather [hbm4b:s14+s5], $0x2780, $0x38;
	[tilespmem:$0x1D800] =	vst v63  }
0x20: {  	_ =	swait.ge [sflag:s13], $0x2780  }
0x21: {  	[sflag:s13] =	ssyncset.done $0x0  }
0x22: {  	s20 =	simm.s32 $0x0;
	[sflag:s13] =	ssyncadd.s32 $0xFFFFD880  }
0x23: {  	[tilespmem:s17], [sflag:$0x1] =	stream.indirect.gather [hbm4b:s1+s16], $0x80, s20, s16, $0xb8;
	[tilespmem:$0x1D800] =	vst v63  }
0x24: {  	_ =	swait.ge [sflag:s13], $0x4000  }
0x25: {  	[sflag:s13] =	ssyncset.done $0x0  }
0x26: {  	s31 =	simm.s32 $0x2800;
	[sflag:s13] =	ssyncadd.s32 $0xFFFFC000  }
0x27: {  	[spmem:s3] =	stream.indirect.scatter.add.f32 [tilespmem:s17], [sflag:$0x1], $0x80, s31, s16, $0xb8;
	[tilespmem:$0x1D800] =	vst v63  }
0x28: {  	_ =	swait.ge [sflag:s13], $0x4000  }
0x29: {  	s21 =	simm.s32 $0x400;
	s20 =	simm.s32 $0x200;
	[sflag:s13] =	ssyncset.done $0x0  }
.LBB2_2:
0x2a: {  	s22 =	sshra.s32 s20, $0x2  }
0x2b: {  	[sflag:s13] =	ssyncadd.s32 $0xFFFFC000;
	s20 =	smov.u32 s21;
	s23 =	sadd.s32 $0x200, s21  }
0x2c: {  	[tilespmem:s17], [sflag:$0x1] =	stream.indirect.gather [hbm4b:s1+s16], $0x80, s22, s16, $0xb8;
	[tilespmem:$0x1D800] =	vst v63  }
0x2d: {  	p0 =	sne.s32 s21, $0x9C00;
	_ =	swait.ge [sflag:s13], $0x4000  }
.Ltmp0:
0x2e: {  	[sflag:s13] =	ssyncset.done $0x0;
	(pc) =	sbr.rel @p0 .LBB2_2-.Ltmp0, $4  }
0x2f: {  	s21 =	sadd.s32 $0x2800, s22;
	[sflag:s13] =	ssyncadd.s32 $0xFFFFC000  }
0x30: {  	[spmem:s3] =	stream.indirect.scatter.add.f32 [tilespmem:s17], [sflag:$0x1], $0x80, s21, s16, $0xb8;
	[tilespmem:$0x1D800] =	vst v63  }
0x31: {  	_ =	swait.ge [sflag:s13], $0x4000  }
0x32: {  	s21 =	smov.u32 s23;
	[sflag:s13] =	ssyncset.done $0x0  }
0x33: {  	s20 =	sshra.s32 s20, $0x2;
	[sflag:s13] =	ssyncadd.s32 $0xFFFFC000  }
0x34: {  	[tilespmem:s17], [sflag:$0x1] =	stream.indirect.gather [hbm4b:s1+s16], $0x80, s20, s16, $0xb8;
	[tilespmem:$0x1D800] =	vst v63  }
0x35: {  	_ =	swait.ge [sflag:s13], $0x4000  }
0x36: {  	[sflag:s13] =	ssyncset.done $0x0  }
0x37: {  	s20 =	sadd.s32 $0x2800, s20;
	[sflag:s13] =	ssyncadd.s32 $0xFFFFC000  }
0x38: {  	[spmem:s3] =	stream.indirect.scatter.add.f32 [tilespmem:s17], [sflag:$0x1], $0x80, s20, s16, $0xb8;
	[tilespmem:$0x1D800] =	vst v63  }
0x39: {  	_ =	swait.ge [sflag:s13], $0x4000  }
0x3a: {  	[sflag:s13] =	ssyncset.done $0x0  }
0x3b: {  	s29 =	simm.s32 $0x0;
	[sflag:s13] =	ssyncadd.s32 $0xFFFFC000  }
0x3c: {  	[tilespmem:s29], [sflag:$0x1] =	stream.linear.gather [hbm4b:s8+s29], $0x2780, $0x38;
	[tilespmem:$0x1D800] =	vst v63  }
0x3d: {  	_ =	swait.ge [sflag:s13], $0x2780  }
0x3e: {  	[sflag:s13] =	ssyncset.done $0x0  }
0x3f: {  	[sflag:s13] =	ssyncadd.s32 $0xFFFFD880  }
0x40: {  	[tilespmem:s15], [sflag:$0x1] =	stream.linear.gather [hbm4b:s18+s29], $0x2780, $0x38;
	[tilespmem:$0x1D800] =	vst v63  }
0x41: {  	_ =	swait.ge [sflag:s13], $0x2780  }
0x42: {  	[sflag:s13] =	ssyncset.done $0x0  }
0x43: {  	s30 =	simm.s32 $0x0;
	[sflag:s13] =	ssyncadd.s32 $0xFFFFD880  }
0x44: {  	[tilespmem:s17], [sflag:$0x1] =	stream.indirect.gather [hbm4b:s1+s16], $0x80, s30, s16, $0xb8;
	[tilespmem:$0x1D800] =	vst v63  }
0x45: {  	_ =	swait.ge [sflag:s13], $0x4000  }
0x46: {  	[sflag:s13] =	ssyncset.done $0x0  }
0x47: {  	s31 =	simm.s32 $0x2800;
	[sflag:s13] =	ssyncadd.s32 $0xFFFFC000  }
0x48: {  	[spmem:s3] =	stream.indirect.scatter.add.f32 [tilespmem:s17], [sflag:$0x1], $0x80, s31, s16, $0xb8;
	[tilespmem:$0x1D800] =	vst v63  }
0x49: {  	_ =	swait.ge [sflag:s13], $0x4000  }
0x4a: {  	s21 =	simm.s32 $0x400;
	s20 =	simm.s32 $0x200;
	[sflag:s13] =	ssyncset.done $0x0  }
.LBB2_4:
0x4b: {  	s22 =	sshra.s32 s20, $0x2  }
0x4c: {  	[sflag:s13] =	ssyncadd.s32 $0xFFFFC000;
	s20 =	smov.u32 s21;
	s23 =	sadd.s32 $0x200, s21  }
0x4d: {  	[tilespmem:s17], [sflag:$0x1] =	stream.indirect.gather [hbm4b:s1+s16], $0x80, s22, s16, $0xb8;
	[tilespmem:$0x1D800] =	vst v63  }
0x4e: {  	p0 =	sne.s32 s21, $0x9C00;
	_ =	swait.ge [sflag:s13], $0x4000  }
.Ltmp1:
0x4f: {  	[sflag:s13] =	ssyncset.done $0x0;
	(pc) =	sbr.rel @p0 .LBB2_4-.Ltmp1, $4  }
0x50: {  	s21 =	sadd.s32 $0x2800, s22;
	[sflag:s13] =	ssyncadd.s32 $0xFFFFC000  }
0x51: {  	[spmem:s3] =	stream.indirect.scatter.add.f32 [tilespmem:s17], [sflag:$0x1], $0x80, s21, s16, $0xb8;
	[tilespmem:$0x1D800] =	vst v63  }
0x52: {  	_ =	swait.ge [sflag:s13], $0x4000  }
0x53: {  	s21 =	smov.u32 s23;
	[sflag:s13] =	ssyncset.done $0x0  }
0x54: {  	s20 =	sshra.s32 s20, $0x2;
	[sflag:s13] =	ssyncadd.s32 $0xFFFFC000  }
0x55: {  	[tilespmem:s17], [sflag:$0x1] =	stream.indirect.gather [hbm4b:s1+s16], $0x80, s20, s16, $0xb8;
	[tilespmem:$0x1D800] =	vst v63  }
0x56: {  	_ =	swait.ge [sflag:s13], $0x4000  }
0x57: {  	[sflag:s13] =	ssyncset.done $0x0  }
0x58: {  	s20 =	sadd.s32 $0x2800, s20;
	[sflag:s13] =	ssyncadd.s32 $0xFFFFC000  }
0x59: {  	[spmem:s3] =	stream.indirect.scatter.add.f32 [tilespmem:s17], [sflag:$0x1], $0x80, s20, s16, $0xb8;
	[tilespmem:$0x1D800] =	vst v63  }
0x5a: {  	_ =	swait.ge [sflag:s13], $0x4000  }
0x5b: {  	[sflag:s13] =	ssyncset.done $0x0  }
0x5c: {  	[sflag:s13] =	ssyncadd.s32 $0xFFFFC000  }
0x5d: {  	[bflag:$0x0] =	sbarrier.arrive $0xFFFF  }
0x5e: {  	[tilespmem:s12], [sflag:$0x1] =	stream.linear.gather [spmem:s9], $0xA000, $0x38;
	[tilespmem:$0x1D800] =	vst v63  }
0x5f: {  	s19 =	sadd.s32 $0x1, s19;
	_ =	swait.ge [sflag:s13], $0xA000  }
0x60: {  	p0 =	sne.s32 s19, s11;
	[sflag:s13] =	ssyncset.done $0x0  }
.Ltmp2:
0x61: {  	[sflag:s13] =	ssyncadd.s32 $0xFFFF6000;
	(pc) =	sbr.rel @p0 .LBB2_1-.Ltmp2, $4  }
0x62: {  	[hbm4b:s10+s5] =	stream.linear.scatter [tilespmem:s12], [sflag:$0x1], $0xA000, $0x38;
	[tilespmem:$0x1D800] =	vst v63  }
0x63: {  	_ =	swait.ge [sflag:s13], $0xA000  }
0x64: {  	[sflag:s13] =	ssyncset.done $0x0  }
0x65: {  	[sflag:s13] =	ssyncadd.s32 $0xFFFF6000  }
0x66: {  	_ =	sfence.sel $0x180000  }
0x67: {  	[bflag:$0x0] =	sbarrier.arrive $0xFFFF  }
0x68: {  	p0 =	sne.s32 s4, $0x0;
	_ =	strace $0x90000050  }
0x69: {  	s0 =	sadd.s32 @!p0 $0x100000, s0;
	[bflag:$0x2] =	sbarrier.arrive $0xFFFF  }
0x6a: {  	[sflag:s0] =	ssyncadd.tile.s32 @!p0 $0x1;
	_ =	shalt  }
.Lfunc_end2:
_tile_overlayer_lowered:
.L_overlay_start_2:
0x6b: {  	(tag) =	ssettag $0x2  }
0x6c: {  	s0 =	rddreg [dreg:$0x0];
	s2 =	stileid.u32  }
0x6d: {  	s1 =	rddreg [dreg:$0x1];
	p0 =	sne.s32 s2, $0x0  }
0x6e: {  	s3 =	rddreg [dreg:$0x2];
	[bflag:$0x3] =	sbarrier.arrive $0xFFFF;
	s2 =	simm.s32 @!p0 $0x1C01  }
0x6f: {  	[timem:s3], [sflag:s2] =	dma.local @!p0 [hbm:s0], s1  }
0x70: {  	s0 =	simm.s32 @!p0 $0x1  }
0x71: {  	_ =	swait.ge @!p0 [sflag:s0], s1  }
0x72: {  	s1 =	ssub.s32 @!p0 $0x0, s1;
	[sflag:s0] =	ssyncset.done @!p0 $0x0  }
0x73: {  	[sflag:s0] =	ssyncadd.s32 @!p0 s1  }
0x74: {  	[bflag:$0x3] =	sbarrier.arrive $0xFFFF  }
0x75: {  	_ =	shalt  }

// kernel: kernel.29.cloned.1.call-start
scs
__scs_entry_jumppad:
0x0: {  	(pc) =	sbr.rel $0x88, $3  }
0x1: {  	(tag) =	ssettag $0x0;
	lr =	simm.s32 $0x1  }
0x2: {  	[smem:$0x3F91] =	sst lr;
	_ =	strace $0xD0000000  }
0x3: {  	_ = 	snop  }
0x4: {  	_ = 	snop  }
0x5: {  	_ = 	snop  }
0x6: {  	_ = 	snop  }
0x7: {  	_ = 	snop  }
__scs_overlays_trampoline_lowered:
0x8: {  	[smem:$0x3FA0] =	sst s0  }
0x9: {  	[smem:$0x3FA1] =	sst s1  }
0xa: {  	[smem:$0x3FA2] =	sst s2  }
0xb: {  	[smem:$0x3FA3] =	sst s3  }
0xc: {  	[smem:$0x3FA4] =	sst s4  }
0xd: {  	[smem:$0x3FA5] =	sst s5  }
0xe: {  	[smem:$0x3FA6] =	sst s6  }
0xf: {  	[smem:$0x3FA7] =	sst s7  }
0x10: {  	[smem:$0x3FA8] =	sst s8  }
0x11: {  	[smem:$0x3FA9] =	sst s9;
	s0 =	simm.s32 @!p0 $0x0  }
0x12: {  	s1 =	sld [smem:$0x3F8F];
	s0 =	simm.s32 @p0 $0x1  }
0x13: {  	[smem:$0x3FAA] =	sst s0;
	s0 =	simm.s32 @!p1 $0x0  }
0x14: {  	s2 =	sld [smem:$0x3F8E];
	s0 =	simm.s32 @p1 $0x1  }
0x15: {  	[smem:$0x3FAB] =	sst s0;
	s0 =	simm.s32 @!p2 $0x0  }
0x16: {  	s3 =	sld [smem:$0x3FDB];
	s0 =	simm.s32 @p2 $0x1  }
0x17: {  	s4 =	simm.s32 $0x1BF5;
	[smem:$0x3FAD] =	sst s0  }
0x18: {  	s0 =	sld [smem:$0x3F90];
	_ =	swait.ge [sflag:s4], $0x0  }
0x19: {  	s7 =	sld [smem:$0x3F91]  }
0x1a: {  	s8 =	sadd.s32 $0xFFFFE003, lr  }
0x1b: {  	s9 =	sadd.s32 $0xFFFFFEF7, lr;
	s5 =	simm.s32 $0xFFFFFFFF;
	p2 =	slt.u32 s8, $0xFFFFF086  }
0x1c: {  	p1 =	slt.u32 s9, $0xF7A;
	s5 =	simm.s32 @!p2 $0x0  }
0x1d: {  	s5 =	simm.s32 @p1 $0x1;
	p0 =	seq.s32 s7, s2  }
0x1e: {  	s7 =	smul.u32 @!p0 $0xF7A, s2;
	p2 =	seq.s32 @!p0 s5, $0x0  }
0x1f: {  	s9 =	smul.u32 $0xF7A, s1;
	s8 =	simm.s32 @!p0 $0x1BF5;
	p2 =	por !p2, p0  }
0x20: {  	[sflag:s8] =	ssyncset.s32 @!p0 $0xFFFFF086;
	s6 =	sadd.s32 @!p0 s3, s7;
	s7 =	simm.s32 @!p0 $0x108  }
0x21: {  	s3 =	sadd.s32 s3, s9;
	s6 =	sadd.s32 @!p0 $0x88, s6;
	s7 =	simm.s32 @p2 $0x1082  }
0x22: {  	[simem:s7], [sflag:s8] =	dma.local @!p0 [hbm:s6], $0xF7A  }
0x23: {  	s9 =	sor.u32 $0xD0000000, s2;
	s6 =	simm.s32 $0x108;
	_ =	swait.ge @!p0 [sflag:s8], $0x0  }
0x24: {  	s3 =	sadd.s32 $0x88, s3;
	s6 =	simm.s32 @!p1 $0x1082;
	[sflag:s4] =	ssyncset.s32 $0xFFFFF086  }
0x25: {  	[simem:s6], [sflag:s4] =	dma.local [hbm:s3], $0xF7A  }
0x26: {  	[smem:$0x3F91] =	sst s1;
	(tag) =	ssettag s2;
	_ =	strace s9  }
0x27: {  	s1 =	sld [smem:$0x3FA1]  }
0x28: {  	s2 =	sld [smem:$0x3FA2]  }
0x29: {  	s4 =	sld [smem:$0x3FA4]  }
0x2a: {  	p0 =	seq.s32 s5, $0x0;
	s5 =	sld [smem:$0x3FA5]  }
0x2b: {  	s6 =	sld [smem:$0x3FA6]  }
0x2c: {  	s7 =	sld [smem:$0x3FA7]  }
0x2d: {  	s3 =	simm.s32 $0x108;
	s8 =	sld [smem:$0x3FA8]  }
0x2e: {  	s3 =	simm.s32 @!p0 $0x1082;
	s9 =	sld [smem:$0x3FA9]  }
0x2f: {  	lr =	sadd.s32 s0, s3;
	s0 =	sld [smem:$0x3FA0]  }
0x30: {  	s3 =	sld [smem:$0x3FA3]  }
0x31: {  	[smem:$0x3FAC] =	sst s10  }
0x32: {  	s10 =	sld [smem:$0x3FAA];
	_ =	sdelay $0x3  }
0x33: {  	p0 =	seq.s32 s10, $0x1;
	s10 =	sld [smem:$0x3FAC];
	_ =	sdelay $0x3  }
0x34: {  	[smem:$0x3FAC] =	sst s10  }
0x35: {  	s10 =	sld [smem:$0x3FAB];
	_ =	sdelay $0x3  }
0x36: {  	p1 =	seq.s32 s10, $0x1;
	s10 =	sld [smem:$0x3FAC];
	_ =	sdelay $0x3  }
0x37: {  	[smem:$0x3FAC] =	sst s10  }
0x38: {  	s10 =	sld [smem:$0x3FAD]  }
0x39: {  	_ = 	snop;
	(pc) =	sbr.ind lr, $3  }
0x3a: {  	_ = 	snop  }
0x3b: {  	_ = 	snop  }
0x3c: {  	p2 =	seq.s32 s10, $0x1;
	s10 =	sld [smem:$0x3FAC]  }
0x3d: {  	_ =	shalt  }
0x3e: {  	_ =	shalt  }
0x3f: {  	_ =	shalt  }
0x40: {  	_ =	shalt  }
0x41: {  	_ =	shalt  }
0x42: {  	_ =	shalt  }
0x43: {  	_ =	shalt  }
0x44: {  	_ =	shalt  }
0x45: {  	_ =	shalt  }
0x46: {  	_ =	shalt  }
0x47: {  	_ =	shalt  }
0x48: {  	_ =	shalt  }
0x49: {  	_ =	shalt  }
0x4a: {  	_ =	shalt  }
0x4b: {  	_ =	shalt  }
0x4c: {  	_ =	shalt  }
0x4d: {  	_ =	shalt  }
0x4e: {  	_ =	shalt  }
0x4f: {  	_ =	shalt  }
0x50: {  	_ =	shalt  }
0x51: {  	_ =	shalt  }
0x52: {  	_ =	shalt  }
0x53: {  	_ =	shalt  }
0x54: {  	_ =	shalt  }
0x55: {  	_ =	shalt  }
0x56: {  	_ =	shalt  }
0x57: {  	_ =	shalt  }
0x58: {  	_ =	shalt  }
0x59: {  	_ =	shalt  }
0x5a: {  	_ =	shalt  }
0x5b: {  	_ =	shalt  }
0x5c: {  	_ =	shalt  }
0x5d: {  	_ =	shalt  }
0x5e: {  	_ =	shalt  }
0x5f: {  	_ =	shalt  }
0x60: {  	_ =	shalt  }
0x61: {  	_ =	shalt  }
0x62: {  	_ =	shalt  }
0x63: {  	_ =	shalt  }
0x64: {  	_ =	shalt  }
0x65: {  	_ =	shalt  }
0x66: {  	_ =	shalt  }
0x67: {  	_ =	shalt  }
0x68: {  	_ =	shalt  }
0x69: {  	_ =	shalt  }
0x6a: {  	_ =	shalt  }
0x6b: {  	_ =	shalt  }
0x6c: {  	_ =	shalt  }
0x6d: {  	_ =	shalt  }
0x6e: {  	_ =	shalt  }
0x6f: {  	_ =	shalt  }
0x70: {  	_ =	shalt  }
0x71: {  	_ =	shalt  }
0x72: {  	_ =	shalt  }
0x73: {  	_ =	shalt  }
0x74: {  	_ =	shalt  }
0x75: {  	_ =	shalt  }
0x76: {  	_ =	shalt  }
0x77: {  	_ =	shalt  }
0x78: {  	_ =	shalt  }
0x79: {  	_ =	shalt  }
0x7a: {  	_ =	shalt  }
0x7b: {  	_ =	shalt  }
0x7c: {  	_ =	shalt  }
0x7d: {  	_ =	shalt  }
0x7e: {  	_ =	shalt  }
0x7f: {  	_ =	shalt  }
0x80: {  	_ =	shalt  }
0x81: {  	_ =	shalt  }
0x82: {  	_ =	shalt  }
0x83: {  	_ =	shalt  }
0x84: {  	_ =	shalt  }
0x85: {  	_ =	shalt  }
0x86: {  	_ =	shalt  }
0x87: {  	_ =	shalt  }
.Lfunc_end0:
.L_simem_size_0:
called_computation.4_lowered:
.L_overlay_start_0:
0x88: {  	s2 =	sld [smem:$0x3FD9]  }
0x89: {  	s3 =	sld [smem:$0x3FFE];
	_ =	sdelay $0x1  }
0x8a: {  	s1 =	srdreg.scid  }
0x8b: {  	s0 =	sand.u32 $0x1, s1  }
0x8c: {  	s14 =	sshll.u32 s0, $0xA;
	s2 =	sadd.s32 s3, s2  }
0x8d: {  	s2 =	sadd.s32 s2, s14  }
0x8e: {  	[smem:$0x3FB8] =	sst s2  }
0x8f: {  	_ = 	snop  }
0x90: {  	s2 =	sld [smem:$0x3FD0];
	_ =	sdelay $0x2  }
0x91: {  	s15 =	simm.s32 $0xA;
	s4 =	simm.s32 $0x10  }
0x92: {  	[smem:s4], [sflag:s15] =	dma.local [hbm:s2], $0x1  }
0x93: {  	_ =	swait.eq [sflag:s15], $0x1  }
0x94: {  	[sflag:s15] =	ssyncset.done $0x0  }
0x95: {  	s16 =	sld [smem:$0x10];
	[sflag:s15] =	ssyncadd.s32 $0xFFFFFFFF  }
0x96: {  	s17 =	sld [smem:$0x11];
	(tm) =	ssettm $0x1  }
0x97: {  	s18 =	sld [smem:$0x3FFB];
	_ =	sdelay $0x3  }
0x98: {  	_ =	strace s18  }
0x99: {  	s4 =	sld [smem:$0x3FFC];
	_ =	sdelay $0x3  }
0x9a: {  	_ =	strace s4  }
0x9b: {  	s4 =	sld [smem:$0x3FFD];
	_ =	sdelay $0x3  }
0x9c: {  	_ =	strace s4  }
0x9d: {  	_ =	strace $0x8FFFFFFF  }
0x9e: {  	s19 =	sld [smem:$0x3FDB];
	_ =	sdelay $0x1  }
0x9f: {  	s5 =	simm.s32 $_scs_section_size  }
0xa0: {  	s6 =	simm.s32 $_size__tile_overlayer_lowered;
	s7 =	simm.s32 $_tile_overlayer_lowered  }
0xa1: {  	s22 =	simm.s32 $0x1BFF;
	s21 =	sshll.u32 s7, $0x1;
	s4 =	sadd.s32 s5, s19  }
0xa2: {  	s8 =	simm.s32 $0x0;
	s20 =	sshll.u32 s6, $0x1;
	s6 =	sadd.s32 s21, s4  }
0xa3: {  	[timem:s8], [sflag:s22] =	dma.local [hbm:s6], s20  }
0xa4: {  	_ =	swait.ge [sflag:s22], s20  }
0xa5: {  	s5 =	ssub.s32 $0x0, s20;
	[sflag:s22] =	ssyncset.done $0x0  }
0xa6: {  	[sflag:s22] =	ssyncadd.s32 s5;
	_ =	sdelay $0x1  }
0xa7: {  	s23 =	simm.s32 $0x1B8B  }
0xa8: {  	_ =	swait.ge [sflag:s23], $0x1  }
0xa9: {  	[sflag:s23] =	ssyncset.done $0x0  }
0xaa: {  	s25 =	simm.s32 $0x1B8E;
	s24 =	sld [smem:$0x3FFE];
	[sflag:s23] =	ssyncadd.s32 $0xFFFFFFFF  }
0xab: {  	s26 =	simm.s32 $execute0_lowered;
	[smem:$0x3FD2] =	sst s25  }
0xac: {  	s6 =	sshll.u32 s26, $0x1;
	_ =	strace $0x80000052;
	[dreg:$0x1] =	wrdreg $0xFFFFFFFF  }
0xad: {  	s28 =	simm.s32 $_size_execute0_lowered;
	s4 =	sadd.s32 s4, s6;
	[dreg:$0x0] =	wrdreg $0x0  }
0xae: {  	s6 =	sshll.u32 s28, $0x1;
	[dreg:$0x2] =	wrdreg s4  }
0xaf: {  	[dreg:$0x3] =	wrdreg s6  }
0xb0: {  	[dreg:$0x4] =	wrdreg $0xC0  }
0xb1: {  	_ =	task [dreg:s8], $0x5FFFF  }
0xb2: {  	[dreg:$0x1] =	wrdreg $0xFFFFFFFF  }
0xb3: {  	[dreg:$0x0] =	wrdreg $0x60  }
0xb4: {  	[dreg:$0x2] =	wrdreg s16  }
0xb5: {  	[dreg:$0x3] =	wrdreg s24  }
0xb6: {  	[dreg:$0x4] =	wrdreg s17  }
0xb7: {  	[dreg:$0x5] =	wrdreg $0x134000  }
0xb8: {  	[dreg:$0x6] =	wrdreg $0x9  }
0xb9: {  	_ =	task.clear_ibuf [dreg:s8], $0x7FFFF;
	_ =	strace $0x90000052  }
0xba: {  	s29 =	simm.s32 $0x9;
	_ =	strace $0x80000054  }
0xbb: {  	_ =	swait.ge [sflag:s29], $0x1  }
0xbc: {  	[sflag:s29] =	ssyncadd.s32 $0xFFFFFFFF  }
0xbd: {  	_ =	strace $0x90000054  }
0xbe: {  	_ =	sfence  }
0xbf: {  	s30 =	sld [smem:$0x0];
	_ =	sdelay $0x2  }
0xc0: {  	s31 =	sshll.u32 s1, $0xD;
	s1 =	sshrl.u32 s1, $0x2  }
0xc1: {  	s3 =	sand.u32 $0x4000, s31;
	s1 =	sadd.s32 s1, s30  }
0xc2: {  	s0 =	sor.u32 s3, s0;
	s1 =	sshll.u32 s1, $0x11  }
0xc3: {  	s0 =	sor.u32 s1, s0  }
0xc4: {  	s0 =	sadd.s32 $0x8F2B, s0  }
0xc5: {  	[sflag:s0] =	ssyncadd.remote.s32 $0x1  }
0xc6: {  	_ =	sfence.sel $0xFFFF  }
0xc7: {  	[dreg:$0x0] =	wrdreg $0xFFFFFFFF;
	(pc) =	sbr.abs _section_cstart, $3  }
0xc8: {  	[dreg:$0x1] =	wrdreg $0xFFFFFFFF  }
0xc9: {  	_ =	task.clear_ibuf [dreg:s8], $0x2FFFF;
	_ =	strace $0x9FFFFFFF  }
0xca: {  	(tm) =	ssettm $0x7FFFFFFF  }
0xcb: {  	_ =	shalt  }
tec
execute0_lowered:
.L_overlay_start_1:
0x0: {  	(tag) =	ssettag $0x1  }
0x1: {  	s1 =	rddreg [dreg:$0x0]  }
0x2: {  	s6 =	rddreg [dreg:$0x1];
	s4 =	srdreg.scid  }
0x3: {  	s2 =	rddreg [dreg:$0x2];
	s7 =	sand.u32 $0x1, s4  }
0x4: {  	s3 =	rddreg [dreg:$0x3];
	s8 =	smul.u32 $0xA000, s7  }
0x5: {  	s4 =	stileid.u32;
	s9 =	smul.u32 $0x14000, s7  }
0x6: {  	s0 =	rddreg [dreg:$0x4];
	s10 =	smul.u32 $0x1400, s4  }
0x7: {  	s5 =	simm.s32 $0x0;
	s15 =	simm.s32 $0x2800;
	s12 =	smul.u32 $0x29000, s4  }
0x8: {  	s16 =	simm.s32 $0x80;
	s17 =	simm.s32 $0x5000;
	s14 =	smul.u32 $0x500, s4  }
0x9: {  	[smem:$0x7FF] =	sst s5;
	s11 =	sadd.s32 $0x2DA00, s6;
	s28 =	smul.u32 $0x2800, s4  }
0xa: {  	_ =	strace $0x80000053;
	s7 =	ssub.s32 $0x2, s7;
	s30 =	smul.u32 $0x28000, s4  }
0xb: {  	s26 =	sshrl.u32 s7, $0x1;
	s8 =	sadd.s32 s8, s6;
	s9 =	sadd.s32 s10, s9  }
0xc: {  	s13 =	ssub.s32 s7, s26;
	s29 =	sshrl.u32 s12, $0x2;
	s7 =	sadd.s32 s11, s14  }
0xd: {  	s31 =	sshrl.u32 s30, $0x2;
	s12 =	simm.s32 $0x9000;
	s10 =	sadd.s32 s9, s6  }
0xe: {  	s6 =	sadd.s32 s29, s3;
	s9 =	sshrl.u32 s28, $0x3;
	s18 =	sadd.s32 $0x37A00, s8  }
0xf: {  	s19 =	sadd.s32 $0x5000, s9;
	s9 =	sadd.s32 s31, s3;
	s10 =	sadd.s32 $0x5200, s10  }
0x10: {  	s14 =	sadd.s32 s14, s18;
	s8 =	sadd.s32 s11, s19;
	s11 =	smax.u32 s13, $0x1  }
0x11: {  	s13 =	simm.s32 $0x1;
	s18 =	sadd.s32 s19, s18;
	s19 =	simm.s32 $0x0  }
.LBB2_1:
0x12: {  	[tilespmem:s12], [sflag:$0x1] =	stream.linear.gather [hbm4b:s2+s5], $0xA400, $0x38;
	[tilespmem:$0x1D800] =	vst v63  }
0x13: {  	_ =	swait.ge [sflag:s13], $0xA400  }
0x14: {  	[sflag:s13] =	ssyncset.done $0x0  }
0x15: {  	[sflag:s13] =	ssyncadd.s32 $0xFFFF5C00  }
0x16: {  	[spmem:s6] =	stream.linear.scatter [tilespmem:s12], [sflag:$0x1], $0xA400, $0x38;
	[tilespmem:$0x1D800] =	vst v63  }
0x17: {  	_ =	swait.ge [sflag:s13], $0xA400  }
0x18: {  	[sflag:s13] =	ssyncset.done $0x0  }
0x19: {  	[sflag:s13] =	ssyncadd.s32 $0xFFFF5C00  }
0x1a: {  	[bflag:$0x0] =	sbarrier.arrive $0xFFFF  }
0x1b: {  	[tilespmem:s5], [sflag:$0x1] =	stream.linear.gather [hbm4b:s7+s5], $0x2780, $0x38;
	[tilespmem:$0x1D800] =	vst v63  }
0x1c: {  	_ =	swait.ge [sflag:s13], $0x2780  }
0x1d: {  	[sflag:s13] =	ssyncset.done $0x0  }
0x1e: {  	[sflag:s13] =	ssyncadd.s32 $0xFFFFD880  }
0x1f: {  	[tilespmem:s15], [sflag:$0x1] =	stream.linear.gather [hbm4b:s14+s5], $0x2780, $0x38;
	[tilespmem:$0x1D800] =	vst v63  }
0x20: {  	_ =	swait.ge [sflag:s13], $0x2780  }
0x21: {  	[sflag:s13] =	ssyncset.done $0x0  }
0x22: {  	s20 =	simm.s32 $0x0;
	[sflag:s13] =	ssyncadd.s32 $0xFFFFD880  }
0x23: {  	[tilespmem:s17], [sflag:$0x1] =	stream.indirect.gather [hbm4b:s1+s16], $0x80, s20, s16, $0xb8;
	[tilespmem:$0x1D800] =	vst v63  }
0x24: {  	_ =	swait.ge [sflag:s13], $0x4000  }
0x25: {  	[sflag:s13] =	ssyncset.done $0x0  }
0x26: {  	s31 =	simm.s32 $0x2800;
	[sflag:s13] =	ssyncadd.s32 $0xFFFFC000  }
0x27: {  	[spmem:s3] =	stream.indirect.scatter.add.f32 [tilespmem:s17], [sflag:$0x1], $0x80, s31, s16, $0xb8;
	[tilespmem:$0x1D800] =	vst v63  }
0x28: {  	_ =	swait.ge [sflag:s13], $0x4000  }
0x29: {  	s21 =	simm.s32 $0x400;
	s20 =	simm.s32 $0x200;
	[sflag:s13] =	ssyncset.done $0x0  }
.LBB2_2:
0x2a: {  	s22 =	sshra.s32 s20, $0x2  }
0x2b: {  	[sflag:s13] =	ssyncadd.s32 $0xFFFFC000;
	s20 =	smov.u32 s21;
	s23 =	sadd.s32 $0x200, s21  }
0x2c: {  	[tilespmem:s17], [sflag:$0x1] =	stream.indirect.gather [hbm4b:s1+s16], $0x80, s22, s16, $0xb8;
	[tilespmem:$0x1D800] =	vst v63  }
0x2d: {  	p0 =	sne.s32 s21, $0x9C00;
	_ =	swait.ge [sflag:s13], $0x4000  }
.Ltmp0:
0x2e: {  	[sflag:s13] =	ssyncset.done $0x0;
	(pc) =	sbr.rel @p0 .LBB2_2-.Ltmp0, $4  }
0x2f: {  	s21 =	sadd.s32 $0x2800, s22;
	[sflag:s13] =	ssyncadd.s32 $0xFFFFC000  }
0x30: {  	[spmem:s3] =	stream.indirect.scatter.add.f32 [tilespmem:s17], [sflag:$0x1], $0x80, s21, s16, $0xb8;
	[tilespmem:$0x1D800] =	vst v63  }
0x31: {  	_ =	swait.ge [sflag:s13], $0x4000  }
0x32: {  	s21 =	smov.u32 s23;
	[sflag:s13] =	ssyncset.done $0x0  }
0x33: {  	s20 =	sshra.s32 s20, $0x2;
	[sflag:s13] =	ssyncadd.s32 $0xFFFFC000  }
0x34: {  	[tilespmem:s17], [sflag:$0x1] =	stream.indirect.gather [hbm4b:s1+s16], $0x80, s20, s16, $0xb8;
	[tilespmem:$0x1D800] =	vst v63  }
0x35: {  	_ =	swait.ge [sflag:s13], $0x4000  }
0x36: {  	[sflag:s13] =	ssyncset.done $0x0  }
0x37: {  	s20 =	sadd.s32 $0x2800, s20;
	[sflag:s13] =	ssyncadd.s32 $0xFFFFC000  }
0x38: {  	[spmem:s3] =	stream.indirect.scatter.add.f32 [tilespmem:s17], [sflag:$0x1], $0x80, s20, s16, $0xb8;
	[tilespmem:$0x1D800] =	vst v63  }
0x39: {  	_ =	swait.ge [sflag:s13], $0x4000  }
0x3a: {  	[sflag:s13] =	ssyncset.done $0x0  }
0x3b: {  	s29 =	simm.s32 $0x0;
	[sflag:s13] =	ssyncadd.s32 $0xFFFFC000  }
0x3c: {  	[tilespmem:s29], [sflag:$0x1] =	stream.linear.gather [hbm4b:s8+s29], $0x2780, $0x38;
	[tilespmem:$0x1D800] =	vst v63  }
0x3d: {  	_ =	swait.ge [sflag:s13], $0x2780  }
0x3e: {  	[sflag:s13] =	ssyncset.done $0x0  }
0x3f: {  	[sflag:s13] =	ssyncadd.s32 $0xFFFFD880  }
0x40: {  	[tilespmem:s15], [sflag:$0x1] =	stream.linear.gather [hbm4b:s18+s29], $0x2780, $0x38;
	[tilespmem:$0x1D800] =	vst v63  }
0x41: {  	_ =	swait.ge [sflag:s13], $0x2780  }
0x42: {  	[sflag:s13] =	ssyncset.done $0x0  }
0x43: {  	s30 =	simm.s32 $0x0;
	[sflag:s13] =	ssyncadd.s32 $0xFFFFD880  }
0x44: {  	[tilespmem:s17], [sflag:$0x1] =	stream.indirect.gather [hbm4b:s1+s16], $0x80, s30, s16, $0xb8;
	[tilespmem:$0x1D800] =	vst v63  }
0x45: {  	_ =	swait.ge [sflag:s13], $0x4000  }
0x46: {  	[sflag:s13] =	ssyncset.done $0x0  }
0x47: {  	s31 =	simm.s32 $0x2800;
	[sflag:s13] =	ssyncadd.s32 $0xFFFFC000  }
0x48: {  	[spmem:s3] =	stream.indirect.scatter.add.f32 [tilespmem:s17], [sflag:$0x1], $0x80, s31, s16, $0xb8;
	[tilespmem:$0x1D800] =	vst v63  }
0x49: {  	_ =	swait.ge [sflag:s13], $0x4000  }
0x4a: {  	s21 =	simm.s32 $0x400;
	s20 =	simm.s32 $0x200;
	[sflag:s13] =	ssyncset.done $0x0  }
.LBB2_4:
0x4b: {  	s22 =	sshra.s32 s20, $0x2  }
0x4c: {  	[sflag:s13] =	ssyncadd.s32 $0xFFFFC000;
	s20 =	smov.u32 s21;
	s23 =	sadd.s32 $0x200, s21  }
0x4d: {  	[tilespmem:s17], [sflag:$0x1] =	stream.indirect.gather [hbm4b:s1+s16], $0x80, s22, s16, $0xb8;
	[tilespmem:$0x1D800] =	vst v63  }
0x4e: {  	p0 =	sne.s32 s21, $0x9C00;
	_ =	swait.ge [sflag:s13], $0x4000  }
.Ltmp1:
0x4f: {  	[sflag:s13] =	ssyncset.done $0x0;
	(pc) =	sbr.rel @p0 .LBB2_4-.Ltmp1, $4  }
0x50: {  	s21 =	sadd.s32 $0x2800, s22;
	[sflag:s13] =	ssyncadd.s32 $0xFFFFC000  }
0x51: {  	[spmem:s3] =	stream.indirect.scatter.add.f32 [tilespmem:s17], [sflag:$0x1], $0x80, s21, s16, $0xb8;
	[tilespmem:$0x1D800] =	vst v63  }
0x52: {  	_ =	swait.ge [sflag:s13], $0x4000  }
0x53: {  	s21 =	smov.u32 s23;
	[sflag:s13] =	ssyncset.done $0x0  }
0x54: {  	s20 =	sshra.s32 s20, $0x2;
	[sflag:s13] =	ssyncadd.s32 $0xFFFFC000  }
0x55: {  	[tilespmem:s17], [sflag:$0x1] =	stream.indirect.gather [hbm4b:s1+s16], $0x80, s20, s16, $0xb8;
	[tilespmem:$0x1D800] =	vst v63  }
0x56: {  	_ =	swait.ge [sflag:s13], $0x4000  }
0x57: {  	[sflag:s13] =	ssyncset.done $0x0  }
0x58: {  	s20 =	sadd.s32 $0x2800, s20;
	[sflag:s13] =	ssyncadd.s32 $0xFFFFC000  }
0x59: {  	[spmem:s3] =	stream.indirect.scatter.add.f32 [tilespmem:s17], [sflag:$0x1], $0x80, s20, s16, $0xb8;
	[tilespmem:$0x1D800] =	vst v63  }
0x5a: {  	_ =	swait.ge [sflag:s13], $0x4000  }
0x5b: {  	[sflag:s13] =	ssyncset.done $0x0  }
0x5c: {  	[sflag:s13] =	ssyncadd.s32 $0xFFFFC000  }
0x5d: {  	[bflag:$0x0] =	sbarrier.arrive $0xFFFF  }
0x5e: {  	[tilespmem:s12], [sflag:$0x1] =	stream.linear.gather [spmem:s9], $0xA000, $0x38;
	[tilespmem:$0x1D800] =	vst v63  }
0x5f: {  	s19 =	sadd.s32 $0x1, s19;
	_ =	swait.ge [sflag:s13], $0xA000  }
0x60: {  	p0 =	sne.s32 s19, s11;
	[sflag:s13] =	ssyncset.done $0x0  }
.Ltmp2:
0x61: {  	[sflag:s13] =	ssyncadd.s32 $0xFFFF6000;
	(pc) =	sbr.rel @p0 .LBB2_1-.Ltmp2, $4  }
0x62: {  	[hbm4b:s10+s5] =	stream.linear.scatter [tilespmem:s12], [sflag:$0x1], $0xA000, $0x38;
	[tilespmem:$0x1D800] =	vst v63  }
0x63: {  	_ =	swait.ge [sflag:s13], $0xA000  }
0x64: {  	[sflag:s13] =	ssyncset.done $0x0  }
0x65: {  	[sflag:s13] =	ssyncadd.s32 $0xFFFF6000  }
0x66: {  	_ =	sfence.sel $0x180000  }
0x67: {  	[bflag:$0x0] =	sbarrier.arrive $0xFFFF  }
0x68: {  	p0 =	sne.s32 s4, $0x0;
	_ =	strace $0x90000053  }
0x69: {  	s0 =	sadd.s32 @!p0 $0x100000, s0;
	[bflag:$0x2] =	sbarrier.arrive $0xFFFF  }
0x6a: {  	[sflag:s0] =	ssyncadd.tile.s32 @!p0 $0x1;
	_ =	shalt  }
.Lfunc_end2:
_tile_overlayer_lowered:
.L_overlay_start_2:
0x6b: {  	(tag) =	ssettag $0x2  }
0x6c: {  	s0 =	rddreg [dreg:$0x0];
	s2 =	stileid.u32  }
0x6d: {  	s1 =	rddreg [dreg:$0x1];
	p0 =	sne.s32 s2, $0x0  }
0x6e: {  	s3 =	rddreg [dreg:$0x2];
	[bflag:$0x3] =	sbarrier.arrive $0xFFFF;
	s2 =	simm.s32 @!p0 $0x1C01  }
0x6f: {  	[timem:s3], [sflag:s2] =	dma.local @!p0 [hbm:s0], s1  }
0x70: {  	s0 =	simm.s32 @!p0 $0x1  }
0x71: {  	_ =	swait.ge @!p0 [sflag:s0], s1  }
0x72: {  	s1 =	ssub.s32 @!p0 $0x0, s1;
	[sflag:s0] =	ssyncset.done @!p0 $0x0  }
0x73: {  	[sflag:s0] =	ssyncadd.s32 @!p0 s1  }
0x74: {  	[bflag:$0x3] =	sbarrier.arrive $0xFFFF  }
0x75: {  	_ =	shalt  }

// kernel: kernel.32.cloned.1.call-start
scs
__scs_entry_jumppad:
0x0: {  	(pc) =	sbr.rel $0x88, $3  }
0x1: {  	(tag) =	ssettag $0x0;
	lr =	simm.s32 $0x1  }
0x2: {  	[smem:$0x3F91] =	sst lr;
	_ =	strace $0xD0000000  }
0x3: {  	_ = 	snop  }
0x4: {  	_ = 	snop  }
0x5: {  	_ = 	snop  }
0x6: {  	_ = 	snop  }
0x7: {  	_ = 	snop  }
__scs_overlays_trampoline_lowered:
0x8: {  	[smem:$0x3FA0] =	sst s0  }
0x9: {  	[smem:$0x3FA1] =	sst s1  }
0xa: {  	[smem:$0x3FA2] =	sst s2  }
0xb: {  	[smem:$0x3FA3] =	sst s3  }
0xc: {  	[smem:$0x3FA4] =	sst s4  }
0xd: {  	[smem:$0x3FA5] =	sst s5  }
0xe: {  	[smem:$0x3FA6] =	sst s6  }
0xf: {  	[smem:$0x3FA7] =	sst s7  }
0x10: {  	[smem:$0x3FA8] =	sst s8  }
0x11: {  	[smem:$0x3FA9] =	sst s9;
	s0 =	simm.s32 @!p0 $0x0  }
0x12: {  	s1 =	sld [smem:$0x3F8F];
	s0 =	simm.s32 @p0 $0x1  }
0x13: {  	[smem:$0x3FAA] =	sst s0;
	s0 =	simm.s32 @!p1 $0x0  }
0x14: {  	s2 =	sld [smem:$0x3F8E];
	s0 =	simm.s32 @p1 $0x1  }
0x15: {  	[smem:$0x3FAB] =	sst s0;
	s0 =	simm.s32 @!p2 $0x0  }
0x16: {  	s3 =	sld [smem:$0x3FDB];
	s0 =	simm.s32 @p2 $0x1  }
0x17: {  	s4 =	simm.s32 $0x1BF5;
	[smem:$0x3FAD] =	sst s0  }
0x18: {  	s0 =	sld [smem:$0x3F90];
	_ =	swait.ge [sflag:s4], $0x0  }
0x19: {  	s7 =	sld [smem:$0x3F91]  }
0x1a: {  	s8 =	sadd.s32 $0xFFFFE003, lr  }
0x1b: {  	s9 =	sadd.s32 $0xFFFFFEF7, lr;
	s5 =	simm.s32 $0xFFFFFFFF;
	p2 =	slt.u32 s8, $0xFFFFF086  }
0x1c: {  	p1 =	slt.u32 s9, $0xF7A;
	s5 =	simm.s32 @!p2 $0x0  }
0x1d: {  	s5 =	simm.s32 @p1 $0x1;
	p0 =	seq.s32 s7, s2  }
0x1e: {  	s7 =	smul.u32 @!p0 $0xF7A, s2;
	p2 =	seq.s32 @!p0 s5, $0x0  }
0x1f: {  	s9 =	smul.u32 $0xF7A, s1;
	s8 =	simm.s32 @!p0 $0x1BF5;
	p2 =	por !p2, p0  }
0x20: {  	[sflag:s8] =	ssyncset.s32 @!p0 $0xFFFFF086;
	s6 =	sadd.s32 @!p0 s3, s7;
	s7 =	simm.s32 @!p0 $0x108  }
0x21: {  	s3 =	sadd.s32 s3, s9;
	s6 =	sadd.s32 @!p0 $0x88, s6;
	s7 =	simm.s32 @p2 $0x1082  }
0x22: {  	[simem:s7], [sflag:s8] =	dma.local @!p0 [hbm:s6], $0xF7A  }
0x23: {  	s9 =	sor.u32 $0xD0000000, s2;
	s6 =	simm.s32 $0x108;
	_ =	swait.ge @!p0 [sflag:s8], $0x0  }
0x24: {  	s3 =	sadd.s32 $0x88, s3;
	s6 =	simm.s32 @!p1 $0x1082;
	[sflag:s4] =	ssyncset.s32 $0xFFFFF086  }
0x25: {  	[simem:s6], [sflag:s4] =	dma.local [hbm:s3], $0xF7A  }
0x26: {  	[smem:$0x3F91] =	sst s1;
	(tag) =	ssettag s2;
	_ =	strace s9  }
0x27: {  	s1 =	sld [smem:$0x3FA1]  }
0x28: {  	s2 =	sld [smem:$0x3FA2]  }
0x29: {  	s4 =	sld [smem:$0x3FA4]  }
0x2a: {  	p0 =	seq.s32 s5, $0x0;
	s5 =	sld [smem:$0x3FA5]  }
0x2b: {  	s6 =	sld [smem:$0x3FA6]  }
0x2c: {  	s7 =	sld [smem:$0x3FA7]  }
0x2d: {  	s3 =	simm.s32 $0x108;
	s8 =	sld [smem:$0x3FA8]  }
0x2e: {  	s3 =	simm.s32 @!p0 $0x1082;
	s9 =	sld [smem:$0x3FA9]  }
0x2f: {  	lr =	sadd.s32 s0, s3;
	s0 =	sld [smem:$0x3FA0]  }
0x30: {  	s3 =	sld [smem:$0x3FA3]  }
0x31: {  	[smem:$0x3FAC] =	sst s10  }
0x32: {  	s10 =	sld [smem:$0x3FAA];
	_ =	sdelay $0x3  }
0x33: {  	p0 =	seq.s32 s10, $0x1;
	s10 =	sld [smem:$0x3FAC];
	_ =	sdelay $0x3  }
0x34: {  	[smem:$0x3FAC] =	sst s10  }
0x35: {  	s10 =	sld [smem:$0x3FAB];
	_ =	sdelay $0x3  }
0x36: {  	p1 =	seq.s32 s10, $0x1;
	s10 =	sld [smem:$0x3FAC];
	_ =	sdelay $0x3  }
0x37: {  	[smem:$0x3FAC] =	sst s10  }
0x38: {  	s10 =	sld [smem:$0x3FAD]  }
0x39: {  	_ = 	snop;
	(pc) =	sbr.ind lr, $3  }
0x3a: {  	_ = 	snop  }
0x3b: {  	_ = 	snop  }
0x3c: {  	p2 =	seq.s32 s10, $0x1;
	s10 =	sld [smem:$0x3FAC]  }
0x3d: {  	_ =	shalt  }
0x3e: {  	_ =	shalt  }
0x3f: {  	_ =	shalt  }
0x40: {  	_ =	shalt  }
0x41: {  	_ =	shalt  }
0x42: {  	_ =	shalt  }
0x43: {  	_ =	shalt  }
0x44: {  	_ =	shalt  }
0x45: {  	_ =	shalt  }
0x46: {  	_ =	shalt  }
0x47: {  	_ =	shalt  }
0x48: {  	_ =	shalt  }
0x49: {  	_ =	shalt  }
0x4a: {  	_ =	shalt  }
0x4b: {  	_ =	shalt  }
0x4c: {  	_ =	shalt  }
0x4d: {  	_ =	shalt  }
0x4e: {  	_ =	shalt  }
0x4f: {  	_ =	shalt  }
0x50: {  	_ =	shalt  }
0x51: {  	_ =	shalt  }
0x52: {  	_ =	shalt  }
0x53: {  	_ =	shalt  }
0x54: {  	_ =	shalt  }
0x55: {  	_ =	shalt  }
0x56: {  	_ =	shalt  }
0x57: {  	_ =	shalt  }
0x58: {  	_ =	shalt  }
0x59: {  	_ =	shalt  }
0x5a: {  	_ =	shalt  }
0x5b: {  	_ =	shalt  }
0x5c: {  	_ =	shalt  }
0x5d: {  	_ =	shalt  }
0x5e: {  	_ =	shalt  }
0x5f: {  	_ =	shalt  }
0x60: {  	_ =	shalt  }
0x61: {  	_ =	shalt  }
0x62: {  	_ =	shalt  }
0x63: {  	_ =	shalt  }
0x64: {  	_ =	shalt  }
0x65: {  	_ =	shalt  }
0x66: {  	_ =	shalt  }
0x67: {  	_ =	shalt  }
0x68: {  	_ =	shalt  }
0x69: {  	_ =	shalt  }
0x6a: {  	_ =	shalt  }
0x6b: {  	_ =	shalt  }
0x6c: {  	_ =	shalt  }
0x6d: {  	_ =	shalt  }
0x6e: {  	_ =	shalt  }
0x6f: {  	_ =	shalt  }
0x70: {  	_ =	shalt  }
0x71: {  	_ =	shalt  }
0x72: {  	_ =	shalt  }
0x73: {  	_ =	shalt  }
0x74: {  	_ =	shalt  }
0x75: {  	_ =	shalt  }
0x76: {  	_ =	shalt  }
0x77: {  	_ =	shalt  }
0x78: {  	_ =	shalt  }
0x79: {  	_ =	shalt  }
0x7a: {  	_ =	shalt  }
0x7b: {  	_ =	shalt  }
0x7c: {  	_ =	shalt  }
0x7d: {  	_ =	shalt  }
0x7e: {  	_ =	shalt  }
0x7f: {  	_ =	shalt  }
0x80: {  	_ =	shalt  }
0x81: {  	_ =	shalt  }
0x82: {  	_ =	shalt  }
0x83: {  	_ =	shalt  }
0x84: {  	_ =	shalt  }
0x85: {  	_ =	shalt  }
0x86: {  	_ =	shalt  }
0x87: {  	_ =	shalt  }
.Lfunc_end0:
.L_simem_size_0:
called_computation.5_lowered:
.L_overlay_start_0:
0x88: {  	s2 =	sld [smem:$0x3FD9]  }
0x89: {  	s3 =	sld [smem:$0x3FFE];
	_ =	sdelay $0x1  }
0x8a: {  	s1 =	srdreg.scid  }
0x8b: {  	s0 =	sand.u32 $0x1, s1  }
0x8c: {  	s16 =	sshll.u32 s0, $0xA;
	s2 =	sadd.s32 s3, s2  }
0x8d: {  	s2 =	sadd.s32 s2, s16  }
0x8e: {  	[smem:$0x3FB8] =	sst s2  }
0x8f: {  	_ = 	snop  }
0x90: {  	(tm) =	ssettm $0x1  }
0x91: {  	s17 =	sld [smem:$0x3FFB];
	_ =	sdelay $0x3  }
0x92: {  	_ =	strace s17  }
0x93: {  	s2 =	sld [smem:$0x3FFC];
	_ =	sdelay $0x3  }
0x94: {  	_ =	strace s2  }
0x95: {  	s2 =	sld [smem:$0x3FFD];
	_ =	sdelay $0x3  }
0x96: {  	_ =	strace s2  }
0x97: {  	_ =	strace $0x8FFFFFFF  }
0x98: {  	s18 =	sld [smem:$0x3FDB];
	_ =	sdelay $0x1  }
0x99: {  	s19 =	simm.s32 $_scs_section_size  }
0x9a: {  	s4 =	simm.s32 $_size__tile_overlayer_lowered;
	s5 =	simm.s32 $_tile_overlayer_lowered  }
0x9b: {  	s22 =	simm.s32 $0x1BFF;
	s21 =	sshll.u32 s5, $0x1;
	s2 =	sadd.s32 s19, s18  }
0x9c: {  	s6 =	simm.s32 $0x0;
	s20 =	sshll.u32 s4, $0x1;
	s4 =	sadd.s32 s21, s2  }
0x9d: {  	[timem:s6], [sflag:s22] =	dma.local [hbm:s4], s20  }
0x9e: {  	_ =	swait.ge [sflag:s22], s20  }
0x9f: {  	s3 =	ssub.s32 $0x0, s20;
	[sflag:s22] =	ssyncset.done $0x0  }
0xa0: {  	[sflag:s22] =	ssyncadd.s32 s3;
	_ =	sdelay $0x1  }
0xa1: {  	s23 =	simm.s32 $0x1B8B  }
0xa2: {  	_ =	swait.ge [sflag:s23], $0x1  }
0xa3: {  	[sflag:s23] =	ssyncset.done $0x0  }
0xa4: {  	s25 =	simm.s32 $0x1B8E;
	s24 =	sld [smem:$0x3FFE];
	[sflag:s23] =	ssyncadd.s32 $0xFFFFFFFF  }
0xa5: {  	s26 =	simm.s32 $execute0_lowered;
	[smem:$0x3FD2] =	sst s25  }
0xa6: {  	s4 =	sshll.u32 s26, $0x1;
	_ =	strace $0x80000055;
	[dreg:$0x1] =	wrdreg $0xFFFFFFFF  }
0xa7: {  	s28 =	simm.s32 $_size_execute0_lowered;
	s2 =	sadd.s32 s2, s4;
	[dreg:$0x0] =	wrdreg $0x0  }
0xa8: {  	s4 =	sshll.u32 s28, $0x1;
	[dreg:$0x2] =	wrdreg s2  }
0xa9: {  	[dreg:$0x3] =	wrdreg s4  }
0xaa: {  	[dreg:$0x4] =	wrdreg $0xC0  }
0xab: {  	_ =	task [dreg:s6], $0x5FFFF  }
0xac: {  	[dreg:$0x1] =	wrdreg $0xFFFFFFFF  }
0xad: {  	[dreg:$0x0] =	wrdreg $0x60  }
0xae: {  	[dreg:$0x2] =	wrdreg s24  }
0xaf: {  	[dreg:$0x3] =	wrdreg $0x84000  }
0xb0: {  	[dreg:$0x4] =	wrdreg $0x9  }
0xb1: {  	_ =	task.clear_ibuf [dreg:s6], $0x5FFFF;
	_ =	strace $0x90000055  }
0xb2: {  	s29 =	simm.s32 $0x9;
	_ =	strace $0x80000057  }
0xb3: {  	_ =	swait.ge [sflag:s29], $0x1  }
0xb4: {  	[sflag:s29] =	ssyncadd.s32 $0xFFFFFFFF  }
0xb5: {  	_ =	strace $0x90000057  }
0xb6: {  	_ =	sfence  }
0xb7: {  	s30 =	sld [smem:$0x0];
	_ =	sdelay $0x2  }
0xb8: {  	s31 =	sshll.u32 s1, $0xD;
	s1 =	sshrl.u32 s1, $0x2  }
0xb9: {  	s3 =	sand.u32 $0x4000, s31;
	s1 =	sadd.s32 s1, s30  }
0xba: {  	s0 =	sor.u32 s3, s0;
	s1 =	sshll.u32 s1, $0x11  }
0xbb: {  	s0 =	sor.u32 s1, s0  }
0xbc: {  	s0 =	sadd.s32 $0x8F2B, s0  }
0xbd: {  	[sflag:s0] =	ssyncadd.remote.s32 $0x1  }
0xbe: {  	_ =	sfence.sel $0xFFFF  }
0xbf: {  	[dreg:$0x0] =	wrdreg $0xFFFFFFFF;
	(pc) =	sbr.abs _section_cstart, $3  }
0xc0: {  	[dreg:$0x1] =	wrdreg $0xFFFFFFFF  }
0xc1: {  	_ =	task.clear_ibuf [dreg:s6], $0x2FFFF;
	_ =	strace $0x9FFFFFFF  }
0xc2: {  	(tm) =	ssettm $0x7FFFFFFF  }
0xc3: {  	_ =	shalt  }
tec
execute0_lowered:
.L_overlay_start_1:
0x0: {  	(tag) =	ssettag $0x1  }
0x1: {  	s1 =	srdreg.scid  }
0x2: {  	s17 =	rddreg [dreg:$0x0];
	s0 =	stileid.u32;
	s18 =	sand.u32 $0x1, s1  }
0x3: {  	s2 =	rddreg [dreg:$0x1];
	s5 =	sshll.u32 s0, $0x6;
	s4 =	sshll.u32 s18, $0xA  }
0x4: {  	s3 =	simm.s32 $0x0;
	s1 =	rddreg [dreg:$0x2];
	s4 =	sor.u32 s5, s4  }
0x5: {  	[smem:$0x7FF] =	sst s3;
	s6 =	sadd.s32 s4, s17  }
0x6: {  	_ =	strace $0x80000056;
	s4 =	simm.s32 $0x1;
	s5 =	sadd.s32 $0x2C400, s6  }
0x7: {  	[tilespmem:s3], [sflag:$0x1] =	stream.linear.gather [hbm4b:s5+s3], $0x180, $0x38;
	[tilespmem:$0xC400] =	vst v63  }
0x8: {  	_ =	swait.ge [sflag:s4], $0x180  }
0x9: {  	[sflag:s4] =	ssyncset.done $0x0  }
0xa: {  	s7 =	simm.s32 $0x200;
	s6 =	sadd.s32 $0x2D200, s6;
	[sflag:s4] =	ssyncadd.s32 $0xFFFFFE80  }
0xb: {  	[tilespmem:s7], [sflag:$0x1] =	stream.linear.gather [hbm4b:s6+s3], $0x180, $0x38;
	[tilespmem:$0xC400] =	vst v63  }
0xc: {  	_ =	swait.ge [sflag:s4], $0x180  }
0xd: {  	[sflag:s4] =	ssyncset.done $0x0  }
0xe: {  	s9 =	simm.s32 $0x4400;
	s8 =	sadd.s32 $0x2DA00, s17;
	[sflag:s4] =	ssyncadd.s32 $0xFFFFFE80  }
0xf: {  	[tilespmem:s9], [sflag:$0x1] =	stream.linear.gather [hbm4b:s8+s3], $0x4000, $0x38;
	[tilespmem:$0xC400] =	vst v63  }
0x10: {  	_ =	swait.ge [sflag:s4], $0x4000  }
0x11: {  	s10 =	sshll.u32 s0, $0xE;
	[sflag:s4] =	ssyncset.done $0x0  }
0x12: {  	s10 =	sadd.s32 s10, s2;
	[sflag:s4] =	ssyncadd.s32 $0xFFFFC000  }
0x13: {  	[spmem:s10] =	stream.linear.scatter [tilespmem:s9], [sflag:$0x1], $0x4000, $0x38;
	[tilespmem:$0xC400] =	vst v63  }
0x14: {  	_ =	swait.ge [sflag:s4], $0x4000  }
0x15: {  	[sflag:s4] =	ssyncset.done $0x0  }
0x16: {  	s12 =	simm.s32 $0x80;
	[sflag:s4] =	ssyncadd.s32 $0xFFFFC000  }
0x17: {  	s13 =	simm.s32 $0x400;
	s11 =	sadd.s32 $0x5200, s17;
	[bflag:$0x0] =	sbarrier.arrive $0xFFFF  }
0x18: {  	[tilespmem:s13], [sflag:$0x1] =	stream.indirect.gather [hbm4b:s11+s12], $0x80, s3, s12, $0xb8;
	[tilespmem:$0xC400] =	vst v63  }
0x19: {  	_ =	swait.ge [sflag:s4], $0x4000  }
0x1a: {  	[sflag:s4] =	ssyncset.done $0x0  }
0x1b: {  	[sflag:s4] =	ssyncadd.s32 $0xFFFFC000  }
0x1c: {  	[spmem:s2] =	stream.indirect.scatter.add.f32 [tilespmem:s13], [sflag:$0x1], $0x80, s7, s12, $0xb8;
	[tilespmem:$0xC400] =	vst v63  }
0x1d: {  	_ =	swait.ge [sflag:s4], $0x4000  }
0x1e: {  	[sflag:s4] =	ssyncset.done $0x0  }
0x1f: {  	[sflag:s4] =	ssyncadd.s32 $0xFFFFC000  }
0x20: {  	[tilespmem:s13], [sflag:$0x1] =	stream.indirect.gather [hbm4b:s11+s12], $0x80, s12, s12, $0xb8;
	[tilespmem:$0xC400] =	vst v63  }
0x21: {  	_ =	swait.ge [sflag:s4], $0x4000  }
0x22: {  	[sflag:s4] =	ssyncset.done $0x0  }
0x23: {  	s14 =	simm.s32 $0x280;
	[sflag:s4] =	ssyncadd.s32 $0xFFFFC000  }
0x24: {  	[spmem:s2] =	stream.indirect.scatter.add.f32 [tilespmem:s13], [sflag:$0x1], $0x80, s14, s12, $0xb8;
	[tilespmem:$0xC400] =	vst v63  }
0x25: {  	_ =	swait.ge [sflag:s4], $0x4000  }
0x26: {  	[sflag:s4] =	ssyncset.done $0x0  }
0x27: {  	s15 =	simm.s32 $0x100;
	[sflag:s4] =	ssyncadd.s32 $0xFFFFC000  }
0x28: {  	[tilespmem:s13], [sflag:$0x1] =	stream.indirect.gather [hbm4b:s11+s12], $0x80, s15, s12, $0xb8;
	[tilespmem:$0xC400] =	vst v63  }
0x29: {  	_ =	swait.ge [sflag:s4], $0x4000  }
0x2a: {  	[sflag:s4] =	ssyncset.done $0x0  }
0x2b: {  	s16 =	simm.s32 $0x300;
	[sflag:s4] =	ssyncadd.s32 $0xFFFFC000  }
0x2c: {  	[spmem:s2] =	stream.indirect.scatter.add.f32 [tilespmem:s13], [sflag:$0x1], $0x80, s16, s12, $0xb8;
	[tilespmem:$0xC400] =	vst v63  }
0x2d: {  	s19 =	ssub.s32 $0x2, s18;
	_ =	swait.ge [sflag:s4], $0x4000  }
0x2e: {  	s20 =	sshrl.u32 s19, $0x1;
	[sflag:s4] =	ssyncset.done $0x0  }
0x2f: {  	s18 =	sshll.u32 s18, $0xF;
	s30 =	ssub.s32 s19, s20;
	[sflag:s4] =	ssyncadd.s32 $0xFFFFC000  }
0x30: {  	s17 =	sadd.s32 s18, s17;
	s18 =	smax.u32 s30, $0x1;
	[bflag:$0x0] =	sbarrier.arrive $0xFFFF  }
0x31: {  	[tilespmem:s9], [sflag:$0x1] =	stream.linear.gather [spmem:s10], $0x4000, $0x38;
	[tilespmem:$0xC400] =	vst v63  }
0x32: {  	s31 =	sshll.u32 s0, $0xB;
	p0 =	sne.s32 s18, $0x1;
	_ =	swait.ge [sflag:s4], $0x4000  }
.Ltmp0:
0x33: {  	s17 =	sadd.s32 $0x2E200, s17;
	[sflag:s4] =	ssyncset.done $0x0;
	(pc) =	sbr.rel @!p0 .LBB2_2-.Ltmp0, $4  }
0x34: {  	s17 =	sadd.s32 s31, s17;
	[sflag:s4] =	ssyncadd.s32 $0xFFFFC000  }
0x35: {  	[hbm4b:s17+s3] =	stream.linear.scatter [tilespmem:s9], [sflag:$0x1], $0x4000, $0x38;
	[tilespmem:$0xC400] =	vst v63  }
0x36: {  	_ =	swait.ge [sflag:s4], $0x4000  }
0x37: {  	s18 =	sadd.s32 $0xFFFFFFFF, s18;
	[sflag:s4] =	ssyncset.done $0x0  }
.LBB2_1:
0x38: {  	p0 =	sne.s32 s18, $0x1;
	s18 =	sadd.s32 $0xFFFFFFFF, s18;
	[sflag:s4] =	ssyncadd.s32 $0xFFFFC000  }
0x39: {  	[tilespmem:s3], [sflag:$0x1] =	stream.linear.gather [hbm4b:s5+s3], $0x180, $0x38;
	[tilespmem:$0xC400] =	vst v63  }
0x3a: {  	_ =	swait.ge [sflag:s4], $0x180  }
0x3b: {  	[sflag:s4] =	ssyncset.done $0x0  }
0x3c: {  	[sflag:s4] =	ssyncadd.s32 $0xFFFFFE80  }
0x3d: {  	[tilespmem:s7], [sflag:$0x1] =	stream.linear.gather [hbm4b:s6+s3], $0x180, $0x38;
	[tilespmem:$0xC400] =	vst v63  }
0x3e: {  	_ =	swait.ge [sflag:s4], $0x180  }
0x3f: {  	[sflag:s4] =	ssyncset.done $0x0  }
0x40: {  	[sflag:s4] =	ssyncadd.s32 $0xFFFFFE80  }
0x41: {  	[tilespmem:s9], [sflag:$0x1] =	stream.linear.gather [hbm4b:s8+s3], $0x4000, $0x38;
	[tilespmem:$0xC400] =	vst v63  }
0x42: {  	_ =	swait.ge [sflag:s4], $0x4000  }
0x43: {  	[sflag:s4] =	ssyncset.done $0x0  }
0x44: {  	[sflag:s4] =	ssyncadd.s32 $0xFFFFC000  }
0x45: {  	[spmem:s10] =	stream.linear.scatter [tilespmem:s9], [sflag:$0x1], $0x4000, $0x38;
	[tilespmem:$0xC400] =	vst v63  }
0x46: {  	_ =	swait.ge [sflag:s4], $0x4000  }
0x47: {  	[sflag:s4] =	ssyncset.done $0x0  }
0x48: {  	[sflag:s4] =	ssyncadd.s32 $0xFFFFC000  }
0x49: {  	[bflag:$0x0] =	sbarrier.arrive $0xFFFF  }
0x4a: {  	[tilespmem:s13], [sflag:$0x1] =	stream.indirect.gather [hbm4b:s11+s12], $0x80, s3, s12, $0xb8;
	[tilespmem:$0xC400] =	vst v63  }
0x4b: {  	_ =	swait.ge [sflag:s4], $0x4000  }
0x4c: {  	[sflag:s4] =	ssyncset.done $0x0  }
0x4d: {  	[sflag:s4] =	ssyncadd.s32 $0xFFFFC000  }
0x4e: {  	[spmem:s2] =	stream.indirect.scatter.add.f32 [tilespmem:s13], [sflag:$0x1], $0x80, s7, s12, $0xb8;
	[tilespmem:$0xC400] =	vst v63  }
0x4f: {  	_ =	swait.ge [sflag:s4], $0x4000  }
0x50: {  	[sflag:s4] =	ssyncset.done $0x0  }
0x51: {  	[sflag:s4] =	ssyncadd.s32 $0xFFFFC000  }
0x52: {  	[tilespmem:s13], [sflag:$0x1] =	stream.indirect.gather [hbm4b:s11+s12], $0x80, s12, s12, $0xb8;
	[tilespmem:$0xC400] =	vst v63  }
0x53: {  	_ =	swait.ge [sflag:s4], $0x4000  }
0x54: {  	[sflag:s4] =	ssyncset.done $0x0  }
0x55: {  	[sflag:s4] =	ssyncadd.s32 $0xFFFFC000  }
0x56: {  	[spmem:s2] =	stream.indirect.scatter.add.f32 [tilespmem:s13], [sflag:$0x1], $0x80, s14, s12, $0xb8;
	[tilespmem:$0xC400] =	vst v63  }
0x57: {  	_ =	swait.ge [sflag:s4], $0x4000  }
0x58: {  	[sflag:s4] =	ssyncset.done $0x0  }
0x59: {  	[sflag:s4] =	ssyncadd.s32 $0xFFFFC000  }
0x5a: {  	[tilespmem:s13], [sflag:$0x1] =	stream.indirect.gather [hbm4b:s11+s12], $0x80, s15, s12, $0xb8;
	[tilespmem:$0xC400] =	vst v63  }
0x5b: {  	_ =	swait.ge [sflag:s4], $0x4000  }
0x5c: {  	[sflag:s4] =	ssyncset.done $0x0  }
0x5d: {  	[sflag:s4] =	ssyncadd.s32 $0xFFFFC000  }
0x5e: {  	[spmem:s2] =	stream.indirect.scatter.add.f32 [tilespmem:s13], [sflag:$0x1], $0x80, s16, s12, $0xb8;
	[tilespmem:$0xC400] =	vst v63  }
0x5f: {  	_ =	swait.ge [sflag:s4], $0x4000  }
0x60: {  	[sflag:s4] =	ssyncset.done $0x0  }
0x61: {  	[sflag:s4] =	ssyncadd.s32 $0xFFFFC000  }
0x62: {  	[bflag:$0x0] =	sbarrier.arrive $0xFFFF  }
0x63: {  	[tilespmem:s9], [sflag:$0x1] =	stream.linear.gather [spmem:s10], $0x4000, $0x38;
	[tilespmem:$0xC400] =	vst v63  }
0x64: {  	_ =	swait.ge [sflag:s4], $0x4000  }
.Ltmp1:
0x65: {  	[sflag:s4] =	ssyncset.done $0x0;
	(pc) =	sbr.rel @p0 .LBB2_1-.Ltmp1, $4  }
0x66: {  	[sflag:s4] =	ssyncadd.s32 $0xFFFFC000  }
0x67: {  	[hbm4b:s17+s3] =	stream.linear.scatter [tilespmem:s9], [sflag:$0x1], $0x4000, $0x38;
	[tilespmem:$0xC400] =	vst v63  }
0x68: {  	_ =	swait.ge [sflag:s4], $0x4000  }
0x69: {  	[sflag:s4] =	ssyncset.done $0x0  }
.LBB2_2:
0x6a: {  	[sflag:s4] =	ssyncadd.s32 $0xFFFFC000  }
0x6b: {  	_ =	sfence.sel $0x180000  }
0x6c: {  	[bflag:$0x0] =	sbarrier.arrive $0xFFFF  }
0x6d: {  	p0 =	sne.s32 s0, $0x0;
	_ =	strace $0x90000056  }
0x6e: {  	s0 =	sadd.s32 @!p0 $0x100000, s1;
	[bflag:$0x2] =	sbarrier.arrive $0xFFFF  }
0x6f: {  	[sflag:s0] =	ssyncadd.tile.s32 @!p0 $0x1;
	_ =	shalt  }
.Lfunc_end2:
_tile_overlayer_lowered:
.L_overlay_start_2:
0x70: {  	(tag) =	ssettag $0x2  }
0x71: {  	s0 =	rddreg [dreg:$0x0];
	s2 =	stileid.u32  }
0x72: {  	s1 =	rddreg [dreg:$0x1];
	p0 =	sne.s32 s2, $0x0  }
0x73: {  	s3 =	rddreg [dreg:$0x2];
	[bflag:$0x3] =	sbarrier.arrive $0xFFFF;
	s2 =	simm.s32 @!p0 $0x1C01  }
0x74: {  	[timem:s3], [sflag:s2] =	dma.local @!p0 [hbm:s0], s1  }
0x75: {  	s0 =	simm.s32 @!p0 $0x1  }
0x76: {  	_ =	swait.ge @!p0 [sflag:s0], s1  }
0x77: {  	s1 =	ssub.s32 @!p0 $0x0, s1;
	[sflag:s0] =	ssyncset.done @!p0 $0x0  }
0x78: {  	[sflag:s0] =	ssyncadd.s32 @!p0 s1  }
0x79: {  	[bflag:$0x3] =	sbarrier.arrive $0xFFFF  }
0x7a: {  	_ =	shalt  }

// kernel: kernel.35.cloned.1.call-start
scs
__scs_entry_jumppad:
0x0: {  	(pc) =	sbr.rel $0x88, $3  }
0x1: {  	(tag) =	ssettag $0x0;
	lr =	simm.s32 $0x1  }
0x2: {  	[smem:$0x3F91] =	sst lr;
	_ =	strace $0xD0000000  }
0x3: {  	_ = 	snop  }
0x4: {  	_ = 	snop  }
0x5: {  	_ = 	snop  }
0x6: {  	_ = 	snop  }
0x7: {  	_ = 	snop  }
__scs_overlays_trampoline_lowered:
0x8: {  	[smem:$0x3FA0] =	sst s0  }
0x9: {  	[smem:$0x3FA1] =	sst s1  }
0xa: {  	[smem:$0x3FA2] =	sst s2  }
0xb: {  	[smem:$0x3FA3] =	sst s3  }
0xc: {  	[smem:$0x3FA4] =	sst s4  }
0xd: {  	[smem:$0x3FA5] =	sst s5  }
0xe: {  	[smem:$0x3FA6] =	sst s6  }
0xf: {  	[smem:$0x3FA7] =	sst s7  }
0x10: {  	[smem:$0x3FA8] =	sst s8  }
0x11: {  	[smem:$0x3FA9] =	sst s9;
	s0 =	simm.s32 @!p0 $0x0  }
0x12: {  	s1 =	sld [smem:$0x3F8F];
	s0 =	simm.s32 @p0 $0x1  }
0x13: {  	[smem:$0x3FAA] =	sst s0;
	s0 =	simm.s32 @!p1 $0x0  }
0x14: {  	s2 =	sld [smem:$0x3F8E];
	s0 =	simm.s32 @p1 $0x1  }
0x15: {  	[smem:$0x3FAB] =	sst s0;
	s0 =	simm.s32 @!p2 $0x0  }
0x16: {  	s3 =	sld [smem:$0x3FDB];
	s0 =	simm.s32 @p2 $0x1  }
0x17: {  	s4 =	simm.s32 $0x1BF5;
	[smem:$0x3FAD] =	sst s0  }
0x18: {  	s0 =	sld [smem:$0x3F90];
	_ =	swait.ge [sflag:s4], $0x0  }
0x19: {  	s7 =	sld [smem:$0x3F91]  }
0x1a: {  	s8 =	sadd.s32 $0xFFFFE003, lr  }
0x1b: {  	s9 =	sadd.s32 $0xFFFFFEF7, lr;
	s5 =	simm.s32 $0xFFFFFFFF;
	p2 =	slt.u32 s8, $0xFFFFF086  }
0x1c: {  	p1 =	slt.u32 s9, $0xF7A;
	s5 =	simm.s32 @!p2 $0x0  }
0x1d: {  	s5 =	simm.s32 @p1 $0x1;
	p0 =	seq.s32 s7, s2  }
0x1e: {  	s7 =	smul.u32 @!p0 $0xF7A, s2;
	p2 =	seq.s32 @!p0 s5, $0x0  }
0x1f: {  	s9 =	smul.u32 $0xF7A, s1;
	s8 =	simm.s32 @!p0 $0x1BF5;
	p2 =	por !p2, p0  }
0x20: {  	[sflag:s8] =	ssyncset.s32 @!p0 $0xFFFFF086;
	s6 =	sadd.s32 @!p0 s3, s7;
	s7 =	simm.s32 @!p0 $0x108  }
0x21: {  	s3 =	sadd.s32 s3, s9;
	s6 =	sadd.s32 @!p0 $0x88, s6;
	s7 =	simm.s32 @p2 $0x1082  }
0x22: {  	[simem:s7], [sflag:s8] =	dma.local @!p0 [hbm:s6], $0xF7A  }
0x23: {  	s9 =	sor.u32 $0xD0000000, s2;
	s6 =	simm.s32 $0x108;
	_ =	swait.ge @!p0 [sflag:s8], $0x0  }
0x24: {  	s3 =	sadd.s32 $0x88, s3;
	s6 =	simm.s32 @!p1 $0x1082;
	[sflag:s4] =	ssyncset.s32 $0xFFFFF086  }
0x25: {  	[simem:s6], [sflag:s4] =	dma.local [hbm:s3], $0xF7A  }
0x26: {  	[smem:$0x3F91] =	sst s1;
	(tag) =	ssettag s2;
	_ =	strace s9  }
0x27: {  	s1 =	sld [smem:$0x3FA1]  }
0x28: {  	s2 =	sld [smem:$0x3FA2]  }
0x29: {  	s4 =	sld [smem:$0x3FA4]  }
0x2a: {  	p0 =	seq.s32 s5, $0x0;
	s5 =	sld [smem:$0x3FA5]  }
0x2b: {  	s6 =	sld [smem:$0x3FA6]  }
0x2c: {  	s7 =	sld [smem:$0x3FA7]  }
0x2d: {  	s3 =	simm.s32 $0x108;
	s8 =	sld [smem:$0x3FA8]  }
0x2e: {  	s3 =	simm.s32 @!p0 $0x1082;
	s9 =	sld [smem:$0x3FA9]  }
0x2f: {  	lr =	sadd.s32 s0, s3;
	s0 =	sld [smem:$0x3FA0]  }
0x30: {  	s3 =	sld [smem:$0x3FA3]  }
0x31: {  	[smem:$0x3FAC] =	sst s10  }
0x32: {  	s10 =	sld [smem:$0x3FAA];
	_ =	sdelay $0x3  }
0x33: {  	p0 =	seq.s32 s10, $0x1;
	s10 =	sld [smem:$0x3FAC];
	_ =	sdelay $0x3  }
0x34: {  	[smem:$0x3FAC] =	sst s10  }
0x35: {  	s10 =	sld [smem:$0x3FAB];
	_ =	sdelay $0x3  }
0x36: {  	p1 =	seq.s32 s10, $0x1;
	s10 =	sld [smem:$0x3FAC];
	_ =	sdelay $0x3  }
0x37: {  	[smem:$0x3FAC] =	sst s10  }
0x38: {  	s10 =	sld [smem:$0x3FAD]  }
0x39: {  	_ = 	snop;
	(pc) =	sbr.ind lr, $3  }
0x3a: {  	_ = 	snop  }
0x3b: {  	_ = 	snop  }
0x3c: {  	p2 =	seq.s32 s10, $0x1;
	s10 =	sld [smem:$0x3FAC]  }
0x3d: {  	_ =	shalt  }
0x3e: {  	_ =	shalt  }
0x3f: {  	_ =	shalt  }
0x40: {  	_ =	shalt  }
0x41: {  	_ =	shalt  }
0x42: {  	_ =	shalt  }
0x43: {  	_ =	shalt  }
0x44: {  	_ =	shalt  }
0x45: {  	_ =	shalt  }
0x46: {  	_ =	shalt  }
0x47: {  	_ =	shalt  }
0x48: {  	_ =	shalt  }
0x49: {  	_ =	shalt  }
0x4a: {  	_ =	shalt  }
0x4b: {  	_ =	shalt  }
0x4c: {  	_ =	shalt  }
0x4d: {  	_ =	shalt  }
0x4e: {  	_ =	shalt  }
0x4f: {  	_ =	shalt  }
0x50: {  	_ =	shalt  }
0x51: {  	_ =	shalt  }
0x52: {  	_ =	shalt  }
0x53: {  	_ =	shalt  }
0x54: {  	_ =	shalt  }
0x55: {  	_ =	shalt  }
0x56: {  	_ =	shalt  }
0x57: {  	_ =	shalt  }
0x58: {  	_ =	shalt  }
0x59: {  	_ =	shalt  }
0x5a: {  	_ =	shalt  }
0x5b: {  	_ =	shalt  }
0x5c: {  	_ =	shalt  }
0x5d: {  	_ =	shalt  }
0x5e: {  	_ =	shalt  }
0x5f: {  	_ =	shalt  }
0x60: {  	_ =	shalt  }
0x61: {  	_ =	shalt  }
0x62: {  	_ =	shalt  }
0x63: {  	_ =	shalt  }
0x64: {  	_ =	shalt  }
0x65: {  	_ =	shalt  }
0x66: {  	_ =	shalt  }
0x67: {  	_ =	shalt  }
0x68: {  	_ =	shalt  }
0x69: {  	_ =	shalt  }
0x6a: {  	_ =	shalt  }
0x6b: {  	_ =	shalt  }
0x6c: {  	_ =	shalt  }
0x6d: {  	_ =	shalt  }
0x6e: {  	_ =	shalt  }
0x6f: {  	_ =	shalt  }
0x70: {  	_ =	shalt  }
0x71: {  	_ =	shalt  }
0x72: {  	_ =	shalt  }
0x73: {  	_ =	shalt  }
0x74: {  	_ =	shalt  }
0x75: {  	_ =	shalt  }
0x76: {  	_ =	shalt  }
0x77: {  	_ =	shalt  }
0x78: {  	_ =	shalt  }
0x79: {  	_ =	shalt  }
0x7a: {  	_ =	shalt  }
0x7b: {  	_ =	shalt  }
0x7c: {  	_ =	shalt  }
0x7d: {  	_ =	shalt  }
0x7e: {  	_ =	shalt  }
0x7f: {  	_ =	shalt  }
0x80: {  	_ =	shalt  }
0x81: {  	_ =	shalt  }
0x82: {  	_ =	shalt  }
0x83: {  	_ =	shalt  }
0x84: {  	_ =	shalt  }
0x85: {  	_ =	shalt  }
0x86: {  	_ =	shalt  }
0x87: {  	_ =	shalt  }
.Lfunc_end0:
.L_simem_size_0:
called_computation.6_lowered:
.L_overlay_start_0:
0x88: {  	s2 =	sld [smem:$0x3FD9]  }
0x89: {  	s3 =	sld [smem:$0x3FFE];
	_ =	sdelay $0x1  }
0x8a: {  	s1 =	srdreg.scid  }
0x8b: {  	s0 =	sand.u32 $0x1, s1  }
0x8c: {  	s14 =	sshll.u32 s0, $0xA;
	s2 =	sadd.s32 s3, s2  }
0x8d: {  	s2 =	sadd.s32 s2, s14  }
0x8e: {  	[smem:$0x3FB8] =	sst s2  }
0x8f: {  	_ = 	snop  }
0x90: {  	s2 =	sld [smem:$0x3FD0];
	_ =	sdelay $0x2  }
0x91: {  	s15 =	simm.s32 $0xA;
	s4 =	simm.s32 $0x10  }
0x92: {  	[smem:s4], [sflag:s15] =	dma.local [hbm:s2], $0x1  }
0x93: {  	_ =	swait.eq [sflag:s15], $0x1  }
0x94: {  	[sflag:s15] =	ssyncset.done $0x0  }
0x95: {  	[sflag:s15] =	ssyncadd.s32 $0xFFFFFFFF  }
0x96: {  	s16 =	sld [smem:$0x11];
	(tm) =	ssettm $0x1  }
0x97: {  	s17 =	sld [smem:$0x3FFB];
	_ =	sdelay $0x3  }
0x98: {  	_ =	strace s17  }
0x99: {  	s3 =	sld [smem:$0x3FFC];
	_ =	sdelay $0x3  }
0x9a: {  	_ =	strace s3  }
0x9b: {  	s3 =	sld [smem:$0x3FFD];
	_ =	sdelay $0x3  }
0x9c: {  	_ =	strace s3  }
0x9d: {  	_ =	strace $0x8FFFFFFF  }
0x9e: {  	s18 =	sld [smem:$0x3FDB];
	_ =	sdelay $0x1  }
0x9f: {  	s19 =	simm.s32 $_scs_section_size  }
0xa0: {  	s5 =	simm.s32 $_size__tile_overlayer_lowered;
	s6 =	simm.s32 $_tile_overlayer_lowered  }
0xa1: {  	s22 =	simm.s32 $0x1BFF;
	s21 =	sshll.u32 s6, $0x1;
	s3 =	sadd.s32 s19, s18  }
0xa2: {  	s7 =	simm.s32 $0x0;
	s20 =	sshll.u32 s5, $0x1;
	s5 =	sadd.s32 s21, s3  }
0xa3: {  	[timem:s7], [sflag:s22] =	dma.local [hbm:s5], s20  }
0xa4: {  	_ =	swait.ge [sflag:s22], s20  }
0xa5: {  	s4 =	ssub.s32 $0x0, s20;
	[sflag:s22] =	ssyncset.done $0x0  }
0xa6: {  	[sflag:s22] =	ssyncadd.s32 s4;
	_ =	sdelay $0x1  }
0xa7: {  	s23 =	simm.s32 $0x1B8B  }
0xa8: {  	_ =	swait.ge [sflag:s23], $0x1  }
0xa9: {  	[sflag:s23] =	ssyncset.done $0x0  }
0xaa: {  	s25 =	simm.s32 $0x1B8E;
	s24 =	sld [smem:$0x3FFE];
	[sflag:s23] =	ssyncadd.s32 $0xFFFFFFFF  }
0xab: {  	s26 =	simm.s32 $execute0_lowered;
	[smem:$0x3FD2] =	sst s25  }
0xac: {  	s5 =	sshll.u32 s26, $0x1;
	_ =	strace $0x80000058;
	[dreg:$0x1] =	wrdreg $0xFFFFFFFF  }
0xad: {  	s28 =	simm.s32 $_size_execute0_lowered;
	s3 =	sadd.s32 s3, s5;
	[dreg:$0x0] =	wrdreg $0x0  }
0xae: {  	s5 =	sshll.u32 s28, $0x1;
	[dreg:$0x2] =	wrdreg s3  }
0xaf: {  	[dreg:$0x3] =	wrdreg s5  }
0xb0: {  	[dreg:$0x4] =	wrdreg $0xC0  }
0xb1: {  	_ =	task [dreg:s7], $0x5FFFF  }
0xb2: {  	[dreg:$0x1] =	wrdreg $0xFFFFFFFF  }
0xb3: {  	[dreg:$0x0] =	wrdreg $0x60  }
0xb4: {  	[dreg:$0x2] =	wrdreg s24  }
0xb5: {  	[dreg:$0x3] =	wrdreg s16  }
0xb6: {  	[dreg:$0x4] =	wrdreg $0x88000  }
0xb7: {  	[dreg:$0x5] =	wrdreg $0x9  }
0xb8: {  	_ =	task.clear_ibuf [dreg:s7], $0x6FFFF;
	_ =	strace $0x90000058  }
0xb9: {  	s29 =	simm.s32 $0x9;
	_ =	strace $0x8000005A  }
0xba: {  	_ =	swait.ge [sflag:s29], $0x1  }
0xbb: {  	[sflag:s29] =	ssyncadd.s32 $0xFFFFFFFF  }
0xbc: {  	_ =	strace $0x9000005A  }
0xbd: {  	_ =	sfence  }
0xbe: {  	s30 =	sld [smem:$0x0];
	_ =	sdelay $0x2  }
0xbf: {  	s31 =	sshll.u32 s1, $0xD;
	s1 =	sshrl.u32 s1, $0x2  }
0xc0: {  	s3 =	sand.u32 $0x4000, s31;
	s1 =	sadd.s32 s1, s30  }
0xc1: {  	s0 =	sor.u32 s3, s0;
	s1 =	sshll.u32 s1, $0x11  }
0xc2: {  	s0 =	sor.u32 s1, s0  }
0xc3: {  	s0 =	sadd.s32 $0x8F2B, s0  }
0xc4: {  	[sflag:s0] =	ssyncadd.remote.s32 $0x1  }
0xc5: {  	_ =	sfence.sel $0xFFFF  }
0xc6: {  	[dreg:$0x0] =	wrdreg $0xFFFFFFFF;
	(pc) =	sbr.abs _section_cstart, $3  }
0xc7: {  	[dreg:$0x1] =	wrdreg $0xFFFFFFFF  }
0xc8: {  	_ =	task.clear_ibuf [dreg:s7], $0x2FFFF;
	_ =	strace $0x9FFFFFFF  }
0xc9: {  	(tm) =	ssettm $0x7FFFFFFF  }
tec
execute0_lowered:
.L_overlay_start_1:
0x0: {  	(tag) =	ssettag $0x1  }
0x1: {  	s21 =	rddreg [dreg:$0x0]  }
0x2: {  	s4 =	rddreg [dreg:$0x1]  }
0x3: {  	s2 =	rddreg [dreg:$0x2];
	s3 =	srdreg.scid  }
0x4: {  	s0 =	rddreg [dreg:$0x3];
	s1 =	stileid.u32;
	s22 =	sand.u32 $0x1, s3  }
0x5: {  	s3 =	simm.s32 $0x0;
	s6 =	sshll.u32 s1, $0x7;
	s5 =	sshll.u32 s22, $0xB  }
0x6: {  	[smem:$0x7FF] =	sst s3;
	s6 =	sor.u32 s6, s5  }
0x7: {  	_ =	strace $0x80000059;
	s5 =	sadd.s32 s4, s6;
	s4 =	simm.s32 $0x1  }
0x8: {  	[tilespmem:s3], [sflag:$0x1] =	stream.linear.gather [hbm4b:s5+s3], $0x280, $0x38;
	[tilespmem:$0xC800] =	vst v63  }
0x9: {  	_ =	swait.ge [sflag:s4], $0x280  }
0xa: {  	s6 =	sadd.s32 s6, s21;
	[sflag:s4] =	ssyncset.done $0x0  }
0xb: {  	s7 =	simm.s32 $0x400;
	s6 =	sadd.s32 $0x3E200, s6;
	[sflag:s4] =	ssyncadd.s32 $0xFFFFFD80  }
0xc: {  	[tilespmem:s7], [sflag:$0x1] =	stream.linear.gather [hbm4b:s6+s3], $0x280, $0x38;
	[tilespmem:$0xC800] =	vst v63  }
0xd: {  	_ =	swait.ge [sflag:s4], $0x280  }
0xe: {  	[sflag:s4] =	ssyncset.done $0x0  }
0xf: {  	s9 =	simm.s32 $0x4800;
	s8 =	sadd.s32 $0x2DA00, s21;
	[sflag:s4] =	ssyncadd.s32 $0xFFFFFD80  }
0x10: {  	[tilespmem:s9], [sflag:$0x1] =	stream.linear.gather [hbm4b:s8+s3], $0x4000, $0x38;
	[tilespmem:$0xC800] =	vst v63  }
0x11: {  	_ =	swait.ge [sflag:s4], $0x4000  }
0x12: {  	s10 =	sshll.u32 s1, $0xE;
	[sflag:s4] =	ssyncset.done $0x0  }
0x13: {  	s10 =	sadd.s32 s10, s2;
	[sflag:s4] =	ssyncadd.s32 $0xFFFFC000  }
0x14: {  	[spmem:s10] =	stream.linear.scatter [tilespmem:s9], [sflag:$0x1], $0x4000, $0x38;
	[tilespmem:$0xC800] =	vst v63  }
0x15: {  	_ =	swait.ge [sflag:s4], $0x4000  }
0x16: {  	[sflag:s4] =	ssyncset.done $0x0  }
0x17: {  	s12 =	simm.s32 $0x80;
	[sflag:s4] =	ssyncadd.s32 $0xFFFFC000  }
0x18: {  	s13 =	simm.s32 $0x800;
	s11 =	sadd.s32 $0x2E200, s21;
	[bflag:$0x0] =	sbarrier.arrive $0xFFFF  }
0x19: {  	[tilespmem:s13], [sflag:$0x1] =	stream.indirect.gather [hbm4b:s11+s12], $0x80, s3, s12, $0xb8;
	[tilespmem:$0xC800] =	vst v63  }
0x1a: {  	_ =	swait.ge [sflag:s4], $0x4000  }
0x1b: {  	[sflag:s4] =	ssyncset.done $0x0  }
0x1c: {  	[sflag:s4] =	ssyncadd.s32 $0xFFFFC000  }
0x1d: {  	[spmem:s2] =	stream.indirect.scatter.add.f32 [tilespmem:s13], [sflag:$0x1], $0x80, s7, s12, $0xb8;
	[tilespmem:$0xC800] =	vst v63  }
0x1e: {  	_ =	swait.ge [sflag:s4], $0x4000  }
0x1f: {  	[sflag:s4] =	ssyncset.done $0x0  }
0x20: {  	[sflag:s4] =	ssyncadd.s32 $0xFFFFC000  }
0x21: {  	[tilespmem:s13], [sflag:$0x1] =	stream.indirect.gather [hbm4b:s11+s12], $0x80, s12, s12, $0xb8;
	[tilespmem:$0xC800] =	vst v63  }
0x22: {  	_ =	swait.ge [sflag:s4], $0x4000  }
0x23: {  	[sflag:s4] =	ssyncset.done $0x0  }
0x24: {  	s14 =	simm.s32 $0x480;
	[sflag:s4] =	ssyncadd.s32 $0xFFFFC000  }
0x25: {  	[spmem:s2] =	stream.indirect.scatter.add.f32 [tilespmem:s13], [sflag:$0x1], $0x80, s14, s12, $0xb8;
	[tilespmem:$0xC800] =	vst v63  }
0x26: {  	_ =	swait.ge [sflag:s4], $0x4000  }
0x27: {  	[sflag:s4] =	ssyncset.done $0x0  }
0x28: {  	s15 =	simm.s32 $0x100;
	[sflag:s4] =	ssyncadd.s32 $0xFFFFC000  }
0x29: {  	[tilespmem:s13], [sflag:$0x1] =	stream.indirect.gather [hbm4b:s11+s12], $0x80, s15, s12, $0xb8;
	[tilespmem:$0xC800] =	vst v63  }
0x2a: {  	_ =	swait.ge [sflag:s4], $0x4000  }
0x2b: {  	[sflag:s4] =	ssyncset.done $0x0  }
0x2c: {  	s16 =	simm.s32 $0x500;
	[sflag:s4] =	ssyncadd.s32 $0xFFFFC000  }
0x2d: {  	[spmem:s2] =	stream.indirect.scatter.add.f32 [tilespmem:s13], [sflag:$0x1], $0x80, s16, s12, $0xb8;
	[tilespmem:$0xC800] =	vst v63  }
0x2e: {  	_ =	swait.ge [sflag:s4], $0x4000  }
0x2f: {  	[sflag:s4] =	ssyncset.done $0x0  }
0x30: {  	s17 =	simm.s32 $0x180;
	[sflag:s4] =	ssyncadd.s32 $0xFFFFC000  }
0x31: {  	[tilespmem:s13], [sflag:$0x1] =	stream.indirect.gather [hbm4b:s11+s12], $0x80, s17, s12, $0xb8;
	[tilespmem:$0xC800] =	vst v63  }
0x32: {  	_ =	swait.ge [sflag:s4], $0x4000  }
0x33: {  	[sflag:s4] =	ssyncset.done $0x0  }
0x34: {  	s18 =	simm.s32 $0x580;
	[sflag:s4] =	ssyncadd.s32 $0xFFFFC000  }
0x35: {  	[spmem:s2] =	stream.indirect.scatter.add.f32 [tilespmem:s13], [sflag:$0x1], $0x80, s18, s12, $0xb8;
	[tilespmem:$0xC800] =	vst v63  }
0x36: {  	_ =	swait.ge [sflag:s4], $0x4000  }
0x37: {  	[sflag:s4] =	ssyncset.done $0x0  }
0x38: {  	s19 =	simm.s32 $0x200;
	[sflag:s4] =	ssyncadd.s32 $0xFFFFC000  }
0x39: {  	[tilespmem:s13], [sflag:$0x1] =	stream.indirect.gather [hbm4b:s11+s12], $0x80, s19, s12, $0xb8;
	[tilespmem:$0xC800] =	vst v63  }
0x3a: {  	_ =	swait.ge [sflag:s4], $0x4000  }
0x3b: {  	[sflag:s4] =	ssyncset.done $0x0  }
0x3c: {  	s20 =	simm.s32 $0x600;
	[sflag:s4] =	ssyncadd.s32 $0xFFFFC000  }
0x3d: {  	[spmem:s2] =	stream.indirect.scatter.add.f32 [tilespmem:s13], [sflag:$0x1], $0x80, s20, s12, $0xb8;
	[tilespmem:$0xC800] =	vst v63  }
0x3e: {  	s23 =	ssub.s32 $0x2, s22;
	_ =	swait.ge [sflag:s4], $0x4000  }
0x3f: {  	s24 =	sshrl.u32 s23, $0x1;
	[sflag:s4] =	ssyncset.done $0x0  }
0x40: {  	s22 =	sshll.u32 s22, $0xF;
	s30 =	ssub.s32 s23, s24;
	[sflag:s4] =	ssyncadd.s32 $0xFFFFC000  }
0x41: {  	s21 =	sadd.s32 s22, s21;
	s22 =	smax.u32 s30, $0x1;
	[bflag:$0x0] =	sbarrier.arrive $0xFFFF  }
0x42: {  	[tilespmem:s9], [sflag:$0x1] =	stream.linear.gather [spmem:s10], $0x4000, $0x38;
	[tilespmem:$0xC800] =	vst v63  }
0x43: {  	s31 =	sshll.u32 s1, $0xB;
	p0 =	sne.s32 s22, $0x1;
	_ =	swait.ge [sflag:s4], $0x4000  }
.Ltmp0:
0x44: {  	s21 =	sadd.s32 $0x5200, s21;
	[sflag:s4] =	ssyncset.done $0x0;
	(pc) =	sbr.rel @!p0 .LBB2_2-.Ltmp0, $4  }
0x45: {  	s21 =	sadd.s32 s31, s21;
	[sflag:s4] =	ssyncadd.s32 $0xFFFFC000  }
0x46: {  	[hbm4b:s21+s3] =	stream.linear.scatter [tilespmem:s9], [sflag:$0x1], $0x4000, $0x38;
	[tilespmem:$0xC800] =	vst v63  }
0x47: {  	_ =	swait.ge [sflag:s4], $0x4000  }
0x48: {  	s22 =	sadd.s32 $0xFFFFFFFF, s22;
	[sflag:s4] =	ssyncset.done $0x0  }
.LBB2_1:
0x49: {  	p0 =	sne.s32 s22, $0x1;
	s22 =	sadd.s32 $0xFFFFFFFF, s22;
	[sflag:s4] =	ssyncadd.s32 $0xFFFFC000  }
0x4a: {  	[tilespmem:s3], [sflag:$0x1] =	stream.linear.gather [hbm4b:s5+s3], $0x280, $0x38;
	[tilespmem:$0xC800] =	vst v63  }
0x4b: {  	_ =	swait.ge [sflag:s4], $0x280  }
0x4c: {  	[sflag:s4] =	ssyncset.done $0x0  }
0x4d: {  	[sflag:s4] =	ssyncadd.s32 $0xFFFFFD80  }
0x4e: {  	[tilespmem:s7], [sflag:$0x1] =	stream.linear.gather [hbm4b:s6+s3], $0x280, $0x38;
	[tilespmem:$0xC800] =	vst v63  }
0x4f: {  	_ =	swait.ge [sflag:s4], $0x280  }
0x50: {  	[sflag:s4] =	ssyncset.done $0x0  }
0x51: {  	[sflag:s4] =	ssyncadd.s32 $0xFFFFFD80  }
0x52: {  	[tilespmem:s9], [sflag:$0x1] =	stream.linear.gather [hbm4b:s8+s3], $0x4000, $0x38;
	[tilespmem:$0xC800] =	vst v63  }
0x53: {  	_ =	swait.ge [sflag:s4], $0x4000  }
0x54: {  	[sflag:s4] =	ssyncset.done $0x0  }
0x55: {  	[sflag:s4] =	ssyncadd.s32 $0xFFFFC000  }
0x56: {  	[spmem:s10] =	stream.linear.scatter [tilespmem:s9], [sflag:$0x1], $0x4000, $0x38;
	[tilespmem:$0xC800] =	vst v63  }
0x57: {  	_ =	swait.ge [sflag:s4], $0x4000  }
0x58: {  	[sflag:s4] =	ssyncset.done $0x0  }
0x59: {  	[sflag:s4] =	ssyncadd.s32 $0xFFFFC000  }
0x5a: {  	[bflag:$0x0] =	sbarrier.arrive $0xFFFF  }
0x5b: {  	[tilespmem:s13], [sflag:$0x1] =	stream.indirect.gather [hbm4b:s11+s12], $0x80, s3, s12, $0xb8;
	[tilespmem:$0xC800] =	vst v63  }
0x5c: {  	_ =	swait.ge [sflag:s4], $0x4000  }
0x5d: {  	[sflag:s4] =	ssyncset.done $0x0  }
0x5e: {  	[sflag:s4] =	ssyncadd.s32 $0xFFFFC000  }
0x5f: {  	[spmem:s2] =	stream.indirect.scatter.add.f32 [tilespmem:s13], [sflag:$0x1], $0x80, s7, s12, $0xb8;
	[tilespmem:$0xC800] =	vst v63  }
0x60: {  	_ =	swait.ge [sflag:s4], $0x4000  }
0x61: {  	[sflag:s4] =	ssyncset.done $0x0  }
0x62: {  	[sflag:s4] =	ssyncadd.s32 $0xFFFFC000  }
0x63: {  	[tilespmem:s13], [sflag:$0x1] =	stream.indirect.gather [hbm4b:s11+s12], $0x80, s12, s12, $0xb8;
	[tilespmem:$0xC800] =	vst v63  }
0x64: {  	_ =	swait.ge [sflag:s4], $0x4000  }
0x65: {  	[sflag:s4] =	ssyncset.done $0x0  }
0x66: {  	[sflag:s4] =	ssyncadd.s32 $0xFFFFC000  }
0x67: {  	[spmem:s2] =	stream.indirect.scatter.add.f32 [tilespmem:s13], [sflag:$0x1], $0x80, s14, s12, $0xb8;
	[tilespmem:$0xC800] =	vst v63  }
0x68: {  	_ =	swait.ge [sflag:s4], $0x4000  }
0x69: {  	[sflag:s4] =	ssyncset.done $0x0  }
0x6a: {  	[sflag:s4] =	ssyncadd.s32 $0xFFFFC000  }
0x6b: {  	[tilespmem:s13], [sflag:$0x1] =	stream.indirect.gather [hbm4b:s11+s12], $0x80, s15, s12, $0xb8;
	[tilespmem:$0xC800] =	vst v63  }
0x6c: {  	_ =	swait.ge [sflag:s4], $0x4000  }
0x6d: {  	[sflag:s4] =	ssyncset.done $0x0  }
0x6e: {  	[sflag:s4] =	ssyncadd.s32 $0xFFFFC000  }
0x6f: {  	[spmem:s2] =	stream.indirect.scatter.add.f32 [tilespmem:s13], [sflag:$0x1], $0x80, s16, s12, $0xb8;
	[tilespmem:$0xC800] =	vst v63  }
0x70: {  	_ =	swait.ge [sflag:s4], $0x4000  }
0x71: {  	[sflag:s4] =	ssyncset.done $0x0  }
0x72: {  	[sflag:s4] =	ssyncadd.s32 $0xFFFFC000  }
0x73: {  	[tilespmem:s13], [sflag:$0x1] =	stream.indirect.gather [hbm4b:s11+s12], $0x80, s17, s12, $0xb8;
	[tilespmem:$0xC800] =	vst v63  }
0x74: {  	_ =	swait.ge [sflag:s4], $0x4000  }
0x75: {  	[sflag:s4] =	ssyncset.done $0x0  }
0x76: {  	[sflag:s4] =	ssyncadd.s32 $0xFFFFC000  }
0x77: {  	[spmem:s2] =	stream.indirect.scatter.add.f32 [tilespmem:s13], [sflag:$0x1], $0x80, s18, s12, $0xb8;
	[tilespmem:$0xC800] =	vst v63  }
0x78: {  	_ =	swait.ge [sflag:s4], $0x4000  }
0x79: {  	[sflag:s4] =	ssyncset.done $0x0  }
0x7a: {  	[sflag:s4] =	ssyncadd.s32 $0xFFFFC000  }
0x7b: {  	[tilespmem:s13], [sflag:$0x1] =	stream.indirect.gather [hbm4b:s11+s12], $0x80, s19, s12, $0xb8;
	[tilespmem:$0xC800] =	vst v63  }
0x7c: {  	_ =	swait.ge [sflag:s4], $0x4000  }
0x7d: {  	[sflag:s4] =	ssyncset.done $0x0  }
0x7e: {  	[sflag:s4] =	ssyncadd.s32 $0xFFFFC000  }
0x7f: {  	[spmem:s2] =	stream.indirect.scatter.add.f32 [tilespmem:s13], [sflag:$0x1], $0x80, s20, s12, $0xb8;
	[tilespmem:$0xC800] =	vst v63  }
0x80: {  	_ =	swait.ge [sflag:s4], $0x4000  }
0x81: {  	[sflag:s4] =	ssyncset.done $0x0  }
0x82: {  	[sflag:s4] =	ssyncadd.s32 $0xFFFFC000  }
0x83: {  	[bflag:$0x0] =	sbarrier.arrive $0xFFFF  }
0x84: {  	[tilespmem:s9], [sflag:$0x1] =	stream.linear.gather [spmem:s10], $0x4000, $0x38;
	[tilespmem:$0xC800] =	vst v63  }
0x85: {  	_ =	swait.ge [sflag:s4], $0x4000  }
.Ltmp1:
0x86: {  	[sflag:s4] =	ssyncset.done $0x0;
	(pc) =	sbr.rel @p0 .LBB2_1-.Ltmp1, $4  }
0x87: {  	[sflag:s4] =	ssyncadd.s32 $0xFFFFC000  }
0x88: {  	[hbm4b:s21+s3] =	stream.linear.scatter [tilespmem:s9], [sflag:$0x1], $0x4000, $0x38;
	[tilespmem:$0xC800] =	vst v63  }
0x89: {  	_ =	swait.ge [sflag:s4], $0x4000  }
0x8a: {  	[sflag:s4] =	ssyncset.done $0x0  }
.LBB2_2:
0x8b: {  	[sflag:s4] =	ssyncadd.s32 $0xFFFFC000  }
0x8c: {  	_ =	sfence.sel $0x180000  }
0x8d: {  	[bflag:$0x0] =	sbarrier.arrive $0xFFFF  }
0x8e: {  	p0 =	sne.s32 s1, $0x0;
	_ =	strace $0x90000059  }
0x8f: {  	s0 =	sadd.s32 @!p0 $0x100000, s0;
	[bflag:$0x2] =	sbarrier.arrive $0xFFFF  }
0x90: {  	[sflag:s0] =	ssyncadd.tile.s32 @!p0 $0x1;
	_ =	shalt  }
.Lfunc_end2:
_tile_overlayer_lowered:
.L_overlay_start_2:
0x91: {  	(tag) =	ssettag $0x2  }
0x92: {  	s0 =	rddreg [dreg:$0x0];
	s2 =	stileid.u32  }
0x93: {  	s1 =	rddreg [dreg:$0x1];
	p0 =	sne.s32 s2, $0x0  }
0x94: {  	s3 =	rddreg [dreg:$0x2];
	[bflag:$0x3] =	sbarrier.arrive $0xFFFF;
	s2 =	simm.s32 @!p0 $0x1C01  }
0x95: {  	[timem:s3], [sflag:s2] =	dma.local @!p0 [hbm:s0], s1  }
0x96: {  	s0 =	simm.s32 @!p0 $0x1  }
0x97: {  	_ =	swait.ge @!p0 [sflag:s0], s1  }
0x98: {  	s1 =	ssub.s32 @!p0 $0x0, s1;
	[sflag:s0] =	ssyncset.done @!p0 $0x0  }
0x99: {  	[sflag:s0] =	ssyncadd.s32 @!p0 s1  }
0x9a: {  	[bflag:$0x3] =	sbarrier.arrive $0xFFFF  }
0x9b: {  	_ =	shalt  }

</sc_bundles>
